<compile_context>
chip_gen: v7x
topology: tpu7x:2x2x1
jax: 0.10.2.dev20260603
libtpu: 0.0.44.dev20260713+nightly
codegen_flags: <defaults>
</compile_context>

<pallas_src>
import functools

import jax
import jax.numpy as jnp
from jax import lax
from jax.experimental import pallas as pl
from jax.experimental.pallas import tpu as pltpu
from jax.experimental.pallas import tpu_sc as plsc

NC, NS, L = 2, 16, 16
NW = NC * NS
B = 2
C = 128
CG = C // L
NCLS = 2
N = 32 * 32 * 32
SC_N = 4096
TC_N = N - SC_N
PPW = SC_N // NW
PBLK = 128
NBLK = PPW // PBLK
NSTEP = B * NBLK
GPB = PBLK // L
TP = 4096
NTBLK = TC_N // TP


def _masked_sqrt(x):
    xc = jnp.maximum(x, jnp.float32(1e-12))
    i = lax.bitcast_convert_type(xc, jnp.int32)
    seed = jnp.full((L,), 0x5F3759DF, jnp.int32) - (i >> 1)
    y = lax.bitcast_convert_type(seed, jnp.float32)
    for _ in range(3):
        y = y * (jnp.float32(1.5) - jnp.float32(0.5) * xc * y * y)
    return x * y


def _sc_body(feat, tgt, protos, out, fb0, fb1, tgtv, pv, stg, outv, sem0, sem1):
    wid = lax.axis_index("s") * NC + lax.axis_index("c")
    base = wid * PPW
    pltpu.sync_copy(protos, pv)
    for b in range(B):
        pltpu.sync_copy(tgt.at[b, pl.ds(base, PPW)], tgtv.at[pl.ds(b * PPW, PPW)])
    zero = jnp.zeros((L,), jnp.float32)
    one = jnp.ones((L,), jnp.float32)
    for j in range(2 * NCLS * B):
        outv[j, :] = zero

    p0 = [pv[0, pl.ds(j * L, L)] for j in range(CG)]
    p1 = [pv[1, pl.ds(j * L, L)] for j in range(CG)]

    def start(step, buf, sem):
        b = step // NBLK
        blk = lax.rem(step, NBLK)
        pltpu.async_copy(
            feat.at[b, pl.ds(base + blk * PBLK, PBLK), :], buf, sem)

    start(0, fb0, sem0)
    start(1, fb1, sem1)

    def process(step, buf, sem):
        b = step // NBLK
        blk = lax.rem(step, NBLK)
        pltpu.make_async_copy(feat.at[0, pl.ds(0, PBLK), :], buf, sem).wait()

        def gbody(g, carry):
            s0, c0, s1, c1 = carry
            tvec = tgtv[pl.ds(b * PPW + blk * PBLK + g * L, L)]
            for p in range(L):
                pix = g * L + p
                tsp = jnp.take_along_axis(
                    tvec, jnp.full((L,), p, jnp.int32), axis=0)
                m = tsp == 0
                acc_a = zero
                acc_b = zero
                for j in range(CG):
                    v = buf[pix, pl.ds(j * L, L)]
                    psel = jnp.where(m, p0[j], p1[j])
                    d = v - psel
                    if j % 2 == 0:
                        acc_a = acc_a + d * d
                    else:
                        acc_b = acc_b + d * d
                stg[pl.ds(p * L, L)] = acc_a + acc_b
            rowbase = lax.iota(jnp.int32, L) * L
            d2 = zero
            for j in range(L):
                d2 = d2 + plsc.load_gather(stg, [rowbase + j])
            m0 = tvec == 0
            m1 = tvec == 1
            dist = _masked_sqrt(d2)
            s0 = s0 + jnp.where(m0, dist, zero)
            c0 = c0 + jnp.where(m0, one, zero)
            s1 = s1 + jnp.where(m1, dist, zero)
            c1 = c1 + jnp.where(m1, one, zero)
            return (s0, c0, s1, c1)

        s0, c0, s1, c1 = lax.fori_loop(
            0, GPB, gbody, (zero, zero, zero, zero), unroll=1)

        @pl.when(step + 2 < NSTEP)
        def _():
            start(step + 2, buf, sem)

        row = b * 4
        outv[row, :] = outv[row, :] + s0
        outv[row + 1, :] = outv[row + 1, :] + c0
        outv[row + 2, :] = outv[row + 2, :] + s1
        outv[row + 3, :] = outv[row + 3, :] + c1

    def loop_body(j, carry):
        process(2 * j, fb0, sem0)
        process(2 * j + 1, fb1, sem1)
        return carry

    lax.fori_loop(0, NSTEP // 2, loop_body, jnp.int32(0), unroll=1)
    pltpu.sync_copy(outv, out.at[wid])


@functools.partial(jax.jit)
def _sc_call(feat, tgt, protos):
    mesh = plsc.VectorSubcoreMesh(core_axis_name="c", subcore_axis_name="s")
    return pl.kernel(
        _sc_body,
        out_type=jax.ShapeDtypeStruct((NW, 2 * NCLS * B, L), jnp.float32),
        mesh=mesh,
        compiler_params=pltpu.CompilerParams(needs_layout_passes=False),
        scratch_types=[
            pltpu.VMEM((PBLK, C), jnp.float32),
            pltpu.VMEM((PBLK, C), jnp.float32),
            pltpu.VMEM((B * PPW,), jnp.int32),
            pltpu.VMEM((NCLS, C), jnp.float32),
            pltpu.VMEM((L * L,), jnp.float32),
            pltpu.VMEM((2 * NCLS * B, L), jnp.float32),
            pltpu.SemaphoreType.DMA,
            pltpu.SemaphoreType.DMA,
        ],
    )(feat, tgt, protos)


def _tc_body(f_ref, t_ref, pt_ref, pp_ref, o_ref):
    f = f_ref[0]
    t = t_ref[0]
    pt = pt_ref[...]
    pp = pp_ref[...]
    dot = jnp.dot(f, pt, preferred_element_type=jnp.float32)
    sq = jnp.dot(f * f, jnp.ones((C, 1), jnp.float32),
                 preferred_element_type=jnp.float32)
    dot_t = jnp.transpose(dot)
    sq_t = jnp.transpose(sq)
    pp0 = pp[0, 0]
    pp1 = pp[0, 1]
    d20 = jnp.maximum(sq_t - 2.0 * dot_t[0:1, :] + pp0, 0.0)
    d21 = jnp.maximum(sq_t - 2.0 * dot_t[1:2, :] + pp1, 0.0)
    dist0 = jnp.sqrt(d20)
    dist1 = jnp.sqrt(d21)
    zero = jnp.zeros_like(dist0)
    m0 = t == 0
    m1 = t == 1
    s0 = jnp.sum(jnp.where(m0, dist0, zero))
    s1 = jnp.sum(jnp.where(m1, dist1, zero))
    c0 = jnp.sum(m0.astype(jnp.float32))
    c1 = jnp.sum(m1.astype(jnp.float32))

    def row(x):
        return jnp.full((1, C), x, jnp.float32)

    o_ref[0] = jnp.concatenate([row(s0), row(c0), row(s1), row(c1)], axis=0)


@functools.partial(jax.jit)
def _tc_call(feat, tgtr, protosT, pp):
    return pl.pallas_call(
        _tc_body,
        grid=(B, NTBLK),
        in_specs=[
            pl.BlockSpec((1, TP, C), lambda b, i: (b, SC_N // TP + i, 0)),
            pl.BlockSpec((1, 1, TP),
                         lambda b, i: (b * (N // TP) + SC_N // TP + i, 0, 0)),
            pl.BlockSpec((C, NCLS), lambda b, i: (0, 0)),
            pl.BlockSpec((1, NCLS), lambda b, i: (0, 0)),
        ],
        out_specs=pl.BlockSpec((1, 4, C), lambda b, i: (b * NTBLK + i, 0, 0)),
        out_shape=jax.ShapeDtypeStruct((B * NTBLK, 4, C), jnp.float32),
    )(feat, tgtr, protosT, pp)


def kernel(features, predictions, targets, prototypes):
    del predictions
    feat = jnp.transpose(features, (0, 2, 3, 4, 1)).reshape(B, N, C)
    tgt = targets.reshape(B, N)
    part_sc = _sc_call(feat, tgt, prototypes)
    tgtr = tgt.reshape(B * (N // TP), 1, TP)
    protosT = prototypes.T
    pp = jnp.sum(prototypes * prototypes, axis=1)[None, :]
    part_tc = _tc_call(feat, tgtr, protosT, pp)
    sums_sc = part_sc.reshape(NW, B, NCLS, 2, L).sum(axis=(0, 4))
    sums_tc = part_tc[:, :, 0].reshape(B, NTBLK, NCLS, 2).sum(axis=1)
    sums = sums_sc + sums_tc
    s = sums[..., 0]
    n = sums[..., 1]
    mean = jnp.where(n > 0, s / jnp.maximum(n, 1.0), 0.0)
    total = mean.sum()
    valid = (n > 0).astype(jnp.float32).sum()
    return jnp.where(valid > 0, total / valid, jnp.float32(0.0))

# --- scband reference (transcript-rebuilt; emitter-appended) ---
"""Pipeline reference for scband-spectral-prototype-consistency-loss-65738769433118 (READ-ONLY COPY).

The authoritative reference and input builder live on the scoring server;
editing this copy changes nothing except your own understanding.
"""

import jax, jax.numpy as jnp
import numpy as np

NUM_CLASSES = 2

def setup_inputs(seed: int = 0) -> dict:
    key = jax.random.key(seed)
    k1, k2, k3, k4 = jax.random.split(key, 4)
    features = jax.random.normal(k1, (2, 128, 32, 32, 32), dtype=jnp.float32)
    predictions = jax.random.normal(k2, (2, 2, 32, 32, 32), dtype=jnp.float32)
    targets = jax.random.randint(k3, (2, 1, 32, 32, 32), 0, 2).astype(jnp.int32)
    prototypes = jax.random.normal(k4, (2, 128), dtype=jnp.float32)
    return {"features": features, "predictions": predictions, "targets": targets, "prototypes": prototypes}

def reference(features, predictions, targets, prototypes):
    # targets already match features' spatial size, so no interpolation needed
    B, C = features.shape[0], features.shape[1]
    features_flat = jnp.transpose(features.reshape(B, C, -1), (0, 2, 1))  # (B, N, C)
    targets_flat = targets.reshape(B, -1)  # (B, N)
    total_loss = jnp.float32(0.0)
    valid_pixels = jnp.float32(0.0)
    for b in range(B):
        for c in range(NUM_CLASSES):
            mask = (targets_flat[b] == c).astype(features.dtype)  # (N,)
            cnt = mask.sum()
            diff = features_flat[b] - prototypes[c][None, :]  # (N, C)
            dist = jnp.sqrt(jnp.sum(diff * diff, axis=1))  # (N,) == torch.norm(p=2, dim=1)
            mean_dist = jnp.where(cnt > 0, (dist * mask).sum() / jnp.maximum(cnt, 1.0), 0.0)
            total_loss = total_loss + mean_dist
            valid_pixels = valid_pixels + (cnt > 0).astype(features.dtype)
    return jnp.where(valid_pixels > 0, total_loss / jnp.maximum(valid_pixels, 1.0), jnp.float32(0.0))

if __name__ == "__main__":
    import jax
    _d = setup_inputs()
    print(jax.jit(kernel)(*tuple(_d.values())))

</pallas_src>

<mosaic_0001>
#map = affine_map<(d0, d1) -> (0, 0, 0)>
#map1 = affine_map<(d0, d1) -> (0, 0)>
module attributes {stable_mosaic.version = 14 : i64} {
  func.func @_sc_body(%arg0: i32, %arg1: i32, %arg2: memref<2x32768x128xf32, #tpu.memory_space<hbm>>, %arg3: memref<2x32768xi32, #tpu.memory_space<hbm>>, %arg4: memref<2x128xf32, #tpu.memory_space<hbm>>, %arg5: memref<32x8x16xf32, #tpu.memory_space<hbm>>, %arg6: memref<128x128xf32, #tpu.memory_space<vmem>>, %arg7: memref<128x128xf32, #tpu.memory_space<vmem>>, %arg8: memref<256xi32, #tpu.memory_space<vmem>>, %arg9: memref<2x128xf32, #tpu.memory_space<vmem>>, %arg10: memref<256xf32, #tpu.memory_space<vmem>>, %arg11: memref<8x16xf32, #tpu.memory_space<vmem>>, %arg12: memref<!tpu.dma_semaphore, #tpu.memory_space<semaphore_mem>>, %arg13: memref<!tpu.dma_semaphore, #tpu.memory_space<semaphore_mem>>) attributes {dimension_semantics = [#tpu.dimension_semantics<core_parallel>, #tpu.dimension_semantics<subcore_parallel>], iteration_bounds = array<i64: 2, 16>, scalar_prefetch = 0 : i64, scratch_operands = 8 : i64, tpu.core_type = #tpu.core_type<sc_vector_subcore>, window_params = [{transform_indices = #map}, {transform_indices = #map1}, {transform_indices = #map1}, {transform_indices = #map}]} {
    %mul3A = arith.constant 2 : i32
    %mul3A_0 = arith.muli %arg1, %mul3A : i32
    %add3A = arith.addi %mul3A_0, %arg0 : i32
    %mul3A_1 = arith.constant 128 : i32
    %mul3A_2 = arith.muli %add3A, %mul3A_1 : i32
    "tpu.region"() ({
      %run_scoped3A_302 = tpu.sem_alloc : memref<!tpu.dma_semaphore, #tpu.memory_space<semaphore_mem>>
      tpu.enqueue_dma source(%arg4 : memref<2x128xf32, #tpu.memory_space<hbm>>) target(%arg9 : memref<2x128xf32, #tpu.memory_space<vmem>>) target_semaphore(%run_scoped3A_302 : memref<!tpu.dma_semaphore, #tpu.memory_space<semaphore_mem>>)
      tpu.wait_dma2 semaphore(%run_scoped3A_302 : memref<!tpu.dma_semaphore, #tpu.memory_space<semaphore_mem>>) src(%arg4 : memref<2x128xf32, #tpu.memory_space<hbm>>) dst(%arg9 : memref<2x128xf32, #tpu.memory_space<vmem>>)
      tpu.yield
    }) : () -> ()
    %run_scoped3A = arith.constant 0 : i32
    "tpu.region"() ({
      %run_scoped3A_302 = tpu.sem_alloc : memref<!tpu.dma_semaphore, #tpu.memory_space<semaphore_mem>>
      %dma_start3A_303 = arith.constant 0 : i32
      %dma_start3A_304 = tpu.memref_slice %arg8[%dma_start3A_303] : memref<256xi32, #tpu.memory_space<vmem>> -> memref<128xi32, #tpu.memory_space<vmem>>
      %dma_start3A_305 = tpu.memref_slice %arg3[%run_scoped3A, %mul3A_2] : memref<2x32768xi32, #tpu.memory_space<hbm>> -> memref<1x128xi32, #tpu.memory_space<hbm>>
      %dma_start3A_306 = tpu.memref_squeeze %dma_start3A_305 : memref<1x128xi32, #tpu.memory_space<hbm>> -> memref<128xi32, #tpu.memory_space<hbm>>
      %dma_start3A_307 = arith.constant 0 : i32
      %dma_start3A_308 = tpu.memref_slice %arg8[%dma_start3A_307] : memref<256xi32, #tpu.memory_space<vmem>> -> memref<128xi32, #tpu.memory_space<vmem>>
      %dma_start3A_309 = tpu.memref_slice %arg3[%run_scoped3A, %mul3A_2] : memref<2x32768xi32, #tpu.memory_space<hbm>> -> memref<1x128xi32, #tpu.memory_space<hbm>>
      %dma_start3A_310 = tpu.memref_squeeze %dma_start3A_309 : memref<1x128xi32, #tpu.memory_space<hbm>> -> memref<128xi32, #tpu.memory_space<hbm>>
      tpu.enqueue_dma source(%dma_start3A_310 : memref<128xi32, #tpu.memory_space<hbm>>) target(%dma_start3A_308 : memref<128xi32, #tpu.memory_space<vmem>>) target_semaphore(%run_scoped3A_302 : memref<!tpu.dma_semaphore, #tpu.memory_space<semaphore_mem>>)
      %dma_wait3A_311 = arith.constant 0 : i32
      %dma_wait3A_312 = tpu.memref_slice %arg8[%dma_wait3A_311] : memref<256xi32, #tpu.memory_space<vmem>> -> memref<128xi32, #tpu.memory_space<vmem>>
      %dma_wait3A_313 = tpu.memref_slice %arg3[%run_scoped3A, %mul3A_2] : memref<2x32768xi32, #tpu.memory_space<hbm>> -> memref<1x128xi32, #tpu.memory_space<hbm>>
      %dma_wait3A_314 = tpu.memref_squeeze %dma_wait3A_313 : memref<1x128xi32, #tpu.memory_space<hbm>> -> memref<128xi32, #tpu.memory_space<hbm>>
      %dma_wait3A_315 = arith.constant 0 : i32
      %dma_wait3A_316 = tpu.memref_slice %arg8[%dma_wait3A_315] : memref<256xi32, #tpu.memory_space<vmem>> -> memref<128xi32, #tpu.memory_space<vmem>>
      %dma_wait3A_317 = tpu.memref_slice %arg3[%run_scoped3A, %mul3A_2] : memref<2x32768xi32, #tpu.memory_space<hbm>> -> memref<1x128xi32, #tpu.memory_space<hbm>>
      %dma_wait3A_318 = tpu.memref_squeeze %dma_wait3A_317 : memref<1x128xi32, #tpu.memory_space<hbm>> -> memref<128xi32, #tpu.memory_space<hbm>>
      tpu.wait_dma2 semaphore(%run_scoped3A_302 : memref<!tpu.dma_semaphore, #tpu.memory_space<semaphore_mem>>) src(%dma_wait3A_318 : memref<128xi32, #tpu.memory_space<hbm>>) dst(%dma_wait3A_316 : memref<128xi32, #tpu.memory_space<vmem>>)
      tpu.yield
    }) : () -> ()
    %run_scoped3A_3 = arith.constant 1 : i32
    "tpu.region"() ({
      %run_scoped3A_302 = tpu.sem_alloc : memref<!tpu.dma_semaphore, #tpu.memory_space<semaphore_mem>>
      %dma_start3A_303 = arith.constant 128 : i32
      %dma_start3A_304 = tpu.memref_slice %arg8[%dma_start3A_303] : memref<256xi32, #tpu.memory_space<vmem>> -> memref<128xi32, #tpu.memory_space<vmem>>
      %dma_start3A_305 = tpu.memref_slice %arg3[%run_scoped3A_3, %mul3A_2] : memref<2x32768xi32, #tpu.memory_space<hbm>> -> memref<1x128xi32, #tpu.memory_space<hbm>>
      %dma_start3A_306 = tpu.memref_squeeze %dma_start3A_305 : memref<1x128xi32, #tpu.memory_space<hbm>> -> memref<128xi32, #tpu.memory_space<hbm>>
      %dma_start3A_307 = arith.constant 128 : i32
      %dma_start3A_308 = tpu.memref_slice %arg8[%dma_start3A_307] : memref<256xi32, #tpu.memory_space<vmem>> -> memref<128xi32, #tpu.memory_space<vmem>>
      %dma_start3A_309 = tpu.memref_slice %arg3[%run_scoped3A_3, %mul3A_2] : memref<2x32768xi32, #tpu.memory_space<hbm>> -> memref<1x128xi32, #tpu.memory_space<hbm>>
      %dma_start3A_310 = tpu.memref_squeeze %dma_start3A_309 : memref<1x128xi32, #tpu.memory_space<hbm>> -> memref<128xi32, #tpu.memory_space<hbm>>
      tpu.enqueue_dma source(%dma_start3A_310 : memref<128xi32, #tpu.memory_space<hbm>>) target(%dma_start3A_308 : memref<128xi32, #tpu.memory_space<vmem>>) target_semaphore(%run_scoped3A_302 : memref<!tpu.dma_semaphore, #tpu.memory_space<semaphore_mem>>)
      %dma_wait3A_311 = arith.constant 128 : i32
      %dma_wait3A_312 = tpu.memref_slice %arg8[%dma_wait3A_311] : memref<256xi32, #tpu.memory_space<vmem>> -> memref<128xi32, #tpu.memory_space<vmem>>
      %dma_wait3A_313 = tpu.memref_slice %arg3[%run_scoped3A_3, %mul3A_2] : memref<2x32768xi32, #tpu.memory_space<hbm>> -> memref<1x128xi32, #tpu.memory_space<hbm>>
      %dma_wait3A_314 = tpu.memref_squeeze %dma_wait3A_313 : memref<1x128xi32, #tpu.memory_space<hbm>> -> memref<128xi32, #tpu.memory_space<hbm>>
      %dma_wait3A_315 = arith.constant 128 : i32
      %dma_wait3A_316 = tpu.memref_slice %arg8[%dma_wait3A_315] : memref<256xi32, #tpu.memory_space<vmem>> -> memref<128xi32, #tpu.memory_space<vmem>>
      %dma_wait3A_317 = tpu.memref_slice %arg3[%run_scoped3A_3, %mul3A_2] : memref<2x32768xi32, #tpu.memory_space<hbm>> -> memref<1x128xi32, #tpu.memory_space<hbm>>
      %dma_wait3A_318 = tpu.memref_squeeze %dma_wait3A_317 : memref<1x128xi32, #tpu.memory_space<hbm>> -> memref<128xi32, #tpu.memory_space<hbm>>
      tpu.wait_dma2 semaphore(%run_scoped3A_302 : memref<!tpu.dma_semaphore, #tpu.memory_space<semaphore_mem>>) src(%dma_wait3A_318 : memref<128xi32, #tpu.memory_space<hbm>>) dst(%dma_wait3A_316 : memref<128xi32, #tpu.memory_space<vmem>>)
      tpu.yield
    }) : () -> ()
    %broadcast_in_dim3A = arith.constant 0.000000e+00 : f32
    %broadcast_in_dim3A_4 = vector.broadcast %broadcast_in_dim3A : f32 to vector<16xf32>
    %broadcast_in_dim3A_5 = arith.constant 1.000000e+00 : f32
    %broadcast_in_dim3A_6 = vector.broadcast %broadcast_in_dim3A_5 : f32 to vector<16xf32>
    %swap3A = arith.constant 0 : i32
    %swap3A_7 = arith.index_cast %swap3A : i32 to index
    %swap3A_8 = arith.constant 0 : index
    %swap3A_9 = tpu.vector_load %arg11[%swap3A_7, %swap3A_8] {strides = array<i32>} : memref<8x16xf32, #tpu.memory_space<vmem>>, vector<16xf32>,
    tpu.vector_store %arg11[%swap3A_7, %swap3A_8], %broadcast_in_dim3A_4 {strides = array<i32>} : memref<8x16xf32, #tpu.memory_space<vmem>>, vector<16xf32>,
    %swap3A_10 = arith.constant 1 : i32
    %swap3A_11 = arith.index_cast %swap3A_10 : i32 to index
    %swap3A_12 = arith.constant 0 : index
    %swap3A_13 = tpu.vector_load %arg11[%swap3A_11, %swap3A_12] {strides = array<i32>} : memref<8x16xf32, #tpu.memory_space<vmem>>, vector<16xf32>,
    tpu.vector_store %arg11[%swap3A_11, %swap3A_12], %broadcast_in_dim3A_4 {strides = array<i32>} : memref<8x16xf32, #tpu.memory_space<vmem>>, vector<16xf32>,
    %swap3A_14 = arith.constant 2 : i32
    %swap3A_15 = arith.index_cast %swap3A_14 : i32 to index
    %swap3A_16 = arith.constant 0 : index
    %swap3A_17 = tpu.vector_load %arg11[%swap3A_15, %swap3A_16] {strides = array<i32>} : memref<8x16xf32, #tpu.memory_space<vmem>>, vector<16xf32>,
    tpu.vector_store %arg11[%swap3A_15, %swap3A_16], %broadcast_in_dim3A_4 {strides = array<i32>} : memref<8x16xf32, #tpu.memory_space<vmem>>, vector<16xf32>,
    %swap3A_18 = arith.constant 3 : i32
    %swap3A_19 = arith.index_cast %swap3A_18 : i32 to index
    %swap3A_20 = arith.constant 0 : index
    %swap3A_21 = tpu.vector_load %arg11[%swap3A_19, %swap3A_20] {strides = array<i32>} : memref<8x16xf32, #tpu.memory_space<vmem>>, vector<16xf32>,
    tpu.vector_store %arg11[%swap3A_19, %swap3A_20], %broadcast_in_dim3A_4 {strides = array<i32>} : memref<8x16xf32, #tpu.memory_space<vmem>>, vector<16xf32>,
    %swap3A_22 = arith.constant 4 : i32
    %swap3A_23 = arith.index_cast %swap3A_22 : i32 to index
    %swap3A_24 = arith.constant 0 : index
    %swap3A_25 = tpu.vector_load %arg11[%swap3A_23, %swap3A_24] {strides = array<i32>} : memref<8x16xf32, #tpu.memory_space<vmem>>, vector<16xf32>,
    tpu.vector_store %arg11[%swap3A_23, %swap3A_24], %broadcast_in_dim3A_4 {strides = array<i32>} : memref<8x16xf32, #tpu.memory_space<vmem>>, vector<16xf32>,
    %swap3A_26 = arith.constant 5 : i32
    %swap3A_27 = arith.index_cast %swap3A_26 : i32 to index
    %swap3A_28 = arith.constant 0 : index
    %swap3A_29 = tpu.vector_load %arg11[%swap3A_27, %swap3A_28] {strides = array<i32>} : memref<8x16xf32, #tpu.memory_space<vmem>>, vector<16xf32>,
    tpu.vector_store %arg11[%swap3A_27, %swap3A_28], %broadcast_in_dim3A_4 {strides = array<i32>} : memref<8x16xf32, #tpu.memory_space<vmem>>, vector<16xf32>,
    %swap3A_30 = arith.constant 6 : i32
    %swap3A_31 = arith.index_cast %swap3A_30 : i32 to index
    %swap3A_32 = arith.constant 0 : index
    %swap3A_33 = tpu.vector_load %arg11[%swap3A_31, %swap3A_32] {strides = array<i32>} : memref<8x16xf32, #tpu.memory_space<vmem>>, vector<16xf32>,
    tpu.vector_store %arg11[%swap3A_31, %swap3A_32], %broadcast_in_dim3A_4 {strides = array<i32>} : memref<8x16xf32, #tpu.memory_space<vmem>>, vector<16xf32>,
    %swap3A_34 = arith.constant 7 : i32
    %swap3A_35 = arith.index_cast %swap3A_34 : i32 to index
    %swap3A_36 = arith.constant 0 : index
    %swap3A_37 = tpu.vector_load %arg11[%swap3A_35, %swap3A_36] {strides = array<i32>} : memref<8x16xf32, #tpu.memory_space<vmem>>, vector<16xf32>,
    tpu.vector_store %arg11[%swap3A_35, %swap3A_36], %broadcast_in_dim3A_4 {strides = array<i32>} : memref<8x16xf32, #tpu.memory_space<vmem>>, vector<16xf32>,
    %get3A = arith.constant 0 : i32
    %get3A_38 = arith.index_cast %get3A : i32 to index
    %get3A_39 = arith.constant 0 : index
    %get3A_40 = tpu.vector_load %arg9[%get3A_38, %get3A_39] {strides = array<i32>} : memref<2x128xf32, #tpu.memory_space<vmem>>, vector<16xf32>,
    %get3A_41 = arith.constant 0 : i32
    %get3A_42 = arith.index_cast %get3A_41 : i32 to index
    %get3A_43 = arith.constant 16 : index
    %get3A_44 = tpu.vector_load %arg9[%get3A_42, %get3A_43] {strides = array<i32>} : memref<2x128xf32, #tpu.memory_space<vmem>>, vector<16xf32>,
    %get3A_45 = arith.constant 0 : i32
    %get3A_46 = arith.index_cast %get3A_45 : i32 to index
    %get3A_47 = arith.constant 32 : index
    %get3A_48 = tpu.vector_load %arg9[%get3A_46, %get3A_47] {strides = array<i32>} : memref<2x128xf32, #tpu.memory_space<vmem>>, vector<16xf32>,
    %get3A_49 = arith.constant 0 : i32
    %get3A_50 = arith.index_cast %get3A_49 : i32 to index
    %get3A_51 = arith.constant 48 : index
    %get3A_52 = tpu.vector_load %arg9[%get3A_50, %get3A_51] {strides = array<i32>} : memref<2x128xf32, #tpu.memory_space<vmem>>, vector<16xf32>,
    %get3A_53 = arith.constant 0 : i32
    %get3A_54 = arith.index_cast %get3A_53 : i32 to index
    %get3A_55 = arith.constant 64 : index
    %get3A_56 = tpu.vector_load %arg9[%get3A_54, %get3A_55] {strides = array<i32>} : memref<2x128xf32, #tpu.memory_space<vmem>>, vector<16xf32>,
    %get3A_57 = arith.constant 0 : i32
    %get3A_58 = arith.index_cast %get3A_57 : i32 to index
    %get3A_59 = arith.constant 80 : index
    %get3A_60 = tpu.vector_load %arg9[%get3A_58, %get3A_59] {strides = array<i32>} : memref<2x128xf32, #tpu.memory_space<vmem>>, vector<16xf32>,
    %get3A_61 = arith.constant 0 : i32
    %get3A_62 = arith.index_cast %get3A_61 : i32 to index
    %get3A_63 = arith.constant 96 : index
    %get3A_64 = tpu.vector_load %arg9[%get3A_62, %get3A_63] {strides = array<i32>} : memref<2x128xf32, #tpu.memory_space<vmem>>, vector<16xf32>,
    %get3A_65 = arith.constant 0 : i32
    %get3A_66 = arith.index_cast %get3A_65 : i32 to index
    %get3A_67 = arith.constant 112 : index
    %get3A_68 = tpu.vector_load %arg9[%get3A_66, %get3A_67] {strides = array<i32>} : memref<2x128xf32, #tpu.memory_space<vmem>>, vector<16xf32>,
    %get3A_69 = arith.constant 1 : i32
    %get3A_70 = arith.index_cast %get3A_69 : i32 to index
    %get3A_71 = arith.constant 0 : index
    %get3A_72 = tpu.vector_load %arg9[%get3A_70, %get3A_71] {strides = array<i32>} : memref<2x128xf32, #tpu.memory_space<vmem>>, vector<16xf32>,
    %get3A_73 = arith.constant 1 : i32
    %get3A_74 = arith.index_cast %get3A_73 : i32 to index
    %get3A_75 = arith.constant 16 : index
    %get3A_76 = tpu.vector_load %arg9[%get3A_74, %get3A_75] {strides = array<i32>} : memref<2x128xf32, #tpu.memory_space<vmem>>, vector<16xf32>,
    %get3A_77 = arith.constant 1 : i32
    %get3A_78 = arith.index_cast %get3A_77 : i32 to index
    %get3A_79 = arith.constant 32 : index
    %get3A_80 = tpu.vector_load %arg9[%get3A_78, %get3A_79] {strides = array<i32>} : memref<2x128xf32, #tpu.memory_space<vmem>>, vector<16xf32>,
    %get3A_81 = arith.constant 1 : i32
    %get3A_82 = arith.index_cast %get3A_81 : i32 to index
    %get3A_83 = arith.constant 48 : index
    %get3A_84 = tpu.vector_load %arg9[%get3A_82, %get3A_83] {strides = array<i32>} : memref<2x128xf32, #tpu.memory_space<vmem>>, vector<16xf32>,
    %get3A_85 = arith.constant 1 : i32
    %get3A_86 = arith.index_cast %get3A_85 : i32 to index
    %get3A_87 = arith.constant 64 : index
    %get3A_88 = tpu.vector_load %arg9[%get3A_86, %get3A_87] {strides = array<i32>} : memref<2x128xf32, #tpu.memory_space<vmem>>, vector<16xf32>,
    %get3A_89 = arith.constant 1 : i32
    %get3A_90 = arith.index_cast %get3A_89 : i32 to index
    %get3A_91 = arith.constant 80 : index
    %get3A_92 = tpu.vector_load %arg9[%get3A_90, %get3A_91] {strides = array<i32>} : memref<2x128xf32, #tpu.memory_space<vmem>>, vector<16xf32>,
    %get3A_93 = arith.constant 1 : i32
    %get3A_94 = arith.index_cast %get3A_93 : i32 to index
    %get3A_95 = arith.constant 96 : index
    %get3A_96 = tpu.vector_load %arg9[%get3A_94, %get3A_95] {strides = array<i32>} : memref<2x128xf32, #tpu.memory_space<vmem>>, vector<16xf32>,
    %get3A_97 = arith.constant 1 : i32
    %get3A_98 = arith.index_cast %get3A_97 : i32 to index
    %get3A_99 = arith.constant 112 : index
    %get3A_100 = tpu.vector_load %arg9[%get3A_98, %get3A_99] {strides = array<i32>} : memref<2x128xf32, #tpu.memory_space<vmem>>, vector<16xf32>,
    %rem3A = arith.constant 0 : i32
    %rem3A_101 = arith.constant 1 : i32
    %rem3A_102 = arith.remsi %rem3A, %rem3A_101 : i32
    %mul3A_103 = arith.constant 128 : i32
    %mul3A_104 = arith.muli %rem3A_102, %mul3A_103 : i32
    %add3A_105 = arith.addi %mul3A_2, %mul3A_104 : i32
    %dma_start3A = arith.constant 0 : i32
    %dma_start3A_106 = arith.constant 0 : i32
    %dma_start3A_107 = tpu.memref_slice %arg2[%dma_start3A, %add3A_105, %dma_start3A_106] : memref<2x32768x128xf32, #tpu.memory_space<hbm>> -> memref<1x128x128xf32, #tpu.memory_space<hbm>>
    %dma_start3A_108 = tpu.memref_squeeze %dma_start3A_107 : memref<1x128x128xf32, #tpu.memory_space<hbm>> -> memref<128x128xf32, #tpu.memory_space<hbm>>
    %dma_start3A_109 = arith.constant 0 : i32
    %dma_start3A_110 = tpu.memref_slice %arg2[%dma_start3A, %add3A_105, %dma_start3A_109] : memref<2x32768x128xf32, #tpu.memory_space<hbm>> -> memref<1x128x128xf32, #tpu.memory_space<hbm>>
    %dma_start3A_111 = tpu.memref_squeeze %dma_start3A_110 : memref<1x128x128xf32, #tpu.memory_space<hbm>> -> memref<128x128xf32, #tpu.memory_space<hbm>>
    tpu.enqueue_dma source(%dma_start3A_111 : memref<128x128xf32, #tpu.memory_space<hbm>>) target(%arg6 : memref<128x128xf32, #tpu.memory_space<vmem>>) target_semaphore(%arg12 : memref<!tpu.dma_semaphore, #tpu.memory_space<semaphore_mem>>)
    %rem3A_112 = arith.constant 1 : i32
    %rem3A_113 = arith.constant 1 : i32
    %rem3A_114 = arith.remsi %rem3A_112, %rem3A_113 : i32
    %mul3A_115 = arith.constant 128 : i32
    %mul3A_116 = arith.muli %rem3A_114, %mul3A_115 : i32
    %add3A_117 = arith.addi %mul3A_2, %mul3A_116 : i32
    %dma_start3A_118 = arith.constant 1 : i32
    %dma_start3A_119 = arith.constant 0 : i32
    %dma_start3A_120 = tpu.memref_slice %arg2[%dma_start3A_118, %add3A_117, %dma_start3A_119] : memref<2x32768x128xf32, #tpu.memory_space<hbm>> -> memref<1x128x128xf32, #tpu.memory_space<hbm>>
    %dma_start3A_121 = tpu.memref_squeeze %dma_start3A_120 : memref<1x128x128xf32, #tpu.memory_space<hbm>> -> memref<128x128xf32, #tpu.memory_space<hbm>>
    %dma_start3A_122 = arith.constant 0 : i32
    %dma_start3A_123 = tpu.memref_slice %arg2[%dma_start3A_118, %add3A_117, %dma_start3A_122] : memref<2x32768x128xf32, #tpu.memory_space<hbm>> -> memref<1x128x128xf32, #tpu.memory_space<hbm>>
    %dma_start3A_124 = tpu.memref_squeeze %dma_start3A_123 : memref<1x128x128xf32, #tpu.memory_space<hbm>> -> memref<128x128xf32, #tpu.memory_space<hbm>>
    tpu.enqueue_dma source(%dma_start3A_124 : memref<128x128xf32, #tpu.memory_space<hbm>>) target(%arg7 : memref<128x128xf32, #tpu.memory_space<vmem>>) target_semaphore(%arg13 : memref<!tpu.dma_semaphore, #tpu.memory_space<semaphore_mem>>)
    %scan3A = arith.constant 0 : i32
    %scan3A_125 = arith.constant 0 : i32
    %mul3A_126 = arith.constant 2 : i32
    %mul3A_127 = arith.muli %mul3A_126, %scan3A_125 : i32
    %jit3A = arith.constant 1 : i32
    %div3A = arith.divsi %mul3A_127, %jit3A : i32
    %sign3A = arith.constant 0 : i32
    %sign3A_128 = arith.cmpi sgt, %mul3A_127, %sign3A : i32
    %sign3A_129 = arith.extui %sign3A_128 : i1 to i32
    %sign3A_130 = arith.constant 0 : i32
    %sign3A_131 = arith.cmpi slt, %mul3A_127, %sign3A_130 : i32
    %sign3A_132 = arith.extui %sign3A_131 : i1 to i32
    %sign3A_133 = arith.subi %sign3A_129, %sign3A_132 : i32
    %sign3A_134 = arith.constant 0 : i32
    %sign3A_135 = arith.cmpi sgt, %jit3A, %sign3A_134 : i32
    %sign3A_136 = arith.extui %sign3A_135 : i1 to i32
    %sign3A_137 = arith.constant 0 : i32
    %sign3A_138 = arith.cmpi slt, %jit3A, %sign3A_137 : i32
    %sign3A_139 = arith.extui %sign3A_138 : i1 to i32
    %sign3A_140 = arith.subi %sign3A_136, %sign3A_139 : i32
    %ne3A = arith.cmpi ne, %sign3A_133, %sign3A_140 : i32
    %rem3A_141 = arith.remsi %mul3A_127, %jit3A : i32
    %ne3A_142 = arith.constant 0 : i32
    %ne3A_143 = arith.cmpi ne, %rem3A_141, %ne3A_142 : i32
    %and3A = arith.andi %ne3A, %ne3A_143 : i1
    %sub3A = arith.constant 1 : i32
    %sub3A_144 = arith.subi %div3A, %sub3A : i32
    %select_n3A = arith.select %and3A, %sub3A_144, %div3A : i32
    %rem3A_145 = arith.constant 1 : i32
    %rem3A_146 = arith.remsi %mul3A_127, %rem3A_145 : i32
    %dma_wait3A = arith.constant 0 : i32
    %dma_wait3A_147 = arith.constant 0 : i32
    %dma_wait3A_148 = arith.constant 0 : i32
    %dma_wait3A_149 = tpu.memref_slice %arg2[%dma_wait3A, %dma_wait3A_147, %dma_wait3A_148] : memref<2x32768x128xf32, #tpu.memory_space<hbm>> -> memref<1x128x128xf32, #tpu.memory_space<hbm>>
    %dma_wait3A_150 = tpu.memref_squeeze %dma_wait3A_149 : memref<1x128x128xf32, #tpu.memory_space<hbm>> -> memref<128x128xf32, #tpu.memory_space<hbm>>
    %dma_wait3A_151 = arith.constant 0 : i32
    %dma_wait3A_152 = arith.constant 0 : i32
    %dma_wait3A_153 = tpu.memref_slice %arg2[%dma_wait3A, %dma_wait3A_151, %dma_wait3A_152] : memref<2x32768x128xf32, #tpu.memory_space<hbm>> -> memref<1x128x128xf32, #tpu.memory_space<hbm>>
    %dma_wait3A_154 = tpu.memref_squeeze %dma_wait3A_153 : memref<1x128x128xf32, #tpu.memory_space<hbm>> -> memref<128x128xf32, #tpu.memory_space<hbm>>
    tpu.wait_dma2 semaphore(%arg12 : memref<!tpu.dma_semaphore, #tpu.memory_space<semaphore_mem>>) src(%dma_wait3A_154 : memref<128x128xf32, #tpu.memory_space<hbm>>) dst(%arg6 : memref<128x128xf32, #tpu.memory_space<vmem>>)
    %scan3A_155 = arith.constant 0 : i32
    %scan3A_156 = arith.constant 8 : i32
    %scan3A_157 = arith.addi %scan3A_155, %scan3A_156 : i32
    %scan3A_158 = arith.constant 1 : i32
    %scan3A_159:4 = scf.for %scan3A_302 = %scan3A_155 to %scan3A_157 step %scan3A_158 iter_args(%scan3A_303 = %broadcast_in_dim3A_4, %scan3A_304 = %broadcast_in_dim3A_4, %scan3A_305 = %broadcast_in_dim3A_4, %scan3A_306 = %broadcast_in_dim3A_4) -> (vector<16xf32>, vector<16xf32>, vector<16xf32>, vector<16xf32>)  : i32 {
      %mul3A_307 = arith.constant 128 : i32
      %mul3A_308 = arith.muli %select_n3A, %mul3A_307 : i32
      %mul3A_309 = arith.constant 128 : i32
      %mul3A_310 = arith.muli %rem3A_146, %mul3A_309 : i32
      %add3A_311 = arith.addi %mul3A_308, %mul3A_310 : i32
      %mul3A_312 = arith.constant 16 : i32
      %mul3A_313 = arith.muli %scan3A_302, %mul3A_312 : i32
      %add3A_314 = arith.addi %add3A_311, %mul3A_313 : i32
      %get3A_315 = arith.index_cast %add3A_314 : i32 to index
      %get3A_316 = tpu.vector_load %arg8[%get3A_315] {strides = array<i32>} : memref<256xi32, #tpu.memory_space<vmem>>, vector<16xi32>,
      %mul3A_317 = arith.constant 16 : i32
      %mul3A_318 = arith.muli %scan3A_302, %mul3A_317 : i32
      %add3A_319 = arith.constant 0 : i32
      %add3A_320 = arith.addi %mul3A_318, %add3A_319 : i32
      %broadcast_in_dim3A_321 = arith.constant 0 : i32
      %broadcast_in_dim3A_322 = vector.broadcast %broadcast_in_dim3A_321 : i32 to vector<16xi32>
      %lt3A_323 = arith.constant 0 : i32
      %lt3A_324 = vector.broadcast %lt3A_323 : i32 to vector<16xi32>
      %lt3A_325 = arith.cmpi slt, %broadcast_in_dim3A_322, %lt3A_324 : vector<16xi32>
      %add3A_326 = arith.constant 16 : i32
      %add3A_327 = vector.broadcast %add3A_326 : i32 to vector<16xi32>
      %add3A_328 = arith.addi %broadcast_in_dim3A_322, %add3A_327 : vector<16xi32>
      %select_n3A_329 = arith.select %lt3A_325, %add3A_328, %broadcast_in_dim3A_322 : vector<16xi1>, vector<16xi32>
      %reshape3A = vector.shape_cast %select_n3A_329 : vector<16xi32> to vector<16x1xi32>
      %gather3A = vector.shape_cast %reshape3A : vector<16x1xi32> to vector<16xi32>
      %gather3A_330 = tpu.dynamic_gather %get3A_316[%gather3A] in [0] : vector<16xi32>, vector<16xi32> -> vector<16xi32>
      %eq3A = arith.constant 0 : i32
      %eq3A_331 = vector.broadcast %eq3A : i32 to vector<16xi32>
      %eq3A_332 = arith.cmpi eq, %gather3A_330, %eq3A_331 : vector<16xi32>
      %get3A_333 = arith.index_cast %add3A_320 : i32 to index
      %get3A_334 = arith.constant 0 : index
      %get3A_335 = tpu.vector_load %arg6[%get3A_333, %get3A_334] {strides = array<i32>} : memref<128x128xf32, #tpu.memory_space<vmem>>, vector<16xf32>,
      %select_n3A_336 = arith.select %eq3A_332, %get3A_40, %get3A_72 : vector<16xi1>, vector<16xf32>
      %sub3A_337 = arith.subf %get3A_335, %select_n3A_336 : vector<16xf32>
      %mul3A_338 = arith.mulf %sub3A_337, %sub3A_337 : vector<16xf32>
      %add3A_339 = arith.addf %broadcast_in_dim3A_4, %mul3A_338 : vector<16xf32>
      %get3A_340 = arith.index_cast %add3A_320 : i32 to index
      %get3A_341 = arith.constant 16 : index
      %get3A_342 = tpu.vector_load %arg6[%get3A_340, %get3A_341] {strides = array<i32>} : memref<128x128xf32, #tpu.memory_space<vmem>>, vector<16xf32>,
      %select_n3A_343 = arith.select %eq3A_332, %get3A_44, %get3A_76 : vector<16xi1>, vector<16xf32>
      %sub3A_344 = arith.subf %get3A_342, %select_n3A_343 : vector<16xf32>
      %mul3A_345 = arith.mulf %sub3A_344, %sub3A_344 : vector<16xf32>
      %add3A_346 = arith.addf %broadcast_in_dim3A_4, %mul3A_345 : vector<16xf32>
      %get3A_347 = arith.index_cast %add3A_320 : i32 to index
      %get3A_348 = arith.constant 32 : index
      %get3A_349 = tpu.vector_load %arg6[%get3A_347, %get3A_348] {strides = array<i32>} : memref<128x128xf32, #tpu.memory_space<vmem>>, vector<16xf32>,
      %select_n3A_350 = arith.select %eq3A_332, %get3A_48, %get3A_80 : vector<16xi1>, vector<16xf32>
      %sub3A_351 = arith.subf %get3A_349, %select_n3A_350 : vector<16xf32>
      %mul3A_352 = arith.mulf %sub3A_351, %sub3A_351 : vector<16xf32>
      %add3A_353 = arith.addf %add3A_339, %mul3A_352 : vector<16xf32>
      %get3A_354 = arith.index_cast %add3A_320 : i32 to index
      %get3A_355 = arith.constant 48 : index
      %get3A_356 = tpu.vector_load %arg6[%get3A_354, %get3A_355] {strides = array<i32>} : memref<128x128xf32, #tpu.memory_space<vmem>>, vector<16xf32>,
      %select_n3A_357 = arith.select %eq3A_332, %get3A_52, %get3A_84 : vector<16xi1>, vector<16xf32>
      %sub3A_358 = arith.subf %get3A_356, %select_n3A_357 : vector<16xf32>
      %mul3A_359 = arith.mulf %sub3A_358, %sub3A_358 : vector<16xf32>
      %add3A_360 = arith.addf %add3A_346, %mul3A_359 : vector<16xf32>
      %get3A_361 = arith.index_cast %add3A_320 : i32 to index
      %get3A_362 = arith.constant 64 : index
      %get3A_363 = tpu.vector_load %arg6[%get3A_361, %get3A_362] {strides = array<i32>} : memref<128x128xf32, #tpu.memory_space<vmem>>, vector<16xf32>,
      %select_n3A_364 = arith.select %eq3A_332, %get3A_56, %get3A_88 : vector<16xi1>, vector<16xf32>
      %sub3A_365 = arith.subf %get3A_363, %select_n3A_364 : vector<16xf32>
      %mul3A_366 = arith.mulf %sub3A_365, %sub3A_365 : vector<16xf32>
      %add3A_367 = arith.addf %add3A_353, %mul3A_366 : vector<16xf32>
      %get3A_368 = arith.index_cast %add3A_320 : i32 to index
      %get3A_369 = arith.constant 80 : index
      %get3A_370 = tpu.vector_load %arg6[%get3A_368, %get3A_369] {strides = array<i32>} : memref<128x128xf32, #tpu.memory_space<vmem>>, vector<16xf32>,
      %select_n3A_371 = arith.select %eq3A_332, %get3A_60, %get3A_92 : vector<16xi1>, vector<16xf32>
      %sub3A_372 = arith.subf %get3A_370, %select_n3A_371 : vector<16xf32>
      %mul3A_373 = arith.mulf %sub3A_372, %sub3A_372 : vector<16xf32>
      %add3A_374 = arith.addf %add3A_360, %mul3A_373 : vector<16xf32>
      %get3A_375 = arith.index_cast %add3A_320 : i32 to index
      %get3A_376 = arith.constant 96 : index
      %get3A_377 = tpu.vector_load %arg6[%get3A_375, %get3A_376] {strides = array<i32>} : memref<128x128xf32, #tpu.memory_space<vmem>>, vector<16xf32>,
      %select_n3A_378 = arith.select %eq3A_332, %get3A_64, %get3A_96 : vector<16xi1>, vector<16xf32>
      %sub3A_379 = arith.subf %get3A_377, %select_n3A_378 : vector<16xf32>
      %mul3A_380 = arith.mulf %sub3A_379, %sub3A_379 : vector<16xf32>
      %add3A_381 = arith.addf %add3A_367, %mul3A_380 : vector<16xf32>
      %get3A_382 = arith.index_cast %add3A_320 : i32 to index
      %get3A_383 = arith.constant 112 : index
      %get3A_384 = tpu.vector_load %arg6[%get3A_382, %get3A_383] {strides = array<i32>} : memref<128x128xf32, #tpu.memory_space<vmem>>, vector<16xf32>,
      %select_n3A_385 = arith.select %eq3A_332, %get3A_68, %get3A_100 : vector<16xi1>, vector<16xf32>
      %sub3A_386 = arith.subf %get3A_384, %select_n3A_385 : vector<16xf32>
      %mul3A_387 = arith.mulf %sub3A_386, %sub3A_386 : vector<16xf32>
      %add3A_388 = arith.addf %add3A_374, %mul3A_387 : vector<16xf32>
      %add3A_389 = arith.addf %add3A_381, %add3A_388 : vector<16xf32>
      %swap3A_390 = arith.constant 0 : index
      %swap3A_391 = tpu.vector_load %arg10[%swap3A_390] {strides = array<i32>} : memref<256xf32, #tpu.memory_space<vmem>>, vector<16xf32>,
      tpu.vector_store %arg10[%swap3A_390], %add3A_389 {strides = array<i32>} : memref<256xf32, #tpu.memory_space<vmem>>, vector<16xf32>,
      %mul3A_392 = arith.constant 16 : i32
      %mul3A_393 = arith.muli %scan3A_302, %mul3A_392 : i32
      %add3A_394 = arith.constant 1 : i32
      %add3A_395 = arith.addi %mul3A_393, %add3A_394 : i32
      %broadcast_in_dim3A_396 = arith.constant 1 : i32
      %broadcast_in_dim3A_397 = vector.broadcast %broadcast_in_dim3A_396 : i32 to vector<16xi32>
      %lt3A_398 = arith.constant 0 : i32
      %lt3A_399 = vector.broadcast %lt3A_398 : i32 to vector<16xi32>
      %lt3A_400 = arith.cmpi slt, %broadcast_in_dim3A_397, %lt3A_399 : vector<16xi32>
      %add3A_401 = arith.constant 16 : i32
      %add3A_402 = vector.broadcast %add3A_401 : i32 to vector<16xi32>
      %add3A_403 = arith.addi %broadcast_in_dim3A_397, %add3A_402 : vector<16xi32>
      %select_n3A_404 = arith.select %lt3A_400, %add3A_403, %broadcast_in_dim3A_397 : vector<16xi1>, vector<16xi32>
      %reshape3A_405 = vector.shape_cast %select_n3A_404 : vector<16xi32> to vector<16x1xi32>
      %gather3A_406 = vector.shape_cast %reshape3A_405 : vector<16x1xi32> to vector<16xi32>
      %gather3A_407 = tpu.dynamic_gather %get3A_316[%gather3A_406] in [0] : vector<16xi32>, vector<16xi32> -> vector<16xi32>
      %eq3A_408 = arith.constant 0 : i32
      %eq3A_409 = vector.broadcast %eq3A_408 : i32 to vector<16xi32>
      %eq3A_410 = arith.cmpi eq, %gather3A_407, %eq3A_409 : vector<16xi32>
      %get3A_411 = arith.index_cast %add3A_395 : i32 to index
      %get3A_412 = arith.constant 0 : index
      %get3A_413 = tpu.vector_load %arg6[%get3A_411, %get3A_412] {strides = array<i32>} : memref<128x128xf32, #tpu.memory_space<vmem>>, vector<16xf32>,
      %select_n3A_414 = arith.select %eq3A_410, %get3A_40, %get3A_72 : vector<16xi1>, vector<16xf32>
      %sub3A_415 = arith.subf %get3A_413, %select_n3A_414 : vector<16xf32>
      %mul3A_416 = arith.mulf %sub3A_415, %sub3A_415 : vector<16xf32>
      %add3A_417 = arith.addf %broadcast_in_dim3A_4, %mul3A_416 : vector<16xf32>
      %get3A_418 = arith.index_cast %add3A_395 : i32 to index
      %get3A_419 = arith.constant 16 : index
      %get3A_420 = tpu.vector_load %arg6[%get3A_418, %get3A_419] {strides = array<i32>} : memref<128x128xf32, #tpu.memory_space<vmem>>, vector<16xf32>,
      %select_n3A_421 = arith.select %eq3A_410, %get3A_44, %get3A_76 : vector<16xi1>, vector<16xf32>
      %sub3A_422 = arith.subf %get3A_420, %select_n3A_421 : vector<16xf32>
      %mul3A_423 = arith.mulf %sub3A_422, %sub3A_422 : vector<16xf32>
      %add3A_424 = arith.addf %broadcast_in_dim3A_4, %mul3A_423 : vector<16xf32>
      %get3A_425 = arith.index_cast %add3A_395 : i32 to index
      %get3A_426 = arith.constant 32 : index
      %get3A_427 = tpu.vector_load %arg6[%get3A_425, %get3A_426] {strides = array<i32>} : memref<128x128xf32, #tpu.memory_space<vmem>>, vector<16xf32>,
      %select_n3A_428 = arith.select %eq3A_410, %get3A_48, %get3A_80 : vector<16xi1>, vector<16xf32>
      %sub3A_429 = arith.subf %get3A_427, %select_n3A_428 : vector<16xf32>
      %mul3A_430 = arith.mulf %sub3A_429, %sub3A_429 : vector<16xf32>
      %add3A_431 = arith.addf %add3A_417, %mul3A_430 : vector<16xf32>
      %get3A_432 = arith.index_cast %add3A_395 : i32 to index
      %get3A_433 = arith.constant 48 : index
      %get3A_434 = tpu.vector_load %arg6[%get3A_432, %get3A_433] {strides = array<i32>} : memref<128x128xf32, #tpu.memory_space<vmem>>, vector<16xf32>,
      %select_n3A_435 = arith.select %eq3A_410, %get3A_52, %get3A_84 : vector<16xi1>, vector<16xf32>
      %sub3A_436 = arith.subf %get3A_434, %select_n3A_435 : vector<16xf32>
      %mul3A_437 = arith.mulf %sub3A_436, %sub3A_436 : vector<16xf32>
      %add3A_438 = arith.addf %add3A_424, %mul3A_437 : vector<16xf32>
      %get3A_439 = arith.index_cast %add3A_395 : i32 to index
      %get3A_440 = arith.constant 64 : index
      %get3A_441 = tpu.vector_load %arg6[%get3A_439, %get3A_440] {strides = array<i32>} : memref<128x128xf32, #tpu.memory_space<vmem>>, vector<16xf32>,
      %select_n3A_442 = arith.select %eq3A_410, %get3A_56, %get3A_88 : vector<16xi1>, vector<16xf32>
      %sub3A_443 = arith.subf %get3A_441, %select_n3A_442 : vector<16xf32>
      %mul3A_444 = arith.mulf %sub3A_443, %sub3A_443 : vector<16xf32>
      %add3A_445 = arith.addf %add3A_431, %mul3A_444 : vector<16xf32>
      %get3A_446 = arith.index_cast %add3A_395 : i32 to index
      %get3A_447 = arith.constant 80 : index
      %get3A_448 = tpu.vector_load %arg6[%get3A_446, %get3A_447] {strides = array<i32>} : memref<128x128xf32, #tpu.memory_space<vmem>>, vector<16xf32>,
      %select_n3A_449 = arith.select %eq3A_410, %get3A_60, %get3A_92 : vector<16xi1>, vector<16xf32>
      %sub3A_450 = arith.subf %get3A_448, %select_n3A_449 : vector<16xf32>
      %mul3A_451 = arith.mulf %sub3A_450, %sub3A_450 : vector<16xf32>
      %add3A_452 = arith.addf %add3A_438, %mul3A_451 : vector<16xf32>
      %get3A_453 = arith.index_cast %add3A_395 : i32 to index
      %get3A_454 = arith.constant 96 : index
      %get3A_455 = tpu.vector_load %arg6[%get3A_453, %get3A_454] {strides = array<i32>} : memref<128x128xf32, #tpu.memory_space<vmem>>, vector<16xf32>,
      %select_n3A_456 = arith.select %eq3A_410, %get3A_64, %get3A_96 : vector<16xi1>, vector<16xf32>
      %sub3A_457 = arith.subf %get3A_455, %select_n3A_456 : vector<16xf32>
      %mul3A_458 = arith.mulf %sub3A_457, %sub3A_457 : vector<16xf32>
      %add3A_459 = arith.addf %add3A_445, %mul3A_458 : vector<16xf32>
      %get3A_460 = arith.index_cast %add3A_395 : i32 to index
      %get3A_461 = arith.constant 112 : index
      %get3A_462 = tpu.vector_load %arg6[%get3A_460, %get3A_461] {strides = array<i32>} : memref<128x128xf32, #tpu.memory_space<vmem>>, vector<16xf32>,
      %select_n3A_463 = arith.select %eq3A_410, %get3A_68, %get3A_100 : vector<16xi1>, vector<16xf32>
      %sub3A_464 = arith.subf %get3A_462, %select_n3A_463 : vector<16xf32>
      %mul3A_465 = arith.mulf %sub3A_464, %sub3A_464 : vector<16xf32>
      %add3A_466 = arith.addf %add3A_452, %mul3A_465 : vector<16xf32>
      %add3A_467 = arith.addf %add3A_459, %add3A_466 : vector<16xf32>
      %swap3A_468 = arith.constant 16 : index
      %swap3A_469 = tpu.vector_load %arg10[%swap3A_468] {strides = array<i32>} : memref<256xf32, #tpu.memory_space<vmem>>, vector<16xf32>,
      tpu.vector_store %arg10[%swap3A_468], %add3A_467 {strides = array<i32>} : memref<256xf32, #tpu.memory_space<vmem>>, vector<16xf32>,
      %mul3A_470 = arith.constant 16 : i32
      %mul3A_471 = arith.muli %scan3A_302, %mul3A_470 : i32
      %add3A_472 = arith.constant 2 : i32
      %add3A_473 = arith.addi %mul3A_471, %add3A_472 : i32
      %broadcast_in_dim3A_474 = arith.constant 2 : i32
      %broadcast_in_dim3A_475 = vector.broadcast %broadcast_in_dim3A_474 : i32 to vector<16xi32>
      %lt3A_476 = arith.constant 0 : i32
      %lt3A_477 = vector.broadcast %lt3A_476 : i32 to vector<16xi32>
      %lt3A_478 = arith.cmpi slt, %broadcast_in_dim3A_475, %lt3A_477 : vector<16xi32>
      %add3A_479 = arith.constant 16 : i32
      %add3A_480 = vector.broadcast %add3A_479 : i32 to vector<16xi32>
      %add3A_481 = arith.addi %broadcast_in_dim3A_475, %add3A_480 : vector<16xi32>
      %select_n3A_482 = arith.select %lt3A_478, %add3A_481, %broadcast_in_dim3A_475 : vector<16xi1>, vector<16xi32>
      %reshape3A_483 = vector.shape_cast %select_n3A_482 : vector<16xi32> to vector<16x1xi32>
      %gather3A_484 = vector.shape_cast %reshape3A_483 : vector<16x1xi32> to vector<16xi32>
      %gather3A_485 = tpu.dynamic_gather %get3A_316[%gather3A_484] in [0] : vector<16xi32>, vector<16xi32> -> vector<16xi32>
      %eq3A_486 = arith.constant 0 : i32
      %eq3A_487 = vector.broadcast %eq3A_486 : i32 to vector<16xi32>
      %eq3A_488 = arith.cmpi eq, %gather3A_485, %eq3A_487 : vector<16xi32>
      %get3A_489 = arith.index_cast %add3A_473 : i32 to index
      %get3A_490 = arith.constant 0 : index
      %get3A_491 = tpu.vector_load %arg6[%get3A_489, %get3A_490] {strides = array<i32>} : memref<128x128xf32, #tpu.memory_space<vmem>>, vector<16xf32>,
      %select_n3A_492 = arith.select %eq3A_488, %get3A_40, %get3A_72 : vector<16xi1>, vector<16xf32>
      %sub3A_493 = arith.subf %get3A_491, %select_n3A_492 : vector<16xf32>
      %mul3A_494 = arith.mulf %sub3A_493, %sub3A_493 : vector<16xf32>
      %add3A_495 = arith.addf %broadcast_in_dim3A_4, %mul3A_494 : vector<16xf32>
      %get3A_496 = arith.index_cast %add3A_473 : i32 to index
      %get3A_497 = arith.constant 16 : index
      %get3A_498 = tpu.vector_load %arg6[%get3A_496, %get3A_497] {strides = array<i32>} : memref<128x128xf32, #tpu.memory_space<vmem>>, vector<16xf32>,
      %select_n3A_499 = arith.select %eq3A_488, %get3A_44, %get3A_76 : vector<16xi1>, vector<16xf32>
      %sub3A_500 = arith.subf %get3A_498, %select_n3A_499 : vector<16xf32>
      %mul3A_501 = arith.mulf %sub3A_500, %sub3A_500 : vector<16xf32>
      %add3A_502 = arith.addf %broadcast_in_dim3A_4, %mul3A_501 : vector<16xf32>
      %get3A_503 = arith.index_cast %add3A_473 : i32 to index
      %get3A_504 = arith.constant 32 : index
      %get3A_505 = tpu.vector_load %arg6[%get3A_503, %get3A_504] {strides = array<i32>} : memref<128x128xf32, #tpu.memory_space<vmem>>, vector<16xf32>,
      %select_n3A_506 = arith.select %eq3A_488, %get3A_48, %get3A_80 : vector<16xi1>, vector<16xf32>
      %sub3A_507 = arith.subf %get3A_505, %select_n3A_506 : vector<16xf32>
      %mul3A_508 = arith.mulf %sub3A_507, %sub3A_507 : vector<16xf32>
      %add3A_509 = arith.addf %add3A_495, %mul3A_508 : vector<16xf32>
      %get3A_510 = arith.index_cast %add3A_473 : i32 to index
      %get3A_511 = arith.constant 48 : index
      %get3A_512 = tpu.vector_load %arg6[%get3A_510, %get3A_511] {strides = array<i32>} : memref<128x128xf32, #tpu.memory_space<vmem>>, vector<16xf32>,
      %select_n3A_513 = arith.select %eq3A_488, %get3A_52, %get3A_84 : vector<16xi1>, vector<16xf32>
      %sub3A_514 = arith.subf %get3A_512, %select_n3A_513 : vector<16xf32>
      %mul3A_515 = arith.mulf %sub3A_514, %sub3A_514 : vector<16xf32>
      %add3A_516 = arith.addf %add3A_502, %mul3A_515 : vector<16xf32>
      %get3A_517 = arith.index_cast %add3A_473 : i32 to index
      %get3A_518 = arith.constant 64 : index
      %get3A_519 = tpu.vector_load %arg6[%get3A_517, %get3A_518] {strides = array<i32>} : memref<128x128xf32, #tpu.memory_space<vmem>>, vector<16xf32>,
      %select_n3A_520 = arith.select %eq3A_488, %get3A_56, %get3A_88 : vector<16xi1>, vector<16xf32>
      %sub3A_521 = arith.subf %get3A_519, %select_n3A_520 : vector<16xf32>
      %mul3A_522 = arith.mulf %sub3A_521, %sub3A_521 : vector<16xf32>
      %add3A_523 = arith.addf %add3A_509, %mul3A_522 : vector<16xf32>
      %get3A_524 = arith.index_cast %add3A_473 : i32 to index
      %get3A_525 = arith.constant 80 : index
      %get3A_526 = tpu.vector_load %arg6[%get3A_524, %get3A_525] {strides = array<i32>} : memref<128x128xf32, #tpu.memory_space<vmem>>, vector<16xf32>,
      %select_n3A_527 = arith.select %eq3A_488, %get3A_60, %get3A_92 : vector<16xi1>, vector<16xf32>
      %sub3A_528 = arith.subf %get3A_526, %select_n3A_527 : vector<16xf32>
      %mul3A_529 = arith.mulf %sub3A_528, %sub3A_528 : vector<16xf32>
      %add3A_530 = arith.addf %add3A_516, %mul3A_529 : vector<16xf32>
      %get3A_531 = arith.index_cast %add3A_473 : i32 to index
      %get3A_532 = arith.constant 96 : index
      %get3A_533 = tpu.vector_load %arg6[%get3A_531, %get3A_532] {strides = array<i32>} : memref<128x128xf32, #tpu.memory_space<vmem>>, vector<16xf32>,
      %select_n3A_534 = arith.select %eq3A_488, %get3A_64, %get3A_96 : vector<16xi1>, vector<16xf32>
      %sub3A_535 = arith.subf %get3A_533, %select_n3A_534 : vector<16xf32>
      %mul3A_536 = arith.mulf %sub3A_535, %sub3A_535 : vector<16xf32>
      %add3A_537 = arith.addf %add3A_523, %mul3A_536 : vector<16xf32>
      %get3A_538 = arith.index_cast %add3A_473 : i32 to index
      %get3A_539 = arith.constant 112 : index
      %get3A_540 = tpu.vector_load %arg6[%get3A_538, %get3A_539] {strides = array<i32>} : memref<128x128xf32, #tpu.memory_space<vmem>>, vector<16xf32>,
      %select_n3A_541 = arith.select %eq3A_488, %get3A_68, %get3A_100 : vector<16xi1>, vector<16xf32>
      %sub3A_542 = arith.subf %get3A_540, %select_n3A_541 : vector<16xf32>
      %mul3A_543 = arith.mulf %sub3A_542, %sub3A_542 : vector<16xf32>
      %add3A_544 = arith.addf %add3A_530, %mul3A_543 : vector<16xf32>
      %add3A_545 = arith.addf %add3A_537, %add3A_544 : vector<16xf32>
      %swap3A_546 = arith.constant 32 : index
      %swap3A_547 = tpu.vector_load %arg10[%swap3A_546] {strides = array<i32>} : memref<256xf32, #tpu.memory_space<vmem>>, vector<16xf32>,
      tpu.vector_store %arg10[%swap3A_546], %add3A_545 {strides = array<i32>} : memref<256xf32, #tpu.memory_space<vmem>>, vector<16xf32>,
      %mul3A_548 = arith.constant 16 : i32
      %mul3A_549 = arith.muli %scan3A_302, %mul3A_548 : i32
      %add3A_550 = arith.constant 3 : i32
      %add3A_551 = arith.addi %mul3A_549, %add3A_550 : i32
      %broadcast_in_dim3A_552 = arith.constant 3 : i32
      %broadcast_in_dim3A_553 = vector.broadcast %broadcast_in_dim3A_552 : i32 to vector<16xi32>
      %lt3A_554 = arith.constant 0 : i32
      %lt3A_555 = vector.broadcast %lt3A_554 : i32 to vector<16xi32>
      %lt3A_556 = arith.cmpi slt, %broadcast_in_dim3A_553, %lt3A_555 : vector<16xi32>
      %add3A_557 = arith.constant 16 : i32
      %add3A_558 = vector.broadcast %add3A_557 : i32 to vector<16xi32>
      %add3A_559 = arith.addi %broadcast_in_dim3A_553, %add3A_558 : vector<16xi32>
      %select_n3A_560 = arith.select %lt3A_556, %add3A_559, %broadcast_in_dim3A_553 : vector<16xi1>, vector<16xi32>
      %reshape3A_561 = vector.shape_cast %select_n3A_560 : vector<16xi32> to vector<16x1xi32>
      %gather3A_562 = vector.shape_cast %reshape3A_561 : vector<16x1xi32> to vector<16xi32>
      %gather3A_563 = tpu.dynamic_gather %get3A_316[%gather3A_562] in [0] : vector<16xi32>, vector<16xi32> -> vector<16xi32>
      %eq3A_564 = arith.constant 0 : i32
      %eq3A_565 = vector.broadcast %eq3A_564 : i32 to vector<16xi32>
      %eq3A_566 = arith.cmpi eq, %gather3A_563, %eq3A_565 : vector<16xi32>
      %get3A_567 = arith.index_cast %add3A_551 : i32 to index
      %get3A_568 = arith.constant 0 : index
      %get3A_569 = tpu.vector_load %arg6[%get3A_567, %get3A_568] {strides = array<i32>} : memref<128x128xf32, #tpu.memory_space<vmem>>, vector<16xf32>,
      %select_n3A_570 = arith.select %eq3A_566, %get3A_40, %get3A_72 : vector<16xi1>, vector<16xf32>
      %sub3A_571 = arith.subf %get3A_569, %select_n3A_570 : vector<16xf32>
      %mul3A_572 = arith.mulf %sub3A_571, %sub3A_571 : vector<16xf32>
      %add3A_573 = arith.addf %broadcast_in_dim3A_4, %mul3A_572 : vector<16xf32>
      %get3A_574 = arith.index_cast %add3A_551 : i32 to index
      %get3A_575 = arith.constant 16 : index
      %get3A_576 = tpu.vector_load %arg6[%get3A_574, %get3A_575] {strides = array<i32>} : memref<128x128xf32, #tpu.memory_space<vmem>>, vector<16xf32>,
      %select_n3A_577 = arith.select %eq3A_566, %get3A_44, %get3A_76 : vector<16xi1>, vector<16xf32>
      %sub3A_578 = arith.subf %get3A_576, %select_n3A_577 : vector<16xf32>
      %mul3A_579 = arith.mulf %sub3A_578, %sub3A_578 : vector<16xf32>
      %add3A_580 = arith.addf %broadcast_in_dim3A_4, %mul3A_579 : vector<16xf32>
      %get3A_581 = arith.index_cast %add3A_551 : i32 to index
      %get3A_582 = arith.constant 32 : index
      %get3A_583 = tpu.vector_load %arg6[%get3A_581, %get3A_582] {strides = array<i32>} : memref<128x128xf32, #tpu.memory_space<vmem>>, vector<16xf32>,
      %select_n3A_584 = arith.select %eq3A_566, %get3A_48, %get3A_80 : vector<16xi1>, vector<16xf32>
      %sub3A_585 = arith.subf %get3A_583, %select_n3A_584 : vector<16xf32>
      %mul3A_586 = arith.mulf %sub3A_585, %sub3A_585 : vector<16xf32>
      %add3A_587 = arith.addf %add3A_573, %mul3A_586 : vector<16xf32>
      %get3A_588 = arith.index_cast %add3A_551 : i32 to index
      %get3A_589 = arith.constant 48 : index
      %get3A_590 = tpu.vector_load %arg6[%get3A_588, %get3A_589] {strides = array<i32>} : memref<128x128xf32, #tpu.memory_space<vmem>>, vector<16xf32>,
      %select_n3A_591 = arith.select %eq3A_566, %get3A_52, %get3A_84 : vector<16xi1>, vector<16xf32>
      %sub3A_592 = arith.subf %get3A_590, %select_n3A_591 : vector<16xf32>
      %mul3A_593 = arith.mulf %sub3A_592, %sub3A_592 : vector<16xf32>
      %add3A_594 = arith.addf %add3A_580, %mul3A_593 : vector<16xf32>
      %get3A_595 = arith.index_cast %add3A_551 : i32 to index
      %get3A_596 = arith.constant 64 : index
      %get3A_597 = tpu.vector_load %arg6[%get3A_595, %get3A_596] {strides = array<i32>} : memref<128x128xf32, #tpu.memory_space<vmem>>, vector<16xf32>,
      %select_n3A_598 = arith.select %eq3A_566, %get3A_56, %get3A_88 : vector<16xi1>, vector<16xf32>
      %sub3A_599 = arith.subf %get3A_597, %select_n3A_598 : vector<16xf32>
      %mul3A_600 = arith.mulf %sub3A_599, %sub3A_599 : vector<16xf32>
      %add3A_601 = arith.addf %add3A_587, %mul3A_600 : vector<16xf32>
      %get3A_602 = arith.index_cast %add3A_551 : i32 to index
      %get3A_603 = arith.constant 80 : index
      %get3A_604 = tpu.vector_load %arg6[%get3A_602, %get3A_603] {strides = array<i32>} : memref<128x128xf32, #tpu.memory_space<vmem>>, vector<16xf32>,
      %select_n3A_605 = arith.select %eq3A_566, %get3A_60, %get3A_92 : vector<16xi1>, vector<16xf32>
      %sub3A_606 = arith.subf %get3A_604, %select_n3A_605 : vector<16xf32>
      %mul3A_607 = arith.mulf %sub3A_606, %sub3A_606 : vector<16xf32>
      %add3A_608 = arith.addf %add3A_594, %mul3A_607 : vector<16xf32>
      %get3A_609 = arith.index_cast %add3A_551 : i32 to index
      %get3A_610 = arith.constant 96 : index
      %get3A_611 = tpu.vector_load %arg6[%get3A_609, %get3A_610] {strides = array<i32>} : memref<128x128xf32, #tpu.memory_space<vmem>>, vector<16xf32>,
      %select_n3A_612 = arith.select %eq3A_566, %get3A_64, %get3A_96 : vector<16xi1>, vector<16xf32>
      %sub3A_613 = arith.subf %get3A_611, %select_n3A_612 : vector<16xf32>
      %mul3A_614 = arith.mulf %sub3A_613, %sub3A_613 : vector<16xf32>
      %add3A_615 = arith.addf %add3A_601, %mul3A_614 : vector<16xf32>
      %get3A_616 = arith.index_cast %add3A_551 : i32 to index
      %get3A_617 = arith.constant 112 : index
      %get3A_618 = tpu.vector_load %arg6[%get3A_616, %get3A_617] {strides = array<i32>} : memref<128x128xf32, #tpu.memory_space<vmem>>, vector<16xf32>,
      %select_n3A_619 = arith.select %eq3A_566, %get3A_68, %get3A_100 : vector<16xi1>, vector<16xf32>
      %sub3A_620 = arith.subf %get3A_618, %select_n3A_619 : vector<16xf32>
      %mul3A_621 = arith.mulf %sub3A_620, %sub3A_620 : vector<16xf32>
      %add3A_622 = arith.addf %add3A_608, %mul3A_621 : vector<16xf32>
      %add3A_623 = arith.addf %add3A_615, %add3A_622 : vector<16xf32>
      %swap3A_624 = arith.constant 48 : index
      %swap3A_625 = tpu.vector_load %arg10[%swap3A_624] {strides = array<i32>} : memref<256xf32, #tpu.memory_space<vmem>>, vector<16xf32>,
      tpu.vector_store %arg10[%swap3A_624], %add3A_623 {strides = array<i32>} : memref<256xf32, #tpu.memory_space<vmem>>, vector<16xf32>,
      %mul3A_626 = arith.constant 16 : i32
      %mul3A_627 = arith.muli %scan3A_302, %mul3A_626 : i32
      %add3A_628 = arith.constant 4 : i32
      %add3A_629 = arith.addi %mul3A_627, %add3A_628 : i32
      %broadcast_in_dim3A_630 = arith.constant 4 : i32
      %broadcast_in_dim3A_631 = vector.broadcast %broadcast_in_dim3A_630 : i32 to vector<16xi32>
      %lt3A_632 = arith.constant 0 : i32
      %lt3A_633 = vector.broadcast %lt3A_632 : i32 to vector<16xi32>
      %lt3A_634 = arith.cmpi slt, %broadcast_in_dim3A_631, %lt3A_633 : vector<16xi32>
      %add3A_635 = arith.constant 16 : i32
      %add3A_636 = vector.broadcast %add3A_635 : i32 to vector<16xi32>
      %add3A_637 = arith.addi %broadcast_in_dim3A_631, %add3A_636 : vector<16xi32>
      %select_n3A_638 = arith.select %lt3A_634, %add3A_637, %broadcast_in_dim3A_631 : vector<16xi1>, vector<16xi32>
      %reshape3A_639 = vector.shape_cast %select_n3A_638 : vector<16xi32> to vector<16x1xi32>
      %gather3A_640 = vector.shape_cast %reshape3A_639 : vector<16x1xi32> to vector<16xi32>
      %gather3A_641 = tpu.dynamic_gather %get3A_316[%gather3A_640] in [0] : vector<16xi32>, vector<16xi32> -> vector<16xi32>
      %eq3A_642 = arith.constant 0 : i32
      %eq3A_643 = vector.broadcast %eq3A_642 : i32 to vector<16xi32>
      %eq3A_644 = arith.cmpi eq, %gather3A_641, %eq3A_643 : vector<16xi32>
      %get3A_645 = arith.index_cast %add3A_629 : i32 to index
      %get3A_646 = arith.constant 0 : index
      %get3A_647 = tpu.vector_load %arg6[%get3A_645, %get3A_646] {strides = array<i32>} : memref<128x128xf32, #tpu.memory_space<vmem>>, vector<16xf32>,
      %select_n3A_648 = arith.select %eq3A_644, %get3A_40, %get3A_72 : vector<16xi1>, vector<16xf32>
      %sub3A_649 = arith.subf %get3A_647, %select_n3A_648 : vector<16xf32>
      %mul3A_650 = arith.mulf %sub3A_649, %sub3A_649 : vector<16xf32>
      %add3A_651 = arith.addf %broadcast_in_dim3A_4, %mul3A_650 : vector<16xf32>
      %get3A_652 = arith.index_cast %add3A_629 : i32 to index
      %get3A_653 = arith.constant 16 : index
      %get3A_654 = tpu.vector_load %arg6[%get3A_652, %get3A_653] {strides = array<i32>} : memref<128x128xf32, #tpu.memory_space<vmem>>, vector<16xf32>,
      %select_n3A_655 = arith.select %eq3A_644, %get3A_44, %get3A_76 : vector<16xi1>, vector<16xf32>
      %sub3A_656 = arith.subf %get3A_654, %select_n3A_655 : vector<16xf32>
      %mul3A_657 = arith.mulf %sub3A_656, %sub3A_656 : vector<16xf32>
      %add3A_658 = arith.addf %broadcast_in_dim3A_4, %mul3A_657 : vector<16xf32>
      %get3A_659 = arith.index_cast %add3A_629 : i32 to index
      %get3A_660 = arith.constant 32 : index
      %get3A_661 = tpu.vector_load %arg6[%get3A_659, %get3A_660] {strides = array<i32>} : memref<128x128xf32, #tpu.memory_space<vmem>>, vector<16xf32>,
      %select_n3A_662 = arith.select %eq3A_644, %get3A_48, %get3A_80 : vector<16xi1>, vector<16xf32>
      %sub3A_663 = arith.subf %get3A_661, %select_n3A_662 : vector<16xf32>
      %mul3A_664 = arith.mulf %sub3A_663, %sub3A_663 : vector<16xf32>
      %add3A_665 = arith.addf %add3A_651, %mul3A_664 : vector<16xf32>
      %get3A_666 = arith.index_cast %add3A_629 : i32 to index
      %get3A_667 = arith.constant 48 : index
      %get3A_668 = tpu.vector_load %arg6[%get3A_666, %get3A_667] {strides = array<i32>} : memref<128x128xf32, #tpu.memory_space<vmem>>, vector<16xf32>,
      %select_n3A_669 = arith.select %eq3A_644, %get3A_52, %get3A_84 : vector<16xi1>, vector<16xf32>
      %sub3A_670 = arith.subf %get3A_668, %select_n3A_669 : vector<16xf32>
      %mul3A_671 = arith.mulf %sub3A_670, %sub3A_670 : vector<16xf32>
      %add3A_672 = arith.addf %add3A_658, %mul3A_671 : vector<16xf32>
      %get3A_673 = arith.index_cast %add3A_629 : i32 to index
      %get3A_674 = arith.constant 64 : index
      %get3A_675 = tpu.vector_load %arg6[%get3A_673, %get3A_674] {strides = array<i32>} : memref<128x128xf32, #tpu.memory_space<vmem>>, vector<16xf32>,
      %select_n3A_676 = arith.select %eq3A_644, %get3A_56, %get3A_88 : vector<16xi1>, vector<16xf32>
      %sub3A_677 = arith.subf %get3A_675, %select_n3A_676 : vector<16xf32>
      %mul3A_678 = arith.mulf %sub3A_677, %sub3A_677 : vector<16xf32>
      %add3A_679 = arith.addf %add3A_665, %mul3A_678 : vector<16xf32>
      %get3A_680 = arith.index_cast %add3A_629 : i32 to index
      %get3A_681 = arith.constant 80 : index
      %get3A_682 = tpu.vector_load %arg6[%get3A_680, %get3A_681] {strides = array<i32>} : memref<128x128xf32, #tpu.memory_space<vmem>>, vector<16xf32>,
      %select_n3A_683 = arith.select %eq3A_644, %get3A_60, %get3A_92 : vector<16xi1>, vector<16xf32>
      %sub3A_684 = arith.subf %get3A_682, %select_n3A_683 : vector<16xf32>
      %mul3A_685 = arith.mulf %sub3A_684, %sub3A_684 : vector<16xf32>
      %add3A_686 = arith.addf %add3A_672, %mul3A_685 : vector<16xf32>
      %get3A_687 = arith.index_cast %add3A_629 : i32 to index
      %get3A_688 = arith.constant 96 : index
      %get3A_689 = tpu.vector_load %arg6[%get3A_687, %get3A_688] {strides = array<i32>} : memref<128x128xf32, #tpu.memory_space<vmem>>, vector<16xf32>,
      %select_n3A_690 = arith.select %eq3A_644, %get3A_64, %get3A_96 : vector<16xi1>, vector<16xf32>
      %sub3A_691 = arith.subf %get3A_689, %select_n3A_690 : vector<16xf32>
      %mul3A_692 = arith.mulf %sub3A_691, %sub3A_691 : vector<16xf32>
      %add3A_693 = arith.addf %add3A_679, %mul3A_692 : vector<16xf32>
      %get3A_694 = arith.index_cast %add3A_629 : i32 to index
      %get3A_695 = arith.constant 112 : index
      %get3A_696 = tpu.vector_load %arg6[%get3A_694, %get3A_695] {strides = array<i32>} : memref<128x128xf32, #tpu.memory_space<vmem>>, vector<16xf32>,
      %select_n3A_697 = arith.select %eq3A_644, %get3A_68, %get3A_100 : vector<16xi1>, vector<16xf32>
      %sub3A_698 = arith.subf %get3A_696, %select_n3A_697 : vector<16xf32>
      %mul3A_699 = arith.mulf %sub3A_698, %sub3A_698 : vector<16xf32>
      %add3A_700 = arith.addf %add3A_686, %mul3A_699 : vector<16xf32>
      %add3A_701 = arith.addf %add3A_693, %add3A_700 : vector<16xf32>
      %swap3A_702 = arith.constant 64 : index
      %swap3A_703 = tpu.vector_load %arg10[%swap3A_702] {strides = array<i32>} : memref<256xf32, #tpu.memory_space<vmem>>, vector<16xf32>,
      tpu.vector_store %arg10[%swap3A_702], %add3A_701 {strides = array<i32>} : memref<256xf32, #tpu.memory_space<vmem>>, vector<16xf32>,
      %mul3A_704 = arith.constant 16 : i32
      %mul3A_705 = arith.muli %scan3A_302, %mul3A_704 : i32
      %add3A_706 = arith.constant 5 : i32
      %add3A_707 = arith.addi %mul3A_705, %add3A_706 : i32
      %broadcast_in_dim3A_708 = arith.constant 5 : i32
      %broadcast_in_dim3A_709 = vector.broadcast %broadcast_in_dim3A_708 : i32 to vector<16xi32>
      %lt3A_710 = arith.constant 0 : i32
      %lt3A_711 = vector.broadcast %lt3A_710 : i32 to vector<16xi32>
      %lt3A_712 = arith.cmpi slt, %broadcast_in_dim3A_709, %lt3A_711 : vector<16xi32>
      %add3A_713 = arith.constant 16 : i32
      %add3A_714 = vector.broadcast %add3A_713 : i32 to vector<16xi32>
      %add3A_715 = arith.addi %broadcast_in_dim3A_709, %add3A_714 : vector<16xi32>
      %select_n3A_716 = arith.select %lt3A_712, %add3A_715, %broadcast_in_dim3A_709 : vector<16xi1>, vector<16xi32>
      %reshape3A_717 = vector.shape_cast %select_n3A_716 : vector<16xi32> to vector<16x1xi32>
      %gather3A_718 = vector.shape_cast %reshape3A_717 : vector<16x1xi32> to vector<16xi32>
      %gather3A_719 = tpu.dynamic_gather %get3A_316[%gather3A_718] in [0] : vector<16xi32>, vector<16xi32> -> vector<16xi32>
      %eq3A_720 = arith.constant 0 : i32
      %eq3A_721 = vector.broadcast %eq3A_720 : i32 to vector<16xi32>
      %eq3A_722 = arith.cmpi eq, %gather3A_719, %eq3A_721 : vector<16xi32>
      %get3A_723 = arith.index_cast %add3A_707 : i32 to index
      %get3A_724 = arith.constant 0 : index
      %get3A_725 = tpu.vector_load %arg6[%get3A_723, %get3A_724] {strides = array<i32>} : memref<128x128xf32, #tpu.memory_space<vmem>>, vector<16xf32>,
      %select_n3A_726 = arith.select %eq3A_722, %get3A_40, %get3A_72 : vector<16xi1>, vector<16xf32>
      %sub3A_727 = arith.subf %get3A_725, %select_n3A_726 : vector<16xf32>
      %mul3A_728 = arith.mulf %sub3A_727, %sub3A_727 : vector<16xf32>
      %add3A_729 = arith.addf %broadcast_in_dim3A_4, %mul3A_728 : vector<16xf32>
      %get3A_730 = arith.index_cast %add3A_707 : i32 to index
      %get3A_731 = arith.constant 16 : index
      %get3A_732 = tpu.vector_load %arg6[%get3A_730, %get3A_731] {strides = array<i32>} : memref<128x128xf32, #tpu.memory_space<vmem>>, vector<16xf32>,
      %select_n3A_733 = arith.select %eq3A_722, %get3A_44, %get3A_76 : vector<16xi1>, vector<16xf32>
      %sub3A_734 = arith.subf %get3A_732, %select_n3A_733 : vector<16xf32>
      %mul3A_735 = arith.mulf %sub3A_734, %sub3A_734 : vector<16xf32>
      %add3A_736 = arith.addf %broadcast_in_dim3A_4, %mul3A_735 : vector<16xf32>
      %get3A_737 = arith.index_cast %add3A_707 : i32 to index
      %get3A_738 = arith.constant 32 : index
      %get3A_739 = tpu.vector_load %arg6[%get3A_737, %get3A_738] {strides = array<i32>} : memref<128x128xf32, #tpu.memory_space<vmem>>, vector<16xf32>,
      %select_n3A_740 = arith.select %eq3A_722, %get3A_48, %get3A_80 : vector<16xi1>, vector<16xf32>
      %sub3A_741 = arith.subf %get3A_739, %select_n3A_740 : vector<16xf32>
      %mul3A_742 = arith.mulf %sub3A_741, %sub3A_741 : vector<16xf32>
      %add3A_743 = arith.addf %add3A_729, %mul3A_742 : vector<16xf32>
      %get3A_744 = arith.index_cast %add3A_707 : i32 to index
      %get3A_745 = arith.constant 48 : index
      %get3A_746 = tpu.vector_load %arg6[%get3A_744, %get3A_745] {strides = array<i32>} : memref<128x128xf32, #tpu.memory_space<vmem>>, vector<16xf32>,
      %select_n3A_747 = arith.select %eq3A_722, %get3A_52, %get3A_84 : vector<16xi1>, vector<16xf32>
      %sub3A_748 = arith.subf %get3A_746, %select_n3A_747 : vector<16xf32>
      %mul3A_749 = arith.mulf %sub3A_748, %sub3A_748 : vector<16xf32>
      %add3A_750 = arith.addf %add3A_736, %mul3A_749 : vector<16xf32>
      %get3A_751 = arith.index_cast %add3A_707 : i32 to index
      %get3A_752 = arith.constant 64 : index
      %get3A_753 = tpu.vector_load %arg6[%get3A_751, %get3A_752] {strides = array<i32>} : memref<128x128xf32, #tpu.memory_space<vmem>>, vector<16xf32>,
      %select_n3A_754 = arith.select %eq3A_722, %get3A_56, %get3A_88 : vector<16xi1>, vector<16xf32>
      %sub3A_755 = arith.subf %get3A_753, %select_n3A_754 : vector<16xf32>
      %mul3A_756 = arith.mulf %sub3A_755, %sub3A_755 : vector<16xf32>
      %add3A_757 = arith.addf %add3A_743, %mul3A_756 : vector<16xf32>
      %get3A_758 = arith.index_cast %add3A_707 : i32 to index
      %get3A_759 = arith.constant 80 : index
      %get3A_760 = tpu.vector_load %arg6[%get3A_758, %get3A_759] {strides = array<i32>} : memref<128x128xf32, #tpu.memory_space<vmem>>, vector<16xf32>,
      %select_n3A_761 = arith.select %eq3A_722, %get3A_60, %get3A_92 : vector<16xi1>, vector<16xf32>
      %sub3A_762 = arith.subf %get3A_760, %select_n3A_761 : vector<16xf32>
      %mul3A_763 = arith.mulf %sub3A_762, %sub3A_762 : vector<16xf32>
      %add3A_764 = arith.addf %add3A_750, %mul3A_763 : vector<16xf32>
      %get3A_765 = arith.index_cast %add3A_707 : i32 to index
      %get3A_766 = arith.constant 96 : index
      %get3A_767 = tpu.vector_load %arg6[%get3A_765, %get3A_766] {strides = array<i32>} : memref<128x128xf32, #tpu.memory_space<vmem>>, vector<16xf32>,
      %select_n3A_768 = arith.select %eq3A_722, %get3A_64, %get3A_96 : vector<16xi1>, vector<16xf32>
      %sub3A_769 = arith.subf %get3A_767, %select_n3A_768 : vector<16xf32>
      %mul3A_770 = arith.mulf %sub3A_769, %sub3A_769 : vector<16xf32>
      %add3A_771 = arith.addf %add3A_757, %mul3A_770 : vector<16xf32>
      %get3A_772 = arith.index_cast %add3A_707 : i32 to index
      %get3A_773 = arith.constant 112 : index
      %get3A_774 = tpu.vector_load %arg6[%get3A_772, %get3A_773] {strides = array<i32>} : memref<128x128xf32, #tpu.memory_space<vmem>>, vector<16xf32>,
      %select_n3A_775 = arith.select %eq3A_722, %get3A_68, %get3A_100 : vector<16xi1>, vector<16xf32>
      %sub3A_776 = arith.subf %get3A_774, %select_n3A_775 : vector<16xf32>
      %mul3A_777 = arith.mulf %sub3A_776, %sub3A_776 : vector<16xf32>
      %add3A_778 = arith.addf %add3A_764, %mul3A_777 : vector<16xf32>
      %add3A_779 = arith.addf %add3A_771, %add3A_778 : vector<16xf32>
      %swap3A_780 = arith.constant 80 : index
      %swap3A_781 = tpu.vector_load %arg10[%swap3A_780] {strides = array<i32>} : memref<256xf32, #tpu.memory_space<vmem>>, vector<16xf32>,
      tpu.vector_store %arg10[%swap3A_780], %add3A_779 {strides = array<i32>} : memref<256xf32, #tpu.memory_space<vmem>>, vector<16xf32>,
      %mul3A_782 = arith.constant 16 : i32
      %mul3A_783 = arith.muli %scan3A_302, %mul3A_782 : i32
      %add3A_784 = arith.constant 6 : i32
      %add3A_785 = arith.addi %mul3A_783, %add3A_784 : i32
      %broadcast_in_dim3A_786 = arith.constant 6 : i32
      %broadcast_in_dim3A_787 = vector.broadcast %broadcast_in_dim3A_786 : i32 to vector<16xi32>
      %lt3A_788 = arith.constant 0 : i32
      %lt3A_789 = vector.broadcast %lt3A_788 : i32 to vector<16xi32>
      %lt3A_790 = arith.cmpi slt, %broadcast_in_dim3A_787, %lt3A_789 : vector<16xi32>
      %add3A_791 = arith.constant 16 : i32
      %add3A_792 = vector.broadcast %add3A_791 : i32 to vector<16xi32>
      %add3A_793 = arith.addi %broadcast_in_dim3A_787, %add3A_792 : vector<16xi32>
      %select_n3A_794 = arith.select %lt3A_790, %add3A_793, %broadcast_in_dim3A_787 : vector<16xi1>, vector<16xi32>
      %reshape3A_795 = vector.shape_cast %select_n3A_794 : vector<16xi32> to vector<16x1xi32>
      %gather3A_796 = vector.shape_cast %reshape3A_795 : vector<16x1xi32> to vector<16xi32>
      %gather3A_797 = tpu.dynamic_gather %get3A_316[%gather3A_796] in [0] : vector<16xi32>, vector<16xi32> -> vector<16xi32>
      %eq3A_798 = arith.constant 0 : i32
      %eq3A_799 = vector.broadcast %eq3A_798 : i32 to vector<16xi32>
      %eq3A_800 = arith.cmpi eq, %gather3A_797, %eq3A_799 : vector<16xi32>
      %get3A_801 = arith.index_cast %add3A_785 : i32 to index
      %get3A_802 = arith.constant 0 : index
      %get3A_803 = tpu.vector_load %arg6[%get3A_801, %get3A_802] {strides = array<i32>} : memref<128x128xf32, #tpu.memory_space<vmem>>, vector<16xf32>,
      %select_n3A_804 = arith.select %eq3A_800, %get3A_40, %get3A_72 : vector<16xi1>, vector<16xf32>
      %sub3A_805 = arith.subf %get3A_803, %select_n3A_804 : vector<16xf32>
      %mul3A_806 = arith.mulf %sub3A_805, %sub3A_805 : vector<16xf32>
      %add3A_807 = arith.addf %broadcast_in_dim3A_4, %mul3A_806 : vector<16xf32>
      %get3A_808 = arith.index_cast %add3A_785 : i32 to index
      %get3A_809 = arith.constant 16 : index
      %get3A_810 = tpu.vector_load %arg6[%get3A_808, %get3A_809] {strides = array<i32>} : memref<128x128xf32, #tpu.memory_space<vmem>>, vector<16xf32>,
      %select_n3A_811 = arith.select %eq3A_800, %get3A_44, %get3A_76 : vector<16xi1>, vector<16xf32>
      %sub3A_812 = arith.subf %get3A_810, %select_n3A_811 : vector<16xf32>
      %mul3A_813 = arith.mulf %sub3A_812, %sub3A_812 : vector<16xf32>
      %add3A_814 = arith.addf %broadcast_in_dim3A_4, %mul3A_813 : vector<16xf32>
      %get3A_815 = arith.index_cast %add3A_785 : i32 to index
      %get3A_816 = arith.constant 32 : index
      %get3A_817 = tpu.vector_load %arg6[%get3A_815, %get3A_816] {strides = array<i32>} : memref<128x128xf32, #tpu.memory_space<vmem>>, vector<16xf32>,
      %select_n3A_818 = arith.select %eq3A_800, %get3A_48, %get3A_80 : vector<16xi1>, vector<16xf32>
      %sub3A_819 = arith.subf %get3A_817, %select_n3A_818 : vector<16xf32>
      %mul3A_820 = arith.mulf %sub3A_819, %sub3A_819 : vector<16xf32>
      %add3A_821 = arith.addf %add3A_807, %mul3A_820 : vector<16xf32>
      %get3A_822 = arith.index_cast %add3A_785 : i32 to index
      %get3A_823 = arith.constant 48 : index
      %get3A_824 = tpu.vector_load %arg6[%get3A_822, %get3A_823] {strides = array<i32>} : memref<128x128xf32, #tpu.memory_space<vmem>>, vector<16xf32>,
      %select_n3A_825 = arith.select %eq3A_800, %get3A_52, %get3A_84 : vector<16xi1>, vector<16xf32>
      %sub3A_826 = arith.subf %get3A_824, %select_n3A_825 : vector<16xf32>
      %mul3A_827 = arith.mulf %sub3A_826, %sub3A_826 : vector<16xf32>
      %add3A_828 = arith.addf %add3A_814, %mul3A_827 : vector<16xf32>
      %get3A_829 = arith.index_cast %add3A_785 : i32 to index
      %get3A_830 = arith.constant 64 : index
      %get3A_831 = tpu.vector_load %arg6[%get3A_829, %get3A_830] {strides = array<i32>} : memref<128x128xf32, #tpu.memory_space<vmem>>, vector<16xf32>,
      %select_n3A_832 = arith.select %eq3A_800, %get3A_56, %get3A_88 : vector<16xi1>, vector<16xf32>
      %sub3A_833 = arith.subf %get3A_831, %select_n3A_832 : vector<16xf32>
      %mul3A_834 = arith.mulf %sub3A_833, %sub3A_833 : vector<16xf32>
      %add3A_835 = arith.addf %add3A_821, %mul3A_834 : vector<16xf32>
      %get3A_836 = arith.index_cast %add3A_785 : i32 to index
      %get3A_837 = arith.constant 80 : index
      %get3A_838 = tpu.vector_load %arg6[%get3A_836, %get3A_837] {strides = array<i32>} : memref<128x128xf32, #tpu.memory_space<vmem>>, vector<16xf32>,
      %select_n3A_839 = arith.select %eq3A_800, %get3A_60, %get3A_92 : vector<16xi1>, vector<16xf32>
      %sub3A_840 = arith.subf %get3A_838, %select_n3A_839 : vector<16xf32>
      %mul3A_841 = arith.mulf %sub3A_840, %sub3A_840 : vector<16xf32>
      %add3A_842 = arith.addf %add3A_828, %mul3A_841 : vector<16xf32>
      %get3A_843 = arith.index_cast %add3A_785 : i32 to index
      %get3A_844 = arith.constant 96 : index
      %get3A_845 = tpu.vector_load %arg6[%get3A_843, %get3A_844] {strides = array<i32>} : memref<128x128xf32, #tpu.memory_space<vmem>>, vector<16xf32>,
      %select_n3A_846 = arith.select %eq3A_800, %get3A_64, %get3A_96 : vector<16xi1>, vector<16xf32>
      %sub3A_847 = arith.subf %get3A_845, %select_n3A_846 : vector<16xf32>
      %mul3A_848 = arith.mulf %sub3A_847, %sub3A_847 : vector<16xf32>
      %add3A_849 = arith.addf %add3A_835, %mul3A_848 : vector<16xf32>
      %get3A_850 = arith.index_cast %add3A_785 : i32 to index
      %get3A_851 = arith.constant 112 : index
      %get3A_852 = tpu.vector_load %arg6[%get3A_850, %get3A_851] {strides = array<i32>} : memref<128x128xf32, #tpu.memory_space<vmem>>, vector<16xf32>,
      %select_n3A_853 = arith.select %eq3A_800, %get3A_68, %get3A_100 : vector<16xi1>, vector<16xf32>
      %sub3A_854 = arith.subf %get3A_852, %select_n3A_853 : vector<16xf32>
      %mul3A_855 = arith.mulf %sub3A_854, %sub3A_854 : vector<16xf32>
      %add3A_856 = arith.addf %add3A_842, %mul3A_855 : vector<16xf32>
      %add3A_857 = arith.addf %add3A_849, %add3A_856 : vector<16xf32>
      %swap3A_858 = arith.constant 96 : index
      %swap3A_859 = tpu.vector_load %arg10[%swap3A_858] {strides = array<i32>} : memref<256xf32, #tpu.memory_space<vmem>>, vector<16xf32>,
      tpu.vector_store %arg10[%swap3A_858], %add3A_857 {strides = array<i32>} : memref<256xf32, #tpu.memory_space<vmem>>, vector<16xf32>,
      %mul3A_860 = arith.constant 16 : i32
      %mul3A_861 = arith.muli %scan3A_302, %mul3A_860 : i32
      %add3A_862 = arith.constant 7 : i32
      %add3A_863 = arith.addi %mul3A_861, %add3A_862 : i32
      %broadcast_in_dim3A_864 = arith.constant 7 : i32
      %broadcast_in_dim3A_865 = vector.broadcast %broadcast_in_dim3A_864 : i32 to vector<16xi32>
      %lt3A_866 = arith.constant 0 : i32
      %lt3A_867 = vector.broadcast %lt3A_866 : i32 to vector<16xi32>
      %lt3A_868 = arith.cmpi slt, %broadcast_in_dim3A_865, %lt3A_867 : vector<16xi32>
      %add3A_869 = arith.constant 16 : i32
      %add3A_870 = vector.broadcast %add3A_869 : i32 to vector<16xi32>
      %add3A_871 = arith.addi %broadcast_in_dim3A_865, %add3A_870 : vector<16xi32>
      %select_n3A_872 = arith.select %lt3A_868, %add3A_871, %broadcast_in_dim3A_865 : vector<16xi1>, vector<16xi32>
      %reshape3A_873 = vector.shape_cast %select_n3A_872 : vector<16xi32> to vector<16x1xi32>
      %gather3A_874 = vector.shape_cast %reshape3A_873 : vector<16x1xi32> to vector<16xi32>
      %gather3A_875 = tpu.dynamic_gather %get3A_316[%gather3A_874] in [0] : vector<16xi32>, vector<16xi32> -> vector<16xi32>
      %eq3A_876 = arith.constant 0 : i32
      %eq3A_877 = vector.broadcast %eq3A_876 : i32 to vector<16xi32>
      %eq3A_878 = arith.cmpi eq, %gather3A_875, %eq3A_877 : vector<16xi32>
      %get3A_879 = arith.index_cast %add3A_863 : i32 to index
      %get3A_880 = arith.constant 0 : index
      %get3A_881 = tpu.vector_load %arg6[%get3A_879, %get3A_880] {strides = array<i32>} : memref<128x128xf32, #tpu.memory_space<vmem>>, vector<16xf32>,
      %select_n3A_882 = arith.select %eq3A_878, %get3A_40, %get3A_72 : vector<16xi1>, vector<16xf32>
      %sub3A_883 = arith.subf %get3A_881, %select_n3A_882 : vector<16xf32>
      %mul3A_884 = arith.mulf %sub3A_883, %sub3A_883 : vector<16xf32>
      %add3A_885 = arith.addf %broadcast_in_dim3A_4, %mul3A_884 : vector<16xf32>
      %get3A_886 = arith.index_cast %add3A_863 : i32 to index
      %get3A_887 = arith.constant 16 : index
      %get3A_888 = tpu.vector_load %arg6[%get3A_886, %get3A_887] {strides = array<i32>} : memref<128x128xf32, #tpu.memory_space<vmem>>, vector<16xf32>,
      %select_n3A_889 = arith.select %eq3A_878, %get3A_44, %get3A_76 : vector<16xi1>, vector<16xf32>
      %sub3A_890 = arith.subf %get3A_888, %select_n3A_889 : vector<16xf32>
      %mul3A_891 = arith.mulf %sub3A_890, %sub3A_890 : vector<16xf32>
      %add3A_892 = arith.addf %broadcast_in_dim3A_4, %mul3A_891 : vector<16xf32>
      %get3A_893 = arith.index_cast %add3A_863 : i32 to index
      %get3A_894 = arith.constant 32 : index
      %get3A_895 = tpu.vector_load %arg6[%get3A_893, %get3A_894] {strides = array<i32>} : memref<128x128xf32, #tpu.memory_space<vmem>>, vector<16xf32>,
      %select_n3A_896 = arith.select %eq3A_878, %get3A_48, %get3A_80 : vector<16xi1>, vector<16xf32>
      %sub3A_897 = arith.subf %get3A_895, %select_n3A_896 : vector<16xf32>
      %mul3A_898 = arith.mulf %sub3A_897, %sub3A_897 : vector<16xf32>
      %add3A_899 = arith.addf %add3A_885, %mul3A_898 : vector<16xf32>
      %get3A_900 = arith.index_cast %add3A_863 : i32 to index
      %get3A_901 = arith.constant 48 : index
      %get3A_902 = tpu.vector_load %arg6[%get3A_900, %get3A_901] {strides = array<i32>} : memref<128x128xf32, #tpu.memory_space<vmem>>, vector<16xf32>,
      %select_n3A_903 = arith.select %eq3A_878, %get3A_52, %get3A_84 : vector<16xi1>, vector<16xf32>
      %sub3A_904 = arith.subf %get3A_902, %select_n3A_903 : vector<16xf32>
      %mul3A_905 = arith.mulf %sub3A_904, %sub3A_904 : vector<16xf32>
      %add3A_906 = arith.addf %add3A_892, %mul3A_905 : vector<16xf32>
      %get3A_907 = arith.index_cast %add3A_863 : i32 to index
      %get3A_908 = arith.constant 64 : index
      %get3A_909 = tpu.vector_load %arg6[%get3A_907, %get3A_908] {strides = array<i32>} : memref<128x128xf32, #tpu.memory_space<vmem>>, vector<16xf32>,
      %select_n3A_910 = arith.select %eq3A_878, %get3A_56, %get3A_88 : vector<16xi1>, vector<16xf32>
      %sub3A_911 = arith.subf %get3A_909, %select_n3A_910 : vector<16xf32>
      %mul3A_912 = arith.mulf %sub3A_911, %sub3A_911 : vector<16xf32>
      %add3A_913 = arith.addf %add3A_899, %mul3A_912 : vector<16xf32>
      %get3A_914 = arith.index_cast %add3A_863 : i32 to index
      %get3A_915 = arith.constant 80 : index
      %get3A_916 = tpu.vector_load %arg6[%get3A_914, %get3A_915] {strides = array<i32>} : memref<128x128xf32, #tpu.memory_space<vmem>>, vector<16xf32>,
      %select_n3A_917 = arith.select %eq3A_878, %get3A_60, %get3A_92 : vector<16xi1>, vector<16xf32>
      %sub3A_918 = arith.subf %get3A_916, %select_n3A_917 : vector<16xf32>
      %mul3A_919 = arith.mulf %sub3A_918, %sub3A_918 : vector<16xf32>
      %add3A_920 = arith.addf %add3A_906, %mul3A_919 : vector<16xf32>
      %get3A_921 = arith.index_cast %add3A_863 : i32 to index
      %get3A_922 = arith.constant 96 : index
      %get3A_923 = tpu.vector_load %arg6[%get3A_921, %get3A_922] {strides = array<i32>} : memref<128x128xf32, #tpu.memory_space<vmem>>, vector<16xf32>,
      %select_n3A_924 = arith.select %eq3A_878, %get3A_64, %get3A_96 : vector<16xi1>, vector<16xf32>
      %sub3A_925 = arith.subf %get3A_923, %select_n3A_924 : vector<16xf32>
      %mul3A_926 = arith.mulf %sub3A_925, %sub3A_925 : vector<16xf32>
      %add3A_927 = arith.addf %add3A_913, %mul3A_926 : vector<16xf32>
      %get3A_928 = arith.index_cast %add3A_863 : i32 to index
      %get3A_929 = arith.constant 112 : index
      %get3A_930 = tpu.vector_load %arg6[%get3A_928, %get3A_929] {strides = array<i32>} : memref<128x128xf32, #tpu.memory_space<vmem>>, vector<16xf32>,
      %select_n3A_931 = arith.select %eq3A_878, %get3A_68, %get3A_100 : vector<16xi1>, vector<16xf32>
      %sub3A_932 = arith.subf %get3A_930, %select_n3A_931 : vector<16xf32>
      %mul3A_933 = arith.mulf %sub3A_932, %sub3A_932 : vector<16xf32>
      %add3A_934 = arith.addf %add3A_920, %mul3A_933 : vector<16xf32>
      %add3A_935 = arith.addf %add3A_927, %add3A_934 : vector<16xf32>
      %swap3A_936 = arith.constant 112 : index
      %swap3A_937 = tpu.vector_load %arg10[%swap3A_936] {strides = array<i32>} : memref<256xf32, #tpu.memory_space<vmem>>, vector<16xf32>,
      tpu.vector_store %arg10[%swap3A_936], %add3A_935 {strides = array<i32>} : memref<256xf32, #tpu.memory_space<vmem>>, vector<16xf32>,
      %mul3A_938 = arith.constant 16 : i32
      %mul3A_939 = arith.muli %scan3A_302, %mul3A_938 : i32
      %add3A_940 = arith.constant 8 : i32
      %add3A_941 = arith.addi %mul3A_939, %add3A_940 : i32
      %broadcast_in_dim3A_942 = arith.constant 8 : i32
      %broadcast_in_dim3A_943 = vector.broadcast %broadcast_in_dim3A_942 : i32 to vector<16xi32>
      %lt3A_944 = arith.constant 0 : i32
      %lt3A_945 = vector.broadcast %lt3A_944 : i32 to vector<16xi32>
      %lt3A_946 = arith.cmpi slt, %broadcast_in_dim3A_943, %lt3A_945 : vector<16xi32>
      %add3A_947 = arith.constant 16 : i32
      %add3A_948 = vector.broadcast %add3A_947 : i32 to vector<16xi32>
      %add3A_949 = arith.addi %broadcast_in_dim3A_943, %add3A_948 : vector<16xi32>
      %select_n3A_950 = arith.select %lt3A_946, %add3A_949, %broadcast_in_dim3A_943 : vector<16xi1>, vector<16xi32>
      %reshape3A_951 = vector.shape_cast %select_n3A_950 : vector<16xi32> to vector<16x1xi32>
      %gather3A_952 = vector.shape_cast %reshape3A_951 : vector<16x1xi32> to vector<16xi32>
      %gather3A_953 = tpu.dynamic_gather %get3A_316[%gather3A_952] in [0] : vector<16xi32>, vector<16xi32> -> vector<16xi32>
      %eq3A_954 = arith.constant 0 : i32
      %eq3A_955 = vector.broadcast %eq3A_954 : i32 to vector<16xi32>
      %eq3A_956 = arith.cmpi eq, %gather3A_953, %eq3A_955 : vector<16xi32>
      %get3A_957 = arith.index_cast %add3A_941 : i32 to index
      %get3A_958 = arith.constant 0 : index
      %get3A_959 = tpu.vector_load %arg6[%get3A_957, %get3A_958] {strides = array<i32>} : memref<128x128xf32, #tpu.memory_space<vmem>>, vector<16xf32>,
      %select_n3A_960 = arith.select %eq3A_956, %get3A_40, %get3A_72 : vector<16xi1>, vector<16xf32>
      %sub3A_961 = arith.subf %get3A_959, %select_n3A_960 : vector<16xf32>
      %mul3A_962 = arith.mulf %sub3A_961, %sub3A_961 : vector<16xf32>
      %add3A_963 = arith.addf %broadcast_in_dim3A_4, %mul3A_962 : vector<16xf32>
      %get3A_964 = arith.index_cast %add3A_941 : i32 to index
      %get3A_965 = arith.constant 16 : index
      %get3A_966 = tpu.vector_load %arg6[%get3A_964, %get3A_965] {strides = array<i32>} : memref<128x128xf32, #tpu.memory_space<vmem>>, vector<16xf32>,
      %select_n3A_967 = arith.select %eq3A_956, %get3A_44, %get3A_76 : vector<16xi1>, vector<16xf32>
      %sub3A_968 = arith.subf %get3A_966, %select_n3A_967 : vector<16xf32>
      %mul3A_969 = arith.mulf %sub3A_968, %sub3A_968 : vector<16xf32>
      %add3A_970 = arith.addf %broadcast_in_dim3A_4, %mul3A_969 : vector<16xf32>
      %get3A_971 = arith.index_cast %add3A_941 : i32 to index
      %get3A_972 = arith.constant 32 : index
      %get3A_973 = tpu.vector_load %arg6[%get3A_971, %get3A_972] {strides = array<i32>} : memref<128x128xf32, #tpu.memory_space<vmem>>, vector<16xf32>,
      %select_n3A_974 = arith.select %eq3A_956, %get3A_48, %get3A_80 : vector<16xi1>, vector<16xf32>
      %sub3A_975 = arith.subf %get3A_973, %select_n3A_974 : vector<16xf32>
      %mul3A_976 = arith.mulf %sub3A_975, %sub3A_975 : vector<16xf32>
      %add3A_977 = arith.addf %add3A_963, %mul3A_976 : vector<16xf32>
      %get3A_978 = arith.index_cast %add3A_941 : i32 to index
      %get3A_979 = arith.constant 48 : index
      %get3A_980 = tpu.vector_load %arg6[%get3A_978, %get3A_979] {strides = array<i32>} : memref<128x128xf32, #tpu.memory_space<vmem>>, vector<16xf32>,
      %select_n3A_981 = arith.select %eq3A_956, %get3A_52, %get3A_84 : vector<16xi1>, vector<16xf32>
      %sub3A_982 = arith.subf %get3A_980, %select_n3A_981 : vector<16xf32>
      %mul3A_983 = arith.mulf %sub3A_982, %sub3A_982 : vector<16xf32>
      %add3A_984 = arith.addf %add3A_970, %mul3A_983 : vector<16xf32>
      %get3A_985 = arith.index_cast %add3A_941 : i32 to index
      %get3A_986 = arith.constant 64 : index
      %get3A_987 = tpu.vector_load %arg6[%get3A_985, %get3A_986] {strides = array<i32>} : memref<128x128xf32, #tpu.memory_space<vmem>>, vector<16xf32>,
      %select_n3A_988 = arith.select %eq3A_956, %get3A_56, %get3A_88 : vector<16xi1>, vector<16xf32>
      %sub3A_989 = arith.subf %get3A_987, %select_n3A_988 : vector<16xf32>
      %mul3A_990 = arith.mulf %sub3A_989, %sub3A_989 : vector<16xf32>
      %add3A_991 = arith.addf %add3A_977, %mul3A_990 : vector<16xf32>
      %get3A_992 = arith.index_cast %add3A_941 : i32 to index
      %get3A_993 = arith.constant 80 : index
      %get3A_994 = tpu.vector_load %arg6[%get3A_992, %get3A_993] {strides = array<i32>} : memref<128x128xf32, #tpu.memory_space<vmem>>, vector<16xf32>,
      %select_n3A_995 = arith.select %eq3A_956, %get3A_60, %get3A_92 : vector<16xi1>, vector<16xf32>
      %sub3A_996 = arith.subf %get3A_994, %select_n3A_995 : vector<16xf32>
      %mul3A_997 = arith.mulf %sub3A_996, %sub3A_996 : vector<16xf32>
      %add3A_998 = arith.addf %add3A_984, %mul3A_997 : vector<16xf32>
      %get3A_999 = arith.index_cast %add3A_941 : i32 to index
      %get3A_1000 = arith.constant 96 : index
      %get3A_1001 = tpu.vector_load %arg6[%get3A_999, %get3A_1000] {strides = array<i32>} : memref<128x128xf32, #tpu.memory_space<vmem>>, vector<16xf32>,
      %select_n3A_1002 = arith.select %eq3A_956, %get3A_64, %get3A_96 : vector<16xi1>, vector<16xf32>
      %sub3A_1003 = arith.subf %get3A_1001, %select_n3A_1002 : vector<16xf32>
      %mul3A_1004 = arith.mulf %sub3A_1003, %sub3A_1003 : vector<16xf32>
      %add3A_1005 = arith.addf %add3A_991, %mul3A_1004 : vector<16xf32>
      %get3A_1006 = arith.index_cast %add3A_941 : i32 to index
      %get3A_1007 = arith.constant 112 : index
      %get3A_1008 = tpu.vector_load %arg6[%get3A_1006, %get3A_1007] {strides = array<i32>} : memref<128x128xf32, #tpu.memory_space<vmem>>, vector<16xf32>,
      %select_n3A_1009 = arith.select %eq3A_956, %get3A_68, %get3A_100 : vector<16xi1>, vector<16xf32>
      %sub3A_1010 = arith.subf %get3A_1008, %select_n3A_1009 : vector<16xf32>
      %mul3A_1011 = arith.mulf %sub3A_1010, %sub3A_1010 : vector<16xf32>
      %add3A_1012 = arith.addf %add3A_998, %mul3A_1011 : vector<16xf32>
      %add3A_1013 = arith.addf %add3A_1005, %add3A_1012 : vector<16xf32>
      %swap3A_1014 = arith.constant 128 : index
      %swap3A_1015 = tpu.vector_load %arg10[%swap3A_1014] {strides = array<i32>} : memref<256xf32, #tpu.memory_space<vmem>>, vector<16xf32>,
      tpu.vector_store %arg10[%swap3A_1014], %add3A_1013 {strides = array<i32>} : memref<256xf32, #tpu.memory_space<vmem>>, vector<16xf32>,
      %mul3A_1016 = arith.constant 16 : i32
      %mul3A_1017 = arith.muli %scan3A_302, %mul3A_1016 : i32
      %add3A_1018 = arith.constant 9 : i32
      %add3A_1019 = arith.addi %mul3A_1017, %add3A_1018 : i32
      %broadcast_in_dim3A_1020 = arith.constant 9 : i32
      %broadcast_in_dim3A_1021 = vector.broadcast %broadcast_in_dim3A_1020 : i32 to vector<16xi32>
      %lt3A_1022 = arith.constant 0 : i32
      %lt3A_1023 = vector.broadcast %lt3A_1022 : i32 to vector<16xi32>
      %lt3A_1024 = arith.cmpi slt, %broadcast_in_dim3A_1021, %lt3A_1023 : vector<16xi32>
      %add3A_1025 = arith.constant 16 : i32
      %add3A_1026 = vector.broadcast %add3A_1025 : i32 to vector<16xi32>
      %add3A_1027 = arith.addi %broadcast_in_dim3A_1021, %add3A_1026 : vector<16xi32>
      %select_n3A_1028 = arith.select %lt3A_1024, %add3A_1027, %broadcast_in_dim3A_1021 : vector<16xi1>, vector<16xi32>
      %reshape3A_1029 = vector.shape_cast %select_n3A_1028 : vector<16xi32> to vector<16x1xi32>
      %gather3A_1030 = vector.shape_cast %reshape3A_1029 : vector<16x1xi32> to vector<16xi32>
      %gather3A_1031 = tpu.dynamic_gather %get3A_316[%gather3A_1030] in [0] : vector<16xi32>, vector<16xi32> -> vector<16xi32>
      %eq3A_1032 = arith.constant 0 : i32
      %eq3A_1033 = vector.broadcast %eq3A_1032 : i32 to vector<16xi32>
      %eq3A_1034 = arith.cmpi eq, %gather3A_1031, %eq3A_1033 : vector<16xi32>
      %get3A_1035 = arith.index_cast %add3A_1019 : i32 to index
      %get3A_1036 = arith.constant 0 : index
      %get3A_1037 = tpu.vector_load %arg6[%get3A_1035, %get3A_1036] {strides = array<i32>} : memref<128x128xf32, #tpu.memory_space<vmem>>, vector<16xf32>,
      %select_n3A_1038 = arith.select %eq3A_1034, %get3A_40, %get3A_72 : vector<16xi1>, vector<16xf32>
      %sub3A_1039 = arith.subf %get3A_1037, %select_n3A_1038 : vector<16xf32>
      %mul3A_1040 = arith.mulf %sub3A_1039, %sub3A_1039 : vector<16xf32>
      %add3A_1041 = arith.addf %broadcast_in_dim3A_4, %mul3A_1040 : vector<16xf32>
      %get3A_1042 = arith.index_cast %add3A_1019 : i32 to index
      %get3A_1043 = arith.constant 16 : index
      %get3A_1044 = tpu.vector_load %arg6[%get3A_1042, %get3A_1043] {strides = array<i32>} : memref<128x128xf32, #tpu.memory_space<vmem>>, vector<16xf32>,
      %select_n3A_1045 = arith.select %eq3A_1034, %get3A_44, %get3A_76 : vector<16xi1>, vector<16xf32>
      %sub3A_1046 = arith.subf %get3A_1044, %select_n3A_1045 : vector<16xf32>
      %mul3A_1047 = arith.mulf %sub3A_1046, %sub3A_1046 : vector<16xf32>
      %add3A_1048 = arith.addf %broadcast_in_dim3A_4, %mul3A_1047 : vector<16xf32>
      %get3A_1049 = arith.index_cast %add3A_1019 : i32 to index
      %get3A_1050 = arith.constant 32 : index
      %get3A_1051 = tpu.vector_load %arg6[%get3A_1049, %get3A_1050] {strides = array<i32>} : memref<128x128xf32, #tpu.memory_space<vmem>>, vector<16xf32>,
      %select_n3A_1052 = arith.select %eq3A_1034, %get3A_48, %get3A_80 : vector<16xi1>, vector<16xf32>
      %sub3A_1053 = arith.subf %get3A_1051, %select_n3A_1052 : vector<16xf32>
      %mul3A_1054 = arith.mulf %sub3A_1053, %sub3A_1053 : vector<16xf32>
      %add3A_1055 = arith.addf %add3A_1041, %mul3A_1054 : vector<16xf32>
      %get3A_1056 = arith.index_cast %add3A_1019 : i32 to index
      %get3A_1057 = arith.constant 48 : index
      %get3A_1058 = tpu.vector_load %arg6[%get3A_1056, %get3A_1057] {strides = array<i32>} : memref<128x128xf32, #tpu.memory_space<vmem>>, vector<16xf32>,
      %select_n3A_1059 = arith.select %eq3A_1034, %get3A_52, %get3A_84 : vector<16xi1>, vector<16xf32>
      %sub3A_1060 = arith.subf %get3A_1058, %select_n3A_1059 : vector<16xf32>
      %mul3A_1061 = arith.mulf %sub3A_1060, %sub3A_1060 : vector<16xf32>
      %add3A_1062 = arith.addf %add3A_1048, %mul3A_1061 : vector<16xf32>
      %get3A_1063 = arith.index_cast %add3A_1019 : i32 to index
      %get3A_1064 = arith.constant 64 : index
      %get3A_1065 = tpu.vector_load %arg6[%get3A_1063, %get3A_1064] {strides = array<i32>} : memref<128x128xf32, #tpu.memory_space<vmem>>, vector<16xf32>,
      %select_n3A_1066 = arith.select %eq3A_1034, %get3A_56, %get3A_88 : vector<16xi1>, vector<16xf32>
      %sub3A_1067 = arith.subf %get3A_1065, %select_n3A_1066 : vector<16xf32>
      %mul3A_1068 = arith.mulf %sub3A_1067, %sub3A_1067 : vector<16xf32>
      %add3A_1069 = arith.addf %add3A_1055, %mul3A_1068 : vector<16xf32>
      %get3A_1070 = arith.index_cast %add3A_1019 : i32 to index
      %get3A_1071 = arith.constant 80 : index
      %get3A_1072 = tpu.vector_load %arg6[%get3A_1070, %get3A_1071] {strides = array<i32>} : memref<128x128xf32, #tpu.memory_space<vmem>>, vector<16xf32>,
      %select_n3A_1073 = arith.select %eq3A_1034, %get3A_60, %get3A_92 : vector<16xi1>, vector<16xf32>
      %sub3A_1074 = arith.subf %get3A_1072, %select_n3A_1073 : vector<16xf32>
      %mul3A_1075 = arith.mulf %sub3A_1074, %sub3A_1074 : vector<16xf32>
      %add3A_1076 = arith.addf %add3A_1062, %mul3A_1075 : vector<16xf32>
      %get3A_1077 = arith.index_cast %add3A_1019 : i32 to index
      %get3A_1078 = arith.constant 96 : index
      %get3A_1079 = tpu.vector_load %arg6[%get3A_1077, %get3A_1078] {strides = array<i32>} : memref<128x128xf32, #tpu.memory_space<vmem>>, vector<16xf32>,
      %select_n3A_1080 = arith.select %eq3A_1034, %get3A_64, %get3A_96 : vector<16xi1>, vector<16xf32>
      %sub3A_1081 = arith.subf %get3A_1079, %select_n3A_1080 : vector<16xf32>
      %mul3A_1082 = arith.mulf %sub3A_1081, %sub3A_1081 : vector<16xf32>
      %add3A_1083 = arith.addf %add3A_1069, %mul3A_1082 : vector<16xf32>
      %get3A_1084 = arith.index_cast %add3A_1019 : i32 to index
      %get3A_1085 = arith.constant 112 : index
      %get3A_1086 = tpu.vector_load %arg6[%get3A_1084, %get3A_1085] {strides = array<i32>} : memref<128x128xf32, #tpu.memory_space<vmem>>, vector<16xf32>,
      %select_n3A_1087 = arith.select %eq3A_1034, %get3A_68, %get3A_100 : vector<16xi1>, vector<16xf32>
      %sub3A_1088 = arith.subf %get3A_1086, %select_n3A_1087 : vector<16xf32>
      %mul3A_1089 = arith.mulf %sub3A_1088, %sub3A_1088 : vector<16xf32>
      %add3A_1090 = arith.addf %add3A_1076, %mul3A_1089 : vector<16xf32>
      %add3A_1091 = arith.addf %add3A_1083, %add3A_1090 : vector<16xf32>
      %swap3A_1092 = arith.constant 144 : index
      %swap3A_1093 = tpu.vector_load %arg10[%swap3A_1092] {strides = array<i32>} : memref<256xf32, #tpu.memory_space<vmem>>, vector<16xf32>,
      tpu.vector_store %arg10[%swap3A_1092], %add3A_1091 {strides = array<i32>} : memref<256xf32, #tpu.memory_space<vmem>>, vector<16xf32>,
      %mul3A_1094 = arith.constant 16 : i32
      %mul3A_1095 = arith.muli %scan3A_302, %mul3A_1094 : i32
      %add3A_1096 = arith.constant 10 : i32
      %add3A_1097 = arith.addi %mul3A_1095, %add3A_1096 : i32
      %broadcast_in_dim3A_1098 = arith.constant 10 : i32
      %broadcast_in_dim3A_1099 = vector.broadcast %broadcast_in_dim3A_1098 : i32 to vector<16xi32>
      %lt3A_1100 = arith.constant 0 : i32
      %lt3A_1101 = vector.broadcast %lt3A_1100 : i32 to vector<16xi32>
      %lt3A_1102 = arith.cmpi slt, %broadcast_in_dim3A_1099, %lt3A_1101 : vector<16xi32>
      %add3A_1103 = arith.constant 16 : i32
      %add3A_1104 = vector.broadcast %add3A_1103 : i32 to vector<16xi32>
      %add3A_1105 = arith.addi %broadcast_in_dim3A_1099, %add3A_1104 : vector<16xi32>
      %select_n3A_1106 = arith.select %lt3A_1102, %add3A_1105, %broadcast_in_dim3A_1099 : vector<16xi1>, vector<16xi32>
      %reshape3A_1107 = vector.shape_cast %select_n3A_1106 : vector<16xi32> to vector<16x1xi32>
      %gather3A_1108 = vector.shape_cast %reshape3A_1107 : vector<16x1xi32> to vector<16xi32>
      %gather3A_1109 = tpu.dynamic_gather %get3A_316[%gather3A_1108] in [0] : vector<16xi32>, vector<16xi32> -> vector<16xi32>
      %eq3A_1110 = arith.constant 0 : i32
      %eq3A_1111 = vector.broadcast %eq3A_1110 : i32 to vector<16xi32>
      %eq3A_1112 = arith.cmpi eq, %gather3A_1109, %eq3A_1111 : vector<16xi32>
      %get3A_1113 = arith.index_cast %add3A_1097 : i32 to index
      %get3A_1114 = arith.constant 0 : index
      %get3A_1115 = tpu.vector_load %arg6[%get3A_1113, %get3A_1114] {strides = array<i32>} : memref<128x128xf32, #tpu.memory_space<vmem>>, vector<16xf32>,
      %select_n3A_1116 = arith.select %eq3A_1112, %get3A_40, %get3A_72 : vector<16xi1>, vector<16xf32>
      %sub3A_1117 = arith.subf %get3A_1115, %select_n3A_1116 : vector<16xf32>
      %mul3A_1118 = arith.mulf %sub3A_1117, %sub3A_1117 : vector<16xf32>
      %add3A_1119 = arith.addf %broadcast_in_dim3A_4, %mul3A_1118 : vector<16xf32>
      %get3A_1120 = arith.index_cast %add3A_1097 : i32 to index
      %get3A_1121 = arith.constant 16 : index
      %get3A_1122 = tpu.vector_load %arg6[%get3A_1120, %get3A_1121] {strides = array<i32>} : memref<128x128xf32, #tpu.memory_space<vmem>>, vector<16xf32>,
      %select_n3A_1123 = arith.select %eq3A_1112, %get3A_44, %get3A_76 : vector<16xi1>, vector<16xf32>
      %sub3A_1124 = arith.subf %get3A_1122, %select_n3A_1123 : vector<16xf32>
      %mul3A_1125 = arith.mulf %sub3A_1124, %sub3A_1124 : vector<16xf32>
      %add3A_1126 = arith.addf %broadcast_in_dim3A_4, %mul3A_1125 : vector<16xf32>
      %get3A_1127 = arith.index_cast %add3A_1097 : i32 to index
      %get3A_1128 = arith.constant 32 : index
      %get3A_1129 = tpu.vector_load %arg6[%get3A_1127, %get3A_1128] {strides = array<i32>} : memref<128x128xf32, #tpu.memory_space<vmem>>, vector<16xf32>,
      %select_n3A_1130 = arith.select %eq3A_1112, %get3A_48, %get3A_80 : vector<16xi1>, vector<16xf32>
      %sub3A_1131 = arith.subf %get3A_1129, %select_n3A_1130 : vector<16xf32>
      %mul3A_1132 = arith.mulf %sub3A_1131, %sub3A_1131 : vector<16xf32>
      %add3A_1133 = arith.addf %add3A_1119, %mul3A_1132 : vector<16xf32>
      %get3A_1134 = arith.index_cast %add3A_1097 : i32 to index
      %get3A_1135 = arith.constant 48 : index
      %get3A_1136 = tpu.vector_load %arg6[%get3A_1134, %get3A_1135] {strides = array<i32>} : memref<128x128xf32, #tpu.memory_space<vmem>>, vector<16xf32>,
      %select_n3A_1137 = arith.select %eq3A_1112, %get3A_52, %get3A_84 : vector<16xi1>, vector<16xf32>
      %sub3A_1138 = arith.subf %get3A_1136, %select_n3A_1137 : vector<16xf32>
      %mul3A_1139 = arith.mulf %sub3A_1138, %sub3A_1138 : vector<16xf32>
      %add3A_1140 = arith.addf %add3A_1126, %mul3A_1139 : vector<16xf32>
      %get3A_1141 = arith.index_cast %add3A_1097 : i32 to index
      %get3A_1142 = arith.constant 64 : index
      %get3A_1143 = tpu.vector_load %arg6[%get3A_1141, %get3A_1142] {strides = array<i32>} : memref<128x128xf32, #tpu.memory_space<vmem>>, vector<16xf32>,
      %select_n3A_1144 = arith.select %eq3A_1112, %get3A_56, %get3A_88 : vector<16xi1>, vector<16xf32>
      %sub3A_1145 = arith.subf %get3A_1143, %select_n3A_1144 : vector<16xf32>
      %mul3A_1146 = arith.mulf %sub3A_1145, %sub3A_1145 : vector<16xf32>
      %add3A_1147 = arith.addf %add3A_1133, %mul3A_1146 : vector<16xf32>
      %get3A_1148 = arith.index_cast %add3A_1097 : i32 to index
      %get3A_1149 = arith.constant 80 : index
      %get3A_1150 = tpu.vector_load %arg6[%get3A_1148, %get3A_1149] {strides = array<i32>} : memref<128x128xf32, #tpu.memory_space<vmem>>, vector<16xf32>,
      %select_n3A_1151 = arith.select %eq3A_1112, %get3A_60, %get3A_92 : vector<16xi1>, vector<16xf32>
      %sub3A_1152 = arith.subf %get3A_1150, %select_n3A_1151 : vector<16xf32>
      %mul3A_1153 = arith.mulf %sub3A_1152, %sub3A_1152 : vector<16xf32>
      %add3A_1154 = arith.addf %add3A_1140, %mul3A_1153 : vector<16xf32>
      %get3A_1155 = arith.index_cast %add3A_1097 : i32 to index
      %get3A_1156 = arith.constant 96 : index
      %get3A_1157 = tpu.vector_load %arg6[%get3A_1155, %get3A_1156] {strides = array<i32>} : memref<128x128xf32, #tpu.memory_space<vmem>>, vector<16xf32>,
      %select_n3A_1158 = arith.select %eq3A_1112, %get3A_64, %get3A_96 : vector<16xi1>, vector<16xf32>
      %sub3A_1159 = arith.subf %get3A_1157, %select_n3A_1158 : vector<16xf32>
      %mul3A_1160 = arith.mulf %sub3A_1159, %sub3A_1159 : vector<16xf32>
      %add3A_1161 = arith.addf %add3A_1147, %mul3A_1160 : vector<16xf32>
      %get3A_1162 = arith.index_cast %add3A_1097 : i32 to index
      %get3A_1163 = arith.constant 112 : index
      %get3A_1164 = tpu.vector_load %arg6[%get3A_1162, %get3A_1163] {strides = array<i32>} : memref<128x128xf32, #tpu.memory_space<vmem>>, vector<16xf32>,
      %select_n3A_1165 = arith.select %eq3A_1112, %get3A_68, %get3A_100 : vector<16xi1>, vector<16xf32>
      %sub3A_1166 = arith.subf %get3A_1164, %select_n3A_1165 : vector<16xf32>
      %mul3A_1167 = arith.mulf %sub3A_1166, %sub3A_1166 : vector<16xf32>
      %add3A_1168 = arith.addf %add3A_1154, %mul3A_1167 : vector<16xf32>
      %add3A_1169 = arith.addf %add3A_1161, %add3A_1168 : vector<16xf32>
      %swap3A_1170 = arith.constant 160 : index
      %swap3A_1171 = tpu.vector_load %arg10[%swap3A_1170] {strides = array<i32>} : memref<256xf32, #tpu.memory_space<vmem>>, vector<16xf32>,
      tpu.vector_store %arg10[%swap3A_1170], %add3A_1169 {strides = array<i32>} : memref<256xf32, #tpu.memory_space<vmem>>, vector<16xf32>,
      %mul3A_1172 = arith.constant 16 : i32
      %mul3A_1173 = arith.muli %scan3A_302, %mul3A_1172 : i32
      %add3A_1174 = arith.constant 11 : i32
      %add3A_1175 = arith.addi %mul3A_1173, %add3A_1174 : i32
      %broadcast_in_dim3A_1176 = arith.constant 11 : i32
      %broadcast_in_dim3A_1177 = vector.broadcast %broadcast_in_dim3A_1176 : i32 to vector<16xi32>
      %lt3A_1178 = arith.constant 0 : i32
      %lt3A_1179 = vector.broadcast %lt3A_1178 : i32 to vector<16xi32>
      %lt3A_1180 = arith.cmpi slt, %broadcast_in_dim3A_1177, %lt3A_1179 : vector<16xi32>
      %add3A_1181 = arith.constant 16 : i32
      %add3A_1182 = vector.broadcast %add3A_1181 : i32 to vector<16xi32>
      %add3A_1183 = arith.addi %broadcast_in_dim3A_1177, %add3A_1182 : vector<16xi32>
      %select_n3A_1184 = arith.select %lt3A_1180, %add3A_1183, %broadcast_in_dim3A_1177 : vector<16xi1>, vector<16xi32>
      %reshape3A_1185 = vector.shape_cast %select_n3A_1184 : vector<16xi32> to vector<16x1xi32>
      %gather3A_1186 = vector.shape_cast %reshape3A_1185 : vector<16x1xi32> to vector<16xi32>
      %gather3A_1187 = tpu.dynamic_gather %get3A_316[%gather3A_1186] in [0] : vector<16xi32>, vector<16xi32> -> vector<16xi32>
      %eq3A_1188 = arith.constant 0 : i32
      %eq3A_1189 = vector.broadcast %eq3A_1188 : i32 to vector<16xi32>
      %eq3A_1190 = arith.cmpi eq, %gather3A_1187, %eq3A_1189 : vector<16xi32>
      %get3A_1191 = arith.index_cast %add3A_1175 : i32 to index
      %get3A_1192 = arith.constant 0 : index
      %get3A_1193 = tpu.vector_load %arg6[%get3A_1191, %get3A_1192] {strides = array<i32>} : memref<128x128xf32, #tpu.memory_space<vmem>>, vector<16xf32>,
      %select_n3A_1194 = arith.select %eq3A_1190, %get3A_40, %get3A_72 : vector<16xi1>, vector<16xf32>
      %sub3A_1195 = arith.subf %get3A_1193, %select_n3A_1194 : vector<16xf32>
      %mul3A_1196 = arith.mulf %sub3A_1195, %sub3A_1195 : vector<16xf32>
      %add3A_1197 = arith.addf %broadcast_in_dim3A_4, %mul3A_1196 : vector<16xf32>
      %get3A_1198 = arith.index_cast %add3A_1175 : i32 to index
      %get3A_1199 = arith.constant 16 : index
      %get3A_1200 = tpu.vector_load %arg6[%get3A_1198, %get3A_1199] {strides = array<i32>} : memref<128x128xf32, #tpu.memory_space<vmem>>, vector<16xf32>,
      %select_n3A_1201 = arith.select %eq3A_1190, %get3A_44, %get3A_76 : vector<16xi1>, vector<16xf32>
      %sub3A_1202 = arith.subf %get3A_1200, %select_n3A_1201 : vector<16xf32>
      %mul3A_1203 = arith.mulf %sub3A_1202, %sub3A_1202 : vector<16xf32>
      %add3A_1204 = arith.addf %broadcast_in_dim3A_4, %mul3A_1203 : vector<16xf32>
      %get3A_1205 = arith.index_cast %add3A_1175 : i32 to index
      %get3A_1206 = arith.constant 32 : index
      %get3A_1207 = tpu.vector_load %arg6[%get3A_1205, %get3A_1206] {strides = array<i32>} : memref<128x128xf32, #tpu.memory_space<vmem>>, vector<16xf32>,
      %select_n3A_1208 = arith.select %eq3A_1190, %get3A_48, %get3A_80 : vector<16xi1>, vector<16xf32>
      %sub3A_1209 = arith.subf %get3A_1207, %select_n3A_1208 : vector<16xf32>
      %mul3A_1210 = arith.mulf %sub3A_1209, %sub3A_1209 : vector<16xf32>
      %add3A_1211 = arith.addf %add3A_1197, %mul3A_1210 : vector<16xf32>
      %get3A_1212 = arith.index_cast %add3A_1175 : i32 to index
      %get3A_1213 = arith.constant 48 : index
      %get3A_1214 = tpu.vector_load %arg6[%get3A_1212, %get3A_1213] {strides = array<i32>} : memref<128x128xf32, #tpu.memory_space<vmem>>, vector<16xf32>,
      %select_n3A_1215 = arith.select %eq3A_1190, %get3A_52, %get3A_84 : vector<16xi1>, vector<16xf32>
      %sub3A_1216 = arith.subf %get3A_1214, %select_n3A_1215 : vector<16xf32>
      %mul3A_1217 = arith.mulf %sub3A_1216, %sub3A_1216 : vector<16xf32>
      %add3A_1218 = arith.addf %add3A_1204, %mul3A_1217 : vector<16xf32>
      %get3A_1219 = arith.index_cast %add3A_1175 : i32 to index
      %get3A_1220 = arith.constant 64 : index
      %get3A_1221 = tpu.vector_load %arg6[%get3A_1219, %get3A_1220] {strides = array<i32>} : memref<128x128xf32, #tpu.memory_space<vmem>>, vector<16xf32>,
      %select_n3A_1222 = arith.select %eq3A_1190, %get3A_56, %get3A_88 : vector<16xi1>, vector<16xf32>
      %sub3A_1223 = arith.subf %get3A_1221, %select_n3A_1222 : vector<16xf32>
      %mul3A_1224 = arith.mulf %sub3A_1223, %sub3A_1223 : vector<16xf32>
      %add3A_1225 = arith.addf %add3A_1211, %mul3A_1224 : vector<16xf32>
      %get3A_1226 = arith.index_cast %add3A_1175 : i32 to index
      %get3A_1227 = arith.constant 80 : index
      %get3A_1228 = tpu.vector_load %arg6[%get3A_1226, %get3A_1227] {strides = array<i32>} : memref<128x128xf32, #tpu.memory_space<vmem>>, vector<16xf32>,
      %select_n3A_1229 = arith.select %eq3A_1190, %get3A_60, %get3A_92 : vector<16xi1>, vector<16xf32>
      %sub3A_1230 = arith.subf %get3A_1228, %select_n3A_1229 : vector<16xf32>
      %mul3A_1231 = arith.mulf %sub3A_1230, %sub3A_1230 : vector<16xf32>
      %add3A_1232 = arith.addf %add3A_1218, %mul3A_1231 : vector<16xf32>
      %get3A_1233 = arith.index_cast %add3A_1175 : i32 to index
      %get3A_1234 = arith.constant 96 : index
      %get3A_1235 = tpu.vector_load %arg6[%get3A_1233, %get3A_1234] {strides = array<i32>} : memref<128x128xf32, #tpu.memory_space<vmem>>, vector<16xf32>,
      %select_n3A_1236 = arith.select %eq3A_1190, %get3A_64, %get3A_96 : vector<16xi1>, vector<16xf32>
      %sub3A_1237 = arith.subf %get3A_1235, %select_n3A_1236 : vector<16xf32>
      %mul3A_1238 = arith.mulf %sub3A_1237, %sub3A_1237 : vector<16xf32>
      %add3A_1239 = arith.addf %add3A_1225, %mul3A_1238 : vector<16xf32>
      %get3A_1240 = arith.index_cast %add3A_1175 : i32 to index
      %get3A_1241 = arith.constant 112 : index
      %get3A_1242 = tpu.vector_load %arg6[%get3A_1240, %get3A_1241] {strides = array<i32>} : memref<128x128xf32, #tpu.memory_space<vmem>>, vector<16xf32>,
      %select_n3A_1243 = arith.select %eq3A_1190, %get3A_68, %get3A_100 : vector<16xi1>, vector<16xf32>
      %sub3A_1244 = arith.subf %get3A_1242, %select_n3A_1243 : vector<16xf32>
      %mul3A_1245 = arith.mulf %sub3A_1244, %sub3A_1244 : vector<16xf32>
      %add3A_1246 = arith.addf %add3A_1232, %mul3A_1245 : vector<16xf32>
      %add3A_1247 = arith.addf %add3A_1239, %add3A_1246 : vector<16xf32>
      %swap3A_1248 = arith.constant 176 : index
      %swap3A_1249 = tpu.vector_load %arg10[%swap3A_1248] {strides = array<i32>} : memref<256xf32, #tpu.memory_space<vmem>>, vector<16xf32>,
      tpu.vector_store %arg10[%swap3A_1248], %add3A_1247 {strides = array<i32>} : memref<256xf32, #tpu.memory_space<vmem>>, vector<16xf32>,
      %mul3A_1250 = arith.constant 16 : i32
      %mul3A_1251 = arith.muli %scan3A_302, %mul3A_1250 : i32
      %add3A_1252 = arith.constant 12 : i32
      %add3A_1253 = arith.addi %mul3A_1251, %add3A_1252 : i32
      %broadcast_in_dim3A_1254 = arith.constant 12 : i32
      %broadcast_in_dim3A_1255 = vector.broadcast %broadcast_in_dim3A_1254 : i32 to vector<16xi32>
      %lt3A_1256 = arith.constant 0 : i32
      %lt3A_1257 = vector.broadcast %lt3A_1256 : i32 to vector<16xi32>
      %lt3A_1258 = arith.cmpi slt, %broadcast_in_dim3A_1255, %lt3A_1257 : vector<16xi32>
      %add3A_1259 = arith.constant 16 : i32
      %add3A_1260 = vector.broadcast %add3A_1259 : i32 to vector<16xi32>
      %add3A_1261 = arith.addi %broadcast_in_dim3A_1255, %add3A_1260 : vector<16xi32>
      %select_n3A_1262 = arith.select %lt3A_1258, %add3A_1261, %broadcast_in_dim3A_1255 : vector<16xi1>, vector<16xi32>
      %reshape3A_1263 = vector.shape_cast %select_n3A_1262 : vector<16xi32> to vector<16x1xi32>
      %gather3A_1264 = vector.shape_cast %reshape3A_1263 : vector<16x1xi32> to vector<16xi32>
      %gather3A_1265 = tpu.dynamic_gather %get3A_316[%gather3A_1264] in [0] : vector<16xi32>, vector<16xi32> -> vector<16xi32>
      %eq3A_1266 = arith.constant 0 : i32
      %eq3A_1267 = vector.broadcast %eq3A_1266 : i32 to vector<16xi32>
      %eq3A_1268 = arith.cmpi eq, %gather3A_1265, %eq3A_1267 : vector<16xi32>
      %get3A_1269 = arith.index_cast %add3A_1253 : i32 to index
      %get3A_1270 = arith.constant 0 : index
      %get3A_1271 = tpu.vector_load %arg6[%get3A_1269, %get3A_1270] {strides = array<i32>} : memref<128x128xf32, #tpu.memory_space<vmem>>, vector<16xf32>,
      %select_n3A_1272 = arith.select %eq3A_1268, %get3A_40, %get3A_72 : vector<16xi1>, vector<16xf32>
      %sub3A_1273 = arith.subf %get3A_1271, %select_n3A_1272 : vector<16xf32>
      %mul3A_1274 = arith.mulf %sub3A_1273, %sub3A_1273 : vector<16xf32>
      %add3A_1275 = arith.addf %broadcast_in_dim3A_4, %mul3A_1274 : vector<16xf32>
      %get3A_1276 = arith.index_cast %add3A_1253 : i32 to index
      %get3A_1277 = arith.constant 16 : index
      %get3A_1278 = tpu.vector_load %arg6[%get3A_1276, %get3A_1277] {strides = array<i32>} : memref<128x128xf32, #tpu.memory_space<vmem>>, vector<16xf32>,
      %select_n3A_1279 = arith.select %eq3A_1268, %get3A_44, %get3A_76 : vector<16xi1>, vector<16xf32>
      %sub3A_1280 = arith.subf %get3A_1278, %select_n3A_1279 : vector<16xf32>
      %mul3A_1281 = arith.mulf %sub3A_1280, %sub3A_1280 : vector<16xf32>
      %add3A_1282 = arith.addf %broadcast_in_dim3A_4, %mul3A_1281 : vector<16xf32>
      %get3A_1283 = arith.index_cast %add3A_1253 : i32 to index
      %get3A_1284 = arith.constant 32 : index
      %get3A_1285 = tpu.vector_load %arg6[%get3A_1283, %get3A_1284] {strides = array<i32>} : memref<128x128xf32, #tpu.memory_space<vmem>>, vector<16xf32>,
      %select_n3A_1286 = arith.select %eq3A_1268, %get3A_48, %get3A_80 : vector<16xi1>, vector<16xf32>
      %sub3A_1287 = arith.subf %get3A_1285, %select_n3A_1286 : vector<16xf32>
      %mul3A_1288 = arith.mulf %sub3A_1287, %sub3A_1287 : vector<16xf32>
      %add3A_1289 = arith.addf %add3A_1275, %mul3A_1288 : vector<16xf32>
      %get3A_1290 = arith.index_cast %add3A_1253 : i32 to index
      %get3A_1291 = arith.constant 48 : index
      %get3A_1292 = tpu.vector_load %arg6[%get3A_1290, %get3A_1291] {strides = array<i32>} : memref<128x128xf32, #tpu.memory_space<vmem>>, vector<16xf32>,
      %select_n3A_1293 = arith.select %eq3A_1268, %get3A_52, %get3A_84 : vector<16xi1>, vector<16xf32>
      %sub3A_1294 = arith.subf %get3A_1292, %select_n3A_1293 : vector<16xf32>
      %mul3A_1295 = arith.mulf %sub3A_1294, %sub3A_1294 : vector<16xf32>
      %add3A_1296 = arith.addf %add3A_1282, %mul3A_1295 : vector<16xf32>
      %get3A_1297 = arith.index_cast %add3A_1253 : i32 to index
      %get3A_1298 = arith.constant 64 : index
      %get3A_1299 = tpu.vector_load %arg6[%get3A_1297, %get3A_1298] {strides = array<i32>} : memref<128x128xf32, #tpu.memory_space<vmem>>, vector<16xf32>,
      %select_n3A_1300 = arith.select %eq3A_1268, %get3A_56, %get3A_88 : vector<16xi1>, vector<16xf32>
      %sub3A_1301 = arith.subf %get3A_1299, %select_n3A_1300 : vector<16xf32>
      %mul3A_1302 = arith.mulf %sub3A_1301, %sub3A_1301 : vector<16xf32>
      %add3A_1303 = arith.addf %add3A_1289, %mul3A_1302 : vector<16xf32>
      %get3A_1304 = arith.index_cast %add3A_1253 : i32 to index
      %get3A_1305 = arith.constant 80 : index
      %get3A_1306 = tpu.vector_load %arg6[%get3A_1304, %get3A_1305] {strides = array<i32>} : memref<128x128xf32, #tpu.memory_space<vmem>>, vector<16xf32>,
      %select_n3A_1307 = arith.select %eq3A_1268, %get3A_60, %get3A_92 : vector<16xi1>, vector<16xf32>
      %sub3A_1308 = arith.subf %get3A_1306, %select_n3A_1307 : vector<16xf32>
      %mul3A_1309 = arith.mulf %sub3A_1308, %sub3A_1308 : vector<16xf32>
      %add3A_1310 = arith.addf %add3A_1296, %mul3A_1309 : vector<16xf32>
      %get3A_1311 = arith.index_cast %add3A_1253 : i32 to index
      %get3A_1312 = arith.constant 96 : index
      %get3A_1313 = tpu.vector_load %arg6[%get3A_1311, %get3A_1312] {strides = array<i32>} : memref<128x128xf32, #tpu.memory_space<vmem>>, vector<16xf32>,
      %select_n3A_1314 = arith.select %eq3A_1268, %get3A_64, %get3A_96 : vector<16xi1>, vector<16xf32>
      %sub3A_1315 = arith.subf %get3A_1313, %select_n3A_1314 : vector<16xf32>
      %mul3A_1316 = arith.mulf %sub3A_1315, %sub3A_1315 : vector<16xf32>
      %add3A_1317 = arith.addf %add3A_1303, %mul3A_1316 : vector<16xf32>
      %get3A_1318 = arith.index_cast %add3A_1253 : i32 to index
      %get3A_1319 = arith.constant 112 : index
      %get3A_1320 = tpu.vector_load %arg6[%get3A_1318, %get3A_1319] {strides = array<i32>} : memref<128x128xf32, #tpu.memory_space<vmem>>, vector<16xf32>,
      %select_n3A_1321 = arith.select %eq3A_1268, %get3A_68, %get3A_100 : vector<16xi1>, vector<16xf32>
      %sub3A_1322 = arith.subf %get3A_1320, %select_n3A_1321 : vector<16xf32>
      %mul3A_1323 = arith.mulf %sub3A_1322, %sub3A_1322 : vector<16xf32>
      %add3A_1324 = arith.addf %add3A_1310, %mul3A_1323 : vector<16xf32>
      %add3A_1325 = arith.addf %add3A_1317, %add3A_1324 : vector<16xf32>
      %swap3A_1326 = arith.constant 192 : index
      %swap3A_1327 = tpu.vector_load %arg10[%swap3A_1326] {strides = array<i32>} : memref<256xf32, #tpu.memory_space<vmem>>, vector<16xf32>,
      tpu.vector_store %arg10[%swap3A_1326], %add3A_1325 {strides = array<i32>} : memref<256xf32, #tpu.memory_space<vmem>>, vector<16xf32>,
      %mul3A_1328 = arith.constant 16 : i32
      %mul3A_1329 = arith.muli %scan3A_302, %mul3A_1328 : i32
      %add3A_1330 = arith.constant 13 : i32
      %add3A_1331 = arith.addi %mul3A_1329, %add3A_1330 : i32
      %broadcast_in_dim3A_1332 = arith.constant 13 : i32
      %broadcast_in_dim3A_1333 = vector.broadcast %broadcast_in_dim3A_1332 : i32 to vector<16xi32>
      %lt3A_1334 = arith.constant 0 : i32
      %lt3A_1335 = vector.broadcast %lt3A_1334 : i32 to vector<16xi32>
      %lt3A_1336 = arith.cmpi slt, %broadcast_in_dim3A_1333, %lt3A_1335 : vector<16xi32>
      %add3A_1337 = arith.constant 16 : i32
      %add3A_1338 = vector.broadcast %add3A_1337 : i32 to vector<16xi32>
      %add3A_1339 = arith.addi %broadcast_in_dim3A_1333, %add3A_1338 : vector<16xi32>
      %select_n3A_1340 = arith.select %lt3A_1336, %add3A_1339, %broadcast_in_dim3A_1333 : vector<16xi1>, vector<16xi32>
      %reshape3A_1341 = vector.shape_cast %select_n3A_1340 : vector<16xi32> to vector<16x1xi32>
      %gather3A_1342 = vector.shape_cast %reshape3A_1341 : vector<16x1xi32> to vector<16xi32>
      %gather3A_1343 = tpu.dynamic_gather %get3A_316[%gather3A_1342] in [0] : vector<16xi32>, vector<16xi32> -> vector<16xi32>
      %eq3A_1344 = arith.constant 0 : i32
      %eq3A_1345 = vector.broadcast %eq3A_1344 : i32 to vector<16xi32>
      %eq3A_1346 = arith.cmpi eq, %gather3A_1343, %eq3A_1345 : vector<16xi32>
      %get3A_1347 = arith.index_cast %add3A_1331 : i32 to index
      %get3A_1348 = arith.constant 0 : index
      %get3A_1349 = tpu.vector_load %arg6[%get3A_1347, %get3A_1348] {strides = array<i32>} : memref<128x128xf32, #tpu.memory_space<vmem>>, vector<16xf32>,
      %select_n3A_1350 = arith.select %eq3A_1346, %get3A_40, %get3A_72 : vector<16xi1>, vector<16xf32>
      %sub3A_1351 = arith.subf %get3A_1349, %select_n3A_1350 : vector<16xf32>
      %mul3A_1352 = arith.mulf %sub3A_1351, %sub3A_1351 : vector<16xf32>
      %add3A_1353 = arith.addf %broadcast_in_dim3A_4, %mul3A_1352 : vector<16xf32>
      %get3A_1354 = arith.index_cast %add3A_1331 : i32 to index
      %get3A_1355 = arith.constant 16 : index
      %get3A_1356 = tpu.vector_load %arg6[%get3A_1354, %get3A_1355] {strides = array<i32>} : memref<128x128xf32, #tpu.memory_space<vmem>>, vector<16xf32>,
      %select_n3A_1357 = arith.select %eq3A_1346, %get3A_44, %get3A_76 : vector<16xi1>, vector<16xf32>
      %sub3A_1358 = arith.subf %get3A_1356, %select_n3A_1357 : vector<16xf32>
      %mul3A_1359 = arith.mulf %sub3A_1358, %sub3A_1358 : vector<16xf32>
      %add3A_1360 = arith.addf %broadcast_in_dim3A_4, %mul3A_1359 : vector<16xf32>
      %get3A_1361 = arith.index_cast %add3A_1331 : i32 to index
      %get3A_1362 = arith.constant 32 : index
      %get3A_1363 = tpu.vector_load %arg6[%get3A_1361, %get3A_1362] {strides = array<i32>} : memref<128x128xf32, #tpu.memory_space<vmem>>, vector<16xf32>,
      %select_n3A_1364 = arith.select %eq3A_1346, %get3A_48, %get3A_80 : vector<16xi1>, vector<16xf32>
      %sub3A_1365 = arith.subf %get3A_1363, %select_n3A_1364 : vector<16xf32>
      %mul3A_1366 = arith.mulf %sub3A_1365, %sub3A_1365 : vector<16xf32>
      %add3A_1367 = arith.addf %add3A_1353, %mul3A_1366 : vector<16xf32>
      %get3A_1368 = arith.index_cast %add3A_1331 : i32 to index
      %get3A_1369 = arith.constant 48 : index
      %get3A_1370 = tpu.vector_load %arg6[%get3A_1368, %get3A_1369] {strides = array<i32>} : memref<128x128xf32, #tpu.memory_space<vmem>>, vector<16xf32>,
      %select_n3A_1371 = arith.select %eq3A_1346, %get3A_52, %get3A_84 : vector<16xi1>, vector<16xf32>
      %sub3A_1372 = arith.subf %get3A_1370, %select_n3A_1371 : vector<16xf32>
      %mul3A_1373 = arith.mulf %sub3A_1372, %sub3A_1372 : vector<16xf32>
      %add3A_1374 = arith.addf %add3A_1360, %mul3A_1373 : vector<16xf32>
      %get3A_1375 = arith.index_cast %add3A_1331 : i32 to index
      %get3A_1376 = arith.constant 64 : index
      %get3A_1377 = tpu.vector_load %arg6[%get3A_1375, %get3A_1376] {strides = array<i32>} : memref<128x128xf32, #tpu.memory_space<vmem>>, vector<16xf32>,
      %select_n3A_1378 = arith.select %eq3A_1346, %get3A_56, %get3A_88 : vector<16xi1>, vector<16xf32>
      %sub3A_1379 = arith.subf %get3A_1377, %select_n3A_1378 : vector<16xf32>
      %mul3A_1380 = arith.mulf %sub3A_1379, %sub3A_1379 : vector<16xf32>
      %add3A_1381 = arith.addf %add3A_1367, %mul3A_1380 : vector<16xf32>
      %get3A_1382 = arith.index_cast %add3A_1331 : i32 to index
      %get3A_1383 = arith.constant 80 : index
      %get3A_1384 = tpu.vector_load %arg6[%get3A_1382, %get3A_1383] {strides = array<i32>} : memref<128x128xf32, #tpu.memory_space<vmem>>, vector<16xf32>,
      %select_n3A_1385 = arith.select %eq3A_1346, %get3A_60, %get3A_92 : vector<16xi1>, vector<16xf32>
      %sub3A_1386 = arith.subf %get3A_1384, %select_n3A_1385 : vector<16xf32>
      %mul3A_1387 = arith.mulf %sub3A_1386, %sub3A_1386 : vector<16xf32>
      %add3A_1388 = arith.addf %add3A_1374, %mul3A_1387 : vector<16xf32>
      %get3A_1389 = arith.index_cast %add3A_1331 : i32 to index
      %get3A_1390 = arith.constant 96 : index
      %get3A_1391 = tpu.vector_load %arg6[%get3A_1389, %get3A_1390] {strides = array<i32>} : memref<128x128xf32, #tpu.memory_space<vmem>>, vector<16xf32>,
      %select_n3A_1392 = arith.select %eq3A_1346, %get3A_64, %get3A_96 : vector<16xi1>, vector<16xf32>
      %sub3A_1393 = arith.subf %get3A_1391, %select_n3A_1392 : vector<16xf32>
      %mul3A_1394 = arith.mulf %sub3A_1393, %sub3A_1393 : vector<16xf32>
      %add3A_1395 = arith.addf %add3A_1381, %mul3A_1394 : vector<16xf32>
      %get3A_1396 = arith.index_cast %add3A_1331 : i32 to index
      %get3A_1397 = arith.constant 112 : index
      %get3A_1398 = tpu.vector_load %arg6[%get3A_1396, %get3A_1397] {strides = array<i32>} : memref<128x128xf32, #tpu.memory_space<vmem>>, vector<16xf32>,
      %select_n3A_1399 = arith.select %eq3A_1346, %get3A_68, %get3A_100 : vector<16xi1>, vector<16xf32>
      %sub3A_1400 = arith.subf %get3A_1398, %select_n3A_1399 : vector<16xf32>
      %mul3A_1401 = arith.mulf %sub3A_1400, %sub3A_1400 : vector<16xf32>
      %add3A_1402 = arith.addf %add3A_1388, %mul3A_1401 : vector<16xf32>
      %add3A_1403 = arith.addf %add3A_1395, %add3A_1402 : vector<16xf32>
      %swap3A_1404 = arith.constant 208 : index
      %swap3A_1405 = tpu.vector_load %arg10[%swap3A_1404] {strides = array<i32>} : memref<256xf32, #tpu.memory_space<vmem>>, vector<16xf32>,
      tpu.vector_store %arg10[%swap3A_1404], %add3A_1403 {strides = array<i32>} : memref<256xf32, #tpu.memory_space<vmem>>, vector<16xf32>,
      %mul3A_1406 = arith.constant 16 : i32
      %mul3A_1407 = arith.muli %scan3A_302, %mul3A_1406 : i32
      %add3A_1408 = arith.constant 14 : i32
      %add3A_1409 = arith.addi %mul3A_1407, %add3A_1408 : i32
      %broadcast_in_dim3A_1410 = arith.constant 14 : i32
      %broadcast_in_dim3A_1411 = vector.broadcast %broadcast_in_dim3A_1410 : i32 to vector<16xi32>
      %lt3A_1412 = arith.constant 0 : i32
      %lt3A_1413 = vector.broadcast %lt3A_1412 : i32 to vector<16xi32>
      %lt3A_1414 = arith.cmpi slt, %broadcast_in_dim3A_1411, %lt3A_1413 : vector<16xi32>
      %add3A_1415 = arith.constant 16 : i32
      %add3A_1416 = vector.broadcast %add3A_1415 : i32 to vector<16xi32>
      %add3A_1417 = arith.addi %broadcast_in_dim3A_1411, %add3A_1416 : vector<16xi32>
      %select_n3A_1418 = arith.select %lt3A_1414, %add3A_1417, %broadcast_in_dim3A_1411 : vector<16xi1>, vector<16xi32>
      %reshape3A_1419 = vector.shape_cast %select_n3A_1418 : vector<16xi32> to vector<16x1xi32>
      %gather3A_1420 = vector.shape_cast %reshape3A_1419 : vector<16x1xi32> to vector<16xi32>
      %gather3A_1421 = tpu.dynamic_gather %get3A_316[%gather3A_1420] in [0] : vector<16xi32>, vector<16xi32> -> vector<16xi32>
      %eq3A_1422 = arith.constant 0 : i32
      %eq3A_1423 = vector.broadcast %eq3A_1422 : i32 to vector<16xi32>
      %eq3A_1424 = arith.cmpi eq, %gather3A_1421, %eq3A_1423 : vector<16xi32>
      %get3A_1425 = arith.index_cast %add3A_1409 : i32 to index
      %get3A_1426 = arith.constant 0 : index
      %get3A_1427 = tpu.vector_load %arg6[%get3A_1425, %get3A_1426] {strides = array<i32>} : memref<128x128xf32, #tpu.memory_space<vmem>>, vector<16xf32>,
      %select_n3A_1428 = arith.select %eq3A_1424, %get3A_40, %get3A_72 : vector<16xi1>, vector<16xf32>
      %sub3A_1429 = arith.subf %get3A_1427, %select_n3A_1428 : vector<16xf32>
      %mul3A_1430 = arith.mulf %sub3A_1429, %sub3A_1429 : vector<16xf32>
      %add3A_1431 = arith.addf %broadcast_in_dim3A_4, %mul3A_1430 : vector<16xf32>
      %get3A_1432 = arith.index_cast %add3A_1409 : i32 to index
      %get3A_1433 = arith.constant 16 : index
      %get3A_1434 = tpu.vector_load %arg6[%get3A_1432, %get3A_1433] {strides = array<i32>} : memref<128x128xf32, #tpu.memory_space<vmem>>, vector<16xf32>,
      %select_n3A_1435 = arith.select %eq3A_1424, %get3A_44, %get3A_76 : vector<16xi1>, vector<16xf32>
      %sub3A_1436 = arith.subf %get3A_1434, %select_n3A_1435 : vector<16xf32>
      %mul3A_1437 = arith.mulf %sub3A_1436, %sub3A_1436 : vector<16xf32>
      %add3A_1438 = arith.addf %broadcast_in_dim3A_4, %mul3A_1437 : vector<16xf32>
      %get3A_1439 = arith.index_cast %add3A_1409 : i32 to index
      %get3A_1440 = arith.constant 32 : index
      %get3A_1441 = tpu.vector_load %arg6[%get3A_1439, %get3A_1440] {strides = array<i32>} : memref<128x128xf32, #tpu.memory_space<vmem>>, vector<16xf32>,
      %select_n3A_1442 = arith.select %eq3A_1424, %get3A_48, %get3A_80 : vector<16xi1>, vector<16xf32>
      %sub3A_1443 = arith.subf %get3A_1441, %select_n3A_1442 : vector<16xf32>
      %mul3A_1444 = arith.mulf %sub3A_1443, %sub3A_1443 : vector<16xf32>
      %add3A_1445 = arith.addf %add3A_1431, %mul3A_1444 : vector<16xf32>
      %get3A_1446 = arith.index_cast %add3A_1409 : i32 to index
      %get3A_1447 = arith.constant 48 : index
      %get3A_1448 = tpu.vector_load %arg6[%get3A_1446, %get3A_1447] {strides = array<i32>} : memref<128x128xf32, #tpu.memory_space<vmem>>, vector<16xf32>,
      %select_n3A_1449 = arith.select %eq3A_1424, %get3A_52, %get3A_84 : vector<16xi1>, vector<16xf32>
      %sub3A_1450 = arith.subf %get3A_1448, %select_n3A_1449 : vector<16xf32>
      %mul3A_1451 = arith.mulf %sub3A_1450, %sub3A_1450 : vector<16xf32>
      %add3A_1452 = arith.addf %add3A_1438, %mul3A_1451 : vector<16xf32>
      %get3A_1453 = arith.index_cast %add3A_1409 : i32 to index
      %get3A_1454 = arith.constant 64 : index
      %get3A_1455 = tpu.vector_load %arg6[%get3A_1453, %get3A_1454] {strides = array<i32>} : memref<128x128xf32, #tpu.memory_space<vmem>>, vector<16xf32>,
      %select_n3A_1456 = arith.select %eq3A_1424, %get3A_56, %get3A_88 : vector<16xi1>, vector<16xf32>
      %sub3A_1457 = arith.subf %get3A_1455, %select_n3A_1456 : vector<16xf32>
      %mul3A_1458 = arith.mulf %sub3A_1457, %sub3A_1457 : vector<16xf32>
      %add3A_1459 = arith.addf %add3A_1445, %mul3A_1458 : vector<16xf32>
      %get3A_1460 = arith.index_cast %add3A_1409 : i32 to index
      %get3A_1461 = arith.constant 80 : index
      %get3A_1462 = tpu.vector_load %arg6[%get3A_1460, %get3A_1461] {strides = array<i32>} : memref<128x128xf32, #tpu.memory_space<vmem>>, vector<16xf32>,
      %select_n3A_1463 = arith.select %eq3A_1424, %get3A_60, %get3A_92 : vector<16xi1>, vector<16xf32>
      %sub3A_1464 = arith.subf %get3A_1462, %select_n3A_1463 : vector<16xf32>
      %mul3A_1465 = arith.mulf %sub3A_1464, %sub3A_1464 : vector<16xf32>
      %add3A_1466 = arith.addf %add3A_1452, %mul3A_1465 : vector<16xf32>
      %get3A_1467 = arith.index_cast %add3A_1409 : i32 to index
      %get3A_1468 = arith.constant 96 : index
      %get3A_1469 = tpu.vector_load %arg6[%get3A_1467, %get3A_1468] {strides = array<i32>} : memref<128x128xf32, #tpu.memory_space<vmem>>, vector<16xf32>,
      %select_n3A_1470 = arith.select %eq3A_1424, %get3A_64, %get3A_96 : vector<16xi1>, vector<16xf32>
      %sub3A_1471 = arith.subf %get3A_1469, %select_n3A_1470 : vector<16xf32>
      %mul3A_1472 = arith.mulf %sub3A_1471, %sub3A_1471 : vector<16xf32>
      %add3A_1473 = arith.addf %add3A_1459, %mul3A_1472 : vector<16xf32>
      %get3A_1474 = arith.index_cast %add3A_1409 : i32 to index
      %get3A_1475 = arith.constant 112 : index
      %get3A_1476 = tpu.vector_load %arg6[%get3A_1474, %get3A_1475] {strides = array<i32>} : memref<128x128xf32, #tpu.memory_space<vmem>>, vector<16xf32>,
      %select_n3A_1477 = arith.select %eq3A_1424, %get3A_68, %get3A_100 : vector<16xi1>, vector<16xf32>
      %sub3A_1478 = arith.subf %get3A_1476, %select_n3A_1477 : vector<16xf32>
      %mul3A_1479 = arith.mulf %sub3A_1478, %sub3A_1478 : vector<16xf32>
      %add3A_1480 = arith.addf %add3A_1466, %mul3A_1479 : vector<16xf32>
      %add3A_1481 = arith.addf %add3A_1473, %add3A_1480 : vector<16xf32>
      %swap3A_1482 = arith.constant 224 : index
      %swap3A_1483 = tpu.vector_load %arg10[%swap3A_1482] {strides = array<i32>} : memref<256xf32, #tpu.memory_space<vmem>>, vector<16xf32>,
      tpu.vector_store %arg10[%swap3A_1482], %add3A_1481 {strides = array<i32>} : memref<256xf32, #tpu.memory_space<vmem>>, vector<16xf32>,
      %mul3A_1484 = arith.constant 16 : i32
      %mul3A_1485 = arith.muli %scan3A_302, %mul3A_1484 : i32
      %add3A_1486 = arith.constant 15 : i32
      %add3A_1487 = arith.addi %mul3A_1485, %add3A_1486 : i32
      %broadcast_in_dim3A_1488 = arith.constant 15 : i32
      %broadcast_in_dim3A_1489 = vector.broadcast %broadcast_in_dim3A_1488 : i32 to vector<16xi32>
      %lt3A_1490 = arith.constant 0 : i32
      %lt3A_1491 = vector.broadcast %lt3A_1490 : i32 to vector<16xi32>
      %lt3A_1492 = arith.cmpi slt, %broadcast_in_dim3A_1489, %lt3A_1491 : vector<16xi32>
      %add3A_1493 = arith.constant 16 : i32
      %add3A_1494 = vector.broadcast %add3A_1493 : i32 to vector<16xi32>
      %add3A_1495 = arith.addi %broadcast_in_dim3A_1489, %add3A_1494 : vector<16xi32>
      %select_n3A_1496 = arith.select %lt3A_1492, %add3A_1495, %broadcast_in_dim3A_1489 : vector<16xi1>, vector<16xi32>
      %reshape3A_1497 = vector.shape_cast %select_n3A_1496 : vector<16xi32> to vector<16x1xi32>
      %gather3A_1498 = vector.shape_cast %reshape3A_1497 : vector<16x1xi32> to vector<16xi32>
      %gather3A_1499 = tpu.dynamic_gather %get3A_316[%gather3A_1498] in [0] : vector<16xi32>, vector<16xi32> -> vector<16xi32>
      %eq3A_1500 = arith.constant 0 : i32
      %eq3A_1501 = vector.broadcast %eq3A_1500 : i32 to vector<16xi32>
      %eq3A_1502 = arith.cmpi eq, %gather3A_1499, %eq3A_1501 : vector<16xi32>
      %get3A_1503 = arith.index_cast %add3A_1487 : i32 to index
      %get3A_1504 = arith.constant 0 : index
      %get3A_1505 = tpu.vector_load %arg6[%get3A_1503, %get3A_1504] {strides = array<i32>} : memref<128x128xf32, #tpu.memory_space<vmem>>, vector<16xf32>,
      %select_n3A_1506 = arith.select %eq3A_1502, %get3A_40, %get3A_72 : vector<16xi1>, vector<16xf32>
      %sub3A_1507 = arith.subf %get3A_1505, %select_n3A_1506 : vector<16xf32>
      %mul3A_1508 = arith.mulf %sub3A_1507, %sub3A_1507 : vector<16xf32>
      %add3A_1509 = arith.addf %broadcast_in_dim3A_4, %mul3A_1508 : vector<16xf32>
      %get3A_1510 = arith.index_cast %add3A_1487 : i32 to index
      %get3A_1511 = arith.constant 16 : index
      %get3A_1512 = tpu.vector_load %arg6[%get3A_1510, %get3A_1511] {strides = array<i32>} : memref<128x128xf32, #tpu.memory_space<vmem>>, vector<16xf32>,
      %select_n3A_1513 = arith.select %eq3A_1502, %get3A_44, %get3A_76 : vector<16xi1>, vector<16xf32>
      %sub3A_1514 = arith.subf %get3A_1512, %select_n3A_1513 : vector<16xf32>
      %mul3A_1515 = arith.mulf %sub3A_1514, %sub3A_1514 : vector<16xf32>
      %add3A_1516 = arith.addf %broadcast_in_dim3A_4, %mul3A_1515 : vector<16xf32>
      %get3A_1517 = arith.index_cast %add3A_1487 : i32 to index
      %get3A_1518 = arith.constant 32 : index
      %get3A_1519 = tpu.vector_load %arg6[%get3A_1517, %get3A_1518] {strides = array<i32>} : memref<128x128xf32, #tpu.memory_space<vmem>>, vector<16xf32>,
      %select_n3A_1520 = arith.select %eq3A_1502, %get3A_48, %get3A_80 : vector<16xi1>, vector<16xf32>
      %sub3A_1521 = arith.subf %get3A_1519, %select_n3A_1520 : vector<16xf32>
      %mul3A_1522 = arith.mulf %sub3A_1521, %sub3A_1521 : vector<16xf32>
      %add3A_1523 = arith.addf %add3A_1509, %mul3A_1522 : vector<16xf32>
      %get3A_1524 = arith.index_cast %add3A_1487 : i32 to index
      %get3A_1525 = arith.constant 48 : index
      %get3A_1526 = tpu.vector_load %arg6[%get3A_1524, %get3A_1525] {strides = array<i32>} : memref<128x128xf32, #tpu.memory_space<vmem>>, vector<16xf32>,
      %select_n3A_1527 = arith.select %eq3A_1502, %get3A_52, %get3A_84 : vector<16xi1>, vector<16xf32>
      %sub3A_1528 = arith.subf %get3A_1526, %select_n3A_1527 : vector<16xf32>
      %mul3A_1529 = arith.mulf %sub3A_1528, %sub3A_1528 : vector<16xf32>
      %add3A_1530 = arith.addf %add3A_1516, %mul3A_1529 : vector<16xf32>
      %get3A_1531 = arith.index_cast %add3A_1487 : i32 to index
      %get3A_1532 = arith.constant 64 : index
      %get3A_1533 = tpu.vector_load %arg6[%get3A_1531, %get3A_1532] {strides = array<i32>} : memref<128x128xf32, #tpu.memory_space<vmem>>, vector<16xf32>,
      %select_n3A_1534 = arith.select %eq3A_1502, %get3A_56, %get3A_88 : vector<16xi1>, vector<16xf32>
      %sub3A_1535 = arith.subf %get3A_1533, %select_n3A_1534 : vector<16xf32>
      %mul3A_1536 = arith.mulf %sub3A_1535, %sub3A_1535 : vector<16xf32>
      %add3A_1537 = arith.addf %add3A_1523, %mul3A_1536 : vector<16xf32>
      %get3A_1538 = arith.index_cast %add3A_1487 : i32 to index
      %get3A_1539 = arith.constant 80 : index
      %get3A_1540 = tpu.vector_load %arg6[%get3A_1538, %get3A_1539] {strides = array<i32>} : memref<128x128xf32, #tpu.memory_space<vmem>>, vector<16xf32>,
      %select_n3A_1541 = arith.select %eq3A_1502, %get3A_60, %get3A_92 : vector<16xi1>, vector<16xf32>
      %sub3A_1542 = arith.subf %get3A_1540, %select_n3A_1541 : vector<16xf32>
      %mul3A_1543 = arith.mulf %sub3A_1542, %sub3A_1542 : vector<16xf32>
      %add3A_1544 = arith.addf %add3A_1530, %mul3A_1543 : vector<16xf32>
      %get3A_1545 = arith.index_cast %add3A_1487 : i32 to index
      %get3A_1546 = arith.constant 96 : index
      %get3A_1547 = tpu.vector_load %arg6[%get3A_1545, %get3A_1546] {strides = array<i32>} : memref<128x128xf32, #tpu.memory_space<vmem>>, vector<16xf32>,
      %select_n3A_1548 = arith.select %eq3A_1502, %get3A_64, %get3A_96 : vector<16xi1>, vector<16xf32>
      %sub3A_1549 = arith.subf %get3A_1547, %select_n3A_1548 : vector<16xf32>
      %mul3A_1550 = arith.mulf %sub3A_1549, %sub3A_1549 : vector<16xf32>
      %add3A_1551 = arith.addf %add3A_1537, %mul3A_1550 : vector<16xf32>
      %get3A_1552 = arith.index_cast %add3A_1487 : i32 to index
      %get3A_1553 = arith.constant 112 : index
      %get3A_1554 = tpu.vector_load %arg6[%get3A_1552, %get3A_1553] {strides = array<i32>} : memref<128x128xf32, #tpu.memory_space<vmem>>, vector<16xf32>,
      %select_n3A_1555 = arith.select %eq3A_1502, %get3A_68, %get3A_100 : vector<16xi1>, vector<16xf32>
      %sub3A_1556 = arith.subf %get3A_1554, %select_n3A_1555 : vector<16xf32>
      %mul3A_1557 = arith.mulf %sub3A_1556, %sub3A_1556 : vector<16xf32>
      %add3A_1558 = arith.addf %add3A_1544, %mul3A_1557 : vector<16xf32>
      %add3A_1559 = arith.addf %add3A_1551, %add3A_1558 : vector<16xf32>
      %swap3A_1560 = arith.constant 240 : index
      %swap3A_1561 = tpu.vector_load %arg10[%swap3A_1560] {strides = array<i32>} : memref<256xf32, #tpu.memory_space<vmem>>, vector<16xf32>,
      tpu.vector_store %arg10[%swap3A_1560], %add3A_1559 {strides = array<i32>} : memref<256xf32, #tpu.memory_space<vmem>>, vector<16xf32>,
      %iota3A = tpu.iota {dimensions = array<i32: 0>} : vector<16xi32>
      %mul3A_1562 = arith.constant 16 : i32
      %mul3A_1563 = vector.broadcast %mul3A_1562 : i32 to vector<16xi32>
      %mul3A_1564 = arith.muli %iota3A, %mul3A_1563 : vector<16xi32>
      %add3A_1565 = arith.constant 0 : i32
      %add3A_1566 = vector.broadcast %add3A_1565 : i32 to vector<16xi32>
      %add3A_1567 = arith.addi %mul3A_1564, %add3A_1566 : vector<16xi32>
      %gather3A_1568 = tpu.vector_load_idx %arg10[%add3A_1567] : memref<256xf32, #tpu.memory_space<vmem>>[vector<16xi32>], vector<16xf32>,
      %add3A_1569 = arith.addf %broadcast_in_dim3A_4, %gather3A_1568 : vector<16xf32>
      %add3A_1570 = arith.constant 1 : i32
      %add3A_1571 = vector.broadcast %add3A_1570 : i32 to vector<16xi32>
      %add3A_1572 = arith.addi %mul3A_1564, %add3A_1571 : vector<16xi32>
      %gather3A_1573 = tpu.vector_load_idx %arg10[%add3A_1572] : memref<256xf32, #tpu.memory_space<vmem>>[vector<16xi32>], vector<16xf32>,
      %add3A_1574 = arith.addf %add3A_1569, %gather3A_1573 : vector<16xf32>
      %add3A_1575 = arith.constant 2 : i32
      %add3A_1576 = vector.broadcast %add3A_1575 : i32 to vector<16xi32>
      %add3A_1577 = arith.addi %mul3A_1564, %add3A_1576 : vector<16xi32>
      %gather3A_1578 = tpu.vector_load_idx %arg10[%add3A_1577] : memref<256xf32, #tpu.memory_space<vmem>>[vector<16xi32>], vector<16xf32>,
      %add3A_1579 = arith.addf %add3A_1574, %gather3A_1578 : vector<16xf32>
      %add3A_1580 = arith.constant 3 : i32
      %add3A_1581 = vector.broadcast %add3A_1580 : i32 to vector<16xi32>
      %add3A_1582 = arith.addi %mul3A_1564, %add3A_1581 : vector<16xi32>
      %gather3A_1583 = tpu.vector_load_idx %arg10[%add3A_1582] : memref<256xf32, #tpu.memory_space<vmem>>[vector<16xi32>], vector<16xf32>,
      %add3A_1584 = arith.addf %add3A_1579, %gather3A_1583 : vector<16xf32>
      %add3A_1585 = arith.constant 4 : i32
      %add3A_1586 = vector.broadcast %add3A_1585 : i32 to vector<16xi32>
      %add3A_1587 = arith.addi %mul3A_1564, %add3A_1586 : vector<16xi32>
      %gather3A_1588 = tpu.vector_load_idx %arg10[%add3A_1587] : memref<256xf32, #tpu.memory_space<vmem>>[vector<16xi32>], vector<16xf32>,
      %add3A_1589 = arith.addf %add3A_1584, %gather3A_1588 : vector<16xf32>
      %add3A_1590 = arith.constant 5 : i32
      %add3A_1591 = vector.broadcast %add3A_1590 : i32 to vector<16xi32>
      %add3A_1592 = arith.addi %mul3A_1564, %add3A_1591 : vector<16xi32>
      %gather3A_1593 = tpu.vector_load_idx %arg10[%add3A_1592] : memref<256xf32, #tpu.memory_space<vmem>>[vector<16xi32>], vector<16xf32>,
      %add3A_1594 = arith.addf %add3A_1589, %gather3A_1593 : vector<16xf32>
      %add3A_1595 = arith.constant 6 : i32
      %add3A_1596 = vector.broadcast %add3A_1595 : i32 to vector<16xi32>
      %add3A_1597 = arith.addi %mul3A_1564, %add3A_1596 : vector<16xi32>
      %gather3A_1598 = tpu.vector_load_idx %arg10[%add3A_1597] : memref<256xf32, #tpu.memory_space<vmem>>[vector<16xi32>], vector<16xf32>,
      %add3A_1599 = arith.addf %add3A_1594, %gather3A_1598 : vector<16xf32>
      %add3A_1600 = arith.constant 7 : i32
      %add3A_1601 = vector.broadcast %add3A_1600 : i32 to vector<16xi32>
      %add3A_1602 = arith.addi %mul3A_1564, %add3A_1601 : vector<16xi32>
      %gather3A_1603 = tpu.vector_load_idx %arg10[%add3A_1602] : memref<256xf32, #tpu.memory_space<vmem>>[vector<16xi32>], vector<16xf32>,
      %add3A_1604 = arith.addf %add3A_1599, %gather3A_1603 : vector<16xf32>
      %add3A_1605 = arith.constant 8 : i32
      %add3A_1606 = vector.broadcast %add3A_1605 : i32 to vector<16xi32>
      %add3A_1607 = arith.addi %mul3A_1564, %add3A_1606 : vector<16xi32>
      %gather3A_1608 = tpu.vector_load_idx %arg10[%add3A_1607] : memref<256xf32, #tpu.memory_space<vmem>>[vector<16xi32>], vector<16xf32>,
      %add3A_1609 = arith.addf %add3A_1604, %gather3A_1608 : vector<16xf32>
      %add3A_1610 = arith.constant 9 : i32
      %add3A_1611 = vector.broadcast %add3A_1610 : i32 to vector<16xi32>
      %add3A_1612 = arith.addi %mul3A_1564, %add3A_1611 : vector<16xi32>
      %gather3A_1613 = tpu.vector_load_idx %arg10[%add3A_1612] : memref<256xf32, #tpu.memory_space<vmem>>[vector<16xi32>], vector<16xf32>,
      %add3A_1614 = arith.addf %add3A_1609, %gather3A_1613 : vector<16xf32>
      %add3A_1615 = arith.constant 10 : i32
      %add3A_1616 = vector.broadcast %add3A_1615 : i32 to vector<16xi32>
      %add3A_1617 = arith.addi %mul3A_1564, %add3A_1616 : vector<16xi32>
      %gather3A_1618 = tpu.vector_load_idx %arg10[%add3A_1617] : memref<256xf32, #tpu.memory_space<vmem>>[vector<16xi32>], vector<16xf32>,
      %add3A_1619 = arith.addf %add3A_1614, %gather3A_1618 : vector<16xf32>
      %add3A_1620 = arith.constant 11 : i32
      %add3A_1621 = vector.broadcast %add3A_1620 : i32 to vector<16xi32>
      %add3A_1622 = arith.addi %mul3A_1564, %add3A_1621 : vector<16xi32>
      %gather3A_1623 = tpu.vector_load_idx %arg10[%add3A_1622] : memref<256xf32, #tpu.memory_space<vmem>>[vector<16xi32>], vector<16xf32>,
      %add3A_1624 = arith.addf %add3A_1619, %gather3A_1623 : vector<16xf32>
      %add3A_1625 = arith.constant 12 : i32
      %add3A_1626 = vector.broadcast %add3A_1625 : i32 to vector<16xi32>
      %add3A_1627 = arith.addi %mul3A_1564, %add3A_1626 : vector<16xi32>
      %gather3A_1628 = tpu.vector_load_idx %arg10[%add3A_1627] : memref<256xf32, #tpu.memory_space<vmem>>[vector<16xi32>], vector<16xf32>,
      %add3A_1629 = arith.addf %add3A_1624, %gather3A_1628 : vector<16xf32>
      %add3A_1630 = arith.constant 13 : i32
      %add3A_1631 = vector.broadcast %add3A_1630 : i32 to vector<16xi32>
      %add3A_1632 = arith.addi %mul3A_1564, %add3A_1631 : vector<16xi32>
      %gather3A_1633 = tpu.vector_load_idx %arg10[%add3A_1632] : memref<256xf32, #tpu.memory_space<vmem>>[vector<16xi32>], vector<16xf32>,
      %add3A_1634 = arith.addf %add3A_1629, %gather3A_1633 : vector<16xf32>
      %add3A_1635 = arith.constant 14 : i32
      %add3A_1636 = vector.broadcast %add3A_1635 : i32 to vector<16xi32>
      %add3A_1637 = arith.addi %mul3A_1564, %add3A_1636 : vector<16xi32>
      %gather3A_1638 = tpu.vector_load_idx %arg10[%add3A_1637] : memref<256xf32, #tpu.memory_space<vmem>>[vector<16xi32>], vector<16xf32>,
      %add3A_1639 = arith.addf %add3A_1634, %gather3A_1638 : vector<16xf32>
      %add3A_1640 = arith.constant 15 : i32
      %add3A_1641 = vector.broadcast %add3A_1640 : i32 to vector<16xi32>
      %add3A_1642 = arith.addi %mul3A_1564, %add3A_1641 : vector<16xi32>
      %gather3A_1643 = tpu.vector_load_idx %arg10[%add3A_1642] : memref<256xf32, #tpu.memory_space<vmem>>[vector<16xi32>], vector<16xf32>,
      %add3A_1644 = arith.addf %add3A_1639, %gather3A_1643 : vector<16xf32>
      %eq3A_1645 = arith.constant 0 : i32
      %eq3A_1646 = vector.broadcast %eq3A_1645 : i32 to vector<16xi32>
      %eq3A_1647 = arith.cmpi eq, %get3A_316, %eq3A_1646 : vector<16xi32>
      %eq3A_1648 = arith.constant 1 : i32
      %eq3A_1649 = vector.broadcast %eq3A_1648 : i32 to vector<16xi32>
      %eq3A_1650 = arith.cmpi eq, %get3A_316, %eq3A_1649 : vector<16xi32>
      %max3A = arith.constant 9.99999996E-13 : f32
      %max3A_1651 = vector.broadcast %max3A : f32 to vector<16xf32>
      %max3A_1652 = arith.maximumf %add3A_1644, %max3A_1651 : vector<16xf32>
      %bitcast_convert_type3A = tpu.bitcast %max3A_1652 : vector<16xf32> -> vector<16xi32>
      %broadcast_in_dim3A_1653 = arith.constant 1597463007 : i32
      %broadcast_in_dim3A_1654 = vector.broadcast %broadcast_in_dim3A_1653 : i32 to vector<16xi32>
      %shift_right_arithmetic3A = arith.constant 1 : i32
      %shift_right_arithmetic3A_1655 = vector.broadcast %shift_right_arithmetic3A : i32 to vector<16xi32>
      %shift_right_arithmetic3A_1656 = arith.shrsi %bitcast_convert_type3A, %shift_right_arithmetic3A_1655 : vector<16xi32>
      %sub3A_1657 = arith.subi %broadcast_in_dim3A_1654, %shift_right_arithmetic3A_1656 : vector<16xi32>
      %bitcast_convert_type3A_1658 = tpu.bitcast %sub3A_1657 : vector<16xi32> -> vector<16xf32>
      %mul3A_1659 = arith.constant 5.000000e-01 : f32
      %mul3A_1660 = vector.broadcast %mul3A_1659 : f32 to vector<16xf32>
      %mul3A_1661 = arith.mulf %mul3A_1660, %max3A_1652 : vector<16xf32>
      %mul3A_1662 = arith.mulf %mul3A_1661, %bitcast_convert_type3A_1658 : vector<16xf32>
      %mul3A_1663 = arith.mulf %mul3A_1662, %bitcast_convert_type3A_1658 : vector<16xf32>
      %sub3A_1664 = arith.constant 1.500000e+00 : f32
      %sub3A_1665 = vector.broadcast %sub3A_1664 : f32 to vector<16xf32>
      %sub3A_1666 = arith.subf %sub3A_1665, %mul3A_1663 : vector<16xf32>
      %mul3A_1667 = arith.mulf %bitcast_convert_type3A_1658, %sub3A_1666 : vector<16xf32>
      %mul3A_1668 = arith.constant 5.000000e-01 : f32
      %mul3A_1669 = vector.broadcast %mul3A_1668 : f32 to vector<16xf32>
      %mul3A_1670 = arith.mulf %mul3A_1669, %max3A_1652 : vector<16xf32>
      %mul3A_1671 = arith.mulf %mul3A_1670, %mul3A_1667 : vector<16xf32>
      %mul3A_1672 = arith.mulf %mul3A_1671, %mul3A_1667 : vector<16xf32>
      %sub3A_1673 = arith.constant 1.500000e+00 : f32
      %sub3A_1674 = vector.broadcast %sub3A_1673 : f32 to vector<16xf32>
      %sub3A_1675 = arith.subf %sub3A_1674, %mul3A_1672 : vector<16xf32>
      %mul3A_1676 = arith.mulf %mul3A_1667, %sub3A_1675 : vector<16xf32>
      %mul3A_1677 = arith.constant 5.000000e-01 : f32
      %mul3A_1678 = vector.broadcast %mul3A_1677 : f32 to vector<16xf32>
      %mul3A_1679 = arith.mulf %mul3A_1678, %max3A_1652 : vector<16xf32>
      %mul3A_1680 = arith.mulf %mul3A_1679, %mul3A_1676 : vector<16xf32>
      %mul3A_1681 = arith.mulf %mul3A_1680, %mul3A_1676 : vector<16xf32>
      %sub3A_1682 = arith.constant 1.500000e+00 : f32
      %sub3A_1683 = vector.broadcast %sub3A_1682 : f32 to vector<16xf32>
      %sub3A_1684 = arith.subf %sub3A_1683, %mul3A_1681 : vector<16xf32>
      %mul3A_1685 = arith.mulf %mul3A_1676, %sub3A_1684 : vector<16xf32>
      %mul3A_1686 = arith.mulf %add3A_1644, %mul3A_1685 : vector<16xf32>
      %select_n3A_1687 = arith.select %eq3A_1647, %mul3A_1686, %broadcast_in_dim3A_4 : vector<16xi1>, vector<16xf32>
      %add3A_1688 = arith.addf %scan3A_303, %select_n3A_1687 : vector<16xf32>
      %select_n3A_1689 = arith.select %eq3A_1647, %broadcast_in_dim3A_6, %broadcast_in_dim3A_4 : vector<16xi1>, vector<16xf32>
      %add3A_1690 = arith.addf %scan3A_304, %select_n3A_1689 : vector<16xf32>
      %select_n3A_1691 = arith.select %eq3A_1650, %mul3A_1686, %broadcast_in_dim3A_4 : vector<16xi1>, vector<16xf32>
      %add3A_1692 = arith.addf %scan3A_305, %select_n3A_1691 : vector<16xf32>
      %select_n3A_1693 = arith.select %eq3A_1650, %broadcast_in_dim3A_6, %broadcast_in_dim3A_4 : vector<16xi1>, vector<16xf32>
      %add3A_1694 = arith.addf %scan3A_306, %select_n3A_1693 : vector<16xf32>
      scf.yield %add3A_1688, %add3A_1690, %add3A_1692, %add3A_1694 : vector<16xf32>, vector<16xf32>, vector<16xf32>, vector<16xf32>
    }
    %scan3A_160 = arith.constant 8 : i32
    %add3A_161 = arith.constant 2 : i32
    %add3A_162 = arith.addi %mul3A_127, %add3A_161 : i32
    %lt3A = arith.constant 2 : i32
    %lt3A_163 = arith.cmpi slt, %add3A_162, %lt3A : i32
    %convert_element_type3A = arith.extui %lt3A_163 : i1 to i32
    %cond3A = arith.constant 0 : i32
    %cond3A_164 = arith.cmpi ne, %convert_element_type3A, %cond3A : i32
    scf.if %cond3A_164 {
      %add3A_302 = arith.constant 2 : i32
      %add3A_303 = arith.addi %mul3A_127, %add3A_302 : i32
      %jit3A_304 = arith.constant 1 : i32
      %div3A_305 = arith.divsi %add3A_303, %jit3A_304 : i32
      %sign3A_306 = arith.constant 0 : i32
      %sign3A_307 = arith.cmpi sgt, %add3A_303, %sign3A_306 : i32
      %sign3A_308 = arith.extui %sign3A_307 : i1 to i32
      %sign3A_309 = arith.constant 0 : i32
      %sign3A_310 = arith.cmpi slt, %add3A_303, %sign3A_309 : i32
      %sign3A_311 = arith.extui %sign3A_310 : i1 to i32
      %sign3A_312 = arith.subi %sign3A_308, %sign3A_311 : i32
      %sign3A_313 = arith.constant 0 : i32
      %sign3A_314 = arith.cmpi sgt, %jit3A_304, %sign3A_313 : i32
      %sign3A_315 = arith.extui %sign3A_314 : i1 to i32
      %sign3A_316 = arith.constant 0 : i32
      %sign3A_317 = arith.cmpi slt, %jit3A_304, %sign3A_316 : i32
      %sign3A_318 = arith.extui %sign3A_317 : i1 to i32
      %sign3A_319 = arith.subi %sign3A_315, %sign3A_318 : i32
      %ne3A_320 = arith.cmpi ne, %sign3A_312, %sign3A_319 : i32
      %rem3A_321 = arith.remsi %add3A_303, %jit3A_304 : i32
      %ne3A_322 = arith.constant 0 : i32
      %ne3A_323 = arith.cmpi ne, %rem3A_321, %ne3A_322 : i32
      %and3A_324 = arith.andi %ne3A_320, %ne3A_323 : i1
      %sub3A_325 = arith.constant 1 : i32
      %sub3A_326 = arith.subi %div3A_305, %sub3A_325 : i32
      %select_n3A_327 = arith.select %and3A_324, %sub3A_326, %div3A_305 : i32
      %rem3A_328 = arith.constant 1 : i32
      %rem3A_329 = arith.remsi %add3A_303, %rem3A_328 : i32
      %mul3A_330 = arith.constant 128 : i32
      %mul3A_331 = arith.muli %rem3A_329, %mul3A_330 : i32
      %add3A_332 = arith.addi %mul3A_2, %mul3A_331 : i32
      %dma_start3A_333 = arith.constant 0 : i32
      %dma_start3A_334 = tpu.memref_slice %arg2[%select_n3A_327, %add3A_332, %dma_start3A_333] : memref<2x32768x128xf32, #tpu.memory_space<hbm>> -> memref<1x128x128xf32, #tpu.memory_space<hbm>>
      %dma_start3A_335 = tpu.memref_squeeze %dma_start3A_334 : memref<1x128x128xf32, #tpu.memory_space<hbm>> -> memref<128x128xf32, #tpu.memory_space<hbm>>
      %dma_start3A_336 = arith.constant 0 : i32
      %dma_start3A_337 = tpu.memref_slice %arg2[%select_n3A_327, %add3A_332, %dma_start3A_336] : memref<2x32768x128xf32, #tpu.memory_space<hbm>> -> memref<1x128x128xf32, #tpu.memory_space<hbm>>
      %dma_start3A_338 = tpu.memref_squeeze %dma_start3A_337 : memref<1x128x128xf32, #tpu.memory_space<hbm>> -> memref<128x128xf32, #tpu.memory_space<hbm>>
      tpu.enqueue_dma source(%dma_start3A_338 : memref<128x128xf32, #tpu.memory_space<hbm>>) target(%arg6 : memref<128x128xf32, #tpu.memory_space<vmem>>) target_semaphore(%arg12 : memref<!tpu.dma_semaphore, #tpu.memory_space<semaphore_mem>>)
    } else {
    }
    %mul3A_165 = arith.constant 4 : i32
    %mul3A_166 = arith.muli %select_n3A, %mul3A_165 : i32
    %get3A_167 = arith.index_cast %mul3A_166 : i32 to index
    %get3A_168 = arith.constant 0 : index
    %get3A_169 = tpu.vector_load %arg11[%get3A_167, %get3A_168] {strides = array<i32>} : memref<8x16xf32, #tpu.memory_space<vmem>>, vector<16xf32>,
    %add3A_170 = arith.addf %get3A_169, %scan3A_159#0 : vector<16xf32>
    %swap3A_171 = arith.index_cast %mul3A_166 : i32 to index
    %swap3A_172 = arith.constant 0 : index
    %swap3A_173 = tpu.vector_load %arg11[%swap3A_171, %swap3A_172] {strides = array<i32>} : memref<8x16xf32, #tpu.memory_space<vmem>>, vector<16xf32>,
    tpu.vector_store %arg11[%swap3A_171, %swap3A_172], %add3A_170 {strides = array<i32>} : memref<8x16xf32, #tpu.memory_space<vmem>>, vector<16xf32>,
    %add3A_174 = arith.constant 1 : i32
    %add3A_175 = arith.addi %mul3A_166, %add3A_174 : i32
    %get3A_176 = arith.index_cast %add3A_175 : i32 to index
    %get3A_177 = arith.constant 0 : index
    %get3A_178 = tpu.vector_load %arg11[%get3A_176, %get3A_177] {strides = array<i32>} : memref<8x16xf32, #tpu.memory_space<vmem>>, vector<16xf32>,
    %add3A_179 = arith.addf %get3A_178, %scan3A_159#1 : vector<16xf32>
    %add3A_180 = arith.constant 1 : i32
    %add3A_181 = arith.addi %mul3A_166, %add3A_180 : i32
    %swap3A_182 = arith.index_cast %add3A_181 : i32 to index
    %swap3A_183 = arith.constant 0 : index
    %swap3A_184 = tpu.vector_load %arg11[%swap3A_182, %swap3A_183] {strides = array<i32>} : memref<8x16xf32, #tpu.memory_space<vmem>>, vector<16xf32>,
    tpu.vector_store %arg11[%swap3A_182, %swap3A_183], %add3A_179 {strides = array<i32>} : memref<8x16xf32, #tpu.memory_space<vmem>>, vector<16xf32>,
    %add3A_185 = arith.constant 2 : i32
    %add3A_186 = arith.addi %mul3A_166, %add3A_185 : i32
    %get3A_187 = arith.index_cast %add3A_186 : i32 to index
    %get3A_188 = arith.constant 0 : index
    %get3A_189 = tpu.vector_load %arg11[%get3A_187, %get3A_188] {strides = array<i32>} : memref<8x16xf32, #tpu.memory_space<vmem>>, vector<16xf32>,
    %add3A_190 = arith.addf %get3A_189, %scan3A_159#2 : vector<16xf32>
    %add3A_191 = arith.constant 2 : i32
    %add3A_192 = arith.addi %mul3A_166, %add3A_191 : i32
    %swap3A_193 = arith.index_cast %add3A_192 : i32 to index
    %swap3A_194 = arith.constant 0 : index
    %swap3A_195 = tpu.vector_load %arg11[%swap3A_193, %swap3A_194] {strides = array<i32>} : memref<8x16xf32, #tpu.memory_space<vmem>>, vector<16xf32>,
    tpu.vector_store %arg11[%swap3A_193, %swap3A_194], %add3A_190 {strides = array<i32>} : memref<8x16xf32, #tpu.memory_space<vmem>>, vector<16xf32>,
    %add3A_196 = arith.constant 3 : i32
    %add3A_197 = arith.addi %mul3A_166, %add3A_196 : i32
    %get3A_198 = arith.index_cast %add3A_197 : i32 to index
    %get3A_199 = arith.constant 0 : index
    %get3A_200 = tpu.vector_load %arg11[%get3A_198, %get3A_199] {strides = array<i32>} : memref<8x16xf32, #tpu.memory_space<vmem>>, vector<16xf32>,
    %add3A_201 = arith.addf %get3A_200, %scan3A_159#3 : vector<16xf32>
    %add3A_202 = arith.constant 3 : i32
    %add3A_203 = arith.addi %mul3A_166, %add3A_202 : i32
    %swap3A_204 = arith.index_cast %add3A_203 : i32 to index
    %swap3A_205 = arith.constant 0 : index
    %swap3A_206 = tpu.vector_load %arg11[%swap3A_204, %swap3A_205] {strides = array<i32>} : memref<8x16xf32, #tpu.memory_space<vmem>>, vector<16xf32>,
    tpu.vector_store %arg11[%swap3A_204, %swap3A_205], %add3A_201 {strides = array<i32>} : memref<8x16xf32, #tpu.memory_space<vmem>>, vector<16xf32>,
    %mul3A_207 = arith.constant 2 : i32
    %mul3A_208 = arith.muli %mul3A_207, %scan3A_125 : i32
    %add3A_209 = arith.constant 1 : i32
    %add3A_210 = arith.addi %mul3A_208, %add3A_209 : i32
    %jit3A_211 = arith.constant 1 : i32
    %div3A_212 = arith.divsi %add3A_210, %jit3A_211 : i32
    %sign3A_213 = arith.constant 0 : i32
    %sign3A_214 = arith.cmpi sgt, %add3A_210, %sign3A_213 : i32
    %sign3A_215 = arith.extui %sign3A_214 : i1 to i32
    %sign3A_216 = arith.constant 0 : i32
    %sign3A_217 = arith.cmpi slt, %add3A_210, %sign3A_216 : i32
    %sign3A_218 = arith.extui %sign3A_217 : i1 to i32
    %sign3A_219 = arith.subi %sign3A_215, %sign3A_218 : i32
    %sign3A_220 = arith.constant 0 : i32
    %sign3A_221 = arith.cmpi sgt, %jit3A_211, %sign3A_220 : i32
    %sign3A_222 = arith.extui %sign3A_221 : i1 to i32
    %sign3A_223 = arith.constant 0 : i32
    %sign3A_224 = arith.cmpi slt, %jit3A_211, %sign3A_223 : i32
    %sign3A_225 = arith.extui %sign3A_224 : i1 to i32
    %sign3A_226 = arith.subi %sign3A_222, %sign3A_225 : i32
    %ne3A_227 = arith.cmpi ne, %sign3A_219, %sign3A_226 : i32
    %rem3A_228 = arith.remsi %add3A_210, %jit3A_211 : i32
    %ne3A_229 = arith.constant 0 : i32
    %ne3A_230 = arith.cmpi ne, %rem3A_228, %ne3A_229 : i32
    %and3A_231 = arith.andi %ne3A_227, %ne3A_230 : i1
    %sub3A_232 = arith.constant 1 : i32
    %sub3A_233 = arith.subi %div3A_212, %sub3A_232 : i32
    %select_n3A_234 = arith.select %and3A_231, %sub3A_233, %div3A_212 : i32
    %rem3A_235 = arith.constant 1 : i32
    %rem3A_236 = arith.remsi %add3A_210, %rem3A_235 : i32
    %dma_wait3A_237 = arith.constant 0 : i32
    %dma_wait3A_238 = arith.constant 0 : i32
    %dma_wait3A_239 = arith.constant 0 : i32
    %dma_wait3A_240 = tpu.memref_slice %arg2[%dma_wait3A_237, %dma_wait3A_238, %dma_wait3A_239] : memref<2x32768x128xf32, #tpu.memory_space<hbm>> -> memref<1x128x128xf32, #tpu.memory_space<hbm>>
    %dma_wait3A_241 = tpu.memref_squeeze %dma_wait3A_240 : memref<1x128x128xf32, #tpu.memory_space<hbm>> -> memref<128x128xf32, #tpu.memory_space<hbm>>
    %dma_wait3A_242 = arith.constant 0 : i32
    %dma_wait3A_243 = arith.constant 0 : i32
    %dma_wait3A_244 = tpu.memref_slice %arg2[%dma_wait3A_237, %dma_wait3A_242, %dma_wait3A_243] : memref<2x32768x128xf32, #tpu.memory_space<hbm>> -> memref<1x128x128xf32, #tpu.memory_space<hbm>>
    %dma_wait3A_245 = tpu.memref_squeeze %dma_wait3A_244 : memref<1x128x128xf32, #tpu.memory_space<hbm>> -> memref<128x128xf32, #tpu.memory_space<hbm>>
    tpu.wait_dma2 semaphore(%arg13 : memref<!tpu.dma_semaphore, #tpu.memory_space<semaphore_mem>>) src(%dma_wait3A_245 : memref<128x128xf32, #tpu.memory_space<hbm>>) dst(%arg7 : memref<128x128xf32, #tpu.memory_space<vmem>>)
    %scan3A_246 = arith.constant 0 : i32
    %scan3A_247 = arith.constant 8 : i32
    %scan3A_248 = arith.addi %scan3A_246, %scan3A_247 : i32
    %scan3A_249 = arith.constant 1 : i32
    %scan3A_250:4 = scf.for %scan3A_302 = %scan3A_246 to %scan3A_248 step %scan3A_249 iter_args(%scan3A_303 = %broadcast_in_dim3A_4, %scan3A_304 = %broadcast_in_dim3A_4, %scan3A_305 = %broadcast_in_dim3A_4, %scan3A_306 = %broadcast_in_dim3A_4) -> (vector<16xf32>, vector<16xf32>, vector<16xf32>, vector<16xf32>)  : i32 {
      %mul3A_307 = arith.constant 128 : i32
      %mul3A_308 = arith.muli %select_n3A_234, %mul3A_307 : i32
      %mul3A_309 = arith.constant 128 : i32
      %mul3A_310 = arith.muli %rem3A_236, %mul3A_309 : i32
      %add3A_311 = arith.addi %mul3A_308, %mul3A_310 : i32
      %mul3A_312 = arith.constant 16 : i32
      %mul3A_313 = arith.muli %scan3A_302, %mul3A_312 : i32
      %add3A_314 = arith.addi %add3A_311, %mul3A_313 : i32
      %get3A_315 = arith.index_cast %add3A_314 : i32 to index
      %get3A_316 = tpu.vector_load %arg8[%get3A_315] {strides = array<i32>} : memref<256xi32, #tpu.memory_space<vmem>>, vector<16xi32>,
      %mul3A_317 = arith.constant 16 : i32
      %mul3A_318 = arith.muli %scan3A_302, %mul3A_317 : i32
      %add3A_319 = arith.constant 0 : i32
      %add3A_320 = arith.addi %mul3A_318, %add3A_319 : i32
      %broadcast_in_dim3A_321 = arith.constant 0 : i32
      %broadcast_in_dim3A_322 = vector.broadcast %broadcast_in_dim3A_321 : i32 to vector<16xi32>
      %lt3A_323 = arith.constant 0 : i32
      %lt3A_324 = vector.broadcast %lt3A_323 : i32 to vector<16xi32>
      %lt3A_325 = arith.cmpi slt, %broadcast_in_dim3A_322, %lt3A_324 : vector<16xi32>
      %add3A_326 = arith.constant 16 : i32
      %add3A_327 = vector.broadcast %add3A_326 : i32 to vector<16xi32>
      %add3A_328 = arith.addi %broadcast_in_dim3A_322, %add3A_327 : vector<16xi32>
      %select_n3A_329 = arith.select %lt3A_325, %add3A_328, %broadcast_in_dim3A_322 : vector<16xi1>, vector<16xi32>
      %reshape3A = vector.shape_cast %select_n3A_329 : vector<16xi32> to vector<16x1xi32>
      %gather3A = vector.shape_cast %reshape3A : vector<16x1xi32> to vector<16xi32>
      %gather3A_330 = tpu.dynamic_gather %get3A_316[%gather3A] in [0] : vector<16xi32>, vector<16xi32> -> vector<16xi32>
      %eq3A = arith.constant 0 : i32
      %eq3A_331 = vector.broadcast %eq3A : i32 to vector<16xi32>
      %eq3A_332 = arith.cmpi eq, %gather3A_330, %eq3A_331 : vector<16xi32>
      %get3A_333 = arith.index_cast %add3A_320 : i32 to index
      %get3A_334 = arith.constant 0 : index
      %get3A_335 = tpu.vector_load %arg7[%get3A_333, %get3A_334] {strides = array<i32>} : memref<128x128xf32, #tpu.memory_space<vmem>>, vector<16xf32>,
      %select_n3A_336 = arith.select %eq3A_332, %get3A_40, %get3A_72 : vector<16xi1>, vector<16xf32>
      %sub3A_337 = arith.subf %get3A_335, %select_n3A_336 : vector<16xf32>
      %mul3A_338 = arith.mulf %sub3A_337, %sub3A_337 : vector<16xf32>
      %add3A_339 = arith.addf %broadcast_in_dim3A_4, %mul3A_338 : vector<16xf32>
      %get3A_340 = arith.index_cast %add3A_320 : i32 to index
      %get3A_341 = arith.constant 16 : index
      %get3A_342 = tpu.vector_load %arg7[%get3A_340, %get3A_341] {strides = array<i32>} : memref<128x128xf32, #tpu.memory_space<vmem>>, vector<16xf32>,
      %select_n3A_343 = arith.select %eq3A_332, %get3A_44, %get3A_76 : vector<16xi1>, vector<16xf32>
      %sub3A_344 = arith.subf %get3A_342, %select_n3A_343 : vector<16xf32>
      %mul3A_345 = arith.mulf %sub3A_344, %sub3A_344 : vector<16xf32>
      %add3A_346 = arith.addf %broadcast_in_dim3A_4, %mul3A_345 : vector<16xf32>
      %get3A_347 = arith.index_cast %add3A_320 : i32 to index
      %get3A_348 = arith.constant 32 : index
      %get3A_349 = tpu.vector_load %arg7[%get3A_347, %get3A_348] {strides = array<i32>} : memref<128x128xf32, #tpu.memory_space<vmem>>, vector<16xf32>,
      %select_n3A_350 = arith.select %eq3A_332, %get3A_48, %get3A_80 : vector<16xi1>, vector<16xf32>
      %sub3A_351 = arith.subf %get3A_349, %select_n3A_350 : vector<16xf32>
      %mul3A_352 = arith.mulf %sub3A_351, %sub3A_351 : vector<16xf32>
      %add3A_353 = arith.addf %add3A_339, %mul3A_352 : vector<16xf32>
      %get3A_354 = arith.index_cast %add3A_320 : i32 to index
      %get3A_355 = arith.constant 48 : index
      %get3A_356 = tpu.vector_load %arg7[%get3A_354, %get3A_355] {strides = array<i32>} : memref<128x128xf32, #tpu.memory_space<vmem>>, vector<16xf32>,
      %select_n3A_357 = arith.select %eq3A_332, %get3A_52, %get3A_84 : vector<16xi1>, vector<16xf32>
      %sub3A_358 = arith.subf %get3A_356, %select_n3A_357 : vector<16xf32>
      %mul3A_359 = arith.mulf %sub3A_358, %sub3A_358 : vector<16xf32>
      %add3A_360 = arith.addf %add3A_346, %mul3A_359 : vector<16xf32>
      %get3A_361 = arith.index_cast %add3A_320 : i32 to index
      %get3A_362 = arith.constant 64 : index
      %get3A_363 = tpu.vector_load %arg7[%get3A_361, %get3A_362] {strides = array<i32>} : memref<128x128xf32, #tpu.memory_space<vmem>>, vector<16xf32>,
      %select_n3A_364 = arith.select %eq3A_332, %get3A_56, %get3A_88 : vector<16xi1>, vector<16xf32>
      %sub3A_365 = arith.subf %get3A_363, %select_n3A_364 : vector<16xf32>
      %mul3A_366 = arith.mulf %sub3A_365, %sub3A_365 : vector<16xf32>
      %add3A_367 = arith.addf %add3A_353, %mul3A_366 : vector<16xf32>
      %get3A_368 = arith.index_cast %add3A_320 : i32 to index
      %get3A_369 = arith.constant 80 : index
      %get3A_370 = tpu.vector_load %arg7[%get3A_368, %get3A_369] {strides = array<i32>} : memref<128x128xf32, #tpu.memory_space<vmem>>, vector<16xf32>,
      %select_n3A_371 = arith.select %eq3A_332, %get3A_60, %get3A_92 : vector<16xi1>, vector<16xf32>
      %sub3A_372 = arith.subf %get3A_370, %select_n3A_371 : vector<16xf32>
      %mul3A_373 = arith.mulf %sub3A_372, %sub3A_372 : vector<16xf32>
      %add3A_374 = arith.addf %add3A_360, %mul3A_373 : vector<16xf32>
      %get3A_375 = arith.index_cast %add3A_320 : i32 to index
      %get3A_376 = arith.constant 96 : index
      %get3A_377 = tpu.vector_load %arg7[%get3A_375, %get3A_376] {strides = array<i32>} : memref<128x128xf32, #tpu.memory_space<vmem>>, vector<16xf32>,
      %select_n3A_378 = arith.select %eq3A_332, %get3A_64, %get3A_96 : vector<16xi1>, vector<16xf32>
      %sub3A_379 = arith.subf %get3A_377, %select_n3A_378 : vector<16xf32>
      %mul3A_380 = arith.mulf %sub3A_379, %sub3A_379 : vector<16xf32>
      %add3A_381 = arith.addf %add3A_367, %mul3A_380 : vector<16xf32>
      %get3A_382 = arith.index_cast %add3A_320 : i32 to index
      %get3A_383 = arith.constant 112 : index
      %get3A_384 = tpu.vector_load %arg7[%get3A_382, %get3A_383] {strides = array<i32>} : memref<128x128xf32, #tpu.memory_space<vmem>>, vector<16xf32>,
      %select_n3A_385 = arith.select %eq3A_332, %get3A_68, %get3A_100 : vector<16xi1>, vector<16xf32>
      %sub3A_386 = arith.subf %get3A_384, %select_n3A_385 : vector<16xf32>
      %mul3A_387 = arith.mulf %sub3A_386, %sub3A_386 : vector<16xf32>
      %add3A_388 = arith.addf %add3A_374, %mul3A_387 : vector<16xf32>
      %add3A_389 = arith.addf %add3A_381, %add3A_388 : vector<16xf32>
      %swap3A_390 = arith.constant 0 : index
      %swap3A_391 = tpu.vector_load %arg10[%swap3A_390] {strides = array<i32>} : memref<256xf32, #tpu.memory_space<vmem>>, vector<16xf32>,
      tpu.vector_store %arg10[%swap3A_390], %add3A_389 {strides = array<i32>} : memref<256xf32, #tpu.memory_space<vmem>>, vector<16xf32>,
      %mul3A_392 = arith.constant 16 : i32
      %mul3A_393 = arith.muli %scan3A_302, %mul3A_392 : i32
      %add3A_394 = arith.constant 1 : i32
      %add3A_395 = arith.addi %mul3A_393, %add3A_394 : i32
      %broadcast_in_dim3A_396 = arith.constant 1 : i32
      %broadcast_in_dim3A_397 = vector.broadcast %broadcast_in_dim3A_396 : i32 to vector<16xi32>
      %lt3A_398 = arith.constant 0 : i32
      %lt3A_399 = vector.broadcast %lt3A_398 : i32 to vector<16xi32>
      %lt3A_400 = arith.cmpi slt, %broadcast_in_dim3A_397, %lt3A_399 : vector<16xi32>
      %add3A_401 = arith.constant 16 : i32
      %add3A_402 = vector.broadcast %add3A_401 : i32 to vector<16xi32>
      %add3A_403 = arith.addi %broadcast_in_dim3A_397, %add3A_402 : vector<16xi32>
      %select_n3A_404 = arith.select %lt3A_400, %add3A_403, %broadcast_in_dim3A_397 : vector<16xi1>, vector<16xi32>
      %reshape3A_405 = vector.shape_cast %select_n3A_404 : vector<16xi32> to vector<16x1xi32>
      %gather3A_406 = vector.shape_cast %reshape3A_405 : vector<16x1xi32> to vector<16xi32>
      %gather3A_407 = tpu.dynamic_gather %get3A_316[%gather3A_406] in [0] : vector<16xi32>, vector<16xi32> -> vector<16xi32>
      %eq3A_408 = arith.constant 0 : i32
      %eq3A_409 = vector.broadcast %eq3A_408 : i32 to vector<16xi32>
      %eq3A_410 = arith.cmpi eq, %gather3A_407, %eq3A_409 : vector<16xi32>
      %get3A_411 = arith.index_cast %add3A_395 : i32 to index
      %get3A_412 = arith.constant 0 : index
      %get3A_413 = tpu.vector_load %arg7[%get3A_411, %get3A_412] {strides = array<i32>} : memref<128x128xf32, #tpu.memory_space<vmem>>, vector<16xf32>,
      %select_n3A_414 = arith.select %eq3A_410, %get3A_40, %get3A_72 : vector<16xi1>, vector<16xf32>
      %sub3A_415 = arith.subf %get3A_413, %select_n3A_414 : vector<16xf32>
      %mul3A_416 = arith.mulf %sub3A_415, %sub3A_415 : vector<16xf32>
      %add3A_417 = arith.addf %broadcast_in_dim3A_4, %mul3A_416 : vector<16xf32>
      %get3A_418 = arith.index_cast %add3A_395 : i32 to index
      %get3A_419 = arith.constant 16 : index
      %get3A_420 = tpu.vector_load %arg7[%get3A_418, %get3A_419] {strides = array<i32>} : memref<128x128xf32, #tpu.memory_space<vmem>>, vector<16xf32>,
      %select_n3A_421 = arith.select %eq3A_410, %get3A_44, %get3A_76 : vector<16xi1>, vector<16xf32>
      %sub3A_422 = arith.subf %get3A_420, %select_n3A_421 : vector<16xf32>
      %mul3A_423 = arith.mulf %sub3A_422, %sub3A_422 : vector<16xf32>
      %add3A_424 = arith.addf %broadcast_in_dim3A_4, %mul3A_423 : vector<16xf32>
      %get3A_425 = arith.index_cast %add3A_395 : i32 to index
      %get3A_426 = arith.constant 32 : index
      %get3A_427 = tpu.vector_load %arg7[%get3A_425, %get3A_426] {strides = array<i32>} : memref<128x128xf32, #tpu.memory_space<vmem>>, vector<16xf32>,
      %select_n3A_428 = arith.select %eq3A_410, %get3A_48, %get3A_80 : vector<16xi1>, vector<16xf32>
      %sub3A_429 = arith.subf %get3A_427, %select_n3A_428 : vector<16xf32>
      %mul3A_430 = arith.mulf %sub3A_429, %sub3A_429 : vector<16xf32>
      %add3A_431 = arith.addf %add3A_417, %mul3A_430 : vector<16xf32>
      %get3A_432 = arith.index_cast %add3A_395 : i32 to index
      %get3A_433 = arith.constant 48 : index
      %get3A_434 = tpu.vector_load %arg7[%get3A_432, %get3A_433] {strides = array<i32>} : memref<128x128xf32, #tpu.memory_space<vmem>>, vector<16xf32>,
      %select_n3A_435 = arith.select %eq3A_410, %get3A_52, %get3A_84 : vector<16xi1>, vector<16xf32>
      %sub3A_436 = arith.subf %get3A_434, %select_n3A_435 : vector<16xf32>
      %mul3A_437 = arith.mulf %sub3A_436, %sub3A_436 : vector<16xf32>
      %add3A_438 = arith.addf %add3A_424, %mul3A_437 : vector<16xf32>
      %get3A_439 = arith.index_cast %add3A_395 : i32 to index
      %get3A_440 = arith.constant 64 : index
      %get3A_441 = tpu.vector_load %arg7[%get3A_439, %get3A_440] {strides = array<i32>} : memref<128x128xf32, #tpu.memory_space<vmem>>, vector<16xf32>,
      %select_n3A_442 = arith.select %eq3A_410, %get3A_56, %get3A_88 : vector<16xi1>, vector<16xf32>
      %sub3A_443 = arith.subf %get3A_441, %select_n3A_442 : vector<16xf32>
      %mul3A_444 = arith.mulf %sub3A_443, %sub3A_443 : vector<16xf32>
      %add3A_445 = arith.addf %add3A_431, %mul3A_444 : vector<16xf32>
      %get3A_446 = arith.index_cast %add3A_395 : i32 to index
      %get3A_447 = arith.constant 80 : index
      %get3A_448 = tpu.vector_load %arg7[%get3A_446, %get3A_447] {strides = array<i32>} : memref<128x128xf32, #tpu.memory_space<vmem>>, vector<16xf32>,
      %select_n3A_449 = arith.select %eq3A_410, %get3A_60, %get3A_92 : vector<16xi1>, vector<16xf32>
      %sub3A_450 = arith.subf %get3A_448, %select_n3A_449 : vector<16xf32>
      %mul3A_451 = arith.mulf %sub3A_450, %sub3A_450 : vector<16xf32>
      %add3A_452 = arith.addf %add3A_438, %mul3A_451 : vector<16xf32>
      %get3A_453 = arith.index_cast %add3A_395 : i32 to index
      %get3A_454 = arith.constant 96 : index
      %get3A_455 = tpu.vector_load %arg7[%get3A_453, %get3A_454] {strides = array<i32>} : memref<128x128xf32, #tpu.memory_space<vmem>>, vector<16xf32>,
      %select_n3A_456 = arith.select %eq3A_410, %get3A_64, %get3A_96 : vector<16xi1>, vector<16xf32>
      %sub3A_457 = arith.subf %get3A_455, %select_n3A_456 : vector<16xf32>
      %mul3A_458 = arith.mulf %sub3A_457, %sub3A_457 : vector<16xf32>
      %add3A_459 = arith.addf %add3A_445, %mul3A_458 : vector<16xf32>
      %get3A_460 = arith.index_cast %add3A_395 : i32 to index
      %get3A_461 = arith.constant 112 : index
      %get3A_462 = tpu.vector_load %arg7[%get3A_460, %get3A_461] {strides = array<i32>} : memref<128x128xf32, #tpu.memory_space<vmem>>, vector<16xf32>,
      %select_n3A_463 = arith.select %eq3A_410, %get3A_68, %get3A_100 : vector<16xi1>, vector<16xf32>
      %sub3A_464 = arith.subf %get3A_462, %select_n3A_463 : vector<16xf32>
      %mul3A_465 = arith.mulf %sub3A_464, %sub3A_464 : vector<16xf32>
      %add3A_466 = arith.addf %add3A_452, %mul3A_465 : vector<16xf32>
      %add3A_467 = arith.addf %add3A_459, %add3A_466 : vector<16xf32>
      %swap3A_468 = arith.constant 16 : index
      %swap3A_469 = tpu.vector_load %arg10[%swap3A_468] {strides = array<i32>} : memref<256xf32, #tpu.memory_space<vmem>>, vector<16xf32>,
      tpu.vector_store %arg10[%swap3A_468], %add3A_467 {strides = array<i32>} : memref<256xf32, #tpu.memory_space<vmem>>, vector<16xf32>,
      %mul3A_470 = arith.constant 16 : i32
      %mul3A_471 = arith.muli %scan3A_302, %mul3A_470 : i32
      %add3A_472 = arith.constant 2 : i32
      %add3A_473 = arith.addi %mul3A_471, %add3A_472 : i32
      %broadcast_in_dim3A_474 = arith.constant 2 : i32
      %broadcast_in_dim3A_475 = vector.broadcast %broadcast_in_dim3A_474 : i32 to vector<16xi32>
      %lt3A_476 = arith.constant 0 : i32
      %lt3A_477 = vector.broadcast %lt3A_476 : i32 to vector<16xi32>
      %lt3A_478 = arith.cmpi slt, %broadcast_in_dim3A_475, %lt3A_477 : vector<16xi32>
      %add3A_479 = arith.constant 16 : i32
      %add3A_480 = vector.broadcast %add3A_479 : i32 to vector<16xi32>
      %add3A_481 = arith.addi %broadcast_in_dim3A_475, %add3A_480 : vector<16xi32>
      %select_n3A_482 = arith.select %lt3A_478, %add3A_481, %broadcast_in_dim3A_475 : vector<16xi1>, vector<16xi32>
      %reshape3A_483 = vector.shape_cast %select_n3A_482 : vector<16xi32> to vector<16x1xi32>
      %gather3A_484 = vector.shape_cast %reshape3A_483 : vector<16x1xi32> to vector<16xi32>
      %gather3A_485 = tpu.dynamic_gather %get3A_316[%gather3A_484] in [0] : vector<16xi32>, vector<16xi32> -> vector<16xi32>
      %eq3A_486 = arith.constant 0 : i32
      %eq3A_487 = vector.broadcast %eq3A_486 : i32 to vector<16xi32>
      %eq3A_488 = arith.cmpi eq, %gather3A_485, %eq3A_487 : vector<16xi32>
      %get3A_489 = arith.index_cast %add3A_473 : i32 to index
      %get3A_490 = arith.constant 0 : index
      %get3A_491 = tpu.vector_load %arg7[%get3A_489, %get3A_490] {strides = array<i32>} : memref<128x128xf32, #tpu.memory_space<vmem>>, vector<16xf32>,
      %select_n3A_492 = arith.select %eq3A_488, %get3A_40, %get3A_72 : vector<16xi1>, vector<16xf32>
      %sub3A_493 = arith.subf %get3A_491, %select_n3A_492 : vector<16xf32>
      %mul3A_494 = arith.mulf %sub3A_493, %sub3A_493 : vector<16xf32>
      %add3A_495 = arith.addf %broadcast_in_dim3A_4, %mul3A_494 : vector<16xf32>
      %get3A_496 = arith.index_cast %add3A_473 : i32 to index
      %get3A_497 = arith.constant 16 : index
      %get3A_498 = tpu.vector_load %arg7[%get3A_496, %get3A_497] {strides = array<i32>} : memref<128x128xf32, #tpu.memory_space<vmem>>, vector<16xf32>,
      %select_n3A_499 = arith.select %eq3A_488, %get3A_44, %get3A_76 : vector<16xi1>, vector<16xf32>
      %sub3A_500 = arith.subf %get3A_498, %select_n3A_499 : vector<16xf32>
      %mul3A_501 = arith.mulf %sub3A_500, %sub3A_500 : vector<16xf32>
      %add3A_502 = arith.addf %broadcast_in_dim3A_4, %mul3A_501 : vector<16xf32>
      %get3A_503 = arith.index_cast %add3A_473 : i32 to index
      %get3A_504 = arith.constant 32 : index
      %get3A_505 = tpu.vector_load %arg7[%get3A_503, %get3A_504] {strides = array<i32>} : memref<128x128xf32, #tpu.memory_space<vmem>>, vector<16xf32>,
      %select_n3A_506 = arith.select %eq3A_488, %get3A_48, %get3A_80 : vector<16xi1>, vector<16xf32>
      %sub3A_507 = arith.subf %get3A_505, %select_n3A_506 : vector<16xf32>
      %mul3A_508 = arith.mulf %sub3A_507, %sub3A_507 : vector<16xf32>
      %add3A_509 = arith.addf %add3A_495, %mul3A_508 : vector<16xf32>
      %get3A_510 = arith.index_cast %add3A_473 : i32 to index
      %get3A_511 = arith.constant 48 : index
      %get3A_512 = tpu.vector_load %arg7[%get3A_510, %get3A_511] {strides = array<i32>} : memref<128x128xf32, #tpu.memory_space<vmem>>, vector<16xf32>,
      %select_n3A_513 = arith.select %eq3A_488, %get3A_52, %get3A_84 : vector<16xi1>, vector<16xf32>
      %sub3A_514 = arith.subf %get3A_512, %select_n3A_513 : vector<16xf32>
      %mul3A_515 = arith.mulf %sub3A_514, %sub3A_514 : vector<16xf32>
      %add3A_516 = arith.addf %add3A_502, %mul3A_515 : vector<16xf32>
      %get3A_517 = arith.index_cast %add3A_473 : i32 to index
      %get3A_518 = arith.constant 64 : index
      %get3A_519 = tpu.vector_load %arg7[%get3A_517, %get3A_518] {strides = array<i32>} : memref<128x128xf32, #tpu.memory_space<vmem>>, vector<16xf32>,
      %select_n3A_520 = arith.select %eq3A_488, %get3A_56, %get3A_88 : vector<16xi1>, vector<16xf32>
      %sub3A_521 = arith.subf %get3A_519, %select_n3A_520 : vector<16xf32>
      %mul3A_522 = arith.mulf %sub3A_521, %sub3A_521 : vector<16xf32>
      %add3A_523 = arith.addf %add3A_509, %mul3A_522 : vector<16xf32>
      %get3A_524 = arith.index_cast %add3A_473 : i32 to index
      %get3A_525 = arith.constant 80 : index
      %get3A_526 = tpu.vector_load %arg7[%get3A_524, %get3A_525] {strides = array<i32>} : memref<128x128xf32, #tpu.memory_space<vmem>>, vector<16xf32>,
      %select_n3A_527 = arith.select %eq3A_488, %get3A_60, %get3A_92 : vector<16xi1>, vector<16xf32>
      %sub3A_528 = arith.subf %get3A_526, %select_n3A_527 : vector<16xf32>
      %mul3A_529 = arith.mulf %sub3A_528, %sub3A_528 : vector<16xf32>
      %add3A_530 = arith.addf %add3A_516, %mul3A_529 : vector<16xf32>
      %get3A_531 = arith.index_cast %add3A_473 : i32 to index
      %get3A_532 = arith.constant 96 : index
      %get3A_533 = tpu.vector_load %arg7[%get3A_531, %get3A_532] {strides = array<i32>} : memref<128x128xf32, #tpu.memory_space<vmem>>, vector<16xf32>,
      %select_n3A_534 = arith.select %eq3A_488, %get3A_64, %get3A_96 : vector<16xi1>, vector<16xf32>
      %sub3A_535 = arith.subf %get3A_533, %select_n3A_534 : vector<16xf32>
      %mul3A_536 = arith.mulf %sub3A_535, %sub3A_535 : vector<16xf32>
      %add3A_537 = arith.addf %add3A_523, %mul3A_536 : vector<16xf32>
      %get3A_538 = arith.index_cast %add3A_473 : i32 to index
      %get3A_539 = arith.constant 112 : index
      %get3A_540 = tpu.vector_load %arg7[%get3A_538, %get3A_539] {strides = array<i32>} : memref<128x128xf32, #tpu.memory_space<vmem>>, vector<16xf32>,
      %select_n3A_541 = arith.select %eq3A_488, %get3A_68, %get3A_100 : vector<16xi1>, vector<16xf32>
      %sub3A_542 = arith.subf %get3A_540, %select_n3A_541 : vector<16xf32>
      %mul3A_543 = arith.mulf %sub3A_542, %sub3A_542 : vector<16xf32>
      %add3A_544 = arith.addf %add3A_530, %mul3A_543 : vector<16xf32>
      %add3A_545 = arith.addf %add3A_537, %add3A_544 : vector<16xf32>
      %swap3A_546 = arith.constant 32 : index
      %swap3A_547 = tpu.vector_load %arg10[%swap3A_546] {strides = array<i32>} : memref<256xf32, #tpu.memory_space<vmem>>, vector<16xf32>,
      tpu.vector_store %arg10[%swap3A_546], %add3A_545 {strides = array<i32>} : memref<256xf32, #tpu.memory_space<vmem>>, vector<16xf32>,
      %mul3A_548 = arith.constant 16 : i32
      %mul3A_549 = arith.muli %scan3A_302, %mul3A_548 : i32
      %add3A_550 = arith.constant 3 : i32
      %add3A_551 = arith.addi %mul3A_549, %add3A_550 : i32
      %broadcast_in_dim3A_552 = arith.constant 3 : i32
      %broadcast_in_dim3A_553 = vector.broadcast %broadcast_in_dim3A_552 : i32 to vector<16xi32>
      %lt3A_554 = arith.constant 0 : i32
      %lt3A_555 = vector.broadcast %lt3A_554 : i32 to vector<16xi32>
      %lt3A_556 = arith.cmpi slt, %broadcast_in_dim3A_553, %lt3A_555 : vector<16xi32>
      %add3A_557 = arith.constant 16 : i32
      %add3A_558 = vector.broadcast %add3A_557 : i32 to vector<16xi32>
      %add3A_559 = arith.addi %broadcast_in_dim3A_553, %add3A_558 : vector<16xi32>
      %select_n3A_560 = arith.select %lt3A_556, %add3A_559, %broadcast_in_dim3A_553 : vector<16xi1>, vector<16xi32>
      %reshape3A_561 = vector.shape_cast %select_n3A_560 : vector<16xi32> to vector<16x1xi32>
      %gather3A_562 = vector.shape_cast %reshape3A_561 : vector<16x1xi32> to vector<16xi32>
      %gather3A_563 = tpu.dynamic_gather %get3A_316[%gather3A_562] in [0] : vector<16xi32>, vector<16xi32> -> vector<16xi32>
      %eq3A_564 = arith.constant 0 : i32
      %eq3A_565 = vector.broadcast %eq3A_564 : i32 to vector<16xi32>
      %eq3A_566 = arith.cmpi eq, %gather3A_563, %eq3A_565 : vector<16xi32>
      %get3A_567 = arith.index_cast %add3A_551 : i32 to index
      %get3A_568 = arith.constant 0 : index
      %get3A_569 = tpu.vector_load %arg7[%get3A_567, %get3A_568] {strides = array<i32>} : memref<128x128xf32, #tpu.memory_space<vmem>>, vector<16xf32>,
      %select_n3A_570 = arith.select %eq3A_566, %get3A_40, %get3A_72 : vector<16xi1>, vector<16xf32>
      %sub3A_571 = arith.subf %get3A_569, %select_n3A_570 : vector<16xf32>
      %mul3A_572 = arith.mulf %sub3A_571, %sub3A_571 : vector<16xf32>
      %add3A_573 = arith.addf %broadcast_in_dim3A_4, %mul3A_572 : vector<16xf32>
      %get3A_574 = arith.index_cast %add3A_551 : i32 to index
      %get3A_575 = arith.constant 16 : index
      %get3A_576 = tpu.vector_load %arg7[%get3A_574, %get3A_575] {strides = array<i32>} : memref<128x128xf32, #tpu.memory_space<vmem>>, vector<16xf32>,
      %select_n3A_577 = arith.select %eq3A_566, %get3A_44, %get3A_76 : vector<16xi1>, vector<16xf32>
      %sub3A_578 = arith.subf %get3A_576, %select_n3A_577 : vector<16xf32>
      %mul3A_579 = arith.mulf %sub3A_578, %sub3A_578 : vector<16xf32>
      %add3A_580 = arith.addf %broadcast_in_dim3A_4, %mul3A_579 : vector<16xf32>
      %get3A_581 = arith.index_cast %add3A_551 : i32 to index
      %get3A_582 = arith.constant 32 : index
      %get3A_583 = tpu.vector_load %arg7[%get3A_581, %get3A_582] {strides = array<i32>} : memref<128x128xf32, #tpu.memory_space<vmem>>, vector<16xf32>,
      %select_n3A_584 = arith.select %eq3A_566, %get3A_48, %get3A_80 : vector<16xi1>, vector<16xf32>
      %sub3A_585 = arith.subf %get3A_583, %select_n3A_584 : vector<16xf32>
      %mul3A_586 = arith.mulf %sub3A_585, %sub3A_585 : vector<16xf32>
      %add3A_587 = arith.addf %add3A_573, %mul3A_586 : vector<16xf32>
      %get3A_588 = arith.index_cast %add3A_551 : i32 to index
      %get3A_589 = arith.constant 48 : index
      %get3A_590 = tpu.vector_load %arg7[%get3A_588, %get3A_589] {strides = array<i32>} : memref<128x128xf32, #tpu.memory_space<vmem>>, vector<16xf32>,
      %select_n3A_591 = arith.select %eq3A_566, %get3A_52, %get3A_84 : vector<16xi1>, vector<16xf32>
      %sub3A_592 = arith.subf %get3A_590, %select_n3A_591 : vector<16xf32>
      %mul3A_593 = arith.mulf %sub3A_592, %sub3A_592 : vector<16xf32>
      %add3A_594 = arith.addf %add3A_580, %mul3A_593 : vector<16xf32>
      %get3A_595 = arith.index_cast %add3A_551 : i32 to index
      %get3A_596 = arith.constant 64 : index
      %get3A_597 = tpu.vector_load %arg7[%get3A_595, %get3A_596] {strides = array<i32>} : memref<128x128xf32, #tpu.memory_space<vmem>>, vector<16xf32>,
      %select_n3A_598 = arith.select %eq3A_566, %get3A_56, %get3A_88 : vector<16xi1>, vector<16xf32>
      %sub3A_599 = arith.subf %get3A_597, %select_n3A_598 : vector<16xf32>
      %mul3A_600 = arith.mulf %sub3A_599, %sub3A_599 : vector<16xf32>
      %add3A_601 = arith.addf %add3A_587, %mul3A_600 : vector<16xf32>
      %get3A_602 = arith.index_cast %add3A_551 : i32 to index
      %get3A_603 = arith.constant 80 : index
      %get3A_604 = tpu.vector_load %arg7[%get3A_602, %get3A_603] {strides = array<i32>} : memref<128x128xf32, #tpu.memory_space<vmem>>, vector<16xf32>,
      %select_n3A_605 = arith.select %eq3A_566, %get3A_60, %get3A_92 : vector<16xi1>, vector<16xf32>
      %sub3A_606 = arith.subf %get3A_604, %select_n3A_605 : vector<16xf32>
      %mul3A_607 = arith.mulf %sub3A_606, %sub3A_606 : vector<16xf32>
      %add3A_608 = arith.addf %add3A_594, %mul3A_607 : vector<16xf32>
      %get3A_609 = arith.index_cast %add3A_551 : i32 to index
      %get3A_610 = arith.constant 96 : index
      %get3A_611 = tpu.vector_load %arg7[%get3A_609, %get3A_610] {strides = array<i32>} : memref<128x128xf32, #tpu.memory_space<vmem>>, vector<16xf32>,
      %select_n3A_612 = arith.select %eq3A_566, %get3A_64, %get3A_96 : vector<16xi1>, vector<16xf32>
      %sub3A_613 = arith.subf %get3A_611, %select_n3A_612 : vector<16xf32>
      %mul3A_614 = arith.mulf %sub3A_613, %sub3A_613 : vector<16xf32>
      %add3A_615 = arith.addf %add3A_601, %mul3A_614 : vector<16xf32>
      %get3A_616 = arith.index_cast %add3A_551 : i32 to index
      %get3A_617 = arith.constant 112 : index
      %get3A_618 = tpu.vector_load %arg7[%get3A_616, %get3A_617] {strides = array<i32>} : memref<128x128xf32, #tpu.memory_space<vmem>>, vector<16xf32>,
      %select_n3A_619 = arith.select %eq3A_566, %get3A_68, %get3A_100 : vector<16xi1>, vector<16xf32>
      %sub3A_620 = arith.subf %get3A_618, %select_n3A_619 : vector<16xf32>
      %mul3A_621 = arith.mulf %sub3A_620, %sub3A_620 : vector<16xf32>
      %add3A_622 = arith.addf %add3A_608, %mul3A_621 : vector<16xf32>
      %add3A_623 = arith.addf %add3A_615, %add3A_622 : vector<16xf32>
      %swap3A_624 = arith.constant 48 : index
      %swap3A_625 = tpu.vector_load %arg10[%swap3A_624] {strides = array<i32>} : memref<256xf32, #tpu.memory_space<vmem>>, vector<16xf32>,
      tpu.vector_store %arg10[%swap3A_624], %add3A_623 {strides = array<i32>} : memref<256xf32, #tpu.memory_space<vmem>>, vector<16xf32>,
      %mul3A_626 = arith.constant 16 : i32
      %mul3A_627 = arith.muli %scan3A_302, %mul3A_626 : i32
      %add3A_628 = arith.constant 4 : i32
      %add3A_629 = arith.addi %mul3A_627, %add3A_628 : i32
      %broadcast_in_dim3A_630 = arith.constant 4 : i32
      %broadcast_in_dim3A_631 = vector.broadcast %broadcast_in_dim3A_630 : i32 to vector<16xi32>
      %lt3A_632 = arith.constant 0 : i32
      %lt3A_633 = vector.broadcast %lt3A_632 : i32 to vector<16xi32>
      %lt3A_634 = arith.cmpi slt, %broadcast_in_dim3A_631, %lt3A_633 : vector<16xi32>
      %add3A_635 = arith.constant 16 : i32
      %add3A_636 = vector.broadcast %add3A_635 : i32 to vector<16xi32>
      %add3A_637 = arith.addi %broadcast_in_dim3A_631, %add3A_636 : vector<16xi32>
      %select_n3A_638 = arith.select %lt3A_634, %add3A_637, %broadcast_in_dim3A_631 : vector<16xi1>, vector<16xi32>
      %reshape3A_639 = vector.shape_cast %select_n3A_638 : vector<16xi32> to vector<16x1xi32>
      %gather3A_640 = vector.shape_cast %reshape3A_639 : vector<16x1xi32> to vector<16xi32>
      %gather3A_641 = tpu.dynamic_gather %get3A_316[%gather3A_640] in [0] : vector<16xi32>, vector<16xi32> -> vector<16xi32>
      %eq3A_642 = arith.constant 0 : i32
      %eq3A_643 = vector.broadcast %eq3A_642 : i32 to vector<16xi32>
      %eq3A_644 = arith.cmpi eq, %gather3A_641, %eq3A_643 : vector<16xi32>
      %get3A_645 = arith.index_cast %add3A_629 : i32 to index
      %get3A_646 = arith.constant 0 : index
      %get3A_647 = tpu.vector_load %arg7[%get3A_645, %get3A_646] {strides = array<i32>} : memref<128x128xf32, #tpu.memory_space<vmem>>, vector<16xf32>,
      %select_n3A_648 = arith.select %eq3A_644, %get3A_40, %get3A_72 : vector<16xi1>, vector<16xf32>
      %sub3A_649 = arith.subf %get3A_647, %select_n3A_648 : vector<16xf32>
      %mul3A_650 = arith.mulf %sub3A_649, %sub3A_649 : vector<16xf32>
      %add3A_651 = arith.addf %broadcast_in_dim3A_4, %mul3A_650 : vector<16xf32>
      %get3A_652 = arith.index_cast %add3A_629 : i32 to index
      %get3A_653 = arith.constant 16 : index
      %get3A_654 = tpu.vector_load %arg7[%get3A_652, %get3A_653] {strides = array<i32>} : memref<128x128xf32, #tpu.memory_space<vmem>>, vector<16xf32>,
      %select_n3A_655 = arith.select %eq3A_644, %get3A_44, %get3A_76 : vector<16xi1>, vector<16xf32>
      %sub3A_656 = arith.subf %get3A_654, %select_n3A_655 : vector<16xf32>
      %mul3A_657 = arith.mulf %sub3A_656, %sub3A_656 : vector<16xf32>
      %add3A_658 = arith.addf %broadcast_in_dim3A_4, %mul3A_657 : vector<16xf32>
      %get3A_659 = arith.index_cast %add3A_629 : i32 to index
      %get3A_660 = arith.constant 32 : index
      %get3A_661 = tpu.vector_load %arg7[%get3A_659, %get3A_660] {strides = array<i32>} : memref<128x128xf32, #tpu.memory_space<vmem>>, vector<16xf32>,
      %select_n3A_662 = arith.select %eq3A_644, %get3A_48, %get3A_80 : vector<16xi1>, vector<16xf32>
      %sub3A_663 = arith.subf %get3A_661, %select_n3A_662 : vector<16xf32>
      %mul3A_664 = arith.mulf %sub3A_663, %sub3A_663 : vector<16xf32>
      %add3A_665 = arith.addf %add3A_651, %mul3A_664 : vector<16xf32>
      %get3A_666 = arith.index_cast %add3A_629 : i32 to index
      %get3A_667 = arith.constant 48 : index
      %get3A_668 = tpu.vector_load %arg7[%get3A_666, %get3A_667] {strides = array<i32>} : memref<128x128xf32, #tpu.memory_space<vmem>>, vector<16xf32>,
      %select_n3A_669 = arith.select %eq3A_644, %get3A_52, %get3A_84 : vector<16xi1>, vector<16xf32>
      %sub3A_670 = arith.subf %get3A_668, %select_n3A_669 : vector<16xf32>
      %mul3A_671 = arith.mulf %sub3A_670, %sub3A_670 : vector<16xf32>
      %add3A_672 = arith.addf %add3A_658, %mul3A_671 : vector<16xf32>
      %get3A_673 = arith.index_cast %add3A_629 : i32 to index
      %get3A_674 = arith.constant 64 : index
      %get3A_675 = tpu.vector_load %arg7[%get3A_673, %get3A_674] {strides = array<i32>} : memref<128x128xf32, #tpu.memory_space<vmem>>, vector<16xf32>,
      %select_n3A_676 = arith.select %eq3A_644, %get3A_56, %get3A_88 : vector<16xi1>, vector<16xf32>
      %sub3A_677 = arith.subf %get3A_675, %select_n3A_676 : vector<16xf32>
      %mul3A_678 = arith.mulf %sub3A_677, %sub3A_677 : vector<16xf32>
      %add3A_679 = arith.addf %add3A_665, %mul3A_678 : vector<16xf32>
      %get3A_680 = arith.index_cast %add3A_629 : i32 to index
      %get3A_681 = arith.constant 80 : index
      %get3A_682 = tpu.vector_load %arg7[%get3A_680, %get3A_681] {strides = array<i32>} : memref<128x128xf32, #tpu.memory_space<vmem>>, vector<16xf32>,
      %select_n3A_683 = arith.select %eq3A_644, %get3A_60, %get3A_92 : vector<16xi1>, vector<16xf32>
      %sub3A_684 = arith.subf %get3A_682, %select_n3A_683 : vector<16xf32>
      %mul3A_685 = arith.mulf %sub3A_684, %sub3A_684 : vector<16xf32>
      %add3A_686 = arith.addf %add3A_672, %mul3A_685 : vector<16xf32>
      %get3A_687 = arith.index_cast %add3A_629 : i32 to index
      %get3A_688 = arith.constant 96 : index
      %get3A_689 = tpu.vector_load %arg7[%get3A_687, %get3A_688] {strides = array<i32>} : memref<128x128xf32, #tpu.memory_space<vmem>>, vector<16xf32>,
      %select_n3A_690 = arith.select %eq3A_644, %get3A_64, %get3A_96 : vector<16xi1>, vector<16xf32>
      %sub3A_691 = arith.subf %get3A_689, %select_n3A_690 : vector<16xf32>
      %mul3A_692 = arith.mulf %sub3A_691, %sub3A_691 : vector<16xf32>
      %add3A_693 = arith.addf %add3A_679, %mul3A_692 : vector<16xf32>
      %get3A_694 = arith.index_cast %add3A_629 : i32 to index
      %get3A_695 = arith.constant 112 : index
      %get3A_696 = tpu.vector_load %arg7[%get3A_694, %get3A_695] {strides = array<i32>} : memref<128x128xf32, #tpu.memory_space<vmem>>, vector<16xf32>,
      %select_n3A_697 = arith.select %eq3A_644, %get3A_68, %get3A_100 : vector<16xi1>, vector<16xf32>
      %sub3A_698 = arith.subf %get3A_696, %select_n3A_697 : vector<16xf32>
      %mul3A_699 = arith.mulf %sub3A_698, %sub3A_698 : vector<16xf32>
      %add3A_700 = arith.addf %add3A_686, %mul3A_699 : vector<16xf32>
      %add3A_701 = arith.addf %add3A_693, %add3A_700 : vector<16xf32>
      %swap3A_702 = arith.constant 64 : index
      %swap3A_703 = tpu.vector_load %arg10[%swap3A_702] {strides = array<i32>} : memref<256xf32, #tpu.memory_space<vmem>>, vector<16xf32>,
      tpu.vector_store %arg10[%swap3A_702], %add3A_701 {strides = array<i32>} : memref<256xf32, #tpu.memory_space<vmem>>, vector<16xf32>,
      %mul3A_704 = arith.constant 16 : i32
      %mul3A_705 = arith.muli %scan3A_302, %mul3A_704 : i32
      %add3A_706 = arith.constant 5 : i32
      %add3A_707 = arith.addi %mul3A_705, %add3A_706 : i32
      %broadcast_in_dim3A_708 = arith.constant 5 : i32
      %broadcast_in_dim3A_709 = vector.broadcast %broadcast_in_dim3A_708 : i32 to vector<16xi32>
      %lt3A_710 = arith.constant 0 : i32
      %lt3A_711 = vector.broadcast %lt3A_710 : i32 to vector<16xi32>
      %lt3A_712 = arith.cmpi slt, %broadcast_in_dim3A_709, %lt3A_711 : vector<16xi32>
      %add3A_713 = arith.constant 16 : i32
      %add3A_714 = vector.broadcast %add3A_713 : i32 to vector<16xi32>
      %add3A_715 = arith.addi %broadcast_in_dim3A_709, %add3A_714 : vector<16xi32>
      %select_n3A_716 = arith.select %lt3A_712, %add3A_715, %broadcast_in_dim3A_709 : vector<16xi1>, vector<16xi32>
      %reshape3A_717 = vector.shape_cast %select_n3A_716 : vector<16xi32> to vector<16x1xi32>
      %gather3A_718 = vector.shape_cast %reshape3A_717 : vector<16x1xi32> to vector<16xi32>
      %gather3A_719 = tpu.dynamic_gather %get3A_316[%gather3A_718] in [0] : vector<16xi32>, vector<16xi32> -> vector<16xi32>
      %eq3A_720 = arith.constant 0 : i32
      %eq3A_721 = vector.broadcast %eq3A_720 : i32 to vector<16xi32>
      %eq3A_722 = arith.cmpi eq, %gather3A_719, %eq3A_721 : vector<16xi32>
      %get3A_723 = arith.index_cast %add3A_707 : i32 to index
      %get3A_724 = arith.constant 0 : index
      %get3A_725 = tpu.vector_load %arg7[%get3A_723, %get3A_724] {strides = array<i32>} : memref<128x128xf32, #tpu.memory_space<vmem>>, vector<16xf32>,
      %select_n3A_726 = arith.select %eq3A_722, %get3A_40, %get3A_72 : vector<16xi1>, vector<16xf32>
      %sub3A_727 = arith.subf %get3A_725, %select_n3A_726 : vector<16xf32>
      %mul3A_728 = arith.mulf %sub3A_727, %sub3A_727 : vector<16xf32>
      %add3A_729 = arith.addf %broadcast_in_dim3A_4, %mul3A_728 : vector<16xf32>
      %get3A_730 = arith.index_cast %add3A_707 : i32 to index
      %get3A_731 = arith.constant 16 : index
      %get3A_732 = tpu.vector_load %arg7[%get3A_730, %get3A_731] {strides = array<i32>} : memref<128x128xf32, #tpu.memory_space<vmem>>, vector<16xf32>,
      %select_n3A_733 = arith.select %eq3A_722, %get3A_44, %get3A_76 : vector<16xi1>, vector<16xf32>
      %sub3A_734 = arith.subf %get3A_732, %select_n3A_733 : vector<16xf32>
      %mul3A_735 = arith.mulf %sub3A_734, %sub3A_734 : vector<16xf32>
      %add3A_736 = arith.addf %broadcast_in_dim3A_4, %mul3A_735 : vector<16xf32>
      %get3A_737 = arith.index_cast %add3A_707 : i32 to index
      %get3A_738 = arith.constant 32 : index
      %get3A_739 = tpu.vector_load %arg7[%get3A_737, %get3A_738] {strides = array<i32>} : memref<128x128xf32, #tpu.memory_space<vmem>>, vector<16xf32>,
      %select_n3A_740 = arith.select %eq3A_722, %get3A_48, %get3A_80 : vector<16xi1>, vector<16xf32>
      %sub3A_741 = arith.subf %get3A_739, %select_n3A_740 : vector<16xf32>
      %mul3A_742 = arith.mulf %sub3A_741, %sub3A_741 : vector<16xf32>
      %add3A_743 = arith.addf %add3A_729, %mul3A_742 : vector<16xf32>
      %get3A_744 = arith.index_cast %add3A_707 : i32 to index
      %get3A_745 = arith.constant 48 : index
      %get3A_746 = tpu.vector_load %arg7[%get3A_744, %get3A_745] {strides = array<i32>} : memref<128x128xf32, #tpu.memory_space<vmem>>, vector<16xf32>,
      %select_n3A_747 = arith.select %eq3A_722, %get3A_52, %get3A_84 : vector<16xi1>, vector<16xf32>
      %sub3A_748 = arith.subf %get3A_746, %select_n3A_747 : vector<16xf32>
      %mul3A_749 = arith.mulf %sub3A_748, %sub3A_748 : vector<16xf32>
      %add3A_750 = arith.addf %add3A_736, %mul3A_749 : vector<16xf32>
      %get3A_751 = arith.index_cast %add3A_707 : i32 to index
      %get3A_752 = arith.constant 64 : index
      %get3A_753 = tpu.vector_load %arg7[%get3A_751, %get3A_752] {strides = array<i32>} : memref<128x128xf32, #tpu.memory_space<vmem>>, vector<16xf32>,
      %select_n3A_754 = arith.select %eq3A_722, %get3A_56, %get3A_88 : vector<16xi1>, vector<16xf32>
      %sub3A_755 = arith.subf %get3A_753, %select_n3A_754 : vector<16xf32>
      %mul3A_756 = arith.mulf %sub3A_755, %sub3A_755 : vector<16xf32>
      %add3A_757 = arith.addf %add3A_743, %mul3A_756 : vector<16xf32>
      %get3A_758 = arith.index_cast %add3A_707 : i32 to index
      %get3A_759 = arith.constant 80 : index
      %get3A_760 = tpu.vector_load %arg7[%get3A_758, %get3A_759] {strides = array<i32>} : memref<128x128xf32, #tpu.memory_space<vmem>>, vector<16xf32>,
      %select_n3A_761 = arith.select %eq3A_722, %get3A_60, %get3A_92 : vector<16xi1>, vector<16xf32>
      %sub3A_762 = arith.subf %get3A_760, %select_n3A_761 : vector<16xf32>
      %mul3A_763 = arith.mulf %sub3A_762, %sub3A_762 : vector<16xf32>
      %add3A_764 = arith.addf %add3A_750, %mul3A_763 : vector<16xf32>
      %get3A_765 = arith.index_cast %add3A_707 : i32 to index
      %get3A_766 = arith.constant 96 : index
      %get3A_767 = tpu.vector_load %arg7[%get3A_765, %get3A_766] {strides = array<i32>} : memref<128x128xf32, #tpu.memory_space<vmem>>, vector<16xf32>,
      %select_n3A_768 = arith.select %eq3A_722, %get3A_64, %get3A_96 : vector<16xi1>, vector<16xf32>
      %sub3A_769 = arith.subf %get3A_767, %select_n3A_768 : vector<16xf32>
      %mul3A_770 = arith.mulf %sub3A_769, %sub3A_769 : vector<16xf32>
      %add3A_771 = arith.addf %add3A_757, %mul3A_770 : vector<16xf32>
      %get3A_772 = arith.index_cast %add3A_707 : i32 to index
      %get3A_773 = arith.constant 112 : index
      %get3A_774 = tpu.vector_load %arg7[%get3A_772, %get3A_773] {strides = array<i32>} : memref<128x128xf32, #tpu.memory_space<vmem>>, vector<16xf32>,
      %select_n3A_775 = arith.select %eq3A_722, %get3A_68, %get3A_100 : vector<16xi1>, vector<16xf32>
      %sub3A_776 = arith.subf %get3A_774, %select_n3A_775 : vector<16xf32>
      %mul3A_777 = arith.mulf %sub3A_776, %sub3A_776 : vector<16xf32>
      %add3A_778 = arith.addf %add3A_764, %mul3A_777 : vector<16xf32>
      %add3A_779 = arith.addf %add3A_771, %add3A_778 : vector<16xf32>
      %swap3A_780 = arith.constant 80 : index
      %swap3A_781 = tpu.vector_load %arg10[%swap3A_780] {strides = array<i32>} : memref<256xf32, #tpu.memory_space<vmem>>, vector<16xf32>,
      tpu.vector_store %arg10[%swap3A_780], %add3A_779 {strides = array<i32>} : memref<256xf32, #tpu.memory_space<vmem>>, vector<16xf32>,
      %mul3A_782 = arith.constant 16 : i32
      %mul3A_783 = arith.muli %scan3A_302, %mul3A_782 : i32
      %add3A_784 = arith.constant 6 : i32
      %add3A_785 = arith.addi %mul3A_783, %add3A_784 : i32
      %broadcast_in_dim3A_786 = arith.constant 6 : i32
      %broadcast_in_dim3A_787 = vector.broadcast %broadcast_in_dim3A_786 : i32 to vector<16xi32>
      %lt3A_788 = arith.constant 0 : i32
      %lt3A_789 = vector.broadcast %lt3A_788 : i32 to vector<16xi32>
      %lt3A_790 = arith.cmpi slt, %broadcast_in_dim3A_787, %lt3A_789 : vector<16xi32>
      %add3A_791 = arith.constant 16 : i32
      %add3A_792 = vector.broadcast %add3A_791 : i32 to vector<16xi32>
      %add3A_793 = arith.addi %broadcast_in_dim3A_787, %add3A_792 : vector<16xi32>
      %select_n3A_794 = arith.select %lt3A_790, %add3A_793, %broadcast_in_dim3A_787 : vector<16xi1>, vector<16xi32>
      %reshape3A_795 = vector.shape_cast %select_n3A_794 : vector<16xi32> to vector<16x1xi32>
      %gather3A_796 = vector.shape_cast %reshape3A_795 : vector<16x1xi32> to vector<16xi32>
      %gather3A_797 = tpu.dynamic_gather %get3A_316[%gather3A_796] in [0] : vector<16xi32>, vector<16xi32> -> vector<16xi32>
      %eq3A_798 = arith.constant 0 : i32
      %eq3A_799 = vector.broadcast %eq3A_798 : i32 to vector<16xi32>
      %eq3A_800 = arith.cmpi eq, %gather3A_797, %eq3A_799 : vector<16xi32>
      %get3A_801 = arith.index_cast %add3A_785 : i32 to index
      %get3A_802 = arith.constant 0 : index
      %get3A_803 = tpu.vector_load %arg7[%get3A_801, %get3A_802] {strides = array<i32>} : memref<128x128xf32, #tpu.memory_space<vmem>>, vector<16xf32>,
      %select_n3A_804 = arith.select %eq3A_800, %get3A_40, %get3A_72 : vector<16xi1>, vector<16xf32>
      %sub3A_805 = arith.subf %get3A_803, %select_n3A_804 : vector<16xf32>
      %mul3A_806 = arith.mulf %sub3A_805, %sub3A_805 : vector<16xf32>
      %add3A_807 = arith.addf %broadcast_in_dim3A_4, %mul3A_806 : vector<16xf32>
      %get3A_808 = arith.index_cast %add3A_785 : i32 to index
      %get3A_809 = arith.constant 16 : index
      %get3A_810 = tpu.vector_load %arg7[%get3A_808, %get3A_809] {strides = array<i32>} : memref<128x128xf32, #tpu.memory_space<vmem>>, vector<16xf32>,
      %select_n3A_811 = arith.select %eq3A_800, %get3A_44, %get3A_76 : vector<16xi1>, vector<16xf32>
      %sub3A_812 = arith.subf %get3A_810, %select_n3A_811 : vector<16xf32>
      %mul3A_813 = arith.mulf %sub3A_812, %sub3A_812 : vector<16xf32>
      %add3A_814 = arith.addf %broadcast_in_dim3A_4, %mul3A_813 : vector<16xf32>
      %get3A_815 = arith.index_cast %add3A_785 : i32 to index
      %get3A_816 = arith.constant 32 : index
      %get3A_817 = tpu.vector_load %arg7[%get3A_815, %get3A_816] {strides = array<i32>} : memref<128x128xf32, #tpu.memory_space<vmem>>, vector<16xf32>,
      %select_n3A_818 = arith.select %eq3A_800, %get3A_48, %get3A_80 : vector<16xi1>, vector<16xf32>
      %sub3A_819 = arith.subf %get3A_817, %select_n3A_818 : vector<16xf32>
      %mul3A_820 = arith.mulf %sub3A_819, %sub3A_819 : vector<16xf32>
      %add3A_821 = arith.addf %add3A_807, %mul3A_820 : vector<16xf32>
      %get3A_822 = arith.index_cast %add3A_785 : i32 to index
      %get3A_823 = arith.constant 48 : index
      %get3A_824 = tpu.vector_load %arg7[%get3A_822, %get3A_823] {strides = array<i32>} : memref<128x128xf32, #tpu.memory_space<vmem>>, vector<16xf32>,
      %select_n3A_825 = arith.select %eq3A_800, %get3A_52, %get3A_84 : vector<16xi1>, vector<16xf32>
      %sub3A_826 = arith.subf %get3A_824, %select_n3A_825 : vector<16xf32>
      %mul3A_827 = arith.mulf %sub3A_826, %sub3A_826 : vector<16xf32>
      %add3A_828 = arith.addf %add3A_814, %mul3A_827 : vector<16xf32>
      %get3A_829 = arith.index_cast %add3A_785 : i32 to index
      %get3A_830 = arith.constant 64 : index
      %get3A_831 = tpu.vector_load %arg7[%get3A_829, %get3A_830] {strides = array<i32>} : memref<128x128xf32, #tpu.memory_space<vmem>>, vector<16xf32>,
      %select_n3A_832 = arith.select %eq3A_800, %get3A_56, %get3A_88 : vector<16xi1>, vector<16xf32>
      %sub3A_833 = arith.subf %get3A_831, %select_n3A_832 : vector<16xf32>
      %mul3A_834 = arith.mulf %sub3A_833, %sub3A_833 : vector<16xf32>
      %add3A_835 = arith.addf %add3A_821, %mul3A_834 : vector<16xf32>
      %get3A_836 = arith.index_cast %add3A_785 : i32 to index
      %get3A_837 = arith.constant 80 : index
      %get3A_838 = tpu.vector_load %arg7[%get3A_836, %get3A_837] {strides = array<i32>} : memref<128x128xf32, #tpu.memory_space<vmem>>, vector<16xf32>,
      %select_n3A_839 = arith.select %eq3A_800, %get3A_60, %get3A_92 : vector<16xi1>, vector<16xf32>
      %sub3A_840 = arith.subf %get3A_838, %select_n3A_839 : vector<16xf32>
      %mul3A_841 = arith.mulf %sub3A_840, %sub3A_840 : vector<16xf32>
      %add3A_842 = arith.addf %add3A_828, %mul3A_841 : vector<16xf32>
      %get3A_843 = arith.index_cast %add3A_785 : i32 to index
      %get3A_844 = arith.constant 96 : index
      %get3A_845 = tpu.vector_load %arg7[%get3A_843, %get3A_844] {strides = array<i32>} : memref<128x128xf32, #tpu.memory_space<vmem>>, vector<16xf32>,
      %select_n3A_846 = arith.select %eq3A_800, %get3A_64, %get3A_96 : vector<16xi1>, vector<16xf32>
      %sub3A_847 = arith.subf %get3A_845, %select_n3A_846 : vector<16xf32>
      %mul3A_848 = arith.mulf %sub3A_847, %sub3A_847 : vector<16xf32>
      %add3A_849 = arith.addf %add3A_835, %mul3A_848 : vector<16xf32>
      %get3A_850 = arith.index_cast %add3A_785 : i32 to index
      %get3A_851 = arith.constant 112 : index
      %get3A_852 = tpu.vector_load %arg7[%get3A_850, %get3A_851] {strides = array<i32>} : memref<128x128xf32, #tpu.memory_space<vmem>>, vector<16xf32>,
      %select_n3A_853 = arith.select %eq3A_800, %get3A_68, %get3A_100 : vector<16xi1>, vector<16xf32>
      %sub3A_854 = arith.subf %get3A_852, %select_n3A_853 : vector<16xf32>
      %mul3A_855 = arith.mulf %sub3A_854, %sub3A_854 : vector<16xf32>
      %add3A_856 = arith.addf %add3A_842, %mul3A_855 : vector<16xf32>
      %add3A_857 = arith.addf %add3A_849, %add3A_856 : vector<16xf32>
      %swap3A_858 = arith.constant 96 : index
      %swap3A_859 = tpu.vector_load %arg10[%swap3A_858] {strides = array<i32>} : memref<256xf32, #tpu.memory_space<vmem>>, vector<16xf32>,
      tpu.vector_store %arg10[%swap3A_858], %add3A_857 {strides = array<i32>} : memref<256xf32, #tpu.memory_space<vmem>>, vector<16xf32>,
      %mul3A_860 = arith.constant 16 : i32
      %mul3A_861 = arith.muli %scan3A_302, %mul3A_860 : i32
      %add3A_862 = arith.constant 7 : i32
      %add3A_863 = arith.addi %mul3A_861, %add3A_862 : i32
      %broadcast_in_dim3A_864 = arith.constant 7 : i32
      %broadcast_in_dim3A_865 = vector.broadcast %broadcast_in_dim3A_864 : i32 to vector<16xi32>
      %lt3A_866 = arith.constant 0 : i32
      %lt3A_867 = vector.broadcast %lt3A_866 : i32 to vector<16xi32>
      %lt3A_868 = arith.cmpi slt, %broadcast_in_dim3A_865, %lt3A_867 : vector<16xi32>
      %add3A_869 = arith.constant 16 : i32
      %add3A_870 = vector.broadcast %add3A_869 : i32 to vector<16xi32>
      %add3A_871 = arith.addi %broadcast_in_dim3A_865, %add3A_870 : vector<16xi32>
      %select_n3A_872 = arith.select %lt3A_868, %add3A_871, %broadcast_in_dim3A_865 : vector<16xi1>, vector<16xi32>
      %reshape3A_873 = vector.shape_cast %select_n3A_872 : vector<16xi32> to vector<16x1xi32>
      %gather3A_874 = vector.shape_cast %reshape3A_873 : vector<16x1xi32> to vector<16xi32>
      %gather3A_875 = tpu.dynamic_gather %get3A_316[%gather3A_874] in [0] : vector<16xi32>, vector<16xi32> -> vector<16xi32>
      %eq3A_876 = arith.constant 0 : i32
      %eq3A_877 = vector.broadcast %eq3A_876 : i32 to vector<16xi32>
      %eq3A_878 = arith.cmpi eq, %gather3A_875, %eq3A_877 : vector<16xi32>
      %get3A_879 = arith.index_cast %add3A_863 : i32 to index
      %get3A_880 = arith.constant 0 : index
      %get3A_881 = tpu.vector_load %arg7[%get3A_879, %get3A_880] {strides = array<i32>} : memref<128x128xf32, #tpu.memory_space<vmem>>, vector<16xf32>,
      %select_n3A_882 = arith.select %eq3A_878, %get3A_40, %get3A_72 : vector<16xi1>, vector<16xf32>
      %sub3A_883 = arith.subf %get3A_881, %select_n3A_882 : vector<16xf32>
      %mul3A_884 = arith.mulf %sub3A_883, %sub3A_883 : vector<16xf32>
      %add3A_885 = arith.addf %broadcast_in_dim3A_4, %mul3A_884 : vector<16xf32>
      %get3A_886 = arith.index_cast %add3A_863 : i32 to index
      %get3A_887 = arith.constant 16 : index
      %get3A_888 = tpu.vector_load %arg7[%get3A_886, %get3A_887] {strides = array<i32>} : memref<128x128xf32, #tpu.memory_space<vmem>>, vector<16xf32>,
      %select_n3A_889 = arith.select %eq3A_878, %get3A_44, %get3A_76 : vector<16xi1>, vector<16xf32>
      %sub3A_890 = arith.subf %get3A_888, %select_n3A_889 : vector<16xf32>
      %mul3A_891 = arith.mulf %sub3A_890, %sub3A_890 : vector<16xf32>
      %add3A_892 = arith.addf %broadcast_in_dim3A_4, %mul3A_891 : vector<16xf32>
      %get3A_893 = arith.index_cast %add3A_863 : i32 to index
      %get3A_894 = arith.constant 32 : index
      %get3A_895 = tpu.vector_load %arg7[%get3A_893, %get3A_894] {strides = array<i32>} : memref<128x128xf32, #tpu.memory_space<vmem>>, vector<16xf32>,
      %select_n3A_896 = arith.select %eq3A_878, %get3A_48, %get3A_80 : vector<16xi1>, vector<16xf32>
      %sub3A_897 = arith.subf %get3A_895, %select_n3A_896 : vector<16xf32>
      %mul3A_898 = arith.mulf %sub3A_897, %sub3A_897 : vector<16xf32>
      %add3A_899 = arith.addf %add3A_885, %mul3A_898 : vector<16xf32>
      %get3A_900 = arith.index_cast %add3A_863 : i32 to index
      %get3A_901 = arith.constant 48 : index
      %get3A_902 = tpu.vector_load %arg7[%get3A_900, %get3A_901] {strides = array<i32>} : memref<128x128xf32, #tpu.memory_space<vmem>>, vector<16xf32>,
      %select_n3A_903 = arith.select %eq3A_878, %get3A_52, %get3A_84 : vector<16xi1>, vector<16xf32>
      %sub3A_904 = arith.subf %get3A_902, %select_n3A_903 : vector<16xf32>
      %mul3A_905 = arith.mulf %sub3A_904, %sub3A_904 : vector<16xf32>
      %add3A_906 = arith.addf %add3A_892, %mul3A_905 : vector<16xf32>
      %get3A_907 = arith.index_cast %add3A_863 : i32 to index
      %get3A_908 = arith.constant 64 : index
      %get3A_909 = tpu.vector_load %arg7[%get3A_907, %get3A_908] {strides = array<i32>} : memref<128x128xf32, #tpu.memory_space<vmem>>, vector<16xf32>,
      %select_n3A_910 = arith.select %eq3A_878, %get3A_56, %get3A_88 : vector<16xi1>, vector<16xf32>
      %sub3A_911 = arith.subf %get3A_909, %select_n3A_910 : vector<16xf32>
      %mul3A_912 = arith.mulf %sub3A_911, %sub3A_911 : vector<16xf32>
      %add3A_913 = arith.addf %add3A_899, %mul3A_912 : vector<16xf32>
      %get3A_914 = arith.index_cast %add3A_863 : i32 to index
      %get3A_915 = arith.constant 80 : index
      %get3A_916 = tpu.vector_load %arg7[%get3A_914, %get3A_915] {strides = array<i32>} : memref<128x128xf32, #tpu.memory_space<vmem>>, vector<16xf32>,
      %select_n3A_917 = arith.select %eq3A_878, %get3A_60, %get3A_92 : vector<16xi1>, vector<16xf32>
      %sub3A_918 = arith.subf %get3A_916, %select_n3A_917 : vector<16xf32>
      %mul3A_919 = arith.mulf %sub3A_918, %sub3A_918 : vector<16xf32>
      %add3A_920 = arith.addf %add3A_906, %mul3A_919 : vector<16xf32>
      %get3A_921 = arith.index_cast %add3A_863 : i32 to index
      %get3A_922 = arith.constant 96 : index
      %get3A_923 = tpu.vector_load %arg7[%get3A_921, %get3A_922] {strides = array<i32>} : memref<128x128xf32, #tpu.memory_space<vmem>>, vector<16xf32>,
      %select_n3A_924 = arith.select %eq3A_878, %get3A_64, %get3A_96 : vector<16xi1>, vector<16xf32>
      %sub3A_925 = arith.subf %get3A_923, %select_n3A_924 : vector<16xf32>
      %mul3A_926 = arith.mulf %sub3A_925, %sub3A_925 : vector<16xf32>
      %add3A_927 = arith.addf %add3A_913, %mul3A_926 : vector<16xf32>
      %get3A_928 = arith.index_cast %add3A_863 : i32 to index
      %get3A_929 = arith.constant 112 : index
      %get3A_930 = tpu.vector_load %arg7[%get3A_928, %get3A_929] {strides = array<i32>} : memref<128x128xf32, #tpu.memory_space<vmem>>, vector<16xf32>,
      %select_n3A_931 = arith.select %eq3A_878, %get3A_68, %get3A_100 : vector<16xi1>, vector<16xf32>
      %sub3A_932 = arith.subf %get3A_930, %select_n3A_931 : vector<16xf32>
      %mul3A_933 = arith.mulf %sub3A_932, %sub3A_932 : vector<16xf32>
      %add3A_934 = arith.addf %add3A_920, %mul3A_933 : vector<16xf32>
      %add3A_935 = arith.addf %add3A_927, %add3A_934 : vector<16xf32>
      %swap3A_936 = arith.constant 112 : index
      %swap3A_937 = tpu.vector_load %arg10[%swap3A_936] {strides = array<i32>} : memref<256xf32, #tpu.memory_space<vmem>>, vector<16xf32>,
      tpu.vector_store %arg10[%swap3A_936], %add3A_935 {strides = array<i32>} : memref<256xf32, #tpu.memory_space<vmem>>, vector<16xf32>,
      %mul3A_938 = arith.constant 16 : i32
      %mul3A_939 = arith.muli %scan3A_302, %mul3A_938 : i32
      %add3A_940 = arith.constant 8 : i32
      %add3A_941 = arith.addi %mul3A_939, %add3A_940 : i32
      %broadcast_in_dim3A_942 = arith.constant 8 : i32
      %broadcast_in_dim3A_943 = vector.broadcast %broadcast_in_dim3A_942 : i32 to vector<16xi32>
      %lt3A_944 = arith.constant 0 : i32
      %lt3A_945 = vector.broadcast %lt3A_944 : i32 to vector<16xi32>
      %lt3A_946 = arith.cmpi slt, %broadcast_in_dim3A_943, %lt3A_945 : vector<16xi32>
      %add3A_947 = arith.constant 16 : i32
      %add3A_948 = vector.broadcast %add3A_947 : i32 to vector<16xi32>
      %add3A_949 = arith.addi %broadcast_in_dim3A_943, %add3A_948 : vector<16xi32>
      %select_n3A_950 = arith.select %lt3A_946, %add3A_949, %broadcast_in_dim3A_943 : vector<16xi1>, vector<16xi32>
      %reshape3A_951 = vector.shape_cast %select_n3A_950 : vector<16xi32> to vector<16x1xi32>
      %gather3A_952 = vector.shape_cast %reshape3A_951 : vector<16x1xi32> to vector<16xi32>
      %gather3A_953 = tpu.dynamic_gather %get3A_316[%gather3A_952] in [0] : vector<16xi32>, vector<16xi32> -> vector<16xi32>
      %eq3A_954 = arith.constant 0 : i32
      %eq3A_955 = vector.broadcast %eq3A_954 : i32 to vector<16xi32>
      %eq3A_956 = arith.cmpi eq, %gather3A_953, %eq3A_955 : vector<16xi32>
      %get3A_957 = arith.index_cast %add3A_941 : i32 to index
      %get3A_958 = arith.constant 0 : index
      %get3A_959 = tpu.vector_load %arg7[%get3A_957, %get3A_958] {strides = array<i32>} : memref<128x128xf32, #tpu.memory_space<vmem>>, vector<16xf32>,
      %select_n3A_960 = arith.select %eq3A_956, %get3A_40, %get3A_72 : vector<16xi1>, vector<16xf32>
      %sub3A_961 = arith.subf %get3A_959, %select_n3A_960 : vector<16xf32>
      %mul3A_962 = arith.mulf %sub3A_961, %sub3A_961 : vector<16xf32>
      %add3A_963 = arith.addf %broadcast_in_dim3A_4, %mul3A_962 : vector<16xf32>
      %get3A_964 = arith.index_cast %add3A_941 : i32 to index
      %get3A_965 = arith.constant 16 : index
      %get3A_966 = tpu.vector_load %arg7[%get3A_964, %get3A_965] {strides = array<i32>} : memref<128x128xf32, #tpu.memory_space<vmem>>, vector<16xf32>,
      %select_n3A_967 = arith.select %eq3A_956, %get3A_44, %get3A_76 : vector<16xi1>, vector<16xf32>
      %sub3A_968 = arith.subf %get3A_966, %select_n3A_967 : vector<16xf32>
      %mul3A_969 = arith.mulf %sub3A_968, %sub3A_968 : vector<16xf32>
      %add3A_970 = arith.addf %broadcast_in_dim3A_4, %mul3A_969 : vector<16xf32>
      %get3A_971 = arith.index_cast %add3A_941 : i32 to index
      %get3A_972 = arith.constant 32 : index
      %get3A_973 = tpu.vector_load %arg7[%get3A_971, %get3A_972] {strides = array<i32>} : memref<128x128xf32, #tpu.memory_space<vmem>>, vector<16xf32>,
      %select_n3A_974 = arith.select %eq3A_956, %get3A_48, %get3A_80 : vector<16xi1>, vector<16xf32>
      %sub3A_975 = arith.subf %get3A_973, %select_n3A_974 : vector<16xf32>
      %mul3A_976 = arith.mulf %sub3A_975, %sub3A_975 : vector<16xf32>
      %add3A_977 = arith.addf %add3A_963, %mul3A_976 : vector<16xf32>
      %get3A_978 = arith.index_cast %add3A_941 : i32 to index
      %get3A_979 = arith.constant 48 : index
      %get3A_980 = tpu.vector_load %arg7[%get3A_978, %get3A_979] {strides = array<i32>} : memref<128x128xf32, #tpu.memory_space<vmem>>, vector<16xf32>,
      %select_n3A_981 = arith.select %eq3A_956, %get3A_52, %get3A_84 : vector<16xi1>, vector<16xf32>
      %sub3A_982 = arith.subf %get3A_980, %select_n3A_981 : vector<16xf32>
      %mul3A_983 = arith.mulf %sub3A_982, %sub3A_982 : vector<16xf32>
      %add3A_984 = arith.addf %add3A_970, %mul3A_983 : vector<16xf32>
      %get3A_985 = arith.index_cast %add3A_941 : i32 to index
      %get3A_986 = arith.constant 64 : index
      %get3A_987 = tpu.vector_load %arg7[%get3A_985, %get3A_986] {strides = array<i32>} : memref<128x128xf32, #tpu.memory_space<vmem>>, vector<16xf32>,
      %select_n3A_988 = arith.select %eq3A_956, %get3A_56, %get3A_88 : vector<16xi1>, vector<16xf32>
      %sub3A_989 = arith.subf %get3A_987, %select_n3A_988 : vector<16xf32>
      %mul3A_990 = arith.mulf %sub3A_989, %sub3A_989 : vector<16xf32>
      %add3A_991 = arith.addf %add3A_977, %mul3A_990 : vector<16xf32>
      %get3A_992 = arith.index_cast %add3A_941 : i32 to index
      %get3A_993 = arith.constant 80 : index
      %get3A_994 = tpu.vector_load %arg7[%get3A_992, %get3A_993] {strides = array<i32>} : memref<128x128xf32, #tpu.memory_space<vmem>>, vector<16xf32>,
      %select_n3A_995 = arith.select %eq3A_956, %get3A_60, %get3A_92 : vector<16xi1>, vector<16xf32>
      %sub3A_996 = arith.subf %get3A_994, %select_n3A_995 : vector<16xf32>
      %mul3A_997 = arith.mulf %sub3A_996, %sub3A_996 : vector<16xf32>
      %add3A_998 = arith.addf %add3A_984, %mul3A_997 : vector<16xf32>
      %get3A_999 = arith.index_cast %add3A_941 : i32 to index
      %get3A_1000 = arith.constant 96 : index
      %get3A_1001 = tpu.vector_load %arg7[%get3A_999, %get3A_1000] {strides = array<i32>} : memref<128x128xf32, #tpu.memory_space<vmem>>, vector<16xf32>,
      %select_n3A_1002 = arith.select %eq3A_956, %get3A_64, %get3A_96 : vector<16xi1>, vector<16xf32>
      %sub3A_1003 = arith.subf %get3A_1001, %select_n3A_1002 : vector<16xf32>
      %mul3A_1004 = arith.mulf %sub3A_1003, %sub3A_1003 : vector<16xf32>
      %add3A_1005 = arith.addf %add3A_991, %mul3A_1004 : vector<16xf32>
      %get3A_1006 = arith.index_cast %add3A_941 : i32 to index
      %get3A_1007 = arith.constant 112 : index
      %get3A_1008 = tpu.vector_load %arg7[%get3A_1006, %get3A_1007] {strides = array<i32>} : memref<128x128xf32, #tpu.memory_space<vmem>>, vector<16xf32>,
      %select_n3A_1009 = arith.select %eq3A_956, %get3A_68, %get3A_100 : vector<16xi1>, vector<16xf32>
      %sub3A_1010 = arith.subf %get3A_1008, %select_n3A_1009 : vector<16xf32>
      %mul3A_1011 = arith.mulf %sub3A_1010, %sub3A_1010 : vector<16xf32>
      %add3A_1012 = arith.addf %add3A_998, %mul3A_1011 : vector<16xf32>
      %add3A_1013 = arith.addf %add3A_1005, %add3A_1012 : vector<16xf32>
      %swap3A_1014 = arith.constant 128 : index
      %swap3A_1015 = tpu.vector_load %arg10[%swap3A_1014] {strides = array<i32>} : memref<256xf32, #tpu.memory_space<vmem>>, vector<16xf32>,
      tpu.vector_store %arg10[%swap3A_1014], %add3A_1013 {strides = array<i32>} : memref<256xf32, #tpu.memory_space<vmem>>, vector<16xf32>,
      %mul3A_1016 = arith.constant 16 : i32
      %mul3A_1017 = arith.muli %scan3A_302, %mul3A_1016 : i32
      %add3A_1018 = arith.constant 9 : i32
      %add3A_1019 = arith.addi %mul3A_1017, %add3A_1018 : i32
      %broadcast_in_dim3A_1020 = arith.constant 9 : i32
      %broadcast_in_dim3A_1021 = vector.broadcast %broadcast_in_dim3A_1020 : i32 to vector<16xi32>
      %lt3A_1022 = arith.constant 0 : i32
      %lt3A_1023 = vector.broadcast %lt3A_1022 : i32 to vector<16xi32>
      %lt3A_1024 = arith.cmpi slt, %broadcast_in_dim3A_1021, %lt3A_1023 : vector<16xi32>
      %add3A_1025 = arith.constant 16 : i32
      %add3A_1026 = vector.broadcast %add3A_1025 : i32 to vector<16xi32>
      %add3A_1027 = arith.addi %broadcast_in_dim3A_1021, %add3A_1026 : vector<16xi32>
      %select_n3A_1028 = arith.select %lt3A_1024, %add3A_1027, %broadcast_in_dim3A_1021 : vector<16xi1>, vector<16xi32>
      %reshape3A_1029 = vector.shape_cast %select_n3A_1028 : vector<16xi32> to vector<16x1xi32>
      %gather3A_1030 = vector.shape_cast %reshape3A_1029 : vector<16x1xi32> to vector<16xi32>
      %gather3A_1031 = tpu.dynamic_gather %get3A_316[%gather3A_1030] in [0] : vector<16xi32>, vector<16xi32> -> vector<16xi32>
      %eq3A_1032 = arith.constant 0 : i32
      %eq3A_1033 = vector.broadcast %eq3A_1032 : i32 to vector<16xi32>
      %eq3A_1034 = arith.cmpi eq, %gather3A_1031, %eq3A_1033 : vector<16xi32>
      %get3A_1035 = arith.index_cast %add3A_1019 : i32 to index
      %get3A_1036 = arith.constant 0 : index
      %get3A_1037 = tpu.vector_load %arg7[%get3A_1035, %get3A_1036] {strides = array<i32>} : memref<128x128xf32, #tpu.memory_space<vmem>>, vector<16xf32>,
      %select_n3A_1038 = arith.select %eq3A_1034, %get3A_40, %get3A_72 : vector<16xi1>, vector<16xf32>
      %sub3A_1039 = arith.subf %get3A_1037, %select_n3A_1038 : vector<16xf32>
      %mul3A_1040 = arith.mulf %sub3A_1039, %sub3A_1039 : vector<16xf32>
      %add3A_1041 = arith.addf %broadcast_in_dim3A_4, %mul3A_1040 : vector<16xf32>
      %get3A_1042 = arith.index_cast %add3A_1019 : i32 to index
      %get3A_1043 = arith.constant 16 : index
      %get3A_1044 = tpu.vector_load %arg7[%get3A_1042, %get3A_1043] {strides = array<i32>} : memref<128x128xf32, #tpu.memory_space<vmem>>, vector<16xf32>,
      %select_n3A_1045 = arith.select %eq3A_1034, %get3A_44, %get3A_76 : vector<16xi1>, vector<16xf32>
      %sub3A_1046 = arith.subf %get3A_1044, %select_n3A_1045 : vector<16xf32>
      %mul3A_1047 = arith.mulf %sub3A_1046, %sub3A_1046 : vector<16xf32>
      %add3A_1048 = arith.addf %broadcast_in_dim3A_4, %mul3A_1047 : vector<16xf32>
      %get3A_1049 = arith.index_cast %add3A_1019 : i32 to index
      %get3A_1050 = arith.constant 32 : index
      %get3A_1051 = tpu.vector_load %arg7[%get3A_1049, %get3A_1050] {strides = array<i32>} : memref<128x128xf32, #tpu.memory_space<vmem>>, vector<16xf32>,
      %select_n3A_1052 = arith.select %eq3A_1034, %get3A_48, %get3A_80 : vector<16xi1>, vector<16xf32>
      %sub3A_1053 = arith.subf %get3A_1051, %select_n3A_1052 : vector<16xf32>
      %mul3A_1054 = arith.mulf %sub3A_1053, %sub3A_1053 : vector<16xf32>
      %add3A_1055 = arith.addf %add3A_1041, %mul3A_1054 : vector<16xf32>
      %get3A_1056 = arith.index_cast %add3A_1019 : i32 to index
      %get3A_1057 = arith.constant 48 : index
      %get3A_1058 = tpu.vector_load %arg7[%get3A_1056, %get3A_1057] {strides = array<i32>} : memref<128x128xf32, #tpu.memory_space<vmem>>, vector<16xf32>,
      %select_n3A_1059 = arith.select %eq3A_1034, %get3A_52, %get3A_84 : vector<16xi1>, vector<16xf32>
      %sub3A_1060 = arith.subf %get3A_1058, %select_n3A_1059 : vector<16xf32>
      %mul3A_1061 = arith.mulf %sub3A_1060, %sub3A_1060 : vector<16xf32>
      %add3A_1062 = arith.addf %add3A_1048, %mul3A_1061 : vector<16xf32>
      %get3A_1063 = arith.index_cast %add3A_1019 : i32 to index
      %get3A_1064 = arith.constant 64 : index
      %get3A_1065 = tpu.vector_load %arg7[%get3A_1063, %get3A_1064] {strides = array<i32>} : memref<128x128xf32, #tpu.memory_space<vmem>>, vector<16xf32>,
      %select_n3A_1066 = arith.select %eq3A_1034, %get3A_56, %get3A_88 : vector<16xi1>, vector<16xf32>
      %sub3A_1067 = arith.subf %get3A_1065, %select_n3A_1066 : vector<16xf32>
      %mul3A_1068 = arith.mulf %sub3A_1067, %sub3A_1067 : vector<16xf32>
      %add3A_1069 = arith.addf %add3A_1055, %mul3A_1068 : vector<16xf32>
      %get3A_1070 = arith.index_cast %add3A_1019 : i32 to index
      %get3A_1071 = arith.constant 80 : index
      %get3A_1072 = tpu.vector_load %arg7[%get3A_1070, %get3A_1071] {strides = array<i32>} : memref<128x128xf32, #tpu.memory_space<vmem>>, vector<16xf32>,
      %select_n3A_1073 = arith.select %eq3A_1034, %get3A_60, %get3A_92 : vector<16xi1>, vector<16xf32>
      %sub3A_1074 = arith.subf %get3A_1072, %select_n3A_1073 : vector<16xf32>
      %mul3A_1075 = arith.mulf %sub3A_1074, %sub3A_1074 : vector<16xf32>
      %add3A_1076 = arith.addf %add3A_1062, %mul3A_1075 : vector<16xf32>
      %get3A_1077 = arith.index_cast %add3A_1019 : i32 to index
      %get3A_1078 = arith.constant 96 : index
      %get3A_1079 = tpu.vector_load %arg7[%get3A_1077, %get3A_1078] {strides = array<i32>} : memref<128x128xf32, #tpu.memory_space<vmem>>, vector<16xf32>,
      %select_n3A_1080 = arith.select %eq3A_1034, %get3A_64, %get3A_96 : vector<16xi1>, vector<16xf32>
      %sub3A_1081 = arith.subf %get3A_1079, %select_n3A_1080 : vector<16xf32>
      %mul3A_1082 = arith.mulf %sub3A_1081, %sub3A_1081 : vector<16xf32>
      %add3A_1083 = arith.addf %add3A_1069, %mul3A_1082 : vector<16xf32>
      %get3A_1084 = arith.index_cast %add3A_1019 : i32 to index
      %get3A_1085 = arith.constant 112 : index
      %get3A_1086 = tpu.vector_load %arg7[%get3A_1084, %get3A_1085] {strides = array<i32>} : memref<128x128xf32, #tpu.memory_space<vmem>>, vector<16xf32>,
      %select_n3A_1087 = arith.select %eq3A_1034, %get3A_68, %get3A_100 : vector<16xi1>, vector<16xf32>
      %sub3A_1088 = arith.subf %get3A_1086, %select_n3A_1087 : vector<16xf32>
      %mul3A_1089 = arith.mulf %sub3A_1088, %sub3A_1088 : vector<16xf32>
      %add3A_1090 = arith.addf %add3A_1076, %mul3A_1089 : vector<16xf32>
      %add3A_1091 = arith.addf %add3A_1083, %add3A_1090 : vector<16xf32>
      %swap3A_1092 = arith.constant 144 : index
      %swap3A_1093 = tpu.vector_load %arg10[%swap3A_1092] {strides = array<i32>} : memref<256xf32, #tpu.memory_space<vmem>>, vector<16xf32>,
      tpu.vector_store %arg10[%swap3A_1092], %add3A_1091 {strides = array<i32>} : memref<256xf32, #tpu.memory_space<vmem>>, vector<16xf32>,
      %mul3A_1094 = arith.constant 16 : i32
      %mul3A_1095 = arith.muli %scan3A_302, %mul3A_1094 : i32
      %add3A_1096 = arith.constant 10 : i32
      %add3A_1097 = arith.addi %mul3A_1095, %add3A_1096 : i32
      %broadcast_in_dim3A_1098 = arith.constant 10 : i32
      %broadcast_in_dim3A_1099 = vector.broadcast %broadcast_in_dim3A_1098 : i32 to vector<16xi32>
      %lt3A_1100 = arith.constant 0 : i32
      %lt3A_1101 = vector.broadcast %lt3A_1100 : i32 to vector<16xi32>
      %lt3A_1102 = arith.cmpi slt, %broadcast_in_dim3A_1099, %lt3A_1101 : vector<16xi32>
      %add3A_1103 = arith.constant 16 : i32
      %add3A_1104 = vector.broadcast %add3A_1103 : i32 to vector<16xi32>
      %add3A_1105 = arith.addi %broadcast_in_dim3A_1099, %add3A_1104 : vector<16xi32>
      %select_n3A_1106 = arith.select %lt3A_1102, %add3A_1105, %broadcast_in_dim3A_1099 : vector<16xi1>, vector<16xi32>
      %reshape3A_1107 = vector.shape_cast %select_n3A_1106 : vector<16xi32> to vector<16x1xi32>
      %gather3A_1108 = vector.shape_cast %reshape3A_1107 : vector<16x1xi32> to vector<16xi32>
      %gather3A_1109 = tpu.dynamic_gather %get3A_316[%gather3A_1108] in [0] : vector<16xi32>, vector<16xi32> -> vector<16xi32>
      %eq3A_1110 = arith.constant 0 : i32
      %eq3A_1111 = vector.broadcast %eq3A_1110 : i32 to vector<16xi32>
      %eq3A_1112 = arith.cmpi eq, %gather3A_1109, %eq3A_1111 : vector<16xi32>
      %get3A_1113 = arith.index_cast %add3A_1097 : i32 to index
      %get3A_1114 = arith.constant 0 : index
      %get3A_1115 = tpu.vector_load %arg7[%get3A_1113, %get3A_1114] {strides = array<i32>} : memref<128x128xf32, #tpu.memory_space<vmem>>, vector<16xf32>,
      %select_n3A_1116 = arith.select %eq3A_1112, %get3A_40, %get3A_72 : vector<16xi1>, vector<16xf32>
      %sub3A_1117 = arith.subf %get3A_1115, %select_n3A_1116 : vector<16xf32>
      %mul3A_1118 = arith.mulf %sub3A_1117, %sub3A_1117 : vector<16xf32>
      %add3A_1119 = arith.addf %broadcast_in_dim3A_4, %mul3A_1118 : vector<16xf32>
      %get3A_1120 = arith.index_cast %add3A_1097 : i32 to index
      %get3A_1121 = arith.constant 16 : index
      %get3A_1122 = tpu.vector_load %arg7[%get3A_1120, %get3A_1121] {strides = array<i32>} : memref<128x128xf32, #tpu.memory_space<vmem>>, vector<16xf32>,
      %select_n3A_1123 = arith.select %eq3A_1112, %get3A_44, %get3A_76 : vector<16xi1>, vector<16xf32>
      %sub3A_1124 = arith.subf %get3A_1122, %select_n3A_1123 : vector<16xf32>
      %mul3A_1125 = arith.mulf %sub3A_1124, %sub3A_1124 : vector<16xf32>
      %add3A_1126 = arith.addf %broadcast_in_dim3A_4, %mul3A_1125 : vector<16xf32>
      %get3A_1127 = arith.index_cast %add3A_1097 : i32 to index
      %get3A_1128 = arith.constant 32 : index
      %get3A_1129 = tpu.vector_load %arg7[%get3A_1127, %get3A_1128] {strides = array<i32>} : memref<128x128xf32, #tpu.memory_space<vmem>>, vector<16xf32>,
      %select_n3A_1130 = arith.select %eq3A_1112, %get3A_48, %get3A_80 : vector<16xi1>, vector<16xf32>
      %sub3A_1131 = arith.subf %get3A_1129, %select_n3A_1130 : vector<16xf32>
      %mul3A_1132 = arith.mulf %sub3A_1131, %sub3A_1131 : vector<16xf32>
      %add3A_1133 = arith.addf %add3A_1119, %mul3A_1132 : vector<16xf32>
      %get3A_1134 = arith.index_cast %add3A_1097 : i32 to index
      %get3A_1135 = arith.constant 48 : index
      %get3A_1136 = tpu.vector_load %arg7[%get3A_1134, %get3A_1135] {strides = array<i32>} : memref<128x128xf32, #tpu.memory_space<vmem>>, vector<16xf32>,
      %select_n3A_1137 = arith.select %eq3A_1112, %get3A_52, %get3A_84 : vector<16xi1>, vector<16xf32>
      %sub3A_1138 = arith.subf %get3A_1136, %select_n3A_1137 : vector<16xf32>
      %mul3A_1139 = arith.mulf %sub3A_1138, %sub3A_1138 : vector<16xf32>
      %add3A_1140 = arith.addf %add3A_1126, %mul3A_1139 : vector<16xf32>
      %get3A_1141 = arith.index_cast %add3A_1097 : i32 to index
      %get3A_1142 = arith.constant 64 : index
      %get3A_1143 = tpu.vector_load %arg7[%get3A_1141, %get3A_1142] {strides = array<i32>} : memref<128x128xf32, #tpu.memory_space<vmem>>, vector<16xf32>,
      %select_n3A_1144 = arith.select %eq3A_1112, %get3A_56, %get3A_88 : vector<16xi1>, vector<16xf32>
      %sub3A_1145 = arith.subf %get3A_1143, %select_n3A_1144 : vector<16xf32>
      %mul3A_1146 = arith.mulf %sub3A_1145, %sub3A_1145 : vector<16xf32>
      %add3A_1147 = arith.addf %add3A_1133, %mul3A_1146 : vector<16xf32>
      %get3A_1148 = arith.index_cast %add3A_1097 : i32 to index
      %get3A_1149 = arith.constant 80 : index
      %get3A_1150 = tpu.vector_load %arg7[%get3A_1148, %get3A_1149] {strides = array<i32>} : memref<128x128xf32, #tpu.memory_space<vmem>>, vector<16xf32>,
      %select_n3A_1151 = arith.select %eq3A_1112, %get3A_60, %get3A_92 : vector<16xi1>, vector<16xf32>
      %sub3A_1152 = arith.subf %get3A_1150, %select_n3A_1151 : vector<16xf32>
      %mul3A_1153 = arith.mulf %sub3A_1152, %sub3A_1152 : vector<16xf32>
      %add3A_1154 = arith.addf %add3A_1140, %mul3A_1153 : vector<16xf32>
      %get3A_1155 = arith.index_cast %add3A_1097 : i32 to index
      %get3A_1156 = arith.constant 96 : index
      %get3A_1157 = tpu.vector_load %arg7[%get3A_1155, %get3A_1156] {strides = array<i32>} : memref<128x128xf32, #tpu.memory_space<vmem>>, vector<16xf32>,
      %select_n3A_1158 = arith.select %eq3A_1112, %get3A_64, %get3A_96 : vector<16xi1>, vector<16xf32>
      %sub3A_1159 = arith.subf %get3A_1157, %select_n3A_1158 : vector<16xf32>
      %mul3A_1160 = arith.mulf %sub3A_1159, %sub3A_1159 : vector<16xf32>
      %add3A_1161 = arith.addf %add3A_1147, %mul3A_1160 : vector<16xf32>
      %get3A_1162 = arith.index_cast %add3A_1097 : i32 to index
      %get3A_1163 = arith.constant 112 : index
      %get3A_1164 = tpu.vector_load %arg7[%get3A_1162, %get3A_1163] {strides = array<i32>} : memref<128x128xf32, #tpu.memory_space<vmem>>, vector<16xf32>,
      %select_n3A_1165 = arith.select %eq3A_1112, %get3A_68, %get3A_100 : vector<16xi1>, vector<16xf32>
      %sub3A_1166 = arith.subf %get3A_1164, %select_n3A_1165 : vector<16xf32>
      %mul3A_1167 = arith.mulf %sub3A_1166, %sub3A_1166 : vector<16xf32>
      %add3A_1168 = arith.addf %add3A_1154, %mul3A_1167 : vector<16xf32>
      %add3A_1169 = arith.addf %add3A_1161, %add3A_1168 : vector<16xf32>
      %swap3A_1170 = arith.constant 160 : index
      %swap3A_1171 = tpu.vector_load %arg10[%swap3A_1170] {strides = array<i32>} : memref<256xf32, #tpu.memory_space<vmem>>, vector<16xf32>,
      tpu.vector_store %arg10[%swap3A_1170], %add3A_1169 {strides = array<i32>} : memref<256xf32, #tpu.memory_space<vmem>>, vector<16xf32>,
      %mul3A_1172 = arith.constant 16 : i32
      %mul3A_1173 = arith.muli %scan3A_302, %mul3A_1172 : i32
      %add3A_1174 = arith.constant 11 : i32
      %add3A_1175 = arith.addi %mul3A_1173, %add3A_1174 : i32
      %broadcast_in_dim3A_1176 = arith.constant 11 : i32
      %broadcast_in_dim3A_1177 = vector.broadcast %broadcast_in_dim3A_1176 : i32 to vector<16xi32>
      %lt3A_1178 = arith.constant 0 : i32
      %lt3A_1179 = vector.broadcast %lt3A_1178 : i32 to vector<16xi32>
      %lt3A_1180 = arith.cmpi slt, %broadcast_in_dim3A_1177, %lt3A_1179 : vector<16xi32>
      %add3A_1181 = arith.constant 16 : i32
      %add3A_1182 = vector.broadcast %add3A_1181 : i32 to vector<16xi32>
      %add3A_1183 = arith.addi %broadcast_in_dim3A_1177, %add3A_1182 : vector<16xi32>
      %select_n3A_1184 = arith.select %lt3A_1180, %add3A_1183, %broadcast_in_dim3A_1177 : vector<16xi1>, vector<16xi32>
      %reshape3A_1185 = vector.shape_cast %select_n3A_1184 : vector<16xi32> to vector<16x1xi32>
      %gather3A_1186 = vector.shape_cast %reshape3A_1185 : vector<16x1xi32> to vector<16xi32>
      %gather3A_1187 = tpu.dynamic_gather %get3A_316[%gather3A_1186] in [0] : vector<16xi32>, vector<16xi32> -> vector<16xi32>
      %eq3A_1188 = arith.constant 0 : i32
      %eq3A_1189 = vector.broadcast %eq3A_1188 : i32 to vector<16xi32>
      %eq3A_1190 = arith.cmpi eq, %gather3A_1187, %eq3A_1189 : vector<16xi32>
      %get3A_1191 = arith.index_cast %add3A_1175 : i32 to index
      %get3A_1192 = arith.constant 0 : index
      %get3A_1193 = tpu.vector_load %arg7[%get3A_1191, %get3A_1192] {strides = array<i32>} : memref<128x128xf32, #tpu.memory_space<vmem>>, vector<16xf32>,
      %select_n3A_1194 = arith.select %eq3A_1190, %get3A_40, %get3A_72 : vector<16xi1>, vector<16xf32>
      %sub3A_1195 = arith.subf %get3A_1193, %select_n3A_1194 : vector<16xf32>
      %mul3A_1196 = arith.mulf %sub3A_1195, %sub3A_1195 : vector<16xf32>
      %add3A_1197 = arith.addf %broadcast_in_dim3A_4, %mul3A_1196 : vector<16xf32>
      %get3A_1198 = arith.index_cast %add3A_1175 : i32 to index
      %get3A_1199 = arith.constant 16 : index
      %get3A_1200 = tpu.vector_load %arg7[%get3A_1198, %get3A_1199] {strides = array<i32>} : memref<128x128xf32, #tpu.memory_space<vmem>>, vector<16xf32>,
      %select_n3A_1201 = arith.select %eq3A_1190, %get3A_44, %get3A_76 : vector<16xi1>, vector<16xf32>
      %sub3A_1202 = arith.subf %get3A_1200, %select_n3A_1201 : vector<16xf32>
      %mul3A_1203 = arith.mulf %sub3A_1202, %sub3A_1202 : vector<16xf32>
      %add3A_1204 = arith.addf %broadcast_in_dim3A_4, %mul3A_1203 : vector<16xf32>
      %get3A_1205 = arith.index_cast %add3A_1175 : i32 to index
      %get3A_1206 = arith.constant 32 : index
      %get3A_1207 = tpu.vector_load %arg7[%get3A_1205, %get3A_1206] {strides = array<i32>} : memref<128x128xf32, #tpu.memory_space<vmem>>, vector<16xf32>,
      %select_n3A_1208 = arith.select %eq3A_1190, %get3A_48, %get3A_80 : vector<16xi1>, vector<16xf32>
      %sub3A_1209 = arith.subf %get3A_1207, %select_n3A_1208 : vector<16xf32>
      %mul3A_1210 = arith.mulf %sub3A_1209, %sub3A_1209 : vector<16xf32>
      %add3A_1211 = arith.addf %add3A_1197, %mul3A_1210 : vector<16xf32>
      %get3A_1212 = arith.index_cast %add3A_1175 : i32 to index
      %get3A_1213 = arith.constant 48 : index
      %get3A_1214 = tpu.vector_load %arg7[%get3A_1212, %get3A_1213] {strides = array<i32>} : memref<128x128xf32, #tpu.memory_space<vmem>>, vector<16xf32>,
      %select_n3A_1215 = arith.select %eq3A_1190, %get3A_52, %get3A_84 : vector<16xi1>, vector<16xf32>
      %sub3A_1216 = arith.subf %get3A_1214, %select_n3A_1215 : vector<16xf32>
      %mul3A_1217 = arith.mulf %sub3A_1216, %sub3A_1216 : vector<16xf32>
      %add3A_1218 = arith.addf %add3A_1204, %mul3A_1217 : vector<16xf32>
      %get3A_1219 = arith.index_cast %add3A_1175 : i32 to index
      %get3A_1220 = arith.constant 64 : index
      %get3A_1221 = tpu.vector_load %arg7[%get3A_1219, %get3A_1220] {strides = array<i32>} : memref<128x128xf32, #tpu.memory_space<vmem>>, vector<16xf32>,
      %select_n3A_1222 = arith.select %eq3A_1190, %get3A_56, %get3A_88 : vector<16xi1>, vector<16xf32>
      %sub3A_1223 = arith.subf %get3A_1221, %select_n3A_1222 : vector<16xf32>
      %mul3A_1224 = arith.mulf %sub3A_1223, %sub3A_1223 : vector<16xf32>
      %add3A_1225 = arith.addf %add3A_1211, %mul3A_1224 : vector<16xf32>
      %get3A_1226 = arith.index_cast %add3A_1175 : i32 to index
      %get3A_1227 = arith.constant 80 : index
      %get3A_1228 = tpu.vector_load %arg7[%get3A_1226, %get3A_1227] {strides = array<i32>} : memref<128x128xf32, #tpu.memory_space<vmem>>, vector<16xf32>,
      %select_n3A_1229 = arith.select %eq3A_1190, %get3A_60, %get3A_92 : vector<16xi1>, vector<16xf32>
      %sub3A_1230 = arith.subf %get3A_1228, %select_n3A_1229 : vector<16xf32>
      %mul3A_1231 = arith.mulf %sub3A_1230, %sub3A_1230 : vector<16xf32>
      %add3A_1232 = arith.addf %add3A_1218, %mul3A_1231 : vector<16xf32>
      %get3A_1233 = arith.index_cast %add3A_1175 : i32 to index
      %get3A_1234 = arith.constant 96 : index
      %get3A_1235 = tpu.vector_load %arg7[%get3A_1233, %get3A_1234] {strides = array<i32>} : memref<128x128xf32, #tpu.memory_space<vmem>>, vector<16xf32>,
      %select_n3A_1236 = arith.select %eq3A_1190, %get3A_64, %get3A_96 : vector<16xi1>, vector<16xf32>
      %sub3A_1237 = arith.subf %get3A_1235, %select_n3A_1236 : vector<16xf32>
      %mul3A_1238 = arith.mulf %sub3A_1237, %sub3A_1237 : vector<16xf32>
      %add3A_1239 = arith.addf %add3A_1225, %mul3A_1238 : vector<16xf32>
      %get3A_1240 = arith.index_cast %add3A_1175 : i32 to index
      %get3A_1241 = arith.constant 112 : index
      %get3A_1242 = tpu.vector_load %arg7[%get3A_1240, %get3A_1241] {strides = array<i32>} : memref<128x128xf32, #tpu.memory_space<vmem>>, vector<16xf32>,
      %select_n3A_1243 = arith.select %eq3A_1190, %get3A_68, %get3A_100 : vector<16xi1>, vector<16xf32>
      %sub3A_1244 = arith.subf %get3A_1242, %select_n3A_1243 : vector<16xf32>
      %mul3A_1245 = arith.mulf %sub3A_1244, %sub3A_1244 : vector<16xf32>
      %add3A_1246 = arith.addf %add3A_1232, %mul3A_1245 : vector<16xf32>
      %add3A_1247 = arith.addf %add3A_1239, %add3A_1246 : vector<16xf32>
      %swap3A_1248 = arith.constant 176 : index
      %swap3A_1249 = tpu.vector_load %arg10[%swap3A_1248] {strides = array<i32>} : memref<256xf32, #tpu.memory_space<vmem>>, vector<16xf32>,
      tpu.vector_store %arg10[%swap3A_1248], %add3A_1247 {strides = array<i32>} : memref<256xf32, #tpu.memory_space<vmem>>, vector<16xf32>,
      %mul3A_1250 = arith.constant 16 : i32
      %mul3A_1251 = arith.muli %scan3A_302, %mul3A_1250 : i32
      %add3A_1252 = arith.constant 12 : i32
      %add3A_1253 = arith.addi %mul3A_1251, %add3A_1252 : i32
      %broadcast_in_dim3A_1254 = arith.constant 12 : i32
      %broadcast_in_dim3A_1255 = vector.broadcast %broadcast_in_dim3A_1254 : i32 to vector<16xi32>
      %lt3A_1256 = arith.constant 0 : i32
      %lt3A_1257 = vector.broadcast %lt3A_1256 : i32 to vector<16xi32>
      %lt3A_1258 = arith.cmpi slt, %broadcast_in_dim3A_1255, %lt3A_1257 : vector<16xi32>
      %add3A_1259 = arith.constant 16 : i32
      %add3A_1260 = vector.broadcast %add3A_1259 : i32 to vector<16xi32>
      %add3A_1261 = arith.addi %broadcast_in_dim3A_1255, %add3A_1260 : vector<16xi32>
      %select_n3A_1262 = arith.select %lt3A_1258, %add3A_1261, %broadcast_in_dim3A_1255 : vector<16xi1>, vector<16xi32>
      %reshape3A_1263 = vector.shape_cast %select_n3A_1262 : vector<16xi32> to vector<16x1xi32>
      %gather3A_1264 = vector.shape_cast %reshape3A_1263 : vector<16x1xi32> to vector<16xi32>
      %gather3A_1265 = tpu.dynamic_gather %get3A_316[%gather3A_1264] in [0] : vector<16xi32>, vector<16xi32> -> vector<16xi32>
      %eq3A_1266 = arith.constant 0 : i32
      %eq3A_1267 = vector.broadcast %eq3A_1266 : i32 to vector<16xi32>
      %eq3A_1268 = arith.cmpi eq, %gather3A_1265, %eq3A_1267 : vector<16xi32>
      %get3A_1269 = arith.index_cast %add3A_1253 : i32 to index
      %get3A_1270 = arith.constant 0 : index
      %get3A_1271 = tpu.vector_load %arg7[%get3A_1269, %get3A_1270] {strides = array<i32>} : memref<128x128xf32, #tpu.memory_space<vmem>>, vector<16xf32>,
      %select_n3A_1272 = arith.select %eq3A_1268, %get3A_40, %get3A_72 : vector<16xi1>, vector<16xf32>
      %sub3A_1273 = arith.subf %get3A_1271, %select_n3A_1272 : vector<16xf32>
      %mul3A_1274 = arith.mulf %sub3A_1273, %sub3A_1273 : vector<16xf32>
      %add3A_1275 = arith.addf %broadcast_in_dim3A_4, %mul3A_1274 : vector<16xf32>
      %get3A_1276 = arith.index_cast %add3A_1253 : i32 to index
      %get3A_1277 = arith.constant 16 : index
      %get3A_1278 = tpu.vector_load %arg7[%get3A_1276, %get3A_1277] {strides = array<i32>} : memref<128x128xf32, #tpu.memory_space<vmem>>, vector<16xf32>,
      %select_n3A_1279 = arith.select %eq3A_1268, %get3A_44, %get3A_76 : vector<16xi1>, vector<16xf32>
      %sub3A_1280 = arith.subf %get3A_1278, %select_n3A_1279 : vector<16xf32>
      %mul3A_1281 = arith.mulf %sub3A_1280, %sub3A_1280 : vector<16xf32>
      %add3A_1282 = arith.addf %broadcast_in_dim3A_4, %mul3A_1281 : vector<16xf32>
      %get3A_1283 = arith.index_cast %add3A_1253 : i32 to index
      %get3A_1284 = arith.constant 32 : index
      %get3A_1285 = tpu.vector_load %arg7[%get3A_1283, %get3A_1284] {strides = array<i32>} : memref<128x128xf32, #tpu.memory_space<vmem>>, vector<16xf32>,
      %select_n3A_1286 = arith.select %eq3A_1268, %get3A_48, %get3A_80 : vector<16xi1>, vector<16xf32>
      %sub3A_1287 = arith.subf %get3A_1285, %select_n3A_1286 : vector<16xf32>
      %mul3A_1288 = arith.mulf %sub3A_1287, %sub3A_1287 : vector<16xf32>
      %add3A_1289 = arith.addf %add3A_1275, %mul3A_1288 : vector<16xf32>
      %get3A_1290 = arith.index_cast %add3A_1253 : i32 to index
      %get3A_1291 = arith.constant 48 : index
      %get3A_1292 = tpu.vector_load %arg7[%get3A_1290, %get3A_1291] {strides = array<i32>} : memref<128x128xf32, #tpu.memory_space<vmem>>, vector<16xf32>,
      %select_n3A_1293 = arith.select %eq3A_1268, %get3A_52, %get3A_84 : vector<16xi1>, vector<16xf32>
      %sub3A_1294 = arith.subf %get3A_1292, %select_n3A_1293 : vector<16xf32>
      %mul3A_1295 = arith.mulf %sub3A_1294, %sub3A_1294 : vector<16xf32>
      %add3A_1296 = arith.addf %add3A_1282, %mul3A_1295 : vector<16xf32>
      %get3A_1297 = arith.index_cast %add3A_1253 : i32 to index
      %get3A_1298 = arith.constant 64 : index
      %get3A_1299 = tpu.vector_load %arg7[%get3A_1297, %get3A_1298] {strides = array<i32>} : memref<128x128xf32, #tpu.memory_space<vmem>>, vector<16xf32>,
      %select_n3A_1300 = arith.select %eq3A_1268, %get3A_56, %get3A_88 : vector<16xi1>, vector<16xf32>
      %sub3A_1301 = arith.subf %get3A_1299, %select_n3A_1300 : vector<16xf32>
      %mul3A_1302 = arith.mulf %sub3A_1301, %sub3A_1301 : vector<16xf32>
      %add3A_1303 = arith.addf %add3A_1289, %mul3A_1302 : vector<16xf32>
      %get3A_1304 = arith.index_cast %add3A_1253 : i32 to index
      %get3A_1305 = arith.constant 80 : index
      %get3A_1306 = tpu.vector_load %arg7[%get3A_1304, %get3A_1305] {strides = array<i32>} : memref<128x128xf32, #tpu.memory_space<vmem>>, vector<16xf32>,
      %select_n3A_1307 = arith.select %eq3A_1268, %get3A_60, %get3A_92 : vector<16xi1>, vector<16xf32>
      %sub3A_1308 = arith.subf %get3A_1306, %select_n3A_1307 : vector<16xf32>
      %mul3A_1309 = arith.mulf %sub3A_1308, %sub3A_1308 : vector<16xf32>
      %add3A_1310 = arith.addf %add3A_1296, %mul3A_1309 : vector<16xf32>
      %get3A_1311 = arith.index_cast %add3A_1253 : i32 to index
      %get3A_1312 = arith.constant 96 : index
      %get3A_1313 = tpu.vector_load %arg7[%get3A_1311, %get3A_1312] {strides = array<i32>} : memref<128x128xf32, #tpu.memory_space<vmem>>, vector<16xf32>,
      %select_n3A_1314 = arith.select %eq3A_1268, %get3A_64, %get3A_96 : vector<16xi1>, vector<16xf32>
      %sub3A_1315 = arith.subf %get3A_1313, %select_n3A_1314 : vector<16xf32>
      %mul3A_1316 = arith.mulf %sub3A_1315, %sub3A_1315 : vector<16xf32>
      %add3A_1317 = arith.addf %add3A_1303, %mul3A_1316 : vector<16xf32>
      %get3A_1318 = arith.index_cast %add3A_1253 : i32 to index
      %get3A_1319 = arith.constant 112 : index
      %get3A_1320 = tpu.vector_load %arg7[%get3A_1318, %get3A_1319] {strides = array<i32>} : memref<128x128xf32, #tpu.memory_space<vmem>>, vector<16xf32>,
      %select_n3A_1321 = arith.select %eq3A_1268, %get3A_68, %get3A_100 : vector<16xi1>, vector<16xf32>
      %sub3A_1322 = arith.subf %get3A_1320, %select_n3A_1321 : vector<16xf32>
      %mul3A_1323 = arith.mulf %sub3A_1322, %sub3A_1322 : vector<16xf32>
      %add3A_1324 = arith.addf %add3A_1310, %mul3A_1323 : vector<16xf32>
      %add3A_1325 = arith.addf %add3A_1317, %add3A_1324 : vector<16xf32>
      %swap3A_1326 = arith.constant 192 : index
      %swap3A_1327 = tpu.vector_load %arg10[%swap3A_1326] {strides = array<i32>} : memref<256xf32, #tpu.memory_space<vmem>>, vector<16xf32>,
      tpu.vector_store %arg10[%swap3A_1326], %add3A_1325 {strides = array<i32>} : memref<256xf32, #tpu.memory_space<vmem>>, vector<16xf32>,
      %mul3A_1328 = arith.constant 16 : i32
      %mul3A_1329 = arith.muli %scan3A_302, %mul3A_1328 : i32
      %add3A_1330 = arith.constant 13 : i32
      %add3A_1331 = arith.addi %mul3A_1329, %add3A_1330 : i32
      %broadcast_in_dim3A_1332 = arith.constant 13 : i32
      %broadcast_in_dim3A_1333 = vector.broadcast %broadcast_in_dim3A_1332 : i32 to vector<16xi32>
      %lt3A_1334 = arith.constant 0 : i32
      %lt3A_1335 = vector.broadcast %lt3A_1334 : i32 to vector<16xi32>
      %lt3A_1336 = arith.cmpi slt, %broadcast_in_dim3A_1333, %lt3A_1335 : vector<16xi32>
      %add3A_1337 = arith.constant 16 : i32
      %add3A_1338 = vector.broadcast %add3A_1337 : i32 to vector<16xi32>
      %add3A_1339 = arith.addi %broadcast_in_dim3A_1333, %add3A_1338 : vector<16xi32>
      %select_n3A_1340 = arith.select %lt3A_1336, %add3A_1339, %broadcast_in_dim3A_1333 : vector<16xi1>, vector<16xi32>
      %reshape3A_1341 = vector.shape_cast %select_n3A_1340 : vector<16xi32> to vector<16x1xi32>
      %gather3A_1342 = vector.shape_cast %reshape3A_1341 : vector<16x1xi32> to vector<16xi32>
      %gather3A_1343 = tpu.dynamic_gather %get3A_316[%gather3A_1342] in [0] : vector<16xi32>, vector<16xi32> -> vector<16xi32>
      %eq3A_1344 = arith.constant 0 : i32
      %eq3A_1345 = vector.broadcast %eq3A_1344 : i32 to vector<16xi32>
      %eq3A_1346 = arith.cmpi eq, %gather3A_1343, %eq3A_1345 : vector<16xi32>
      %get3A_1347 = arith.index_cast %add3A_1331 : i32 to index
      %get3A_1348 = arith.constant 0 : index
      %get3A_1349 = tpu.vector_load %arg7[%get3A_1347, %get3A_1348] {strides = array<i32>} : memref<128x128xf32, #tpu.memory_space<vmem>>, vector<16xf32>,
      %select_n3A_1350 = arith.select %eq3A_1346, %get3A_40, %get3A_72 : vector<16xi1>, vector<16xf32>
      %sub3A_1351 = arith.subf %get3A_1349, %select_n3A_1350 : vector<16xf32>
      %mul3A_1352 = arith.mulf %sub3A_1351, %sub3A_1351 : vector<16xf32>
      %add3A_1353 = arith.addf %broadcast_in_dim3A_4, %mul3A_1352 : vector<16xf32>
      %get3A_1354 = arith.index_cast %add3A_1331 : i32 to index
      %get3A_1355 = arith.constant 16 : index
      %get3A_1356 = tpu.vector_load %arg7[%get3A_1354, %get3A_1355] {strides = array<i32>} : memref<128x128xf32, #tpu.memory_space<vmem>>, vector<16xf32>,
      %select_n3A_1357 = arith.select %eq3A_1346, %get3A_44, %get3A_76 : vector<16xi1>, vector<16xf32>
      %sub3A_1358 = arith.subf %get3A_1356, %select_n3A_1357 : vector<16xf32>
      %mul3A_1359 = arith.mulf %sub3A_1358, %sub3A_1358 : vector<16xf32>
      %add3A_1360 = arith.addf %broadcast_in_dim3A_4, %mul3A_1359 : vector<16xf32>
      %get3A_1361 = arith.index_cast %add3A_1331 : i32 to index
      %get3A_1362 = arith.constant 32 : index
      %get3A_1363 = tpu.vector_load %arg7[%get3A_1361, %get3A_1362] {strides = array<i32>} : memref<128x128xf32, #tpu.memory_space<vmem>>, vector<16xf32>,
      %select_n3A_1364 = arith.select %eq3A_1346, %get3A_48, %get3A_80 : vector<16xi1>, vector<16xf32>
      %sub3A_1365 = arith.subf %get3A_1363, %select_n3A_1364 : vector<16xf32>
      %mul3A_1366 = arith.mulf %sub3A_1365, %sub3A_1365 : vector<16xf32>
      %add3A_1367 = arith.addf %add3A_1353, %mul3A_1366 : vector<16xf32>
      %get3A_1368 = arith.index_cast %add3A_1331 : i32 to index
      %get3A_1369 = arith.constant 48 : index
      %get3A_1370 = tpu.vector_load %arg7[%get3A_1368, %get3A_1369] {strides = array<i32>} : memref<128x128xf32, #tpu.memory_space<vmem>>, vector<16xf32>,
      %select_n3A_1371 = arith.select %eq3A_1346, %get3A_52, %get3A_84 : vector<16xi1>, vector<16xf32>
      %sub3A_1372 = arith.subf %get3A_1370, %select_n3A_1371 : vector<16xf32>
      %mul3A_1373 = arith.mulf %sub3A_1372, %sub3A_1372 : vector<16xf32>
      %add3A_1374 = arith.addf %add3A_1360, %mul3A_1373 : vector<16xf32>
      %get3A_1375 = arith.index_cast %add3A_1331 : i32 to index
      %get3A_1376 = arith.constant 64 : index
      %get3A_1377 = tpu.vector_load %arg7[%get3A_1375, %get3A_1376] {strides = array<i32>} : memref<128x128xf32, #tpu.memory_space<vmem>>, vector<16xf32>,
      %select_n3A_1378 = arith.select %eq3A_1346, %get3A_56, %get3A_88 : vector<16xi1>, vector<16xf32>
      %sub3A_1379 = arith.subf %get3A_1377, %select_n3A_1378 : vector<16xf32>
      %mul3A_1380 = arith.mulf %sub3A_1379, %sub3A_1379 : vector<16xf32>
      %add3A_1381 = arith.addf %add3A_1367, %mul3A_1380 : vector<16xf32>
      %get3A_1382 = arith.index_cast %add3A_1331 : i32 to index
      %get3A_1383 = arith.constant 80 : index
      %get3A_1384 = tpu.vector_load %arg7[%get3A_1382, %get3A_1383] {strides = array<i32>} : memref<128x128xf32, #tpu.memory_space<vmem>>, vector<16xf32>,
      %select_n3A_1385 = arith.select %eq3A_1346, %get3A_60, %get3A_92 : vector<16xi1>, vector<16xf32>
      %sub3A_1386 = arith.subf %get3A_1384, %select_n3A_1385 : vector<16xf32>
      %mul3A_1387 = arith.mulf %sub3A_1386, %sub3A_1386 : vector<16xf32>
      %add3A_1388 = arith.addf %add3A_1374, %mul3A_1387 : vector<16xf32>
      %get3A_1389 = arith.index_cast %add3A_1331 : i32 to index
      %get3A_1390 = arith.constant 96 : index
      %get3A_1391 = tpu.vector_load %arg7[%get3A_1389, %get3A_1390] {strides = array<i32>} : memref<128x128xf32, #tpu.memory_space<vmem>>, vector<16xf32>,
      %select_n3A_1392 = arith.select %eq3A_1346, %get3A_64, %get3A_96 : vector<16xi1>, vector<16xf32>
      %sub3A_1393 = arith.subf %get3A_1391, %select_n3A_1392 : vector<16xf32>
      %mul3A_1394 = arith.mulf %sub3A_1393, %sub3A_1393 : vector<16xf32>
      %add3A_1395 = arith.addf %add3A_1381, %mul3A_1394 : vector<16xf32>
      %get3A_1396 = arith.index_cast %add3A_1331 : i32 to index
      %get3A_1397 = arith.constant 112 : index
      %get3A_1398 = tpu.vector_load %arg7[%get3A_1396, %get3A_1397] {strides = array<i32>} : memref<128x128xf32, #tpu.memory_space<vmem>>, vector<16xf32>,
      %select_n3A_1399 = arith.select %eq3A_1346, %get3A_68, %get3A_100 : vector<16xi1>, vector<16xf32>
      %sub3A_1400 = arith.subf %get3A_1398, %select_n3A_1399 : vector<16xf32>
      %mul3A_1401 = arith.mulf %sub3A_1400, %sub3A_1400 : vector<16xf32>
      %add3A_1402 = arith.addf %add3A_1388, %mul3A_1401 : vector<16xf32>
      %add3A_1403 = arith.addf %add3A_1395, %add3A_1402 : vector<16xf32>
      %swap3A_1404 = arith.constant 208 : index
      %swap3A_1405 = tpu.vector_load %arg10[%swap3A_1404] {strides = array<i32>} : memref<256xf32, #tpu.memory_space<vmem>>, vector<16xf32>,
      tpu.vector_store %arg10[%swap3A_1404], %add3A_1403 {strides = array<i32>} : memref<256xf32, #tpu.memory_space<vmem>>, vector<16xf32>,
      %mul3A_1406 = arith.constant 16 : i32
      %mul3A_1407 = arith.muli %scan3A_302, %mul3A_1406 : i32
      %add3A_1408 = arith.constant 14 : i32
      %add3A_1409 = arith.addi %mul3A_1407, %add3A_1408 : i32
      %broadcast_in_dim3A_1410 = arith.constant 14 : i32
      %broadcast_in_dim3A_1411 = vector.broadcast %broadcast_in_dim3A_1410 : i32 to vector<16xi32>
      %lt3A_1412 = arith.constant 0 : i32
      %lt3A_1413 = vector.broadcast %lt3A_1412 : i32 to vector<16xi32>
      %lt3A_1414 = arith.cmpi slt, %broadcast_in_dim3A_1411, %lt3A_1413 : vector<16xi32>
      %add3A_1415 = arith.constant 16 : i32
      %add3A_1416 = vector.broadcast %add3A_1415 : i32 to vector<16xi32>
      %add3A_1417 = arith.addi %broadcast_in_dim3A_1411, %add3A_1416 : vector<16xi32>
      %select_n3A_1418 = arith.select %lt3A_1414, %add3A_1417, %broadcast_in_dim3A_1411 : vector<16xi1>, vector<16xi32>
      %reshape3A_1419 = vector.shape_cast %select_n3A_1418 : vector<16xi32> to vector<16x1xi32>
      %gather3A_1420 = vector.shape_cast %reshape3A_1419 : vector<16x1xi32> to vector<16xi32>
      %gather3A_1421 = tpu.dynamic_gather %get3A_316[%gather3A_1420] in [0] : vector<16xi32>, vector<16xi32> -> vector<16xi32>
      %eq3A_1422 = arith.constant 0 : i32
      %eq3A_1423 = vector.broadcast %eq3A_1422 : i32 to vector<16xi32>
      %eq3A_1424 = arith.cmpi eq, %gather3A_1421, %eq3A_1423 : vector<16xi32>
      %get3A_1425 = arith.index_cast %add3A_1409 : i32 to index
      %get3A_1426 = arith.constant 0 : index
      %get3A_1427 = tpu.vector_load %arg7[%get3A_1425, %get3A_1426] {strides = array<i32>} : memref<128x128xf32, #tpu.memory_space<vmem>>, vector<16xf32>,
      %select_n3A_1428 = arith.select %eq3A_1424, %get3A_40, %get3A_72 : vector<16xi1>, vector<16xf32>
      %sub3A_1429 = arith.subf %get3A_1427, %select_n3A_1428 : vector<16xf32>
      %mul3A_1430 = arith.mulf %sub3A_1429, %sub3A_1429 : vector<16xf32>
      %add3A_1431 = arith.addf %broadcast_in_dim3A_4, %mul3A_1430 : vector<16xf32>
      %get3A_1432 = arith.index_cast %add3A_1409 : i32 to index
      %get3A_1433 = arith.constant 16 : index
      %get3A_1434 = tpu.vector_load %arg7[%get3A_1432, %get3A_1433] {strides = array<i32>} : memref<128x128xf32, #tpu.memory_space<vmem>>, vector<16xf32>,
      %select_n3A_1435 = arith.select %eq3A_1424, %get3A_44, %get3A_76 : vector<16xi1>, vector<16xf32>
      %sub3A_1436 = arith.subf %get3A_1434, %select_n3A_1435 : vector<16xf32>
      %mul3A_1437 = arith.mulf %sub3A_1436, %sub3A_1436 : vector<16xf32>
      %add3A_1438 = arith.addf %broadcast_in_dim3A_4, %mul3A_1437 : vector<16xf32>
      %get3A_1439 = arith.index_cast %add3A_1409 : i32 to index
      %get3A_1440 = arith.constant 32 : index
      %get3A_1441 = tpu.vector_load %arg7[%get3A_1439, %get3A_1440] {strides = array<i32>} : memref<128x128xf32, #tpu.memory_space<vmem>>, vector<16xf32>,
      %select_n3A_1442 = arith.select %eq3A_1424, %get3A_48, %get3A_80 : vector<16xi1>, vector<16xf32>
      %sub3A_1443 = arith.subf %get3A_1441, %select_n3A_1442 : vector<16xf32>
      %mul3A_1444 = arith.mulf %sub3A_1443, %sub3A_1443 : vector<16xf32>
      %add3A_1445 = arith.addf %add3A_1431, %mul3A_1444 : vector<16xf32>
      %get3A_1446 = arith.index_cast %add3A_1409 : i32 to index
      %get3A_1447 = arith.constant 48 : index
      %get3A_1448 = tpu.vector_load %arg7[%get3A_1446, %get3A_1447] {strides = array<i32>} : memref<128x128xf32, #tpu.memory_space<vmem>>, vector<16xf32>,
      %select_n3A_1449 = arith.select %eq3A_1424, %get3A_52, %get3A_84 : vector<16xi1>, vector<16xf32>
      %sub3A_1450 = arith.subf %get3A_1448, %select_n3A_1449 : vector<16xf32>
      %mul3A_1451 = arith.mulf %sub3A_1450, %sub3A_1450 : vector<16xf32>
      %add3A_1452 = arith.addf %add3A_1438, %mul3A_1451 : vector<16xf32>
      %get3A_1453 = arith.index_cast %add3A_1409 : i32 to index
      %get3A_1454 = arith.constant 64 : index
      %get3A_1455 = tpu.vector_load %arg7[%get3A_1453, %get3A_1454] {strides = array<i32>} : memref<128x128xf32, #tpu.memory_space<vmem>>, vector<16xf32>,
      %select_n3A_1456 = arith.select %eq3A_1424, %get3A_56, %get3A_88 : vector<16xi1>, vector<16xf32>
      %sub3A_1457 = arith.subf %get3A_1455, %select_n3A_1456 : vector<16xf32>
      %mul3A_1458 = arith.mulf %sub3A_1457, %sub3A_1457 : vector<16xf32>
      %add3A_1459 = arith.addf %add3A_1445, %mul3A_1458 : vector<16xf32>
      %get3A_1460 = arith.index_cast %add3A_1409 : i32 to index
      %get3A_1461 = arith.constant 80 : index
      %get3A_1462 = tpu.vector_load %arg7[%get3A_1460, %get3A_1461] {strides = array<i32>} : memref<128x128xf32, #tpu.memory_space<vmem>>, vector<16xf32>,
      %select_n3A_1463 = arith.select %eq3A_1424, %get3A_60, %get3A_92 : vector<16xi1>, vector<16xf32>
      %sub3A_1464 = arith.subf %get3A_1462, %select_n3A_1463 : vector<16xf32>
      %mul3A_1465 = arith.mulf %sub3A_1464, %sub3A_1464 : vector<16xf32>
      %add3A_1466 = arith.addf %add3A_1452, %mul3A_1465 : vector<16xf32>
      %get3A_1467 = arith.index_cast %add3A_1409 : i32 to index
      %get3A_1468 = arith.constant 96 : index
      %get3A_1469 = tpu.vector_load %arg7[%get3A_1467, %get3A_1468] {strides = array<i32>} : memref<128x128xf32, #tpu.memory_space<vmem>>, vector<16xf32>,
      %select_n3A_1470 = arith.select %eq3A_1424, %get3A_64, %get3A_96 : vector<16xi1>, vector<16xf32>
      %sub3A_1471 = arith.subf %get3A_1469, %select_n3A_1470 : vector<16xf32>
      %mul3A_1472 = arith.mulf %sub3A_1471, %sub3A_1471 : vector<16xf32>
      %add3A_1473 = arith.addf %add3A_1459, %mul3A_1472 : vector<16xf32>
      %get3A_1474 = arith.index_cast %add3A_1409 : i32 to index
      %get3A_1475 = arith.constant 112 : index
      %get3A_1476 = tpu.vector_load %arg7[%get3A_1474, %get3A_1475] {strides = array<i32>} : memref<128x128xf32, #tpu.memory_space<vmem>>, vector<16xf32>,
      %select_n3A_1477 = arith.select %eq3A_1424, %get3A_68, %get3A_100 : vector<16xi1>, vector<16xf32>
      %sub3A_1478 = arith.subf %get3A_1476, %select_n3A_1477 : vector<16xf32>
      %mul3A_1479 = arith.mulf %sub3A_1478, %sub3A_1478 : vector<16xf32>
      %add3A_1480 = arith.addf %add3A_1466, %mul3A_1479 : vector<16xf32>
      %add3A_1481 = arith.addf %add3A_1473, %add3A_1480 : vector<16xf32>
      %swap3A_1482 = arith.constant 224 : index
      %swap3A_1483 = tpu.vector_load %arg10[%swap3A_1482] {strides = array<i32>} : memref<256xf32, #tpu.memory_space<vmem>>, vector<16xf32>,
      tpu.vector_store %arg10[%swap3A_1482], %add3A_1481 {strides = array<i32>} : memref<256xf32, #tpu.memory_space<vmem>>, vector<16xf32>,
      %mul3A_1484 = arith.constant 16 : i32
      %mul3A_1485 = arith.muli %scan3A_302, %mul3A_1484 : i32
      %add3A_1486 = arith.constant 15 : i32
      %add3A_1487 = arith.addi %mul3A_1485, %add3A_1486 : i32
      %broadcast_in_dim3A_1488 = arith.constant 15 : i32
      %broadcast_in_dim3A_1489 = vector.broadcast %broadcast_in_dim3A_1488 : i32 to vector<16xi32>
      %lt3A_1490 = arith.constant 0 : i32
      %lt3A_1491 = vector.broadcast %lt3A_1490 : i32 to vector<16xi32>
      %lt3A_1492 = arith.cmpi slt, %broadcast_in_dim3A_1489, %lt3A_1491 : vector<16xi32>
      %add3A_1493 = arith.constant 16 : i32
      %add3A_1494 = vector.broadcast %add3A_1493 : i32 to vector<16xi32>
      %add3A_1495 = arith.addi %broadcast_in_dim3A_1489, %add3A_1494 : vector<16xi32>
      %select_n3A_1496 = arith.select %lt3A_1492, %add3A_1495, %broadcast_in_dim3A_1489 : vector<16xi1>, vector<16xi32>
      %reshape3A_1497 = vector.shape_cast %select_n3A_1496 : vector<16xi32> to vector<16x1xi32>
      %gather3A_1498 = vector.shape_cast %reshape3A_1497 : vector<16x1xi32> to vector<16xi32>
      %gather3A_1499 = tpu.dynamic_gather %get3A_316[%gather3A_1498] in [0] : vector<16xi32>, vector<16xi32> -> vector<16xi32>
      %eq3A_1500 = arith.constant 0 : i32
      %eq3A_1501 = vector.broadcast %eq3A_1500 : i32 to vector<16xi32>
      %eq3A_1502 = arith.cmpi eq, %gather3A_1499, %eq3A_1501 : vector<16xi32>
      %get3A_1503 = arith.index_cast %add3A_1487 : i32 to index
      %get3A_1504 = arith.constant 0 : index
      %get3A_1505 = tpu.vector_load %arg7[%get3A_1503, %get3A_1504] {strides = array<i32>} : memref<128x128xf32, #tpu.memory_space<vmem>>, vector<16xf32>,
      %select_n3A_1506 = arith.select %eq3A_1502, %get3A_40, %get3A_72 : vector<16xi1>, vector<16xf32>
      %sub3A_1507 = arith.subf %get3A_1505, %select_n3A_1506 : vector<16xf32>
      %mul3A_1508 = arith.mulf %sub3A_1507, %sub3A_1507 : vector<16xf32>
      %add3A_1509 = arith.addf %broadcast_in_dim3A_4, %mul3A_1508 : vector<16xf32>
      %get3A_1510 = arith.index_cast %add3A_1487 : i32 to index
      %get3A_1511 = arith.constant 16 : index
      %get3A_1512 = tpu.vector_load %arg7[%get3A_1510, %get3A_1511] {strides = array<i32>} : memref<128x128xf32, #tpu.memory_space<vmem>>, vector<16xf32>,
      %select_n3A_1513 = arith.select %eq3A_1502, %get3A_44, %get3A_76 : vector<16xi1>, vector<16xf32>
      %sub3A_1514 = arith.subf %get3A_1512, %select_n3A_1513 : vector<16xf32>
      %mul3A_1515 = arith.mulf %sub3A_1514, %sub3A_1514 : vector<16xf32>
      %add3A_1516 = arith.addf %broadcast_in_dim3A_4, %mul3A_1515 : vector<16xf32>
      %get3A_1517 = arith.index_cast %add3A_1487 : i32 to index
      %get3A_1518 = arith.constant 32 : index
      %get3A_1519 = tpu.vector_load %arg7[%get3A_1517, %get3A_1518] {strides = array<i32>} : memref<128x128xf32, #tpu.memory_space<vmem>>, vector<16xf32>,
      %select_n3A_1520 = arith.select %eq3A_1502, %get3A_48, %get3A_80 : vector<16xi1>, vector<16xf32>
      %sub3A_1521 = arith.subf %get3A_1519, %select_n3A_1520 : vector<16xf32>
      %mul3A_1522 = arith.mulf %sub3A_1521, %sub3A_1521 : vector<16xf32>
      %add3A_1523 = arith.addf %add3A_1509, %mul3A_1522 : vector<16xf32>
      %get3A_1524 = arith.index_cast %add3A_1487 : i32 to index
      %get3A_1525 = arith.constant 48 : index
      %get3A_1526 = tpu.vector_load %arg7[%get3A_1524, %get3A_1525] {strides = array<i32>} : memref<128x128xf32, #tpu.memory_space<vmem>>, vector<16xf32>,
      %select_n3A_1527 = arith.select %eq3A_1502, %get3A_52, %get3A_84 : vector<16xi1>, vector<16xf32>
      %sub3A_1528 = arith.subf %get3A_1526, %select_n3A_1527 : vector<16xf32>
      %mul3A_1529 = arith.mulf %sub3A_1528, %sub3A_1528 : vector<16xf32>
      %add3A_1530 = arith.addf %add3A_1516, %mul3A_1529 : vector<16xf32>
      %get3A_1531 = arith.index_cast %add3A_1487 : i32 to index
      %get3A_1532 = arith.constant 64 : index
      %get3A_1533 = tpu.vector_load %arg7[%get3A_1531, %get3A_1532] {strides = array<i32>} : memref<128x128xf32, #tpu.memory_space<vmem>>, vector<16xf32>,
      %select_n3A_1534 = arith.select %eq3A_1502, %get3A_56, %get3A_88 : vector<16xi1>, vector<16xf32>
      %sub3A_1535 = arith.subf %get3A_1533, %select_n3A_1534 : vector<16xf32>
      %mul3A_1536 = arith.mulf %sub3A_1535, %sub3A_1535 : vector<16xf32>
      %add3A_1537 = arith.addf %add3A_1523, %mul3A_1536 : vector<16xf32>
      %get3A_1538 = arith.index_cast %add3A_1487 : i32 to index
      %get3A_1539 = arith.constant 80 : index
      %get3A_1540 = tpu.vector_load %arg7[%get3A_1538, %get3A_1539] {strides = array<i32>} : memref<128x128xf32, #tpu.memory_space<vmem>>, vector<16xf32>,
      %select_n3A_1541 = arith.select %eq3A_1502, %get3A_60, %get3A_92 : vector<16xi1>, vector<16xf32>
      %sub3A_1542 = arith.subf %get3A_1540, %select_n3A_1541 : vector<16xf32>
      %mul3A_1543 = arith.mulf %sub3A_1542, %sub3A_1542 : vector<16xf32>
      %add3A_1544 = arith.addf %add3A_1530, %mul3A_1543 : vector<16xf32>
      %get3A_1545 = arith.index_cast %add3A_1487 : i32 to index
      %get3A_1546 = arith.constant 96 : index
      %get3A_1547 = tpu.vector_load %arg7[%get3A_1545, %get3A_1546] {strides = array<i32>} : memref<128x128xf32, #tpu.memory_space<vmem>>, vector<16xf32>,
      %select_n3A_1548 = arith.select %eq3A_1502, %get3A_64, %get3A_96 : vector<16xi1>, vector<16xf32>
      %sub3A_1549 = arith.subf %get3A_1547, %select_n3A_1548 : vector<16xf32>
      %mul3A_1550 = arith.mulf %sub3A_1549, %sub3A_1549 : vector<16xf32>
      %add3A_1551 = arith.addf %add3A_1537, %mul3A_1550 : vector<16xf32>
      %get3A_1552 = arith.index_cast %add3A_1487 : i32 to index
      %get3A_1553 = arith.constant 112 : index
      %get3A_1554 = tpu.vector_load %arg7[%get3A_1552, %get3A_1553] {strides = array<i32>} : memref<128x128xf32, #tpu.memory_space<vmem>>, vector<16xf32>,
      %select_n3A_1555 = arith.select %eq3A_1502, %get3A_68, %get3A_100 : vector<16xi1>, vector<16xf32>
      %sub3A_1556 = arith.subf %get3A_1554, %select_n3A_1555 : vector<16xf32>
      %mul3A_1557 = arith.mulf %sub3A_1556, %sub3A_1556 : vector<16xf32>
      %add3A_1558 = arith.addf %add3A_1544, %mul3A_1557 : vector<16xf32>
      %add3A_1559 = arith.addf %add3A_1551, %add3A_1558 : vector<16xf32>
      %swap3A_1560 = arith.constant 240 : index
      %swap3A_1561 = tpu.vector_load %arg10[%swap3A_1560] {strides = array<i32>} : memref<256xf32, #tpu.memory_space<vmem>>, vector<16xf32>,
      tpu.vector_store %arg10[%swap3A_1560], %add3A_1559 {strides = array<i32>} : memref<256xf32, #tpu.memory_space<vmem>>, vector<16xf32>,
      %iota3A = tpu.iota {dimensions = array<i32: 0>} : vector<16xi32>
      %mul3A_1562 = arith.constant 16 : i32
      %mul3A_1563 = vector.broadcast %mul3A_1562 : i32 to vector<16xi32>
      %mul3A_1564 = arith.muli %iota3A, %mul3A_1563 : vector<16xi32>
      %add3A_1565 = arith.constant 0 : i32
      %add3A_1566 = vector.broadcast %add3A_1565 : i32 to vector<16xi32>
      %add3A_1567 = arith.addi %mul3A_1564, %add3A_1566 : vector<16xi32>
      %gather3A_1568 = tpu.vector_load_idx %arg10[%add3A_1567] : memref<256xf32, #tpu.memory_space<vmem>>[vector<16xi32>], vector<16xf32>,
      %add3A_1569 = arith.addf %broadcast_in_dim3A_4, %gather3A_1568 : vector<16xf32>
      %add3A_1570 = arith.constant 1 : i32
      %add3A_1571 = vector.broadcast %add3A_1570 : i32 to vector<16xi32>
      %add3A_1572 = arith.addi %mul3A_1564, %add3A_1571 : vector<16xi32>
      %gather3A_1573 = tpu.vector_load_idx %arg10[%add3A_1572] : memref<256xf32, #tpu.memory_space<vmem>>[vector<16xi32>], vector<16xf32>,
      %add3A_1574 = arith.addf %add3A_1569, %gather3A_1573 : vector<16xf32>
      %add3A_1575 = arith.constant 2 : i32
      %add3A_1576 = vector.broadcast %add3A_1575 : i32 to vector<16xi32>
      %add3A_1577 = arith.addi %mul3A_1564, %add3A_1576 : vector<16xi32>
      %gather3A_1578 = tpu.vector_load_idx %arg10[%add3A_1577] : memref<256xf32, #tpu.memory_space<vmem>>[vector<16xi32>], vector<16xf32>,
      %add3A_1579 = arith.addf %add3A_1574, %gather3A_1578 : vector<16xf32>
      %add3A_1580 = arith.constant 3 : i32
      %add3A_1581 = vector.broadcast %add3A_1580 : i32 to vector<16xi32>
      %add3A_1582 = arith.addi %mul3A_1564, %add3A_1581 : vector<16xi32>
      %gather3A_1583 = tpu.vector_load_idx %arg10[%add3A_1582] : memref<256xf32, #tpu.memory_space<vmem>>[vector<16xi32>], vector<16xf32>,
      %add3A_1584 = arith.addf %add3A_1579, %gather3A_1583 : vector<16xf32>
      %add3A_1585 = arith.constant 4 : i32
      %add3A_1586 = vector.broadcast %add3A_1585 : i32 to vector<16xi32>
      %add3A_1587 = arith.addi %mul3A_1564, %add3A_1586 : vector<16xi32>
      %gather3A_1588 = tpu.vector_load_idx %arg10[%add3A_1587] : memref<256xf32, #tpu.memory_space<vmem>>[vector<16xi32>], vector<16xf32>,
      %add3A_1589 = arith.addf %add3A_1584, %gather3A_1588 : vector<16xf32>
      %add3A_1590 = arith.constant 5 : i32
      %add3A_1591 = vector.broadcast %add3A_1590 : i32 to vector<16xi32>
      %add3A_1592 = arith.addi %mul3A_1564, %add3A_1591 : vector<16xi32>
      %gather3A_1593 = tpu.vector_load_idx %arg10[%add3A_1592] : memref<256xf32, #tpu.memory_space<vmem>>[vector<16xi32>], vector<16xf32>,
      %add3A_1594 = arith.addf %add3A_1589, %gather3A_1593 : vector<16xf32>
      %add3A_1595 = arith.constant 6 : i32
      %add3A_1596 = vector.broadcast %add3A_1595 : i32 to vector<16xi32>
      %add3A_1597 = arith.addi %mul3A_1564, %add3A_1596 : vector<16xi32>
      %gather3A_1598 = tpu.vector_load_idx %arg10[%add3A_1597] : memref<256xf32, #tpu.memory_space<vmem>>[vector<16xi32>], vector<16xf32>,
      %add3A_1599 = arith.addf %add3A_1594, %gather3A_1598 : vector<16xf32>
      %add3A_1600 = arith.constant 7 : i32
      %add3A_1601 = vector.broadcast %add3A_1600 : i32 to vector<16xi32>
      %add3A_1602 = arith.addi %mul3A_1564, %add3A_1601 : vector<16xi32>
      %gather3A_1603 = tpu.vector_load_idx %arg10[%add3A_1602] : memref<256xf32, #tpu.memory_space<vmem>>[vector<16xi32>], vector<16xf32>,
      %add3A_1604 = arith.addf %add3A_1599, %gather3A_1603 : vector<16xf32>
      %add3A_1605 = arith.constant 8 : i32
      %add3A_1606 = vector.broadcast %add3A_1605 : i32 to vector<16xi32>
      %add3A_1607 = arith.addi %mul3A_1564, %add3A_1606 : vector<16xi32>
      %gather3A_1608 = tpu.vector_load_idx %arg10[%add3A_1607] : memref<256xf32, #tpu.memory_space<vmem>>[vector<16xi32>], vector<16xf32>,
      %add3A_1609 = arith.addf %add3A_1604, %gather3A_1608 : vector<16xf32>
      %add3A_1610 = arith.constant 9 : i32
      %add3A_1611 = vector.broadcast %add3A_1610 : i32 to vector<16xi32>
      %add3A_1612 = arith.addi %mul3A_1564, %add3A_1611 : vector<16xi32>
      %gather3A_1613 = tpu.vector_load_idx %arg10[%add3A_1612] : memref<256xf32, #tpu.memory_space<vmem>>[vector<16xi32>], vector<16xf32>,
      %add3A_1614 = arith.addf %add3A_1609, %gather3A_1613 : vector<16xf32>
      %add3A_1615 = arith.constant 10 : i32
      %add3A_1616 = vector.broadcast %add3A_1615 : i32 to vector<16xi32>
      %add3A_1617 = arith.addi %mul3A_1564, %add3A_1616 : vector<16xi32>
      %gather3A_1618 = tpu.vector_load_idx %arg10[%add3A_1617] : memref<256xf32, #tpu.memory_space<vmem>>[vector<16xi32>], vector<16xf32>,
      %add3A_1619 = arith.addf %add3A_1614, %gather3A_1618 : vector<16xf32>
      %add3A_1620 = arith.constant 11 : i32
      %add3A_1621 = vector.broadcast %add3A_1620 : i32 to vector<16xi32>
      %add3A_1622 = arith.addi %mul3A_1564, %add3A_1621 : vector<16xi32>
      %gather3A_1623 = tpu.vector_load_idx %arg10[%add3A_1622] : memref<256xf32, #tpu.memory_space<vmem>>[vector<16xi32>], vector<16xf32>,
      %add3A_1624 = arith.addf %add3A_1619, %gather3A_1623 : vector<16xf32>
      %add3A_1625 = arith.constant 12 : i32
      %add3A_1626 = vector.broadcast %add3A_1625 : i32 to vector<16xi32>
      %add3A_1627 = arith.addi %mul3A_1564, %add3A_1626 : vector<16xi32>
      %gather3A_1628 = tpu.vector_load_idx %arg10[%add3A_1627] : memref<256xf32, #tpu.memory_space<vmem>>[vector<16xi32>], vector<16xf32>,
      %add3A_1629 = arith.addf %add3A_1624, %gather3A_1628 : vector<16xf32>
      %add3A_1630 = arith.constant 13 : i32
      %add3A_1631 = vector.broadcast %add3A_1630 : i32 to vector<16xi32>
      %add3A_1632 = arith.addi %mul3A_1564, %add3A_1631 : vector<16xi32>
      %gather3A_1633 = tpu.vector_load_idx %arg10[%add3A_1632] : memref<256xf32, #tpu.memory_space<vmem>>[vector<16xi32>], vector<16xf32>,
      %add3A_1634 = arith.addf %add3A_1629, %gather3A_1633 : vector<16xf32>
      %add3A_1635 = arith.constant 14 : i32
      %add3A_1636 = vector.broadcast %add3A_1635 : i32 to vector<16xi32>
      %add3A_1637 = arith.addi %mul3A_1564, %add3A_1636 : vector<16xi32>
      %gather3A_1638 = tpu.vector_load_idx %arg10[%add3A_1637] : memref<256xf32, #tpu.memory_space<vmem>>[vector<16xi32>], vector<16xf32>,
      %add3A_1639 = arith.addf %add3A_1634, %gather3A_1638 : vector<16xf32>
      %add3A_1640 = arith.constant 15 : i32
      %add3A_1641 = vector.broadcast %add3A_1640 : i32 to vector<16xi32>
      %add3A_1642 = arith.addi %mul3A_1564, %add3A_1641 : vector<16xi32>
      %gather3A_1643 = tpu.vector_load_idx %arg10[%add3A_1642] : memref<256xf32, #tpu.memory_space<vmem>>[vector<16xi32>], vector<16xf32>,
      %add3A_1644 = arith.addf %add3A_1639, %gather3A_1643 : vector<16xf32>
      %eq3A_1645 = arith.constant 0 : i32
      %eq3A_1646 = vector.broadcast %eq3A_1645 : i32 to vector<16xi32>
      %eq3A_1647 = arith.cmpi eq, %get3A_316, %eq3A_1646 : vector<16xi32>
      %eq3A_1648 = arith.constant 1 : i32
      %eq3A_1649 = vector.broadcast %eq3A_1648 : i32 to vector<16xi32>
      %eq3A_1650 = arith.cmpi eq, %get3A_316, %eq3A_1649 : vector<16xi32>
      %max3A = arith.constant 9.99999996E-13 : f32
      %max3A_1651 = vector.broadcast %max3A : f32 to vector<16xf32>
      %max3A_1652 = arith.maximumf %add3A_1644, %max3A_1651 : vector<16xf32>
      %bitcast_convert_type3A = tpu.bitcast %max3A_1652 : vector<16xf32> -> vector<16xi32>
      %broadcast_in_dim3A_1653 = arith.constant 1597463007 : i32
      %broadcast_in_dim3A_1654 = vector.broadcast %broadcast_in_dim3A_1653 : i32 to vector<16xi32>
      %shift_right_arithmetic3A = arith.constant 1 : i32
      %shift_right_arithmetic3A_1655 = vector.broadcast %shift_right_arithmetic3A : i32 to vector<16xi32>
      %shift_right_arithmetic3A_1656 = arith.shrsi %bitcast_convert_type3A, %shift_right_arithmetic3A_1655 : vector<16xi32>
      %sub3A_1657 = arith.subi %broadcast_in_dim3A_1654, %shift_right_arithmetic3A_1656 : vector<16xi32>
      %bitcast_convert_type3A_1658 = tpu.bitcast %sub3A_1657 : vector<16xi32> -> vector<16xf32>
      %mul3A_1659 = arith.constant 5.000000e-01 : f32
      %mul3A_1660 = vector.broadcast %mul3A_1659 : f32 to vector<16xf32>
      %mul3A_1661 = arith.mulf %mul3A_1660, %max3A_1652 : vector<16xf32>
      %mul3A_1662 = arith.mulf %mul3A_1661, %bitcast_convert_type3A_1658 : vector<16xf32>
      %mul3A_1663 = arith.mulf %mul3A_1662, %bitcast_convert_type3A_1658 : vector<16xf32>
      %sub3A_1664 = arith.constant 1.500000e+00 : f32
      %sub3A_1665 = vector.broadcast %sub3A_1664 : f32 to vector<16xf32>
      %sub3A_1666 = arith.subf %sub3A_1665, %mul3A_1663 : vector<16xf32>
      %mul3A_1667 = arith.mulf %bitcast_convert_type3A_1658, %sub3A_1666 : vector<16xf32>
      %mul3A_1668 = arith.constant 5.000000e-01 : f32
      %mul3A_1669 = vector.broadcast %mul3A_1668 : f32 to vector<16xf32>
      %mul3A_1670 = arith.mulf %mul3A_1669, %max3A_1652 : vector<16xf32>
      %mul3A_1671 = arith.mulf %mul3A_1670, %mul3A_1667 : vector<16xf32>
      %mul3A_1672 = arith.mulf %mul3A_1671, %mul3A_1667 : vector<16xf32>
      %sub3A_1673 = arith.constant 1.500000e+00 : f32
      %sub3A_1674 = vector.broadcast %sub3A_1673 : f32 to vector<16xf32>
      %sub3A_1675 = arith.subf %sub3A_1674, %mul3A_1672 : vector<16xf32>
      %mul3A_1676 = arith.mulf %mul3A_1667, %sub3A_1675 : vector<16xf32>
      %mul3A_1677 = arith.constant 5.000000e-01 : f32
      %mul3A_1678 = vector.broadcast %mul3A_1677 : f32 to vector<16xf32>
      %mul3A_1679 = arith.mulf %mul3A_1678, %max3A_1652 : vector<16xf32>
      %mul3A_1680 = arith.mulf %mul3A_1679, %mul3A_1676 : vector<16xf32>
      %mul3A_1681 = arith.mulf %mul3A_1680, %mul3A_1676 : vector<16xf32>
      %sub3A_1682 = arith.constant 1.500000e+00 : f32
      %sub3A_1683 = vector.broadcast %sub3A_1682 : f32 to vector<16xf32>
      %sub3A_1684 = arith.subf %sub3A_1683, %mul3A_1681 : vector<16xf32>
      %mul3A_1685 = arith.mulf %mul3A_1676, %sub3A_1684 : vector<16xf32>
      %mul3A_1686 = arith.mulf %add3A_1644, %mul3A_1685 : vector<16xf32>
      %select_n3A_1687 = arith.select %eq3A_1647, %mul3A_1686, %broadcast_in_dim3A_4 : vector<16xi1>, vector<16xf32>
      %add3A_1688 = arith.addf %scan3A_303, %select_n3A_1687 : vector<16xf32>
      %select_n3A_1689 = arith.select %eq3A_1647, %broadcast_in_dim3A_6, %broadcast_in_dim3A_4 : vector<16xi1>, vector<16xf32>
      %add3A_1690 = arith.addf %scan3A_304, %select_n3A_1689 : vector<16xf32>
      %select_n3A_1691 = arith.select %eq3A_1650, %mul3A_1686, %broadcast_in_dim3A_4 : vector<16xi1>, vector<16xf32>
      %add3A_1692 = arith.addf %scan3A_305, %select_n3A_1691 : vector<16xf32>
      %select_n3A_1693 = arith.select %eq3A_1650, %broadcast_in_dim3A_6, %broadcast_in_dim3A_4 : vector<16xi1>, vector<16xf32>
      %add3A_1694 = arith.addf %scan3A_306, %select_n3A_1693 : vector<16xf32>
      scf.yield %add3A_1688, %add3A_1690, %add3A_1692, %add3A_1694 : vector<16xf32>, vector<16xf32>, vector<16xf32>, vector<16xf32>
    }
    %scan3A_251 = arith.constant 8 : i32
    %add3A_252 = arith.constant 2 : i32
    %add3A_253 = arith.addi %add3A_210, %add3A_252 : i32
    %lt3A_254 = arith.constant 2 : i32
    %lt3A_255 = arith.cmpi slt, %add3A_253, %lt3A_254 : i32
    %convert_element_type3A_256 = arith.extui %lt3A_255 : i1 to i32
    %cond3A_257 = arith.constant 0 : i32
    %cond3A_258 = arith.cmpi ne, %convert_element_type3A_256, %cond3A_257 : i32
    scf.if %cond3A_258 {
      %add3A_302 = arith.constant 2 : i32
      %add3A_303 = arith.addi %add3A_210, %add3A_302 : i32
      %jit3A_304 = arith.constant 1 : i32
      %div3A_305 = arith.divsi %add3A_303, %jit3A_304 : i32
      %sign3A_306 = arith.constant 0 : i32
      %sign3A_307 = arith.cmpi sgt, %add3A_303, %sign3A_306 : i32
      %sign3A_308 = arith.extui %sign3A_307 : i1 to i32
      %sign3A_309 = arith.constant 0 : i32
      %sign3A_310 = arith.cmpi slt, %add3A_303, %sign3A_309 : i32
      %sign3A_311 = arith.extui %sign3A_310 : i1 to i32
      %sign3A_312 = arith.subi %sign3A_308, %sign3A_311 : i32
      %sign3A_313 = arith.constant 0 : i32
      %sign3A_314 = arith.cmpi sgt, %jit3A_304, %sign3A_313 : i32
      %sign3A_315 = arith.extui %sign3A_314 : i1 to i32
      %sign3A_316 = arith.constant 0 : i32
      %sign3A_317 = arith.cmpi slt, %jit3A_304, %sign3A_316 : i32
      %sign3A_318 = arith.extui %sign3A_317 : i1 to i32
      %sign3A_319 = arith.subi %sign3A_315, %sign3A_318 : i32
      %ne3A_320 = arith.cmpi ne, %sign3A_312, %sign3A_319 : i32
      %rem3A_321 = arith.remsi %add3A_303, %jit3A_304 : i32
      %ne3A_322 = arith.constant 0 : i32
      %ne3A_323 = arith.cmpi ne, %rem3A_321, %ne3A_322 : i32
      %and3A_324 = arith.andi %ne3A_320, %ne3A_323 : i1
      %sub3A_325 = arith.constant 1 : i32
      %sub3A_326 = arith.subi %div3A_305, %sub3A_325 : i32
      %select_n3A_327 = arith.select %and3A_324, %sub3A_326, %div3A_305 : i32
      %rem3A_328 = arith.constant 1 : i32
      %rem3A_329 = arith.remsi %add3A_303, %rem3A_328 : i32
      %mul3A_330 = arith.constant 128 : i32
      %mul3A_331 = arith.muli %rem3A_329, %mul3A_330 : i32
      %add3A_332 = arith.addi %mul3A_2, %mul3A_331 : i32
      %dma_start3A_333 = arith.constant 0 : i32
      %dma_start3A_334 = tpu.memref_slice %arg2[%select_n3A_327, %add3A_332, %dma_start3A_333] : memref<2x32768x128xf32, #tpu.memory_space<hbm>> -> memref<1x128x128xf32, #tpu.memory_space<hbm>>
      %dma_start3A_335 = tpu.memref_squeeze %dma_start3A_334 : memref<1x128x128xf32, #tpu.memory_space<hbm>> -> memref<128x128xf32, #tpu.memory_space<hbm>>
      %dma_start3A_336 = arith.constant 0 : i32
      %dma_start3A_337 = tpu.memref_slice %arg2[%select_n3A_327, %add3A_332, %dma_start3A_336] : memref<2x32768x128xf32, #tpu.memory_space<hbm>> -> memref<1x128x128xf32, #tpu.memory_space<hbm>>
      %dma_start3A_338 = tpu.memref_squeeze %dma_start3A_337 : memref<1x128x128xf32, #tpu.memory_space<hbm>> -> memref<128x128xf32, #tpu.memory_space<hbm>>
      tpu.enqueue_dma source(%dma_start3A_338 : memref<128x128xf32, #tpu.memory_space<hbm>>) target(%arg7 : memref<128x128xf32, #tpu.memory_space<vmem>>) target_semaphore(%arg13 : memref<!tpu.dma_semaphore, #tpu.memory_space<semaphore_mem>>)
    } else {
    }
    %mul3A_259 = arith.constant 4 : i32
    %mul3A_260 = arith.muli %select_n3A_234, %mul3A_259 : i32
    %get3A_261 = arith.index_cast %mul3A_260 : i32 to index
    %get3A_262 = arith.constant 0 : index
    %get3A_263 = tpu.vector_load %arg11[%get3A_261, %get3A_262] {strides = array<i32>} : memref<8x16xf32, #tpu.memory_space<vmem>>, vector<16xf32>,
    %add3A_264 = arith.addf %get3A_263, %scan3A_250#0 : vector<16xf32>
    %swap3A_265 = arith.index_cast %mul3A_260 : i32 to index
    %swap3A_266 = arith.constant 0 : index
    %swap3A_267 = tpu.vector_load %arg11[%swap3A_265, %swap3A_266] {strides = array<i32>} : memref<8x16xf32, #tpu.memory_space<vmem>>, vector<16xf32>,
    tpu.vector_store %arg11[%swap3A_265, %swap3A_266], %add3A_264 {strides = array<i32>} : memref<8x16xf32, #tpu.memory_space<vmem>>, vector<16xf32>,
    %add3A_268 = arith.constant 1 : i32
    %add3A_269 = arith.addi %mul3A_260, %add3A_268 : i32
    %get3A_270 = arith.index_cast %add3A_269 : i32 to index
    %get3A_271 = arith.constant 0 : index
    %get3A_272 = tpu.vector_load %arg11[%get3A_270, %get3A_271] {strides = array<i32>} : memref<8x16xf32, #tpu.memory_space<vmem>>, vector<16xf32>,
    %add3A_273 = arith.addf %get3A_272, %scan3A_250#1 : vector<16xf32>
    %add3A_274 = arith.constant 1 : i32
    %add3A_275 = arith.addi %mul3A_260, %add3A_274 : i32
    %swap3A_276 = arith.index_cast %add3A_275 : i32 to index
    %swap3A_277 = arith.constant 0 : index
    %swap3A_278 = tpu.vector_load %arg11[%swap3A_276, %swap3A_277] {strides = array<i32>} : memref<8x16xf32, #tpu.memory_space<vmem>>, vector<16xf32>,
    tpu.vector_store %arg11[%swap3A_276, %swap3A_277], %add3A_273 {strides = array<i32>} : memref<8x16xf32, #tpu.memory_space<vmem>>, vector<16xf32>,
    %add3A_279 = arith.constant 2 : i32
    %add3A_280 = arith.addi %mul3A_260, %add3A_279 : i32
    %get3A_281 = arith.index_cast %add3A_280 : i32 to index
    %get3A_282 = arith.constant 0 : index
    %get3A_283 = tpu.vector_load %arg11[%get3A_281, %get3A_282] {strides = array<i32>} : memref<8x16xf32, #tpu.memory_space<vmem>>, vector<16xf32>,
    %add3A_284 = arith.addf %get3A_283, %scan3A_250#2 : vector<16xf32>
    %add3A_285 = arith.constant 2 : i32
    %add3A_286 = arith.addi %mul3A_260, %add3A_285 : i32
    %swap3A_287 = arith.index_cast %add3A_286 : i32 to index
    %swap3A_288 = arith.constant 0 : index
    %swap3A_289 = tpu.vector_load %arg11[%swap3A_287, %swap3A_288] {strides = array<i32>} : memref<8x16xf32, #tpu.memory_space<vmem>>, vector<16xf32>,
    tpu.vector_store %arg11[%swap3A_287, %swap3A_288], %add3A_284 {strides = array<i32>} : memref<8x16xf32, #tpu.memory_space<vmem>>, vector<16xf32>,
    %add3A_290 = arith.constant 3 : i32
    %add3A_291 = arith.addi %mul3A_260, %add3A_290 : i32
    %get3A_292 = arith.index_cast %add3A_291 : i32 to index
    %get3A_293 = arith.constant 0 : index
    %get3A_294 = tpu.vector_load %arg11[%get3A_292, %get3A_293] {strides = array<i32>} : memref<8x16xf32, #tpu.memory_space<vmem>>, vector<16xf32>,
    %add3A_295 = arith.addf %get3A_294, %scan3A_250#3 : vector<16xf32>
    %add3A_296 = arith.constant 3 : i32
    %add3A_297 = arith.addi %mul3A_260, %add3A_296 : i32
    %swap3A_298 = arith.index_cast %add3A_297 : i32 to index
    %swap3A_299 = arith.constant 0 : index
    %swap3A_300 = tpu.vector_load %arg11[%swap3A_298, %swap3A_299] {strides = array<i32>} : memref<8x16xf32, #tpu.memory_space<vmem>>, vector<16xf32>,
    tpu.vector_store %arg11[%swap3A_298, %swap3A_299], %add3A_295 {strides = array<i32>} : memref<8x16xf32, #tpu.memory_space<vmem>>, vector<16xf32>,
    %scan3A_301 = arith.constant 1 : i32
    "tpu.region"() ({
      %run_scoped3A_302 = tpu.sem_alloc : memref<!tpu.dma_semaphore, #tpu.memory_space<semaphore_mem>>
      %dma_start3A_303 = arith.constant 0 : i32
      %dma_start3A_304 = arith.constant 0 : i32
      %dma_start3A_305 = tpu.memref_slice %arg5[%add3A, %dma_start3A_303, %dma_start3A_304] : memref<32x8x16xf32, #tpu.memory_space<hbm>> -> memref<1x8x16xf32, #tpu.memory_space<hbm>>
      %dma_start3A_306 = tpu.memref_squeeze %dma_start3A_305 : memref<1x8x16xf32, #tpu.memory_space<hbm>> -> memref<8x16xf32, #tpu.memory_space<hbm>>
      %dma_start3A_307 = arith.constant 0 : i32
      %dma_start3A_308 = arith.constant 0 : i32
      %dma_start3A_309 = tpu.memref_slice %arg5[%add3A, %dma_start3A_307, %dma_start3A_308] : memref<32x8x16xf32, #tpu.memory_space<hbm>> -> memref<1x8x16xf32, #tpu.memory_space<hbm>>
      %dma_start3A_310 = tpu.memref_squeeze %dma_start3A_309 : memref<1x8x16xf32, #tpu.memory_space<hbm>> -> memref<8x16xf32, #tpu.memory_space<hbm>>
      tpu.enqueue_dma source(%arg11 : memref<8x16xf32, #tpu.memory_space<vmem>>) target(%dma_start3A_310 : memref<8x16xf32, #tpu.memory_space<hbm>>) target_semaphore(%run_scoped3A_302 : memref<!tpu.dma_semaphore, #tpu.memory_space<semaphore_mem>>)
      %dma_wait3A_311 = arith.constant 0 : i32
      %dma_wait3A_312 = arith.constant 0 : i32
      %dma_wait3A_313 = tpu.memref_slice %arg5[%add3A, %dma_wait3A_311, %dma_wait3A_312] : memref<32x8x16xf32, #tpu.memory_space<hbm>> -> memref<1x8x16xf32, #tpu.memory_space<hbm>>
      %dma_wait3A_314 = tpu.memref_squeeze %dma_wait3A_313 : memref<1x8x16xf32, #tpu.memory_space<hbm>> -> memref<8x16xf32, #tpu.memory_space<hbm>>
      %dma_wait3A_315 = arith.constant 0 : i32
      %dma_wait3A_316 = arith.constant 0 : i32
      %dma_wait3A_317 = tpu.memref_slice %arg5[%add3A, %dma_wait3A_315, %dma_wait3A_316] : memref<32x8x16xf32, #tpu.memory_space<hbm>> -> memref<1x8x16xf32, #tpu.memory_space<hbm>>
      %dma_wait3A_318 = tpu.memref_squeeze %dma_wait3A_317 : memref<1x8x16xf32, #tpu.memory_space<hbm>> -> memref<8x16xf32, #tpu.memory_space<hbm>>
      tpu.wait_dma2 semaphore(%run_scoped3A_302 : memref<!tpu.dma_semaphore, #tpu.memory_space<semaphore_mem>>) src(%arg11 : memref<8x16xf32, #tpu.memory_space<vmem>>) dst(%dma_wait3A_318 : memref<8x16xf32, #tpu.memory_space<hbm>>)
      tpu.yield
    }) : () -> ()
    return
  }
}

</mosaic_0001>

<sc_bundles>
// kernel: _sc_call.3.cloned.1.call-start
scs
__scs_entry_jumppad:
0x0: {  	(pc) =	sbr.rel $0x88, $3  }
0x1: {  	(tag) =	ssettag $0x0;
	lr =	simm.s32 $0x1  }
0x2: {  	[smem:$0x3F9E] =	sst lr;
	_ =	strace $0xD0000000  }
0x3: {  	_ = 	snop  }
0x4: {  	_ = 	snop  }
0x5: {  	_ = 	snop  }
0x6: {  	_ = 	snop  }
0x7: {  	_ = 	snop  }
__scs_overlays_trampoline_lowered:
0x8: {  	[smem:$0x3FAD] =	sst s0  }
0x9: {  	[smem:$0x3FAE] =	sst s1  }
0xa: {  	[smem:$0x3FAF] =	sst s2  }
0xb: {  	[smem:$0x3FB0] =	sst s3  }
0xc: {  	[smem:$0x3FB1] =	sst s4  }
0xd: {  	[smem:$0x3FB2] =	sst s5  }
0xe: {  	[smem:$0x3FB3] =	sst s6  }
0xf: {  	[smem:$0x3FB4] =	sst s7  }
0x10: {  	[smem:$0x3FB5] =	sst s8  }
0x11: {  	[smem:$0x3FB6] =	sst s9;
	s0 =	simm.s32 @!p0 $0x0  }
0x12: {  	s1 =	sld [smem:$0x3F9C];
	s0 =	simm.s32 @p0 $0x1  }
0x13: {  	[smem:$0x3FB7] =	sst s0;
	s0 =	simm.s32 @!p1 $0x0  }
0x14: {  	s2 =	sld [smem:$0x3F9B];
	s0 =	simm.s32 @p1 $0x1  }
0x15: {  	[smem:$0x3FB8] =	sst s0;
	s0 =	simm.s32 @!p2 $0x0  }
0x16: {  	s3 =	sld [smem:$0x3FDB];
	s0 =	simm.s32 @p2 $0x1  }
0x17: {  	s4 =	simm.s32 $0x1BF5;
	[smem:$0x3FBA] =	sst s0  }
0x18: {  	s0 =	sld [smem:$0x3F9D];
	_ =	swait.ge [sflag:s4], $0x0  }
0x19: {  	s7 =	sld [smem:$0x3F9E]  }
0x1a: {  	s8 =	sadd.s32 $0xFFFFE003, lr  }
0x1b: {  	s9 =	sadd.s32 $0xFFFFFEF7, lr;
	s5 =	simm.s32 $0xFFFFFFFF;
	p2 =	slt.u32 s8, $0xFFFFF086  }
0x1c: {  	p1 =	slt.u32 s9, $0xF7A;
	s5 =	simm.s32 @!p2 $0x0  }
0x1d: {  	s5 =	simm.s32 @p1 $0x1;
	p0 =	seq.s32 s7, s2  }
0x1e: {  	s7 =	smul.u32 @!p0 $0xF7A, s2;
	p2 =	seq.s32 @!p0 s5, $0x0  }
0x1f: {  	s9 =	smul.u32 $0xF7A, s1;
	s8 =	simm.s32 @!p0 $0x1BF5;
	p2 =	por !p2, p0  }
0x20: {  	[sflag:s8] =	ssyncset.s32 @!p0 $0xFFFFF086;
	s6 =	sadd.s32 @!p0 s3, s7;
	s7 =	simm.s32 @!p0 $0x108  }
0x21: {  	s3 =	sadd.s32 s3, s9;
	s6 =	sadd.s32 @!p0 $0x88, s6;
	s7 =	simm.s32 @p2 $0x1082  }
0x22: {  	[simem:s7], [sflag:s8] =	dma.local @!p0 [hbm:s6], $0xF7A  }
0x23: {  	s9 =	sor.u32 $0xD0000000, s2;
	s6 =	simm.s32 $0x108;
	_ =	swait.ge @!p0 [sflag:s8], $0x0  }
0x24: {  	s3 =	sadd.s32 $0x88, s3;
	s6 =	simm.s32 @!p1 $0x1082;
	[sflag:s4] =	ssyncset.s32 $0xFFFFF086  }
0x25: {  	[simem:s6], [sflag:s4] =	dma.local [hbm:s3], $0xF7A  }
0x26: {  	[smem:$0x3F9E] =	sst s1;
	(tag) =	ssettag s2;
	_ =	strace s9  }
0x27: {  	s1 =	sld [smem:$0x3FAE]  }
0x28: {  	s2 =	sld [smem:$0x3FAF]  }
0x29: {  	s4 =	sld [smem:$0x3FB1]  }
0x2a: {  	p0 =	seq.s32 s5, $0x0;
	s5 =	sld [smem:$0x3FB2]  }
0x2b: {  	s6 =	sld [smem:$0x3FB3]  }
0x2c: {  	s7 =	sld [smem:$0x3FB4]  }
0x2d: {  	s3 =	simm.s32 $0x108;
	s8 =	sld [smem:$0x3FB5]  }
0x2e: {  	s3 =	simm.s32 @!p0 $0x1082;
	s9 =	sld [smem:$0x3FB6]  }
0x2f: {  	lr =	sadd.s32 s0, s3;
	s0 =	sld [smem:$0x3FAD]  }
0x30: {  	s3 =	sld [smem:$0x3FB0]  }
0x31: {  	[smem:$0x3FB9] =	sst s10  }
0x32: {  	s10 =	sld [smem:$0x3FB7];
	_ =	sdelay $0x3  }
0x33: {  	p0 =	seq.s32 s10, $0x1;
	s10 =	sld [smem:$0x3FB9];
	_ =	sdelay $0x3  }
0x34: {  	[smem:$0x3FB9] =	sst s10  }
0x35: {  	s10 =	sld [smem:$0x3FB8];
	_ =	sdelay $0x3  }
0x36: {  	p1 =	seq.s32 s10, $0x1;
	s10 =	sld [smem:$0x3FB9];
	_ =	sdelay $0x3  }
0x37: {  	[smem:$0x3FB9] =	sst s10  }
0x38: {  	s10 =	sld [smem:$0x3FBA]  }
0x39: {  	_ = 	snop;
	(pc) =	sbr.ind lr, $3  }
0x3a: {  	_ = 	snop  }
0x3b: {  	_ = 	snop  }
0x3c: {  	p2 =	seq.s32 s10, $0x1;
	s10 =	sld [smem:$0x3FB9]  }
0x3d: {  	_ =	shalt  }
0x3e: {  	_ =	shalt  }
0x3f: {  	_ =	shalt  }
0x40: {  	_ =	shalt  }
0x41: {  	_ =	shalt  }
0x42: {  	_ =	shalt  }
0x43: {  	_ =	shalt  }
0x44: {  	_ =	shalt  }
0x45: {  	_ =	shalt  }
0x46: {  	_ =	shalt  }
0x47: {  	_ =	shalt  }
0x48: {  	_ =	shalt  }
0x49: {  	_ =	shalt  }
0x4a: {  	_ =	shalt  }
0x4b: {  	_ =	shalt  }
0x4c: {  	_ =	shalt  }
0x4d: {  	_ =	shalt  }
0x4e: {  	_ =	shalt  }
0x4f: {  	_ =	shalt  }
0x50: {  	_ =	shalt  }
0x51: {  	_ =	shalt  }
0x52: {  	_ =	shalt  }
0x53: {  	_ =	shalt  }
0x54: {  	_ =	shalt  }
0x55: {  	_ =	shalt  }
0x56: {  	_ =	shalt  }
0x57: {  	_ =	shalt  }
0x58: {  	_ =	shalt  }
0x59: {  	_ =	shalt  }
0x5a: {  	_ =	shalt  }
0x5b: {  	_ =	shalt  }
0x5c: {  	_ =	shalt  }
0x5d: {  	_ =	shalt  }
0x5e: {  	_ =	shalt  }
0x5f: {  	_ =	shalt  }
0x60: {  	_ =	shalt  }
0x61: {  	_ =	shalt  }
0x62: {  	_ =	shalt  }
0x63: {  	_ =	shalt  }
0x64: {  	_ =	shalt  }
0x65: {  	_ =	shalt  }
0x66: {  	_ =	shalt  }
0x67: {  	_ =	shalt  }
0x68: {  	_ =	shalt  }
0x69: {  	_ =	shalt  }
0x6a: {  	_ =	shalt  }
0x6b: {  	_ =	shalt  }
0x6c: {  	_ =	shalt  }
0x6d: {  	_ =	shalt  }
0x6e: {  	_ =	shalt  }
0x6f: {  	_ =	shalt  }
0x70: {  	_ =	shalt  }
0x71: {  	_ =	shalt  }
0x72: {  	_ =	shalt  }
0x73: {  	_ =	shalt  }
0x74: {  	_ =	shalt  }
0x75: {  	_ =	shalt  }
0x76: {  	_ =	shalt  }
0x77: {  	_ =	shalt  }
0x78: {  	_ =	shalt  }
0x79: {  	_ =	shalt  }
0x7a: {  	_ =	shalt  }
0x7b: {  	_ =	shalt  }
0x7c: {  	_ =	shalt  }
0x7d: {  	_ =	shalt  }
0x7e: {  	_ =	shalt  }
0x7f: {  	_ =	shalt  }
0x80: {  	_ =	shalt  }
0x81: {  	_ =	shalt  }
0x82: {  	_ =	shalt  }
0x83: {  	_ =	shalt  }
0x84: {  	_ =	shalt  }
0x85: {  	_ =	shalt  }
0x86: {  	_ =	shalt  }
0x87: {  	_ =	shalt  }
.Lfunc_end0:
.L_simem_size_0:
called_computation_lowered:
.L_overlay_start_0:
0x88: {  	s2 =	sld [smem:$0x3FD9]  }
0x89: {  	s3 =	sld [smem:$0x3FFE];
	_ =	sdelay $0x1  }
0x8a: {  	s1 =	srdreg.scid  }
0x8b: {  	s0 =	sand.u32 $0x1, s1  }
0x8c: {  	s17 =	sshll.u32 s0, $0xA;
	s2 =	sadd.s32 s3, s2  }
0x8d: {  	s2 =	sadd.s32 s2, s17  }
0x8e: {  	[smem:$0x3FC5] =	sst s2  }
0x8f: {  	_ = 	snop  }
0x90: {  	s2 =	sld [smem:$0x3FC9]  }
0x91: {  	s18 =	sld [smem:$0x3FC8]  }
0x92: {  	s4 =	sld [smem:$0x3FC7];
	(tm) =	ssettm $0x1  }
0x93: {  	s5 =	sld [smem:$0x3FFB];
	_ =	sdelay $0x3  }
0x94: {  	_ =	strace s5  }
0x95: {  	s5 =	sld [smem:$0x3FFC];
	_ =	sdelay $0x3  }
0x96: {  	_ =	strace s5  }
0x97: {  	s5 =	sld [smem:$0x3FFD];
	_ =	sdelay $0x3  }
0x98: {  	_ =	strace s5  }
0x99: {  	_ =	strace $0x8FFFFFFF  }
0x9a: {  	s19 =	sld [smem:$0x3FDB];
	_ =	sdelay $0x1  }
0x9b: {  	s6 =	simm.s32 $_scs_section_size  }
0x9c: {  	s7 =	simm.s32 $_size__tile_overlayer_lowered;
	s8 =	simm.s32 $_tile_overlayer_lowered  }
0x9d: {  	s22 =	simm.s32 $0x1BFF;
	s21 =	sshll.u32 s8, $0x1;
	s5 =	sadd.s32 s6, s19  }
0x9e: {  	s9 =	simm.s32 $0x0;
	s20 =	sshll.u32 s7, $0x1;
	s7 =	sadd.s32 s21, s5  }
0x9f: {  	[timem:s9], [sflag:s22] =	dma.local [hbm:s7], s20  }
0xa0: {  	_ =	swait.ge [sflag:s22], s20  }
0xa1: {  	s6 =	ssub.s32 $0x0, s20;
	[sflag:s22] =	ssyncset.done $0x0  }
0xa2: {  	[sflag:s22] =	ssyncadd.s32 s6;
	_ =	sdelay $0x1  }
0xa3: {  	s23 =	simm.s32 $0x1B8B  }
0xa4: {  	_ =	swait.ge [sflag:s23], $0x1  }
0xa5: {  	[sflag:s23] =	ssyncset.done $0x0  }
0xa6: {  	s25 =	simm.s32 $0x1B8E;
	s24 =	sld [smem:$0x3FFE];
	[sflag:s23] =	ssyncadd.s32 $0xFFFFFFFF  }
0xa7: {  	s26 =	simm.s32 $execute0_lowered;
	[smem:$0x3FD2] =	sst s25  }
0xa8: {  	s7 =	sshll.u32 s26, $0x1;
	_ =	strace $0x80000046;
	[dreg:$0x1] =	wrdreg $0xFFFFFFFF  }
0xa9: {  	s28 =	simm.s32 $_size_execute0_lowered;
	s5 =	sadd.s32 s5, s7;
	[dreg:$0x0] =	wrdreg $0x0  }
0xaa: {  	s7 =	sshll.u32 s28, $0x1;
	[dreg:$0x2] =	wrdreg s5  }
0xab: {  	[dreg:$0x3] =	wrdreg s7  }
0xac: {  	[dreg:$0x4] =	wrdreg $0xC0  }
0xad: {  	_ =	task [dreg:s9], $0x5FFFF  }
0xae: {  	[dreg:$0x1] =	wrdreg $0xFFFFFFFF  }
0xaf: {  	[dreg:$0x0] =	wrdreg $0x60  }
0xb0: {  	[dreg:$0x2] =	wrdreg s2  }
0xb1: {  	[dreg:$0x3] =	wrdreg s18  }
0xb2: {  	[dreg:$0x4] =	wrdreg s4  }
0xb3: {  	[dreg:$0x5] =	wrdreg s24  }
0xb4: {  	[dreg:$0x6] =	wrdreg $0x9  }
0xb5: {  	_ =	task.clear_ibuf [dreg:s9], $0x7FFFF;
	_ =	strace $0x90000046  }
0xb6: {  	s29 =	simm.s32 $0x9;
	_ =	strace $0x80000048  }
0xb7: {  	_ =	swait.ge [sflag:s29], $0x1  }
0xb8: {  	[sflag:s29] =	ssyncadd.s32 $0xFFFFFFFF  }
0xb9: {  	_ =	strace $0x90000048  }
0xba: {  	_ =	sfence  }
0xbb: {  	s30 =	sld [smem:$0x0];
	_ =	sdelay $0x2  }
0xbc: {  	s31 =	sshll.u32 s1, $0xD;
	s1 =	sshrl.u32 s1, $0x2  }
0xbd: {  	s3 =	sand.u32 $0x4000, s31;
	s1 =	sadd.s32 s1, s30  }
0xbe: {  	s0 =	sor.u32 s3, s0;
	s1 =	sshll.u32 s1, $0x11  }
0xbf: {  	s0 =	sor.u32 s1, s0  }
0xc0: {  	s0 =	sadd.s32 $0x8F2B, s0  }
0xc1: {  	[sflag:s0] =	ssyncadd.remote.s32 $0x1  }
0xc2: {  	_ =	sfence.sel $0xFFFF  }
0xc3: {  	[dreg:$0x0] =	wrdreg $0xFFFFFFFF;
	(pc) =	sbr.abs _section_cstart, $3  }
0xc4: {  	[dreg:$0x1] =	wrdreg $0xFFFFFFFF  }
0xc5: {  	_ =	task.clear_ibuf [dreg:s9], $0x2FFFF;
	_ =	strace $0x9FFFFFFF  }
0xc6: {  	(tm) =	ssettm $0x7FFFFFFF  }
0xc7: {  	_ =	shalt  }
tec
execute0_lowered:
.L_overlay_start_1:
0x0: {  	(tag) =	ssettag $0x1  }
0x1: {  	s5 =	rddreg [dreg:$0x0]  }
0x2: {  	s4 =	rddreg [dreg:$0x1]  }
0x3: {  	s1 =	rddreg [dreg:$0x2];
	s2 =	srdreg.scid;
	v0 =	vimm.s32 $0x0  }
0x4: {  	s0 =	stileid.u32;
	s6 =	rddreg [dreg:$0x3];
	v1 =	vimm.s32 $0x1;
	v2 =	vimm.s32 $0x2;
	v3 =	vimm.s32 $0x3  }
0x5: {  	s3 =	simm.s32 $0x0;
	v4 =	vimm.s32 $0x4;
	v5 =	vimm.s32 $0x5;
	v6 =	vimm.s32 $0x6;
	s11 =	simm.s32 $0x3;
	s12 =	simm.s32 $0x8000  }
0x6: {  	v7 =	vimm.s32 $0x7;
	v8 =	vimm.s32 $0x8;
	v9 =	vimm.s32 $0x9;
	s13 =	simm.s32 $0x8080;
	s14 =	simm.s32 $0x4000;
	s15 =	simm.s32 $0x1  }
0x7: {  	v10 =	vimm.s32 $0xA;
	v11 =	vimm.s32 $0xB;
	v14 =	vlaneseq.u32;
	s16 =	simm.s32 $0x8200;
	s17 =	simm.s32 $0x2;
	s18 =	simm.s32 $0x8300  }
0x8: {  	v12 =	vimm.s32 $0xC;
	v13 =	vimm.s32 $0xD;
	s7 =	sand.u32 $0x1, s2;
	s8 =	sshll.u32 s0, $0x1;
	s2 =	rddreg [dreg:$0x4];
	v14 =	vmul.u32 $0x10, v14  }
0x9: {  	v15 =	vimm.s32 $0xE;
	v16 =	vimm.s32 $0xF;
	v17 =	vimm.f32 $0.0e+00;
	s19 =	simm.s32 $0x0;
	[smem:$0x7FF] =	sst s3;
	s8 =	sor.u32 s7, s8  }
0xa: {  	_ =	strace $0x80000047;
	s30 =	ssub.s32 $0x2, s7;
	s9 =	sshll.u32 s8, $0x7;
	v18 =	vor.u32 $0x1, v14;
	v19 =	vor.u32 $0x2, v14;
	v20 =	vor.u32 $0x3, v14  }
0xb: {  	s31 =	sshll.u32 s8, $0x5;
	s8 =	sshll.u32 s8, $0xB;
	s10 =	sshrl.u32 s30, $0x1;
	v21 =	vor.u32 $0x4, v14;
	v22 =	vor.u32 $0x5, v14;
	v23 =	vor.u32 $0x6, v14  }
0xc: {  	v24 =	vor.u32 $0x7, v14;
	v25 =	vor.u32 $0x8, v14;
	v26 =	vor.u32 $0x9, v14;
	s9 =	sadd.s32 s9, s6;
	s4 =	sadd.s32 s4, s31;
	s5 =	sadd.s32 s5, s8  }
0xd: {  	v27 =	vor.u32 $0xA, v14;
	v28 =	vor.u32 $0xB, v14;
	v29 =	vor.u32 $0xC, v14;
	s10 =	ssub.s32 s30, s10;
	s6 =	sadd.s32 $0x10, s4;
	s7 =	sadd.s32 $0x80000, s5  }
0xe: {  	v30 =	vor.u32 $0xD, v14;
	v31 =	vor.u32 $0xE, v14;
	v32 =	vor.u32 $0xF, v14;
	s8 =	sadd.s32 $0x400, s9;
	s9 =	smax.u32 s10, $0x1;
	s10 =	simm.s32 $0x8100  }
.LBB2_1:
0xf: {  	[tilespmem:s10], [sflag:$0x3] =	stream.linear.gather [hbm4b:s1+s3], $0x100, $0x38;
	[tilespmem:$0x8700] =	vst v63  }
0x10: {  	_ =	swait.ge [sflag:s11], $0x100  }
0x11: {  	[sflag:s11] =	ssyncset.done $0x0  }
0x12: {  	[sflag:s11] =	ssyncadd.s32 $0xFFFFFF00  }
0x13: {  	[tilespmem:s12], [sflag:$0x3] =	stream.linear.gather [hbm4b:s4+s3], $0x80, $0x38;
	[tilespmem:$0x8700] =	vst v63  }
0x14: {  	_ =	swait.ge [sflag:s11], $0x80  }
0x15: {  	[sflag:s11] =	ssyncset.done $0x0  }
0x16: {  	[sflag:s11] =	ssyncadd.s32 $0xFFFFFF80  }
0x17: {  	[tilespmem:s13], [sflag:$0x3] =	stream.linear.gather [hbm4b:s6+s3], $0x80, $0x38;
	[tilespmem:$0x8700] =	vst v63  }
0x18: {  	_ =	swait.ge [sflag:s11], $0x80  }
0x19: {  	[sflag:s11] =	ssyncset.done $0x0  }
0x1a: {  	[sflag:s11] =	ssyncadd.s32 $0xFFFFFF80  }
0x1b: {  	v33 =	vld [tilespmem:$0x8100]  }
0x1c: {  	v34 =	vld [tilespmem:$0x8110]  }
0x1d: {  	v35 =	vld [tilespmem:$0x8120]  }
0x1e: {  	v36 =	vld [tilespmem:$0x8130]  }
0x1f: {  	v37 =	vld [tilespmem:$0x8140]  }
0x20: {  	v38 =	vld [tilespmem:$0x8150]  }
0x21: {  	v39 =	vld [tilespmem:$0x8160]  }
0x22: {  	v40 =	vld [tilespmem:$0x8170];
	[tilespmem:$0x8300] =	vst v17  }
0x23: {  	v41 =	vld [tilespmem:$0x8180];
	[tilespmem:$0x8380] =	vst v17  }
0x24: {  	v42 =	vld [tilespmem:$0x8190];
	[tilespmem:$0x8400] =	vst v17  }
0x25: {  	v43 =	vld [tilespmem:$0x81A0];
	[tilespmem:$0x8480] =	vst v17  }
0x26: {  	v44 =	vld [tilespmem:$0x81B0];
	[tilespmem:$0x8500] =	vst v17  }
0x27: {  	v45 =	vld [tilespmem:$0x81C0];
	[tilespmem:$0x8580] =	vst v17  }
0x28: {  	v46 =	vld [tilespmem:$0x81D0];
	[tilespmem:$0x8600] =	vst v17  }
0x29: {  	v47 =	vld [tilespmem:$0x81E0];
	[tilespmem:$0x8680] =	vst v17  }
0x2a: {  	v48 =	vld [tilespmem:$0x81F0];
	[tilespmem:s3], [sflag:$0x1] =	stream.linear.gather [hbm4b:s5+s3], $0x4000, $0x38  }
0x2b: {  	_ = 	snop  }
0x2c: {  	[tilespmem:s14], [sflag:$0x2] =	stream.linear.gather [hbm4b:s7+s3], $0x4000, $0x38;
	[tilespmem:$0x8700] =	vst v63  }
0x2d: {  	_ =	swait.ge [sflag:s15], $0x4000  }
0x2e: {  	v49 =	vimm.f32 $0.0e+00;
	[sflag:s15] =	ssyncset.done $0x0  }
0x2f: {  	s20 =	simm.s32 $0x400;
	s21 =	simm.s32 $0x0;
	v50 =	vimm.f32 $0.0e+00;
	v51 =	vimm.f32 $0.0e+00;
	v52 =	vimm.f32 $0.0e+00;
	[sflag:s15] =	ssyncadd.s32 $0xFFFFC000  }
.LBB2_2:
0x30: {  	s22 =	sshra.s32 s21, $0x2  }
0x31: {  	v53 =	vld [tilespmem:s22+$0x8000];
	_ =	sdelay $0x2  }
0x32: {  	v54 =	vld [tilespmem:s20+$0xFFFFFC00]  }
0x33: {  	v55 =	vld [tilespmem:s20+$0xFFFFFC10]  }
0x34: {  	v57 =	vld [tilespmem:s20+$0xFFFFFC20];
	v56 =	vperm.xlane v53, v0  }
0x35: {  	v58 =	vld [tilespmem:s20+$0xFFFFFC30]  }
0x36: {  	vm0 =	veq.s32 v56, $0x0  }
0x37: {  	v56 =	vsel vm0, v33, v41  }
0x38: {  	v59 =	vld [tilespmem:s20+$0xFFFFFC40];
	v54 =	vsub.f32 v54, v56;
	v56 =	vsel vm0, v35, v43  }
0x39: {  	v61 =	vld [tilespmem:s20+$0xFFFFFC50];
	v60 =	vsel vm0, v34, v42;
	v56 =	vsub.f32 v57, v56;
	v57 =	vsel vm0, v36, v44  }
0x3a: {  	v55 =	vsub.f32 v55, v60;
	v60 =	vld [tilespmem:s20+$0xFFFFFC70];
	v57 =	vsub.f32 v58, v57  }
0x3b: {  	v62 =	vsel vm0, v37, v45;
	v58 =	vld [tilespmem:s20+$0xFFFFFC60]  }
0x3c: {  	v63 =	vsel vm0, v38, v46;
	v55 =	vmul.f32 v55, v55;
	v57 =	vmul.f32 v57, v57  }
0x3d: {  	v62 =	vsub.f32 v59, v62;
	v54 =	vmul.f32 v54, v54;
	v56 =	vmul.f32 v56, v56  }
0x3e: {  	v59 =	vsel vm0, v39, v47;
	v55 =	vadd.f32 v57, v55;
	v57 =	vsub.f32 v61, v63  }
0x3f: {  	v54 =	vadd.f32 v56, v54;
	v56 =	vmul.f32 v62, v62;
	v61 =	vsel vm0, v40, v48  }
0x40: {  	v58 =	vsub.f32 v58, v59;
	v62 =	vsub.f32 v60, v61;
	v57 =	vmul.f32 v57, v57  }
0x41: {  	v54 =	vadd.f32 v56, v54  }
0x42: {  	v63 =	vmul.f32 v58, v58;
	v60 =	vmul.f32 v62, v62;
	v55 =	vadd.f32 v57, v55;
	_ =	sdelay $0x1  }
0x43: {  	v54 =	vadd.f32 v63, v54;
	v55 =	vadd.f32 v60, v55;
	_ =	sdelay $0x1  }
0x44: {  	v54 =	vadd.f32 v55, v54;
	_ =	sdelay $0x1  }
0x45: {  	[tilespmem:$0x8200] =	vst v54  }
0x46: {  	v54 =	vld [tilespmem:s20+$0xFFFFFC80]  }
0x47: {  	v55 =	vld [tilespmem:s20+$0xFFFFFC90]  }
0x48: {  	v61 =	vperm.xlane v53, v1;
	v57 =	vld [tilespmem:s20+$0xFFFFFCA0]  }
0x49: {  	v58 =	vld [tilespmem:s20+$0xFFFFFCB0]  }
0x4a: {  	vm12 =	veq.s32 v61, $0x0  }
0x4b: {  	v56 =	vsel vm12, v33, v41  }
0x4c: {  	v59 =	vld [tilespmem:s20+$0xFFFFFCC0];
	v54 =	vsub.f32 v54, v56;
	v56 =	vsel vm12, v35, v43  }
0x4d: {  	v60 =	vsel vm12, v34, v42;
	v61 =	vld [tilespmem:s20+$0xFFFFFCD0];
	v56 =	vsub.f32 v57, v56;
	v57 =	vsel vm12, v36, v44  }
0x4e: {  	v55 =	vsub.f32 v55, v60;
	v60 =	vld [tilespmem:s20+$0xFFFFFCF0];
	v57 =	vsub.f32 v58, v57  }
0x4f: {  	v62 =	vsel vm12, v37, v45;
	v58 =	vld [tilespmem:s20+$0xFFFFFCE0]  }
0x50: {  	v63 =	vsel vm12, v38, v46;
	v55 =	vmul.f32 v55, v55;
	v57 =	vmul.f32 v57, v57  }
0x51: {  	v62 =	vsub.f32 v59, v62;
	v54 =	vmul.f32 v54, v54;
	v56 =	vmul.f32 v56, v56  }
0x52: {  	v59 =	vsel vm12, v39, v47;
	v55 =	vadd.f32 v57, v55;
	v57 =	vsub.f32 v61, v63  }
0x53: {  	v54 =	vadd.f32 v56, v54;
	v56 =	vmul.f32 v62, v62;
	v61 =	vsel vm12, v40, v48  }
0x54: {  	v58 =	vsub.f32 v58, v59;
	v62 =	vsub.f32 v60, v61;
	v57 =	vmul.f32 v57, v57  }
0x55: {  	v54 =	vadd.f32 v56, v54  }
0x56: {  	v63 =	vmul.f32 v58, v58;
	v60 =	vmul.f32 v62, v62;
	v55 =	vadd.f32 v57, v55;
	_ =	sdelay $0x1  }
0x57: {  	v54 =	vadd.f32 v63, v54;
	v55 =	vadd.f32 v60, v55;
	_ =	sdelay $0x1  }
0x58: {  	v54 =	vadd.f32 v55, v54;
	_ =	sdelay $0x1  }
0x59: {  	[tilespmem:$0x8210] =	vst v54  }
0x5a: {  	v54 =	vld [tilespmem:s20+$0xFFFFFD00]  }
0x5b: {  	v55 =	vld [tilespmem:s20+$0xFFFFFD10]  }
0x5c: {  	v61 =	vperm.xlane v53, v2;
	v57 =	vld [tilespmem:s20+$0xFFFFFD20]  }
0x5d: {  	v58 =	vld [tilespmem:s20+$0xFFFFFD30]  }
0x5e: {  	vm13 =	veq.s32 v61, $0x0  }
0x5f: {  	v56 =	vsel vm13, v33, v41  }
0x60: {  	v59 =	vld [tilespmem:s20+$0xFFFFFD40];
	v54 =	vsub.f32 v54, v56;
	v56 =	vsel vm13, v35, v43  }
0x61: {  	v60 =	vsel vm13, v34, v42;
	v61 =	vld [tilespmem:s20+$0xFFFFFD50];
	v56 =	vsub.f32 v57, v56;
	v57 =	vsel vm13, v36, v44  }
0x62: {  	v55 =	vsub.f32 v55, v60;
	v60 =	vld [tilespmem:s20+$0xFFFFFD70];
	v57 =	vsub.f32 v58, v57  }
0x63: {  	v62 =	vsel vm13, v37, v45;
	v58 =	vld [tilespmem:s20+$0xFFFFFD60]  }
0x64: {  	v63 =	vsel vm13, v38, v46;
	v55 =	vmul.f32 v55, v55;
	v57 =	vmul.f32 v57, v57  }
0x65: {  	v62 =	vsub.f32 v59, v62;
	v54 =	vmul.f32 v54, v54;
	v56 =	vmul.f32 v56, v56  }
0x66: {  	v59 =	vsel vm13, v39, v47;
	v55 =	vadd.f32 v57, v55;
	v57 =	vsub.f32 v61, v63  }
0x67: {  	v54 =	vadd.f32 v56, v54;
	v56 =	vmul.f32 v62, v62;
	v61 =	vsel vm13, v40, v48  }
0x68: {  	v58 =	vsub.f32 v58, v59;
	v62 =	vsub.f32 v60, v61;
	v57 =	vmul.f32 v57, v57  }
0x69: {  	v54 =	vadd.f32 v56, v54  }
0x6a: {  	v63 =	vmul.f32 v58, v58;
	v60 =	vmul.f32 v62, v62;
	v55 =	vadd.f32 v57, v55;
	_ =	sdelay $0x1  }
0x6b: {  	v54 =	vadd.f32 v63, v54;
	v55 =	vadd.f32 v60, v55;
	_ =	sdelay $0x1  }
0x6c: {  	v54 =	vadd.f32 v55, v54;
	_ =	sdelay $0x1  }
0x6d: {  	[tilespmem:$0x8220] =	vst v54  }
0x6e: {  	v54 =	vld [tilespmem:s20+$0xFFFFFD80]  }
0x6f: {  	v55 =	vld [tilespmem:s20+$0xFFFFFD90]  }
0x70: {  	v61 =	vperm.xlane v53, v3;
	v57 =	vld [tilespmem:s20+$0xFFFFFDA0]  }
0x71: {  	v58 =	vld [tilespmem:s20+$0xFFFFFDB0]  }
0x72: {  	vm14 =	veq.s32 v61, $0x0  }
0x73: {  	v56 =	vsel vm14, v33, v41  }
0x74: {  	v59 =	vld [tilespmem:s20+$0xFFFFFDC0];
	v54 =	vsub.f32 v54, v56;
	v56 =	vsel vm14, v35, v43  }
0x75: {  	v60 =	vsel vm14, v34, v42;
	v61 =	vld [tilespmem:s20+$0xFFFFFDD0];
	v56 =	vsub.f32 v57, v56;
	v57 =	vsel vm14, v36, v44  }
0x76: {  	v55 =	vsub.f32 v55, v60;
	v60 =	vld [tilespmem:s20+$0xFFFFFDF0];
	v57 =	vsub.f32 v58, v57  }
0x77: {  	v62 =	vsel vm14, v37, v45;
	v58 =	vld [tilespmem:s20+$0xFFFFFDE0]  }
0x78: {  	v63 =	vsel vm14, v38, v46;
	v55 =	vmul.f32 v55, v55;
	v57 =	vmul.f32 v57, v57  }
0x79: {  	v62 =	vsub.f32 v59, v62;
	v54 =	vmul.f32 v54, v54;
	v56 =	vmul.f32 v56, v56  }
0x7a: {  	v59 =	vsel vm14, v39, v47;
	v55 =	vadd.f32 v57, v55;
	v57 =	vsub.f32 v61, v63  }
0x7b: {  	v54 =	vadd.f32 v56, v54;
	v56 =	vmul.f32 v62, v62;
	v61 =	vsel vm14, v40, v48  }
0x7c: {  	v58 =	vsub.f32 v58, v59;
	v62 =	vsub.f32 v60, v61;
	v57 =	vmul.f32 v57, v57  }
0x7d: {  	v54 =	vadd.f32 v56, v54  }
0x7e: {  	v63 =	vmul.f32 v58, v58;
	v60 =	vmul.f32 v62, v62;
	v55 =	vadd.f32 v57, v55;
	_ =	sdelay $0x1  }
0x7f: {  	v54 =	vadd.f32 v63, v54;
	v55 =	vadd.f32 v60, v55;
	_ =	sdelay $0x1  }
0x80: {  	v54 =	vadd.f32 v55, v54;
	_ =	sdelay $0x1  }
0x81: {  	[tilespmem:$0x8230] =	vst v54  }
0x82: {  	v54 =	vld [tilespmem:s20+$0xFFFFFE00]  }
0x83: {  	v55 =	vld [tilespmem:s20+$0xFFFFFE10]  }
0x84: {  	v61 =	vperm.xlane v53, v4;
	v57 =	vld [tilespmem:s20+$0xFFFFFE20]  }
0x85: {  	v58 =	vld [tilespmem:s20+$0xFFFFFE30]  }
0x86: {  	vm15 =	veq.s32 v61, $0x0  }
0x87: {  	v56 =	vsel vm15, v33, v41  }
0x88: {  	v59 =	vld [tilespmem:s20+$0xFFFFFE40];
	v54 =	vsub.f32 v54, v56;
	v56 =	vsel vm15, v35, v43  }
0x89: {  	v60 =	vsel vm15, v34, v42;
	v61 =	vld [tilespmem:s20+$0xFFFFFE50];
	v56 =	vsub.f32 v57, v56;
	v57 =	vsel vm15, v36, v44  }
0x8a: {  	v55 =	vsub.f32 v55, v60;
	v60 =	vld [tilespmem:s20+$0xFFFFFE70];
	v57 =	vsub.f32 v58, v57  }
0x8b: {  	v62 =	vsel vm15, v37, v45;
	v58 =	vld [tilespmem:s20+$0xFFFFFE60]  }
0x8c: {  	v63 =	vsel vm15, v38, v46;
	v55 =	vmul.f32 v55, v55;
	v57 =	vmul.f32 v57, v57  }
0x8d: {  	v62 =	vsub.f32 v59, v62;
	v54 =	vmul.f32 v54, v54;
	v56 =	vmul.f32 v56, v56  }
0x8e: {  	v59 =	vsel vm15, v39, v47;
	v55 =	vadd.f32 v57, v55;
	v57 =	vsub.f32 v61, v63  }
0x8f: {  	v54 =	vadd.f32 v56, v54;
	v56 =	vmul.f32 v62, v62;
	v61 =	vsel vm15, v40, v48  }
0x90: {  	v58 =	vsub.f32 v58, v59;
	v62 =	vsub.f32 v60, v61;
	v57 =	vmul.f32 v57, v57  }
0x91: {  	v54 =	vadd.f32 v56, v54  }
0x92: {  	v63 =	vmul.f32 v58, v58;
	v60 =	vmul.f32 v62, v62;
	v55 =	vadd.f32 v57, v55;
	_ =	sdelay $0x1  }
0x93: {  	v54 =	vadd.f32 v63, v54;
	v55 =	vadd.f32 v60, v55;
	_ =	sdelay $0x1  }
0x94: {  	v54 =	vadd.f32 v55, v54;
	_ =	sdelay $0x1  }
0x95: {  	[tilespmem:$0x8240] =	vst v54  }
0x96: {  	v54 =	vld [tilespmem:s20+$0xFFFFFE80]  }
0x97: {  	v55 =	vld [tilespmem:s20+$0xFFFFFE90]  }
0x98: {  	v61 =	vperm.xlane v53, v5;
	v57 =	vld [tilespmem:s20+$0xFFFFFEA0]  }
0x99: {  	v58 =	vld [tilespmem:s20+$0xFFFFFEB0]  }
0x9a: {  	vm4 =	veq.s32 v61, $0x0  }
0x9b: {  	v56 =	vsel vm4, v33, v41  }
0x9c: {  	v59 =	vld [tilespmem:s20+$0xFFFFFEC0];
	v54 =	vsub.f32 v54, v56;
	v56 =	vsel vm4, v35, v43  }
0x9d: {  	v60 =	vsel vm4, v34, v42;
	v61 =	vld [tilespmem:s20+$0xFFFFFED0];
	v56 =	vsub.f32 v57, v56;
	v57 =	vsel vm4, v36, v44  }
0x9e: {  	v55 =	vsub.f32 v55, v60;
	v60 =	vld [tilespmem:s20+$0xFFFFFEF0];
	v57 =	vsub.f32 v58, v57  }
0x9f: {  	v62 =	vsel vm4, v37, v45;
	v58 =	vld [tilespmem:s20+$0xFFFFFEE0]  }
0xa0: {  	v63 =	vsel vm4, v38, v46;
	v55 =	vmul.f32 v55, v55;
	v57 =	vmul.f32 v57, v57  }
0xa1: {  	v62 =	vsub.f32 v59, v62;
	v54 =	vmul.f32 v54, v54;
	v56 =	vmul.f32 v56, v56  }
0xa2: {  	v59 =	vsel vm4, v39, v47;
	v55 =	vadd.f32 v57, v55;
	v57 =	vsub.f32 v61, v63  }
0xa3: {  	v54 =	vadd.f32 v56, v54;
	v56 =	vmul.f32 v62, v62;
	v61 =	vsel vm4, v40, v48  }
0xa4: {  	v58 =	vsub.f32 v58, v59;
	v62 =	vsub.f32 v60, v61;
	v57 =	vmul.f32 v57, v57  }
0xa5: {  	v54 =	vadd.f32 v56, v54  }
0xa6: {  	v63 =	vmul.f32 v58, v58;
	v60 =	vmul.f32 v62, v62;
	v55 =	vadd.f32 v57, v55;
	_ =	sdelay $0x1  }
0xa7: {  	v54 =	vadd.f32 v63, v54;
	v55 =	vadd.f32 v60, v55;
	_ =	sdelay $0x1  }
0xa8: {  	v54 =	vadd.f32 v55, v54;
	_ =	sdelay $0x1  }
0xa9: {  	[tilespmem:$0x8250] =	vst v54  }
0xaa: {  	v54 =	vld [tilespmem:s20+$0xFFFFFF00]  }
0xab: {  	v55 =	vld [tilespmem:s20+$0xFFFFFF10]  }
0xac: {  	v61 =	vperm.xlane v53, v6;
	v57 =	vld [tilespmem:s20+$0xFFFFFF20]  }
0xad: {  	v58 =	vld [tilespmem:s20+$0xFFFFFF30]  }
0xae: {  	vm5 =	veq.s32 v61, $0x0  }
0xaf: {  	v56 =	vsel vm5, v33, v41  }
0xb0: {  	v59 =	vld [tilespmem:s20+$0xFFFFFF40];
	v54 =	vsub.f32 v54, v56;
	v56 =	vsel vm5, v35, v43  }
0xb1: {  	v60 =	vsel vm5, v34, v42;
	v61 =	vld [tilespmem:s20+$0xFFFFFF50];
	v56 =	vsub.f32 v57, v56;
	v57 =	vsel vm5, v36, v44  }
0xb2: {  	v55 =	vsub.f32 v55, v60;
	v60 =	vld [tilespmem:s20+$0xFFFFFF70];
	v57 =	vsub.f32 v58, v57  }
0xb3: {  	v62 =	vsel vm5, v37, v45;
	v58 =	vld [tilespmem:s20+$0xFFFFFF60]  }
0xb4: {  	v63 =	vsel vm5, v38, v46;
	v55 =	vmul.f32 v55, v55;
	v57 =	vmul.f32 v57, v57  }
0xb5: {  	v62 =	vsub.f32 v59, v62;
	v54 =	vmul.f32 v54, v54;
	v56 =	vmul.f32 v56, v56  }
0xb6: {  	v59 =	vsel vm5, v39, v47;
	v55 =	vadd.f32 v57, v55;
	v57 =	vsub.f32 v61, v63  }
0xb7: {  	v54 =	vadd.f32 v56, v54;
	v56 =	vmul.f32 v62, v62;
	v61 =	vsel vm5, v40, v48  }
0xb8: {  	v58 =	vsub.f32 v58, v59;
	v62 =	vsub.f32 v60, v61;
	v57 =	vmul.f32 v57, v57  }
0xb9: {  	v54 =	vadd.f32 v56, v54  }
0xba: {  	v63 =	vmul.f32 v58, v58;
	v60 =	vmul.f32 v62, v62;
	v55 =	vadd.f32 v57, v55;
	_ =	sdelay $0x1  }
0xbb: {  	v54 =	vadd.f32 v63, v54;
	v55 =	vadd.f32 v60, v55;
	_ =	sdelay $0x1  }
0xbc: {  	v54 =	vadd.f32 v55, v54;
	_ =	sdelay $0x1  }
0xbd: {  	[tilespmem:$0x8260] =	vst v54  }
0xbe: {  	v54 =	vld [tilespmem:s20+$0xFFFFFF80]  }
0xbf: {  	v55 =	vld [tilespmem:s20+$0xFFFFFF90]  }
0xc0: {  	v61 =	vperm.xlane v53, v7;
	v57 =	vld [tilespmem:s20+$0xFFFFFFA0]  }
0xc1: {  	v58 =	vld [tilespmem:s20+$0xFFFFFFB0]  }
0xc2: {  	vm6 =	veq.s32 v61, $0x0  }
0xc3: {  	v56 =	vsel vm6, v33, v41  }
0xc4: {  	v59 =	vld [tilespmem:s20+$0xFFFFFFC0];
	v54 =	vsub.f32 v54, v56;
	v56 =	vsel vm6, v35, v43  }
0xc5: {  	v60 =	vsel vm6, v34, v42;
	v61 =	vld [tilespmem:s20+$0xFFFFFFD0];
	v56 =	vsub.f32 v57, v56;
	v57 =	vsel vm6, v36, v44  }
0xc6: {  	v55 =	vsub.f32 v55, v60;
	v60 =	vld [tilespmem:s20+$0xFFFFFFF0];
	v57 =	vsub.f32 v58, v57  }
0xc7: {  	v62 =	vsel vm6, v37, v45;
	v58 =	vld [tilespmem:s20+$0xFFFFFFE0]  }
0xc8: {  	v63 =	vsel vm6, v38, v46;
	v55 =	vmul.f32 v55, v55;
	v57 =	vmul.f32 v57, v57  }
0xc9: {  	v62 =	vsub.f32 v59, v62;
	v54 =	vmul.f32 v54, v54;
	v56 =	vmul.f32 v56, v56  }
0xca: {  	v59 =	vsel vm6, v39, v47;
	v55 =	vadd.f32 v57, v55;
	v57 =	vsub.f32 v61, v63  }
0xcb: {  	v54 =	vadd.f32 v56, v54;
	v56 =	vmul.f32 v62, v62;
	v61 =	vsel vm6, v40, v48  }
0xcc: {  	v58 =	vsub.f32 v58, v59;
	v62 =	vsub.f32 v60, v61;
	v57 =	vmul.f32 v57, v57  }
0xcd: {  	v54 =	vadd.f32 v56, v54  }
0xce: {  	v63 =	vmul.f32 v58, v58;
	v60 =	vmul.f32 v62, v62;
	v55 =	vadd.f32 v57, v55;
	_ =	sdelay $0x1  }
0xcf: {  	v54 =	vadd.f32 v63, v54;
	v55 =	vadd.f32 v60, v55;
	_ =	sdelay $0x1  }
0xd0: {  	v54 =	vadd.f32 v55, v54;
	_ =	sdelay $0x1  }
0xd1: {  	[tilespmem:$0x8270] =	vst v54  }
0xd2: {  	v54 =	vld [tilespmem:s20+$0x0]  }
0xd3: {  	v55 =	vld [tilespmem:s20+$0x10]  }
0xd4: {  	v61 =	vperm.xlane v53, v8;
	v57 =	vld [tilespmem:s20+$0x20]  }
0xd5: {  	v58 =	vld [tilespmem:s20+$0x30]  }
0xd6: {  	vm7 =	veq.s32 v61, $0x0  }
0xd7: {  	v56 =	vsel vm7, v33, v41  }
0xd8: {  	v59 =	vld [tilespmem:s20+$0x40];
	v54 =	vsub.f32 v54, v56;
	v56 =	vsel vm7, v35, v43  }
0xd9: {  	v60 =	vsel vm7, v34, v42;
	v61 =	vld [tilespmem:s20+$0x50];
	v56 =	vsub.f32 v57, v56;
	v57 =	vsel vm7, v36, v44  }
0xda: {  	v55 =	vsub.f32 v55, v60;
	v60 =	vld [tilespmem:s20+$0x70];
	v57 =	vsub.f32 v58, v57  }
0xdb: {  	v62 =	vsel vm7, v37, v45;
	v58 =	vld [tilespmem:s20+$0x60]  }
0xdc: {  	v63 =	vsel vm7, v38, v46;
	v55 =	vmul.f32 v55, v55;
	v57 =	vmul.f32 v57, v57  }
0xdd: {  	v62 =	vsub.f32 v59, v62;
	v54 =	vmul.f32 v54, v54;
	v56 =	vmul.f32 v56, v56  }
0xde: {  	v59 =	vsel vm7, v39, v47;
	v55 =	vadd.f32 v57, v55;
	v57 =	vsub.f32 v61, v63  }
0xdf: {  	v54 =	vadd.f32 v56, v54;
	v56 =	vmul.f32 v62, v62;
	v61 =	vsel vm7, v40, v48  }
0xe0: {  	v58 =	vsub.f32 v58, v59;
	v62 =	vsub.f32 v60, v61;
	v57 =	vmul.f32 v57, v57  }
0xe1: {  	v54 =	vadd.f32 v56, v54  }
0xe2: {  	v63 =	vmul.f32 v58, v58;
	v60 =	vmul.f32 v62, v62;
	v55 =	vadd.f32 v57, v55;
	_ =	sdelay $0x1  }
0xe3: {  	v54 =	vadd.f32 v63, v54;
	v55 =	vadd.f32 v60, v55;
	_ =	sdelay $0x1  }
0xe4: {  	v54 =	vadd.f32 v55, v54;
	_ =	sdelay $0x1  }
0xe5: {  	[tilespmem:$0x8280] =	vst v54  }
0xe6: {  	v54 =	vld [tilespmem:s20+$0x80]  }
0xe7: {  	v55 =	vld [tilespmem:s20+$0x90]  }
0xe8: {  	v61 =	vperm.xlane v53, v9;
	v57 =	vld [tilespmem:s20+$0xA0]  }
0xe9: {  	v58 =	vld [tilespmem:s20+$0xB0]  }
0xea: {  	vm8 =	veq.s32 v61, $0x0  }
0xeb: {  	v56 =	vsel vm8, v33, v41  }
0xec: {  	v59 =	vld [tilespmem:s20+$0xC0];
	v54 =	vsub.f32 v54, v56;
	v56 =	vsel vm8, v35, v43  }
0xed: {  	v60 =	vsel vm8, v34, v42;
	v61 =	vld [tilespmem:s20+$0xD0];
	v56 =	vsub.f32 v57, v56;
	v57 =	vsel vm8, v36, v44  }
0xee: {  	v55 =	vsub.f32 v55, v60;
	v60 =	vld [tilespmem:s20+$0xF0];
	v57 =	vsub.f32 v58, v57  }
0xef: {  	v62 =	vsel vm8, v37, v45;
	v58 =	vld [tilespmem:s20+$0xE0]  }
0xf0: {  	v63 =	vsel vm8, v38, v46;
	v55 =	vmul.f32 v55, v55;
	v57 =	vmul.f32 v57, v57  }
0xf1: {  	v62 =	vsub.f32 v59, v62;
	v54 =	vmul.f32 v54, v54;
	v56 =	vmul.f32 v56, v56  }
0xf2: {  	v59 =	vsel vm8, v39, v47;
	v55 =	vadd.f32 v57, v55;
	v57 =	vsub.f32 v61, v63  }
0xf3: {  	v54 =	vadd.f32 v56, v54;
	v56 =	vmul.f32 v62, v62;
	v61 =	vsel vm8, v40, v48  }
0xf4: {  	v58 =	vsub.f32 v58, v59;
	v62 =	vsub.f32 v60, v61;
	v57 =	vmul.f32 v57, v57  }
0xf5: {  	v54 =	vadd.f32 v56, v54  }
0xf6: {  	v63 =	vmul.f32 v58, v58;
	v60 =	vmul.f32 v62, v62;
	v55 =	vadd.f32 v57, v55;
	_ =	sdelay $0x1  }
0xf7: {  	v54 =	vadd.f32 v63, v54;
	v55 =	vadd.f32 v60, v55;
	_ =	sdelay $0x1  }
0xf8: {  	v54 =	vadd.f32 v55, v54;
	_ =	sdelay $0x1  }
0xf9: {  	[tilespmem:$0x8290] =	vst v54  }
0xfa: {  	v54 =	vld [tilespmem:s20+$0x100]  }
0xfb: {  	v55 =	vld [tilespmem:s20+$0x110]  }
0xfc: {  	v61 =	vperm.xlane v53, v10;
	v57 =	vld [tilespmem:s20+$0x120]  }
0xfd: {  	v58 =	vld [tilespmem:s20+$0x130]  }
0xfe: {  	vm9 =	veq.s32 v61, $0x0  }
0xff: {  	v56 =	vsel vm9, v33, v41  }
0x100: {  	v59 =	vld [tilespmem:s20+$0x140];
	v54 =	vsub.f32 v54, v56;
	v56 =	vsel vm9, v35, v43  }
0x101: {  	v60 =	vsel vm9, v34, v42;
	v61 =	vld [tilespmem:s20+$0x150];
	v56 =	vsub.f32 v57, v56;
	v57 =	vsel vm9, v36, v44  }
0x102: {  	v55 =	vsub.f32 v55, v60;
	v60 =	vld [tilespmem:s20+$0x170];
	v57 =	vsub.f32 v58, v57  }
0x103: {  	v62 =	vsel vm9, v37, v45;
	v58 =	vld [tilespmem:s20+$0x160]  }
0x104: {  	v63 =	vsel vm9, v38, v46;
	v55 =	vmul.f32 v55, v55;
	v57 =	vmul.f32 v57, v57  }
0x105: {  	v62 =	vsub.f32 v59, v62;
	v54 =	vmul.f32 v54, v54;
	v56 =	vmul.f32 v56, v56  }
0x106: {  	v59 =	vsel vm9, v39, v47;
	v55 =	vadd.f32 v57, v55;
	v57 =	vsub.f32 v61, v63  }
0x107: {  	v54 =	vadd.f32 v56, v54;
	v56 =	vmul.f32 v62, v62;
	v61 =	vsel vm9, v40, v48  }
0x108: {  	v58 =	vsub.f32 v58, v59;
	v62 =	vsub.f32 v60, v61;
	v57 =	vmul.f32 v57, v57  }
0x109: {  	v54 =	vadd.f32 v56, v54  }
0x10a: {  	v63 =	vmul.f32 v58, v58;
	v60 =	vmul.f32 v62, v62;
	v55 =	vadd.f32 v57, v55;
	_ =	sdelay $0x1  }
0x10b: {  	v54 =	vadd.f32 v63, v54;
	v55 =	vadd.f32 v60, v55;
	_ =	sdelay $0x1  }
0x10c: {  	v54 =	vadd.f32 v55, v54;
	_ =	sdelay $0x1  }
0x10d: {  	[tilespmem:$0x82A0] =	vst v54  }
0x10e: {  	v54 =	vld [tilespmem:s20+$0x180]  }
0x10f: {  	v55 =	vld [tilespmem:s20+$0x190]  }
0x110: {  	v61 =	vperm.xlane v53, v11;
	v57 =	vld [tilespmem:s20+$0x1A0]  }
0x111: {  	v58 =	vld [tilespmem:s20+$0x1B0]  }
0x112: {  	vm10 =	veq.s32 v61, $0x0  }
0x113: {  	v56 =	vsel vm10, v33, v41  }
0x114: {  	v59 =	vld [tilespmem:s20+$0x1C0];
	v54 =	vsub.f32 v54, v56;
	v56 =	vsel vm10, v35, v43  }
0x115: {  	v60 =	vsel vm10, v34, v42;
	v61 =	vld [tilespmem:s20+$0x1D0];
	v56 =	vsub.f32 v57, v56;
	v57 =	vsel vm10, v36, v44  }
0x116: {  	v55 =	vsub.f32 v55, v60;
	v60 =	vld [tilespmem:s20+$0x1F0];
	v57 =	vsub.f32 v58, v57  }
0x117: {  	v62 =	vsel vm10, v37, v45;
	v58 =	vld [tilespmem:s20+$0x1E0]  }
0x118: {  	v63 =	vsel vm10, v38, v46;
	v55 =	vmul.f32 v55, v55;
	v57 =	vmul.f32 v57, v57  }
0x119: {  	v62 =	vsub.f32 v59, v62;
	v54 =	vmul.f32 v54, v54;
	v56 =	vmul.f32 v56, v56  }
0x11a: {  	v59 =	vsel vm10, v39, v47;
	v55 =	vadd.f32 v57, v55;
	v57 =	vsub.f32 v61, v63  }
0x11b: {  	v54 =	vadd.f32 v56, v54;
	v56 =	vmul.f32 v62, v62;
	v61 =	vsel vm10, v40, v48  }
0x11c: {  	v58 =	vsub.f32 v58, v59;
	v62 =	vsub.f32 v60, v61;
	v57 =	vmul.f32 v57, v57  }
0x11d: {  	v54 =	vadd.f32 v56, v54  }
0x11e: {  	v63 =	vmul.f32 v58, v58;
	v60 =	vmul.f32 v62, v62;
	v55 =	vadd.f32 v57, v55;
	_ =	sdelay $0x1  }
0x11f: {  	v54 =	vadd.f32 v63, v54;
	v55 =	vadd.f32 v60, v55;
	_ =	sdelay $0x1  }
0x120: {  	v54 =	vadd.f32 v55, v54;
	_ =	sdelay $0x1  }
0x121: {  	[tilespmem:$0x82B0] =	vst v54  }
0x122: {  	v54 =	vld [tilespmem:s20+$0x200]  }
0x123: {  	v55 =	vld [tilespmem:s20+$0x210]  }
0x124: {  	v61 =	vperm.xlane v53, v12;
	v57 =	vld [tilespmem:s20+$0x220]  }
0x125: {  	v58 =	vld [tilespmem:s20+$0x230]  }
0x126: {  	vm11 =	veq.s32 v61, $0x0  }
0x127: {  	v56 =	vsel vm11, v33, v41  }
0x128: {  	v59 =	vld [tilespmem:s20+$0x240];
	v54 =	vsub.f32 v54, v56;
	v56 =	vsel vm11, v35, v43  }
0x129: {  	v60 =	vsel vm11, v34, v42;
	v61 =	vld [tilespmem:s20+$0x250];
	v56 =	vsub.f32 v57, v56;
	v57 =	vsel vm11, v36, v44  }
0x12a: {  	v55 =	vsub.f32 v55, v60;
	v60 =	vld [tilespmem:s20+$0x270];
	v57 =	vsub.f32 v58, v57  }
0x12b: {  	v62 =	vsel vm11, v37, v45;
	v58 =	vld [tilespmem:s20+$0x260]  }
0x12c: {  	v63 =	vsel vm11, v38, v46;
	v55 =	vmul.f32 v55, v55;
	v57 =	vmul.f32 v57, v57  }
0x12d: {  	v62 =	vsub.f32 v59, v62;
	v54 =	vmul.f32 v54, v54;
	v56 =	vmul.f32 v56, v56  }
0x12e: {  	v59 =	vsel vm11, v39, v47;
	v55 =	vadd.f32 v57, v55;
	v57 =	vsub.f32 v61, v63  }
0x12f: {  	v54 =	vadd.f32 v56, v54;
	v56 =	vmul.f32 v62, v62;
	v61 =	vsel vm11, v40, v48  }
0x130: {  	v58 =	vsub.f32 v58, v59;
	v62 =	vsub.f32 v60, v61;
	v57 =	vmul.f32 v57, v57  }
0x131: {  	v54 =	vadd.f32 v56, v54  }
0x132: {  	v63 =	vmul.f32 v58, v58;
	v60 =	vmul.f32 v62, v62;
	v55 =	vadd.f32 v57, v55;
	_ =	sdelay $0x1  }
0x133: {  	v54 =	vadd.f32 v63, v54;
	v55 =	vadd.f32 v60, v55;
	_ =	sdelay $0x1  }
0x134: {  	v54 =	vadd.f32 v55, v54;
	_ =	sdelay $0x1  }
0x135: {  	[tilespmem:$0x82C0] =	vst v54  }
0x136: {  	v54 =	vld [tilespmem:s20+$0x280]  }
0x137: {  	v55 =	vld [tilespmem:s20+$0x290]  }
0x138: {  	v61 =	vperm.xlane v53, v13;
	v57 =	vld [tilespmem:s20+$0x2A0]  }
0x139: {  	v58 =	vld [tilespmem:s20+$0x2B0]  }
0x13a: {  	vm12 =	veq.s32 v61, $0x0  }
0x13b: {  	v56 =	vsel vm12, v33, v41  }
0x13c: {  	v59 =	vld [tilespmem:s20+$0x2C0];
	v54 =	vsub.f32 v54, v56;
	v56 =	vsel vm12, v35, v43  }
0x13d: {  	v60 =	vsel vm12, v34, v42;
	v61 =	vld [tilespmem:s20+$0x2D0];
	v56 =	vsub.f32 v57, v56;
	v57 =	vsel vm12, v36, v44  }
0x13e: {  	v55 =	vsub.f32 v55, v60;
	v60 =	vld [tilespmem:s20+$0x2F0];
	v57 =	vsub.f32 v58, v57  }
0x13f: {  	v62 =	vsel vm12, v37, v45;
	v58 =	vld [tilespmem:s20+$0x2E0]  }
0x140: {  	v63 =	vsel vm12, v38, v46;
	v55 =	vmul.f32 v55, v55;
	v57 =	vmul.f32 v57, v57  }
0x141: {  	v62 =	vsub.f32 v59, v62;
	v54 =	vmul.f32 v54, v54;
	v56 =	vmul.f32 v56, v56  }
0x142: {  	v59 =	vsel vm12, v39, v47;
	v55 =	vadd.f32 v57, v55;
	v57 =	vsub.f32 v61, v63  }
0x143: {  	v54 =	vadd.f32 v56, v54;
	v56 =	vmul.f32 v62, v62;
	v61 =	vsel vm12, v40, v48  }
0x144: {  	v58 =	vsub.f32 v58, v59;
	v62 =	vsub.f32 v60, v61;
	v57 =	vmul.f32 v57, v57  }
0x145: {  	v54 =	vadd.f32 v56, v54  }
0x146: {  	v63 =	vmul.f32 v58, v58;
	v60 =	vmul.f32 v62, v62;
	v55 =	vadd.f32 v57, v55;
	_ =	sdelay $0x1  }
0x147: {  	v54 =	vadd.f32 v63, v54;
	v55 =	vadd.f32 v60, v55;
	_ =	sdelay $0x1  }
0x148: {  	v54 =	vadd.f32 v55, v54;
	_ =	sdelay $0x1  }
0x149: {  	[tilespmem:$0x82D0] =	vst v54  }
0x14a: {  	v54 =	vld [tilespmem:s20+$0x300]  }
0x14b: {  	v55 =	vld [tilespmem:s20+$0x310]  }
0x14c: {  	v61 =	vperm.xlane v53, v15;
	v57 =	vld [tilespmem:s20+$0x320]  }
0x14d: {  	v58 =	vld [tilespmem:s20+$0x330]  }
0x14e: {  	vm13 =	veq.s32 v61, $0x0  }
0x14f: {  	v56 =	vsel vm13, v33, v41  }
0x150: {  	v59 =	vld [tilespmem:s20+$0x340];
	v54 =	vsub.f32 v54, v56;
	v56 =	vsel vm13, v35, v43  }
0x151: {  	v60 =	vsel vm13, v34, v42;
	v61 =	vld [tilespmem:s20+$0x350];
	v56 =	vsub.f32 v57, v56;
	v57 =	vsel vm13, v36, v44  }
0x152: {  	v55 =	vsub.f32 v55, v60;
	v60 =	vld [tilespmem:s20+$0x370];
	v57 =	vsub.f32 v58, v57  }
0x153: {  	v62 =	vsel vm13, v37, v45;
	v58 =	vld [tilespmem:s20+$0x360]  }
0x154: {  	v63 =	vsel vm13, v38, v46;
	v55 =	vmul.f32 v55, v55;
	v57 =	vmul.f32 v57, v57  }
0x155: {  	v62 =	vsub.f32 v59, v62;
	v54 =	vmul.f32 v54, v54;
	v56 =	vmul.f32 v56, v56  }
0x156: {  	v59 =	vsel vm13, v39, v47;
	v55 =	vadd.f32 v57, v55;
	v57 =	vsub.f32 v61, v63  }
0x157: {  	v54 =	vadd.f32 v56, v54;
	v56 =	vmul.f32 v62, v62;
	v61 =	vsel vm13, v40, v48  }
0x158: {  	v58 =	vsub.f32 v58, v59;
	v62 =	vsub.f32 v60, v61;
	v57 =	vmul.f32 v57, v57  }
0x159: {  	v54 =	vadd.f32 v56, v54  }
0x15a: {  	v63 =	vmul.f32 v58, v58;
	v60 =	vmul.f32 v62, v62;
	v55 =	vadd.f32 v57, v55;
	_ =	sdelay $0x1  }
0x15b: {  	v54 =	vadd.f32 v63, v54;
	v55 =	vadd.f32 v60, v55;
	_ =	sdelay $0x1  }
0x15c: {  	v54 =	vadd.f32 v55, v54;
	_ =	sdelay $0x1  }
0x15d: {  	[tilespmem:$0x82E0] =	vst v54  }
0x15e: {  	v54 =	vld [tilespmem:s20+$0x380]  }
0x15f: {  	v55 =	vld [tilespmem:s20+$0x390]  }
0x160: {  	v61 =	vperm.xlane v53, v16;
	v57 =	vld [tilespmem:s20+$0x3A0]  }
0x161: {  	v58 =	vld [tilespmem:s20+$0x3B0]  }
0x162: {  	vm14 =	veq.s32 v61, $0x0  }
0x163: {  	v56 =	vsel vm14, v33, v41  }
0x164: {  	v59 =	vld [tilespmem:s20+$0x3C0];
	v54 =	vsub.f32 v54, v56;
	v56 =	vsel vm14, v35, v43  }
0x165: {  	v60 =	vsel vm14, v34, v42;
	v61 =	vld [tilespmem:s20+$0x3D0];
	v56 =	vsub.f32 v57, v56;
	v57 =	vsel vm14, v36, v44  }
0x166: {  	v55 =	vsub.f32 v55, v60;
	v60 =	vld [tilespmem:s20+$0x3F0];
	v57 =	vsub.f32 v58, v57  }
0x167: {  	v62 =	vsel vm14, v37, v45;
	v58 =	vld [tilespmem:s20+$0x3E0]  }
0x168: {  	v63 =	vsel vm14, v38, v46;
	v55 =	vmul.f32 v55, v55;
	v57 =	vmul.f32 v57, v57  }
0x169: {  	v62 =	vsub.f32 v59, v62;
	v54 =	vmul.f32 v54, v54;
	v56 =	vmul.f32 v56, v56  }
0x16a: {  	v59 =	vsel vm14, v39, v47;
	v55 =	vadd.f32 v57, v55;
	v57 =	vsub.f32 v61, v63  }
0x16b: {  	v54 =	vadd.f32 v56, v54;
	v56 =	vmul.f32 v62, v62;
	v61 =	vsel vm14, v40, v48  }
0x16c: {  	v58 =	vsub.f32 v58, v59;
	v60 =	vsub.f32 v60, v61;
	v57 =	vmul.f32 v57, v57  }
0x16d: {  	v54 =	vadd.f32 v56, v54  }
0x16e: {  	v61 =	vmul.f32 v58, v58;
	v62 =	vmul.f32 v60, v60;
	v55 =	vadd.f32 v57, v55;
	_ =	sdelay $0x1  }
0x16f: {  	v54 =	vadd.f32 v61, v54;
	v55 =	vadd.f32 v62, v55;
	_ =	sdelay $0x1  }
0x170: {  	v54 =	vadd.f32 v55, v54;
	_ =	sdelay $0x1  }
0x171: {  	[tilespmem:$0x82F0] =	vst v54  }
0x172: {  	v54 =	vld.idx.msk [tilespmem:v14+s16+$0x0], $0xffff;
	_ =	sdelay $0x1  }
0x173: {  	v63 =	vld.idx.msk [tilespmem:v18+s16+$0x0], $0xffff;
	_ =	sdelay $0x1  }
0x174: {  	v60 =	vld.idx.msk [tilespmem:v19+s16+$0x0], $0xffff  }
0x175: {  	v54 =	vadd.f32 $0.0e+00, v54  }
0x176: {  	v61 =	vld.idx.msk [tilespmem:v20+s16+$0x0], $0xffff  }
0x177: {  	v54 =	vadd.f32 v63, v54  }
0x178: {  	v62 =	vld.idx.msk [tilespmem:v21+s16+$0x0], $0xffff  }
0x179: {  	v54 =	vadd.f32 v60, v54  }
0x17a: {  	v63 =	vld.idx.msk [tilespmem:v22+s16+$0x0], $0xffff  }
0x17b: {  	v54 =	vadd.f32 v61, v54  }
0x17c: {  	v60 =	vld.idx.msk [tilespmem:v23+s16+$0x0], $0xffff  }
0x17d: {  	v54 =	vadd.f32 v62, v54  }
0x17e: {  	v61 =	vld.idx.msk [tilespmem:v24+s16+$0x0], $0xffff  }
0x17f: {  	v54 =	vadd.f32 v63, v54  }
0x180: {  	v62 =	vld.idx.msk [tilespmem:v25+s16+$0x0], $0xffff  }
0x181: {  	v54 =	vadd.f32 v60, v54  }
0x182: {  	v63 =	vld.idx.msk [tilespmem:v26+s16+$0x0], $0xffff  }
0x183: {  	v54 =	vadd.f32 v61, v54  }
0x184: {  	v60 =	vld.idx.msk [tilespmem:v27+s16+$0x0], $0xffff  }
0x185: {  	v54 =	vadd.f32 v62, v54  }
0x186: {  	v61 =	vld.idx.msk [tilespmem:v28+s16+$0x0], $0xffff  }
0x187: {  	v54 =	vadd.f32 v63, v54  }
0x188: {  	v62 =	vld.idx.msk [tilespmem:v29+s16+$0x0], $0xffff  }
0x189: {  	v54 =	vadd.f32 v60, v54  }
0x18a: {  	v63 =	vld.idx.msk [tilespmem:v30+s16+$0x0], $0xffff  }
0x18b: {  	v54 =	vadd.f32 v61, v54  }
0x18c: {  	v60 =	vld.idx.msk [tilespmem:v31+s16+$0x0], $0xffff  }
0x18d: {  	v54 =	vadd.f32 v62, v54  }
0x18e: {  	v61 =	vld.idx.msk [tilespmem:v32+s16+$0x0], $0xffff  }
0x18f: {  	v54 =	vadd.f32 v63, v54;
	_ =	sdelay $0x1  }
0x190: {  	v54 =	vadd.f32 v60, v54;
	_ =	sdelay $0x1  }
0x191: {  	v54 =	vadd.f32 v61, v54;
	_ =	sdelay $0x1  }
0x192: {  	v62 =	vmax.f32 v54, $9.999999960e-13  }
0x193: {  	v63 =	vshra.s32 v62, $0x1;
	v55 =	vmul.f32 $5.000000000e-01, v62  }
0x194: {  	v56 =	vsub.s32 $0x5F3759DF, v63  }
0x195: {  	v60 =	vmul.f32 v56, v55;
	_ =	sdelay $0x1  }
0x196: {  	v57 =	vmul.f32 v56, v60;
	_ =	sdelay $0x1  }
0x197: {  	v57 =	vsub.f32 $1.500000000e+00, v57;
	_ =	sdelay $0x1  }
0x198: {  	v56 =	vmul.f32 v56, v57;
	_ =	sdelay $0x1  }
0x199: {  	v57 =	vmul.f32 v56, v55;
	_ =	sdelay $0x1  }
0x19a: {  	v57 =	vmul.f32 v57, v56;
	_ =	sdelay $0x1  }
0x19b: {  	v57 =	vsub.f32 $1.500000000e+00, v57;
	_ =	sdelay $0x1  }
0x19c: {  	v56 =	vmul.f32 v57, v56;
	_ =	sdelay $0x1  }
0x19d: {  	v55 =	vmul.f32 v56, v55;
	_ =	sdelay $0x1  }
0x19e: {  	v55 =	vmul.f32 v55, v56;
	_ =	sdelay $0x1  }
0x19f: {  	v55 =	vsub.f32 $1.500000000e+00, v55;
	_ =	sdelay $0x1  }
0x1a0: {  	p0 =	sne.s32 s21, $0x1C0;
	v55 =	vmul.f32 v55, v56  }
.Ltmp0:
0x1a1: {  	vm15 =	veq.s32 v53, $0x0;
	(pc) =	sbr.rel @p0 .LBB2_2-.Ltmp0, $4  }
0x1a2: {  	vm1 =	veq.s32 v53, $0x1;
	v61 =	vsel vm15, $0x3F800000, v17;
	v54 =	vmul.f32 v55, v54  }
0x1a3: {  	v51 =	vadd.f32 v61, v51;
	v63 =	vsel vm1, $0x3F800000, v17  }
0x1a4: {  	v49 =	vadd.f32 v63, v49;
	v55 =	vnsel vm15, $0x0, v54;
	v62 =	vnsel vm1, $0x0, v54  }
0x1a5: {  	s21 =	sadd.s32 $0x40, s21;
	s20 =	sadd.s32 $0x800, s20;
	v52 =	vadd.f32 v55, v52;
	v50 =	vadd.f32 v62, v50  }
0x1a6: {  	v53 =	vld [tilespmem:$0x8300]  }
0x1a7: {  	v54 =	vld [tilespmem:$0x8380]  }
0x1a8: {  	v55 =	vld [tilespmem:$0x8400]  }
0x1a9: {  	v56 =	vld [tilespmem:$0x8480];
	_ =	sdelay $0x1  }
0x1aa: {  	v52 =	vadd.f32 v53, v52  }
0x1ab: {  	v51 =	vadd.f32 v54, v51  }
0x1ac: {  	v50 =	vadd.f32 v55, v50;
	[tilespmem:$0x8300] =	vst v52  }
0x1ad: {  	v49 =	vadd.f32 v56, v49;
	[tilespmem:$0x8380] =	vst v51  }
0x1ae: {  	[tilespmem:$0x8400] =	vst v50  }
0x1af: {  	[tilespmem:$0x8480] =	vst v49  }
0x1b0: {  	_ =	swait.ge [sflag:s17], $0x4000  }
0x1b1: {  	v49 =	vimm.f32 $0.0e+00;
	[sflag:s17] =	ssyncset.done $0x0  }
0x1b2: {  	s20 =	simm.s32 $0x0;
	s21 =	simm.s32 $0x4400;
	v50 =	vimm.f32 $0.0e+00;
	v51 =	vimm.f32 $0.0e+00;
	v52 =	vimm.f32 $0.0e+00;
	[sflag:s17] =	ssyncadd.s32 $0xFFFFC000  }
.LBB2_4:
0x1b3: {  	s22 =	sshra.s32 s20, $0x2  }
0x1b4: {  	v53 =	vld [tilespmem:s22+$0x8080];
	_ =	sdelay $0x2  }
0x1b5: {  	v54 =	vld [tilespmem:s21+$0xFFFFFC00]  }
0x1b6: {  	v55 =	vld [tilespmem:s21+$0xFFFFFC10]  }
0x1b7: {  	v57 =	vld [tilespmem:s21+$0xFFFFFC20];
	v56 =	vperm.xlane v53, v0  }
0x1b8: {  	v58 =	vld [tilespmem:s21+$0xFFFFFC30]  }
0x1b9: {  	vm0 =	veq.s32 v56, $0x0  }
0x1ba: {  	v56 =	vsel vm0, v33, v41  }
0x1bb: {  	v59 =	vld [tilespmem:s21+$0xFFFFFC40];
	v54 =	vsub.f32 v54, v56;
	v56 =	vsel vm0, v35, v43  }
0x1bc: {  	v61 =	vld [tilespmem:s21+$0xFFFFFC50];
	v60 =	vsel vm0, v34, v42;
	v56 =	vsub.f32 v57, v56;
	v57 =	vsel vm0, v36, v44  }
0x1bd: {  	v55 =	vsub.f32 v55, v60;
	v60 =	vld [tilespmem:s21+$0xFFFFFC70];
	v57 =	vsub.f32 v58, v57  }
0x1be: {  	v62 =	vsel vm0, v37, v45;
	v58 =	vld [tilespmem:s21+$0xFFFFFC60]  }
0x1bf: {  	v63 =	vsel vm0, v38, v46;
	v55 =	vmul.f32 v55, v55;
	v57 =	vmul.f32 v57, v57  }
0x1c0: {  	v62 =	vsub.f32 v59, v62;
	v54 =	vmul.f32 v54, v54;
	v56 =	vmul.f32 v56, v56  }
0x1c1: {  	v59 =	vsel vm0, v39, v47;
	v55 =	vadd.f32 v57, v55;
	v57 =	vsub.f32 v61, v63  }
0x1c2: {  	v54 =	vadd.f32 v56, v54;
	v56 =	vmul.f32 v62, v62;
	v61 =	vsel vm0, v40, v48  }
0x1c3: {  	v58 =	vsub.f32 v58, v59;
	v62 =	vsub.f32 v60, v61;
	v57 =	vmul.f32 v57, v57  }
0x1c4: {  	v54 =	vadd.f32 v56, v54  }
0x1c5: {  	v63 =	vmul.f32 v58, v58;
	v60 =	vmul.f32 v62, v62;
	v55 =	vadd.f32 v57, v55;
	_ =	sdelay $0x1  }
0x1c6: {  	v54 =	vadd.f32 v63, v54;
	v55 =	vadd.f32 v60, v55;
	_ =	sdelay $0x1  }
0x1c7: {  	v54 =	vadd.f32 v55, v54;
	_ =	sdelay $0x1  }
0x1c8: {  	[tilespmem:$0x8200] =	vst v54  }
0x1c9: {  	v54 =	vld [tilespmem:s21+$0xFFFFFC80]  }
0x1ca: {  	v55 =	vld [tilespmem:s21+$0xFFFFFC90]  }
0x1cb: {  	v61 =	vperm.xlane v53, v1;
	v57 =	vld [tilespmem:s21+$0xFFFFFCA0]  }
0x1cc: {  	v58 =	vld [tilespmem:s21+$0xFFFFFCB0]  }
0x1cd: {  	vm12 =	veq.s32 v61, $0x0  }
0x1ce: {  	v56 =	vsel vm12, v33, v41  }
0x1cf: {  	v59 =	vld [tilespmem:s21+$0xFFFFFCC0];
	v54 =	vsub.f32 v54, v56;
	v56 =	vsel vm12, v35, v43  }
0x1d0: {  	v60 =	vsel vm12, v34, v42;
	v61 =	vld [tilespmem:s21+$0xFFFFFCD0];
	v56 =	vsub.f32 v57, v56;
	v57 =	vsel vm12, v36, v44  }
0x1d1: {  	v55 =	vsub.f32 v55, v60;
	v60 =	vld [tilespmem:s21+$0xFFFFFCF0];
	v57 =	vsub.f32 v58, v57  }
0x1d2: {  	v62 =	vsel vm12, v37, v45;
	v58 =	vld [tilespmem:s21+$0xFFFFFCE0]  }
0x1d3: {  	v63 =	vsel vm12, v38, v46;
	v55 =	vmul.f32 v55, v55;
	v57 =	vmul.f32 v57, v57  }
0x1d4: {  	v62 =	vsub.f32 v59, v62;
	v54 =	vmul.f32 v54, v54;
	v56 =	vmul.f32 v56, v56  }
0x1d5: {  	v59 =	vsel vm12, v39, v47;
	v55 =	vadd.f32 v57, v55;
	v57 =	vsub.f32 v61, v63  }
0x1d6: {  	v54 =	vadd.f32 v56, v54;
	v56 =	vmul.f32 v62, v62;
	v61 =	vsel vm12, v40, v48  }
0x1d7: {  	v58 =	vsub.f32 v58, v59;
	v62 =	vsub.f32 v60, v61;
	v57 =	vmul.f32 v57, v57  }
0x1d8: {  	v54 =	vadd.f32 v56, v54  }
0x1d9: {  	v63 =	vmul.f32 v58, v58;
	v60 =	vmul.f32 v62, v62;
	v55 =	vadd.f32 v57, v55;
	_ =	sdelay $0x1  }
0x1da: {  	v54 =	vadd.f32 v63, v54;
	v55 =	vadd.f32 v60, v55;
	_ =	sdelay $0x1  }
0x1db: {  	v54 =	vadd.f32 v55, v54;
	_ =	sdelay $0x1  }
0x1dc: {  	[tilespmem:$0x8210] =	vst v54  }
0x1dd: {  	v54 =	vld [tilespmem:s21+$0xFFFFFD00]  }
0x1de: {  	v55 =	vld [tilespmem:s21+$0xFFFFFD10]  }
0x1df: {  	v61 =	vperm.xlane v53, v2;
	v57 =	vld [tilespmem:s21+$0xFFFFFD20]  }
0x1e0: {  	v58 =	vld [tilespmem:s21+$0xFFFFFD30]  }
0x1e1: {  	vm13 =	veq.s32 v61, $0x0  }
0x1e2: {  	v56 =	vsel vm13, v33, v41  }
0x1e3: {  	v59 =	vld [tilespmem:s21+$0xFFFFFD40];
	v54 =	vsub.f32 v54, v56;
	v56 =	vsel vm13, v35, v43  }
0x1e4: {  	v60 =	vsel vm13, v34, v42;
	v61 =	vld [tilespmem:s21+$0xFFFFFD50];
	v56 =	vsub.f32 v57, v56;
	v57 =	vsel vm13, v36, v44  }
0x1e5: {  	v55 =	vsub.f32 v55, v60;
	v60 =	vld [tilespmem:s21+$0xFFFFFD70];
	v57 =	vsub.f32 v58, v57  }
0x1e6: {  	v62 =	vsel vm13, v37, v45;
	v58 =	vld [tilespmem:s21+$0xFFFFFD60]  }
0x1e7: {  	v63 =	vsel vm13, v38, v46;
	v55 =	vmul.f32 v55, v55;
	v57 =	vmul.f32 v57, v57  }
0x1e8: {  	v62 =	vsub.f32 v59, v62;
	v54 =	vmul.f32 v54, v54;
	v56 =	vmul.f32 v56, v56  }
0x1e9: {  	v59 =	vsel vm13, v39, v47;
	v55 =	vadd.f32 v57, v55;
	v57 =	vsub.f32 v61, v63  }
0x1ea: {  	v54 =	vadd.f32 v56, v54;
	v56 =	vmul.f32 v62, v62;
	v61 =	vsel vm13, v40, v48  }
0x1eb: {  	v58 =	vsub.f32 v58, v59;
	v62 =	vsub.f32 v60, v61;
	v57 =	vmul.f32 v57, v57  }
0x1ec: {  	v54 =	vadd.f32 v56, v54  }
0x1ed: {  	v63 =	vmul.f32 v58, v58;
	v60 =	vmul.f32 v62, v62;
	v55 =	vadd.f32 v57, v55;
	_ =	sdelay $0x1  }
0x1ee: {  	v54 =	vadd.f32 v63, v54;
	v55 =	vadd.f32 v60, v55;
	_ =	sdelay $0x1  }
0x1ef: {  	v54 =	vadd.f32 v55, v54;
	_ =	sdelay $0x1  }
0x1f0: {  	[tilespmem:$0x8220] =	vst v54  }
0x1f1: {  	v54 =	vld [tilespmem:s21+$0xFFFFFD80]  }
0x1f2: {  	v55 =	vld [tilespmem:s21+$0xFFFFFD90]  }
0x1f3: {  	v61 =	vperm.xlane v53, v3;
	v57 =	vld [tilespmem:s21+$0xFFFFFDA0]  }
0x1f4: {  	v58 =	vld [tilespmem:s21+$0xFFFFFDB0]  }
0x1f5: {  	vm14 =	veq.s32 v61, $0x0  }
0x1f6: {  	v56 =	vsel vm14, v33, v41  }
0x1f7: {  	v59 =	vld [tilespmem:s21+$0xFFFFFDC0];
	v54 =	vsub.f32 v54, v56;
	v56 =	vsel vm14, v35, v43  }
0x1f8: {  	v60 =	vsel vm14, v34, v42;
	v61 =	vld [tilespmem:s21+$0xFFFFFDD0];
	v56 =	vsub.f32 v57, v56;
	v57 =	vsel vm14, v36, v44  }
0x1f9: {  	v55 =	vsub.f32 v55, v60;
	v60 =	vld [tilespmem:s21+$0xFFFFFDF0];
	v57 =	vsub.f32 v58, v57  }
0x1fa: {  	v62 =	vsel vm14, v37, v45;
	v58 =	vld [tilespmem:s21+$0xFFFFFDE0]  }
0x1fb: {  	v63 =	vsel vm14, v38, v46;
	v55 =	vmul.f32 v55, v55;
	v57 =	vmul.f32 v57, v57  }
0x1fc: {  	v62 =	vsub.f32 v59, v62;
	v54 =	vmul.f32 v54, v54;
	v56 =	vmul.f32 v56, v56  }
0x1fd: {  	v59 =	vsel vm14, v39, v47;
	v55 =	vadd.f32 v57, v55;
	v57 =	vsub.f32 v61, v63  }
0x1fe: {  	v54 =	vadd.f32 v56, v54;
	v56 =	vmul.f32 v62, v62;
	v61 =	vsel vm14, v40, v48  }
0x1ff: {  	v58 =	vsub.f32 v58, v59;
	v62 =	vsub.f32 v60, v61;
	v57 =	vmul.f32 v57, v57  }
0x200: {  	v54 =	vadd.f32 v56, v54  }
0x201: {  	v63 =	vmul.f32 v58, v58;
	v60 =	vmul.f32 v62, v62;
	v55 =	vadd.f32 v57, v55;
	_ =	sdelay $0x1  }
0x202: {  	v54 =	vadd.f32 v63, v54;
	v55 =	vadd.f32 v60, v55;
	_ =	sdelay $0x1  }
0x203: {  	v54 =	vadd.f32 v55, v54;
	_ =	sdelay $0x1  }
0x204: {  	[tilespmem:$0x8230] =	vst v54  }
0x205: {  	v54 =	vld [tilespmem:s21+$0xFFFFFE00]  }
0x206: {  	v55 =	vld [tilespmem:s21+$0xFFFFFE10]  }
0x207: {  	v61 =	vperm.xlane v53, v4;
	v57 =	vld [tilespmem:s21+$0xFFFFFE20]  }
0x208: {  	v58 =	vld [tilespmem:s21+$0xFFFFFE30]  }
0x209: {  	vm15 =	veq.s32 v61, $0x0  }
0x20a: {  	v56 =	vsel vm15, v33, v41  }
0x20b: {  	v59 =	vld [tilespmem:s21+$0xFFFFFE40];
	v54 =	vsub.f32 v54, v56;
	v56 =	vsel vm15, v35, v43  }
0x20c: {  	v60 =	vsel vm15, v34, v42;
	v61 =	vld [tilespmem:s21+$0xFFFFFE50];
	v56 =	vsub.f32 v57, v56;
	v57 =	vsel vm15, v36, v44  }
0x20d: {  	v55 =	vsub.f32 v55, v60;
	v60 =	vld [tilespmem:s21+$0xFFFFFE70];
	v57 =	vsub.f32 v58, v57  }
0x20e: {  	v62 =	vsel vm15, v37, v45;
	v58 =	vld [tilespmem:s21+$0xFFFFFE60]  }
0x20f: {  	v63 =	vsel vm15, v38, v46;
	v55 =	vmul.f32 v55, v55;
	v57 =	vmul.f32 v57, v57  }
0x210: {  	v62 =	vsub.f32 v59, v62;
	v54 =	vmul.f32 v54, v54;
	v56 =	vmul.f32 v56, v56  }
0x211: {  	v59 =	vsel vm15, v39, v47;
	v55 =	vadd.f32 v57, v55;
	v57 =	vsub.f32 v61, v63  }
0x212: {  	v54 =	vadd.f32 v56, v54;
	v56 =	vmul.f32 v62, v62;
	v61 =	vsel vm15, v40, v48  }
0x213: {  	v58 =	vsub.f32 v58, v59;
	v62 =	vsub.f32 v60, v61;
	v57 =	vmul.f32 v57, v57  }
0x214: {  	v54 =	vadd.f32 v56, v54  }
0x215: {  	v63 =	vmul.f32 v58, v58;
	v60 =	vmul.f32 v62, v62;
	v55 =	vadd.f32 v57, v55;
	_ =	sdelay $0x1  }
0x216: {  	v54 =	vadd.f32 v63, v54;
	v55 =	vadd.f32 v60, v55;
	_ =	sdelay $0x1  }
0x217: {  	v54 =	vadd.f32 v55, v54;
	_ =	sdelay $0x1  }
0x218: {  	[tilespmem:$0x8240] =	vst v54  }
0x219: {  	v54 =	vld [tilespmem:s21+$0xFFFFFE80]  }
0x21a: {  	v55 =	vld [tilespmem:s21+$0xFFFFFE90]  }
0x21b: {  	v61 =	vperm.xlane v53, v5;
	v57 =	vld [tilespmem:s21+$0xFFFFFEA0]  }
0x21c: {  	v58 =	vld [tilespmem:s21+$0xFFFFFEB0]  }
0x21d: {  	vm4 =	veq.s32 v61, $0x0  }
0x21e: {  	v56 =	vsel vm4, v33, v41  }
0x21f: {  	v59 =	vld [tilespmem:s21+$0xFFFFFEC0];
	v54 =	vsub.f32 v54, v56;
	v56 =	vsel vm4, v35, v43  }
0x220: {  	v60 =	vsel vm4, v34, v42;
	v61 =	vld [tilespmem:s21+$0xFFFFFED0];
	v56 =	vsub.f32 v57, v56;
	v57 =	vsel vm4, v36, v44  }
0x221: {  	v55 =	vsub.f32 v55, v60;
	v60 =	vld [tilespmem:s21+$0xFFFFFEF0];
	v57 =	vsub.f32 v58, v57  }
0x222: {  	v62 =	vsel vm4, v37, v45;
	v58 =	vld [tilespmem:s21+$0xFFFFFEE0]  }
0x223: {  	v63 =	vsel vm4, v38, v46;
	v55 =	vmul.f32 v55, v55;
	v57 =	vmul.f32 v57, v57  }
0x224: {  	v62 =	vsub.f32 v59, v62;
	v54 =	vmul.f32 v54, v54;
	v56 =	vmul.f32 v56, v56  }
0x225: {  	v59 =	vsel vm4, v39, v47;
	v55 =	vadd.f32 v57, v55;
	v57 =	vsub.f32 v61, v63  }
0x226: {  	v54 =	vadd.f32 v56, v54;
	v56 =	vmul.f32 v62, v62;
	v61 =	vsel vm4, v40, v48  }
0x227: {  	v58 =	vsub.f32 v58, v59;
	v62 =	vsub.f32 v60, v61;
	v57 =	vmul.f32 v57, v57  }
0x228: {  	v54 =	vadd.f32 v56, v54  }
0x229: {  	v63 =	vmul.f32 v58, v58;
	v60 =	vmul.f32 v62, v62;
	v55 =	vadd.f32 v57, v55;
	_ =	sdelay $0x1  }
0x22a: {  	v54 =	vadd.f32 v63, v54;
	v55 =	vadd.f32 v60, v55;
	_ =	sdelay $0x1  }
0x22b: {  	v54 =	vadd.f32 v55, v54;
	_ =	sdelay $0x1  }
0x22c: {  	[tilespmem:$0x8250] =	vst v54  }
0x22d: {  	v54 =	vld [tilespmem:s21+$0xFFFFFF00]  }
0x22e: {  	v55 =	vld [tilespmem:s21+$0xFFFFFF10]  }
0x22f: {  	v61 =	vperm.xlane v53, v6;
	v57 =	vld [tilespmem:s21+$0xFFFFFF20]  }
0x230: {  	v58 =	vld [tilespmem:s21+$0xFFFFFF30]  }
0x231: {  	vm5 =	veq.s32 v61, $0x0  }
0x232: {  	v56 =	vsel vm5, v33, v41  }
0x233: {  	v59 =	vld [tilespmem:s21+$0xFFFFFF40];
	v54 =	vsub.f32 v54, v56;
	v56 =	vsel vm5, v35, v43  }
0x234: {  	v60 =	vsel vm5, v34, v42;
	v61 =	vld [tilespmem:s21+$0xFFFFFF50];
	v56 =	vsub.f32 v57, v56;
	v57 =	vsel vm5, v36, v44  }
0x235: {  	v55 =	vsub.f32 v55, v60;
	v60 =	vld [tilespmem:s21+$0xFFFFFF70];
	v57 =	vsub.f32 v58, v57  }
0x236: {  	v62 =	vsel vm5, v37, v45;
	v58 =	vld [tilespmem:s21+$0xFFFFFF60]  }
0x237: {  	v63 =	vsel vm5, v38, v46;
	v55 =	vmul.f32 v55, v55;
	v57 =	vmul.f32 v57, v57  }
0x238: {  	v62 =	vsub.f32 v59, v62;
	v54 =	vmul.f32 v54, v54;
	v56 =	vmul.f32 v56, v56  }
0x239: {  	v59 =	vsel vm5, v39, v47;
	v55 =	vadd.f32 v57, v55;
	v57 =	vsub.f32 v61, v63  }
0x23a: {  	v54 =	vadd.f32 v56, v54;
	v56 =	vmul.f32 v62, v62;
	v61 =	vsel vm5, v40, v48  }
0x23b: {  	v58 =	vsub.f32 v58, v59;
	v62 =	vsub.f32 v60, v61;
	v57 =	vmul.f32 v57, v57  }
0x23c: {  	v54 =	vadd.f32 v56, v54  }
0x23d: {  	v63 =	vmul.f32 v58, v58;
	v60 =	vmul.f32 v62, v62;
	v55 =	vadd.f32 v57, v55;
	_ =	sdelay $0x1  }
0x23e: {  	v54 =	vadd.f32 v63, v54;
	v55 =	vadd.f32 v60, v55;
	_ =	sdelay $0x1  }
0x23f: {  	v54 =	vadd.f32 v55, v54;
	_ =	sdelay $0x1  }
0x240: {  	[tilespmem:$0x8260] =	vst v54  }
0x241: {  	v54 =	vld [tilespmem:s21+$0xFFFFFF80]  }
0x242: {  	v55 =	vld [tilespmem:s21+$0xFFFFFF90]  }
0x243: {  	v61 =	vperm.xlane v53, v7;
	v57 =	vld [tilespmem:s21+$0xFFFFFFA0]  }
0x244: {  	v58 =	vld [tilespmem:s21+$0xFFFFFFB0]  }
0x245: {  	vm6 =	veq.s32 v61, $0x0  }
0x246: {  	v56 =	vsel vm6, v33, v41  }
0x247: {  	v59 =	vld [tilespmem:s21+$0xFFFFFFC0];
	v54 =	vsub.f32 v54, v56;
	v56 =	vsel vm6, v35, v43  }
0x248: {  	v60 =	vsel vm6, v34, v42;
	v61 =	vld [tilespmem:s21+$0xFFFFFFD0];
	v56 =	vsub.f32 v57, v56;
	v57 =	vsel vm6, v36, v44  }
0x249: {  	v55 =	vsub.f32 v55, v60;
	v60 =	vld [tilespmem:s21+$0xFFFFFFF0];
	v57 =	vsub.f32 v58, v57  }
0x24a: {  	v62 =	vsel vm6, v37, v45;
	v58 =	vld [tilespmem:s21+$0xFFFFFFE0]  }
0x24b: {  	v63 =	vsel vm6, v38, v46;
	v55 =	vmul.f32 v55, v55;
	v57 =	vmul.f32 v57, v57  }
0x24c: {  	v62 =	vsub.f32 v59, v62;
	v54 =	vmul.f32 v54, v54;
	v56 =	vmul.f32 v56, v56  }
0x24d: {  	v59 =	vsel vm6, v39, v47;
	v55 =	vadd.f32 v57, v55;
	v57 =	vsub.f32 v61, v63  }
0x24e: {  	v54 =	vadd.f32 v56, v54;
	v56 =	vmul.f32 v62, v62;
	v61 =	vsel vm6, v40, v48  }
0x24f: {  	v58 =	vsub.f32 v58, v59;
	v62 =	vsub.f32 v60, v61;
	v57 =	vmul.f32 v57, v57  }
0x250: {  	v54 =	vadd.f32 v56, v54  }
0x251: {  	v63 =	vmul.f32 v58, v58;
	v60 =	vmul.f32 v62, v62;
	v55 =	vadd.f32 v57, v55;
	_ =	sdelay $0x1  }
0x252: {  	v54 =	vadd.f32 v63, v54;
	v55 =	vadd.f32 v60, v55;
	_ =	sdelay $0x1  }
0x253: {  	v54 =	vadd.f32 v55, v54;
	_ =	sdelay $0x1  }
0x254: {  	[tilespmem:$0x8270] =	vst v54  }
0x255: {  	v54 =	vld [tilespmem:s21+$0x0]  }
0x256: {  	v55 =	vld [tilespmem:s21+$0x10]  }
0x257: {  	v61 =	vperm.xlane v53, v8;
	v57 =	vld [tilespmem:s21+$0x20]  }
0x258: {  	v58 =	vld [tilespmem:s21+$0x30]  }
0x259: {  	vm7 =	veq.s32 v61, $0x0  }
0x25a: {  	v56 =	vsel vm7, v33, v41  }
0x25b: {  	v59 =	vld [tilespmem:s21+$0x40];
	v54 =	vsub.f32 v54, v56;
	v56 =	vsel vm7, v35, v43  }
0x25c: {  	v60 =	vsel vm7, v34, v42;
	v61 =	vld [tilespmem:s21+$0x50];
	v56 =	vsub.f32 v57, v56;
	v57 =	vsel vm7, v36, v44  }
0x25d: {  	v55 =	vsub.f32 v55, v60;
	v60 =	vld [tilespmem:s21+$0x70];
	v57 =	vsub.f32 v58, v57  }
0x25e: {  	v62 =	vsel vm7, v37, v45;
	v58 =	vld [tilespmem:s21+$0x60]  }
0x25f: {  	v63 =	vsel vm7, v38, v46;
	v55 =	vmul.f32 v55, v55;
	v57 =	vmul.f32 v57, v57  }
0x260: {  	v62 =	vsub.f32 v59, v62;
	v54 =	vmul.f32 v54, v54;
	v56 =	vmul.f32 v56, v56  }
0x261: {  	v59 =	vsel vm7, v39, v47;
	v55 =	vadd.f32 v57, v55;
	v57 =	vsub.f32 v61, v63  }
0x262: {  	v54 =	vadd.f32 v56, v54;
	v56 =	vmul.f32 v62, v62;
	v61 =	vsel vm7, v40, v48  }
0x263: {  	v58 =	vsub.f32 v58, v59;
	v62 =	vsub.f32 v60, v61;
	v57 =	vmul.f32 v57, v57  }
0x264: {  	v54 =	vadd.f32 v56, v54  }
0x265: {  	v63 =	vmul.f32 v58, v58;
	v60 =	vmul.f32 v62, v62;
	v55 =	vadd.f32 v57, v55;
	_ =	sdelay $0x1  }
0x266: {  	v54 =	vadd.f32 v63, v54;
	v55 =	vadd.f32 v60, v55;
	_ =	sdelay $0x1  }
0x267: {  	v54 =	vadd.f32 v55, v54;
	_ =	sdelay $0x1  }
0x268: {  	[tilespmem:$0x8280] =	vst v54  }
0x269: {  	v54 =	vld [tilespmem:s21+$0x80]  }
0x26a: {  	v55 =	vld [tilespmem:s21+$0x90]  }
0x26b: {  	v61 =	vperm.xlane v53, v9;
	v57 =	vld [tilespmem:s21+$0xA0]  }
0x26c: {  	v58 =	vld [tilespmem:s21+$0xB0]  }
0x26d: {  	vm8 =	veq.s32 v61, $0x0  }
0x26e: {  	v56 =	vsel vm8, v33, v41  }
0x26f: {  	v59 =	vld [tilespmem:s21+$0xC0];
	v54 =	vsub.f32 v54, v56;
	v56 =	vsel vm8, v35, v43  }
0x270: {  	v60 =	vsel vm8, v34, v42;
	v61 =	vld [tilespmem:s21+$0xD0];
	v56 =	vsub.f32 v57, v56;
	v57 =	vsel vm8, v36, v44  }
0x271: {  	v55 =	vsub.f32 v55, v60;
	v60 =	vld [tilespmem:s21+$0xF0];
	v57 =	vsub.f32 v58, v57  }
0x272: {  	v62 =	vsel vm8, v37, v45;
	v58 =	vld [tilespmem:s21+$0xE0]  }
0x273: {  	v63 =	vsel vm8, v38, v46;
	v55 =	vmul.f32 v55, v55;
	v57 =	vmul.f32 v57, v57  }
0x274: {  	v62 =	vsub.f32 v59, v62;
	v54 =	vmul.f32 v54, v54;
	v56 =	vmul.f32 v56, v56  }
0x275: {  	v59 =	vsel vm8, v39, v47;
	v55 =	vadd.f32 v57, v55;
	v57 =	vsub.f32 v61, v63  }
0x276: {  	v54 =	vadd.f32 v56, v54;
	v56 =	vmul.f32 v62, v62;
	v61 =	vsel vm8, v40, v48  }
0x277: {  	v58 =	vsub.f32 v58, v59;
	v62 =	vsub.f32 v60, v61;
	v57 =	vmul.f32 v57, v57  }
0x278: {  	v54 =	vadd.f32 v56, v54  }
0x279: {  	v63 =	vmul.f32 v58, v58;
	v60 =	vmul.f32 v62, v62;
	v55 =	vadd.f32 v57, v55;
	_ =	sdelay $0x1  }
0x27a: {  	v54 =	vadd.f32 v63, v54;
	v55 =	vadd.f32 v60, v55;
	_ =	sdelay $0x1  }
0x27b: {  	v54 =	vadd.f32 v55, v54;
	_ =	sdelay $0x1  }
0x27c: {  	[tilespmem:$0x8290] =	vst v54  }
0x27d: {  	v54 =	vld [tilespmem:s21+$0x100]  }
0x27e: {  	v55 =	vld [tilespmem:s21+$0x110]  }
0x27f: {  	v61 =	vperm.xlane v53, v10;
	v57 =	vld [tilespmem:s21+$0x120]  }
0x280: {  	v58 =	vld [tilespmem:s21+$0x130]  }
0x281: {  	vm9 =	veq.s32 v61, $0x0  }
0x282: {  	v56 =	vsel vm9, v33, v41  }
0x283: {  	v59 =	vld [tilespmem:s21+$0x140];
	v54 =	vsub.f32 v54, v56;
	v56 =	vsel vm9, v35, v43  }
0x284: {  	v60 =	vsel vm9, v34, v42;
	v61 =	vld [tilespmem:s21+$0x150];
	v56 =	vsub.f32 v57, v56;
	v57 =	vsel vm9, v36, v44  }
0x285: {  	v55 =	vsub.f32 v55, v60;
	v60 =	vld [tilespmem:s21+$0x170];
	v57 =	vsub.f32 v58, v57  }
0x286: {  	v62 =	vsel vm9, v37, v45;
	v58 =	vld [tilespmem:s21+$0x160]  }
0x287: {  	v63 =	vsel vm9, v38, v46;
	v55 =	vmul.f32 v55, v55;
	v57 =	vmul.f32 v57, v57  }
0x288: {  	v62 =	vsub.f32 v59, v62;
	v54 =	vmul.f32 v54, v54;
	v56 =	vmul.f32 v56, v56  }
0x289: {  	v59 =	vsel vm9, v39, v47;
	v55 =	vadd.f32 v57, v55;
	v57 =	vsub.f32 v61, v63  }
0x28a: {  	v54 =	vadd.f32 v56, v54;
	v56 =	vmul.f32 v62, v62;
	v61 =	vsel vm9, v40, v48  }
0x28b: {  	v58 =	vsub.f32 v58, v59;
	v62 =	vsub.f32 v60, v61;
	v57 =	vmul.f32 v57, v57  }
0x28c: {  	v54 =	vadd.f32 v56, v54  }
0x28d: {  	v63 =	vmul.f32 v58, v58;
	v60 =	vmul.f32 v62, v62;
	v55 =	vadd.f32 v57, v55;
	_ =	sdelay $0x1  }
0x28e: {  	v54 =	vadd.f32 v63, v54;
	v55 =	vadd.f32 v60, v55;
	_ =	sdelay $0x1  }
0x28f: {  	v54 =	vadd.f32 v55, v54;
	_ =	sdelay $0x1  }
0x290: {  	[tilespmem:$0x82A0] =	vst v54  }
0x291: {  	v54 =	vld [tilespmem:s21+$0x180]  }
0x292: {  	v55 =	vld [tilespmem:s21+$0x190]  }
0x293: {  	v61 =	vperm.xlane v53, v11;
	v57 =	vld [tilespmem:s21+$0x1A0]  }
0x294: {  	v58 =	vld [tilespmem:s21+$0x1B0]  }
0x295: {  	vm10 =	veq.s32 v61, $0x0  }
0x296: {  	v56 =	vsel vm10, v33, v41  }
0x297: {  	v59 =	vld [tilespmem:s21+$0x1C0];
	v54 =	vsub.f32 v54, v56;
	v56 =	vsel vm10, v35, v43  }
0x298: {  	v60 =	vsel vm10, v34, v42;
	v61 =	vld [tilespmem:s21+$0x1D0];
	v56 =	vsub.f32 v57, v56;
	v57 =	vsel vm10, v36, v44  }
0x299: {  	v55 =	vsub.f32 v55, v60;
	v60 =	vld [tilespmem:s21+$0x1F0];
	v57 =	vsub.f32 v58, v57  }
0x29a: {  	v62 =	vsel vm10, v37, v45;
	v58 =	vld [tilespmem:s21+$0x1E0]  }
0x29b: {  	v63 =	vsel vm10, v38, v46;
	v55 =	vmul.f32 v55, v55;
	v57 =	vmul.f32 v57, v57  }
0x29c: {  	v62 =	vsub.f32 v59, v62;
	v54 =	vmul.f32 v54, v54;
	v56 =	vmul.f32 v56, v56  }
0x29d: {  	v59 =	vsel vm10, v39, v47;
	v55 =	vadd.f32 v57, v55;
	v57 =	vsub.f32 v61, v63  }
0x29e: {  	v54 =	vadd.f32 v56, v54;
	v56 =	vmul.f32 v62, v62;
	v61 =	vsel vm10, v40, v48  }
0x29f: {  	v58 =	vsub.f32 v58, v59;
	v62 =	vsub.f32 v60, v61;
	v57 =	vmul.f32 v57, v57  }
0x2a0: {  	v54 =	vadd.f32 v56, v54  }
0x2a1: {  	v63 =	vmul.f32 v58, v58;
	v60 =	vmul.f32 v62, v62;
	v55 =	vadd.f32 v57, v55;
	_ =	sdelay $0x1  }
0x2a2: {  	v54 =	vadd.f32 v63, v54;
	v55 =	vadd.f32 v60, v55;
	_ =	sdelay $0x1  }
0x2a3: {  	v54 =	vadd.f32 v55, v54;
	_ =	sdelay $0x1  }
0x2a4: {  	[tilespmem:$0x82B0] =	vst v54  }
0x2a5: {  	v54 =	vld [tilespmem:s21+$0x200]  }
0x2a6: {  	v55 =	vld [tilespmem:s21+$0x210]  }
0x2a7: {  	v61 =	vperm.xlane v53, v12;
	v57 =	vld [tilespmem:s21+$0x220]  }
0x2a8: {  	v58 =	vld [tilespmem:s21+$0x230]  }
0x2a9: {  	vm11 =	veq.s32 v61, $0x0  }
0x2aa: {  	v56 =	vsel vm11, v33, v41  }
0x2ab: {  	v59 =	vld [tilespmem:s21+$0x240];
	v54 =	vsub.f32 v54, v56;
	v56 =	vsel vm11, v35, v43  }
0x2ac: {  	v60 =	vsel vm11, v34, v42;
	v61 =	vld [tilespmem:s21+$0x250];
	v56 =	vsub.f32 v57, v56;
	v57 =	vsel vm11, v36, v44  }
0x2ad: {  	v55 =	vsub.f32 v55, v60;
	v60 =	vld [tilespmem:s21+$0x270];
	v57 =	vsub.f32 v58, v57  }
0x2ae: {  	v62 =	vsel vm11, v37, v45;
	v58 =	vld [tilespmem:s21+$0x260]  }
0x2af: {  	v63 =	vsel vm11, v38, v46;
	v55 =	vmul.f32 v55, v55;
	v57 =	vmul.f32 v57, v57  }
0x2b0: {  	v62 =	vsub.f32 v59, v62;
	v54 =	vmul.f32 v54, v54;
	v56 =	vmul.f32 v56, v56  }
0x2b1: {  	v59 =	vsel vm11, v39, v47;
	v55 =	vadd.f32 v57, v55;
	v57 =	vsub.f32 v61, v63  }
0x2b2: {  	v54 =	vadd.f32 v56, v54;
	v56 =	vmul.f32 v62, v62;
	v61 =	vsel vm11, v40, v48  }
0x2b3: {  	v58 =	vsub.f32 v58, v59;
	v62 =	vsub.f32 v60, v61;
	v57 =	vmul.f32 v57, v57  }
0x2b4: {  	v54 =	vadd.f32 v56, v54  }
0x2b5: {  	v63 =	vmul.f32 v58, v58;
	v60 =	vmul.f32 v62, v62;
	v55 =	vadd.f32 v57, v55;
	_ =	sdelay $0x1  }
0x2b6: {  	v54 =	vadd.f32 v63, v54;
	v55 =	vadd.f32 v60, v55;
	_ =	sdelay $0x1  }
0x2b7: {  	v54 =	vadd.f32 v55, v54;
	_ =	sdelay $0x1  }
0x2b8: {  	[tilespmem:$0x82C0] =	vst v54  }
0x2b9: {  	v54 =	vld [tilespmem:s21+$0x280]  }
0x2ba: {  	v55 =	vld [tilespmem:s21+$0x290]  }
0x2bb: {  	v61 =	vperm.xlane v53, v13;
	v57 =	vld [tilespmem:s21+$0x2A0]  }
0x2bc: {  	v58 =	vld [tilespmem:s21+$0x2B0]  }
0x2bd: {  	vm12 =	veq.s32 v61, $0x0  }
0x2be: {  	v56 =	vsel vm12, v33, v41  }
0x2bf: {  	v59 =	vld [tilespmem:s21+$0x2C0];
	v54 =	vsub.f32 v54, v56;
	v56 =	vsel vm12, v35, v43  }
0x2c0: {  	v60 =	vsel vm12, v34, v42;
	v61 =	vld [tilespmem:s21+$0x2D0];
	v56 =	vsub.f32 v57, v56;
	v57 =	vsel vm12, v36, v44  }
0x2c1: {  	v55 =	vsub.f32 v55, v60;
	v60 =	vld [tilespmem:s21+$0x2F0];
	v57 =	vsub.f32 v58, v57  }
0x2c2: {  	v62 =	vsel vm12, v37, v45;
	v58 =	vld [tilespmem:s21+$0x2E0]  }
0x2c3: {  	v63 =	vsel vm12, v38, v46;
	v55 =	vmul.f32 v55, v55;
	v57 =	vmul.f32 v57, v57  }
0x2c4: {  	v62 =	vsub.f32 v59, v62;
	v54 =	vmul.f32 v54, v54;
	v56 =	vmul.f32 v56, v56  }
0x2c5: {  	v59 =	vsel vm12, v39, v47;
	v55 =	vadd.f32 v57, v55;
	v57 =	vsub.f32 v61, v63  }
0x2c6: {  	v54 =	vadd.f32 v56, v54;
	v56 =	vmul.f32 v62, v62;
	v61 =	vsel vm12, v40, v48  }
0x2c7: {  	v58 =	vsub.f32 v58, v59;
	v62 =	vsub.f32 v60, v61;
	v57 =	vmul.f32 v57, v57  }
0x2c8: {  	v54 =	vadd.f32 v56, v54  }
0x2c9: {  	v63 =	vmul.f32 v58, v58;
	v60 =	vmul.f32 v62, v62;
	v55 =	vadd.f32 v57, v55;
	_ =	sdelay $0x1  }
0x2ca: {  	v54 =	vadd.f32 v63, v54;
	v55 =	vadd.f32 v60, v55;
	_ =	sdelay $0x1  }
0x2cb: {  	v54 =	vadd.f32 v55, v54;
	_ =	sdelay $0x1  }
0x2cc: {  	[tilespmem:$0x82D0] =	vst v54  }
0x2cd: {  	v54 =	vld [tilespmem:s21+$0x300]  }
0x2ce: {  	v55 =	vld [tilespmem:s21+$0x310]  }
0x2cf: {  	v61 =	vperm.xlane v53, v15;
	v57 =	vld [tilespmem:s21+$0x320]  }
0x2d0: {  	v58 =	vld [tilespmem:s21+$0x330]  }
0x2d1: {  	vm13 =	veq.s32 v61, $0x0  }
0x2d2: {  	v56 =	vsel vm13, v33, v41  }
0x2d3: {  	v59 =	vld [tilespmem:s21+$0x340];
	v54 =	vsub.f32 v54, v56;
	v56 =	vsel vm13, v35, v43  }
0x2d4: {  	v60 =	vsel vm13, v34, v42;
	v61 =	vld [tilespmem:s21+$0x350];
	v56 =	vsub.f32 v57, v56;
	v57 =	vsel vm13, v36, v44  }
0x2d5: {  	v55 =	vsub.f32 v55, v60;
	v60 =	vld [tilespmem:s21+$0x370];
	v57 =	vsub.f32 v58, v57  }
0x2d6: {  	v62 =	vsel vm13, v37, v45;
	v58 =	vld [tilespmem:s21+$0x360]  }
0x2d7: {  	v63 =	vsel vm13, v38, v46;
	v55 =	vmul.f32 v55, v55;
	v57 =	vmul.f32 v57, v57  }
0x2d8: {  	v62 =	vsub.f32 v59, v62;
	v54 =	vmul.f32 v54, v54;
	v56 =	vmul.f32 v56, v56  }
0x2d9: {  	v59 =	vsel vm13, v39, v47;
	v55 =	vadd.f32 v57, v55;
	v57 =	vsub.f32 v61, v63  }
0x2da: {  	v54 =	vadd.f32 v56, v54;
	v56 =	vmul.f32 v62, v62;
	v61 =	vsel vm13, v40, v48  }
0x2db: {  	v58 =	vsub.f32 v58, v59;
	v62 =	vsub.f32 v60, v61;
	v57 =	vmul.f32 v57, v57  }
0x2dc: {  	v54 =	vadd.f32 v56, v54  }
0x2dd: {  	v63 =	vmul.f32 v58, v58;
	v60 =	vmul.f32 v62, v62;
	v55 =	vadd.f32 v57, v55;
	_ =	sdelay $0x1  }
0x2de: {  	v54 =	vadd.f32 v63, v54;
	v55 =	vadd.f32 v60, v55;
	_ =	sdelay $0x1  }
0x2df: {  	v54 =	vadd.f32 v55, v54;
	_ =	sdelay $0x1  }
0x2e0: {  	[tilespmem:$0x82E0] =	vst v54  }
0x2e1: {  	v54 =	vld [tilespmem:s21+$0x380]  }
0x2e2: {  	v55 =	vld [tilespmem:s21+$0x390]  }
0x2e3: {  	v61 =	vperm.xlane v53, v16;
	v57 =	vld [tilespmem:s21+$0x3A0]  }
0x2e4: {  	v58 =	vld [tilespmem:s21+$0x3B0]  }
0x2e5: {  	vm14 =	veq.s32 v61, $0x0  }
0x2e6: {  	v56 =	vsel vm14, v33, v41  }
0x2e7: {  	v59 =	vld [tilespmem:s21+$0x3C0];
	v54 =	vsub.f32 v54, v56;
	v56 =	vsel vm14, v35, v43  }
0x2e8: {  	v60 =	vsel vm14, v34, v42;
	v61 =	vld [tilespmem:s21+$0x3D0];
	v56 =	vsub.f32 v57, v56;
	v57 =	vsel vm14, v36, v44  }
0x2e9: {  	v55 =	vsub.f32 v55, v60;
	v60 =	vld [tilespmem:s21+$0x3F0];
	v57 =	vsub.f32 v58, v57  }
0x2ea: {  	v62 =	vsel vm14, v37, v45;
	v58 =	vld [tilespmem:s21+$0x3E0]  }
0x2eb: {  	v63 =	vsel vm14, v38, v46;
	v55 =	vmul.f32 v55, v55;
	v57 =	vmul.f32 v57, v57  }
0x2ec: {  	v62 =	vsub.f32 v59, v62;
	v54 =	vmul.f32 v54, v54;
	v56 =	vmul.f32 v56, v56  }
0x2ed: {  	v59 =	vsel vm14, v39, v47;
	v55 =	vadd.f32 v57, v55;
	v57 =	vsub.f32 v61, v63  }
0x2ee: {  	v54 =	vadd.f32 v56, v54;
	v56 =	vmul.f32 v62, v62;
	v61 =	vsel vm14, v40, v48  }
0x2ef: {  	v58 =	vsub.f32 v58, v59;
	v60 =	vsub.f32 v60, v61;
	v57 =	vmul.f32 v57, v57  }
0x2f0: {  	v54 =	vadd.f32 v56, v54  }
0x2f1: {  	v61 =	vmul.f32 v58, v58;
	v62 =	vmul.f32 v60, v60;
	v55 =	vadd.f32 v57, v55;
	_ =	sdelay $0x1  }
0x2f2: {  	v54 =	vadd.f32 v61, v54;
	v55 =	vadd.f32 v62, v55;
	_ =	sdelay $0x1  }
0x2f3: {  	v54 =	vadd.f32 v55, v54;
	_ =	sdelay $0x1  }
0x2f4: {  	[tilespmem:$0x82F0] =	vst v54  }
0x2f5: {  	v54 =	vld.idx.msk [tilespmem:v14+s16+$0x0], $0xffff;
	_ =	sdelay $0x1  }
0x2f6: {  	v63 =	vld.idx.msk [tilespmem:v18+s16+$0x0], $0xffff;
	_ =	sdelay $0x1  }
0x2f7: {  	v60 =	vld.idx.msk [tilespmem:v19+s16+$0x0], $0xffff  }
0x2f8: {  	v54 =	vadd.f32 $0.0e+00, v54  }
0x2f9: {  	v61 =	vld.idx.msk [tilespmem:v20+s16+$0x0], $0xffff  }
0x2fa: {  	v54 =	vadd.f32 v63, v54  }
0x2fb: {  	v62 =	vld.idx.msk [tilespmem:v21+s16+$0x0], $0xffff  }
0x2fc: {  	v54 =	vadd.f32 v60, v54  }
0x2fd: {  	v63 =	vld.idx.msk [tilespmem:v22+s16+$0x0], $0xffff  }
0x2fe: {  	v54 =	vadd.f32 v61, v54  }
0x2ff: {  	v60 =	vld.idx.msk [tilespmem:v23+s16+$0x0], $0xffff  }
0x300: {  	v54 =	vadd.f32 v62, v54  }
0x301: {  	v61 =	vld.idx.msk [tilespmem:v24+s16+$0x0], $0xffff  }
0x302: {  	v54 =	vadd.f32 v63, v54  }
0x303: {  	v62 =	vld.idx.msk [tilespmem:v25+s16+$0x0], $0xffff  }
0x304: {  	v54 =	vadd.f32 v60, v54  }
0x305: {  	v63 =	vld.idx.msk [tilespmem:v26+s16+$0x0], $0xffff  }
0x306: {  	v54 =	vadd.f32 v61, v54  }
0x307: {  	v60 =	vld.idx.msk [tilespmem:v27+s16+$0x0], $0xffff  }
0x308: {  	v54 =	vadd.f32 v62, v54  }
0x309: {  	v61 =	vld.idx.msk [tilespmem:v28+s16+$0x0], $0xffff  }
0x30a: {  	v54 =	vadd.f32 v63, v54  }
0x30b: {  	v62 =	vld.idx.msk [tilespmem:v29+s16+$0x0], $0xffff  }
0x30c: {  	v54 =	vadd.f32 v60, v54  }
0x30d: {  	v63 =	vld.idx.msk [tilespmem:v30+s16+$0x0], $0xffff  }
0x30e: {  	v54 =	vadd.f32 v61, v54  }
0x30f: {  	v60 =	vld.idx.msk [tilespmem:v31+s16+$0x0], $0xffff  }
0x310: {  	v54 =	vadd.f32 v62, v54  }
0x311: {  	v61 =	vld.idx.msk [tilespmem:v32+s16+$0x0], $0xffff  }
0x312: {  	v54 =	vadd.f32 v63, v54;
	_ =	sdelay $0x1  }
0x313: {  	v54 =	vadd.f32 v60, v54;
	_ =	sdelay $0x1  }
0x314: {  	v54 =	vadd.f32 v61, v54;
	_ =	sdelay $0x1  }
0x315: {  	v62 =	vmax.f32 v54, $9.999999960e-13  }
0x316: {  	v63 =	vshra.s32 v62, $0x1;
	v55 =	vmul.f32 $5.000000000e-01, v62  }
0x317: {  	v56 =	vsub.s32 $0x5F3759DF, v63  }
0x318: {  	v60 =	vmul.f32 v56, v55;
	_ =	sdelay $0x1  }
0x319: {  	v57 =	vmul.f32 v56, v60;
	_ =	sdelay $0x1  }
0x31a: {  	v57 =	vsub.f32 $1.500000000e+00, v57;
	_ =	sdelay $0x1  }
0x31b: {  	v56 =	vmul.f32 v56, v57;
	_ =	sdelay $0x1  }
0x31c: {  	v57 =	vmul.f32 v56, v55;
	_ =	sdelay $0x1  }
0x31d: {  	v57 =	vmul.f32 v57, v56;
	_ =	sdelay $0x1  }
0x31e: {  	v57 =	vsub.f32 $1.500000000e+00, v57;
	_ =	sdelay $0x1  }
0x31f: {  	v56 =	vmul.f32 v57, v56;
	_ =	sdelay $0x1  }
0x320: {  	v55 =	vmul.f32 v56, v55;
	_ =	sdelay $0x1  }
0x321: {  	v55 =	vmul.f32 v55, v56;
	_ =	sdelay $0x1  }
0x322: {  	v55 =	vsub.f32 $1.500000000e+00, v55;
	_ =	sdelay $0x1  }
0x323: {  	p0 =	sne.s32 s20, $0x1C0;
	v55 =	vmul.f32 v55, v56  }
.Ltmp1:
0x324: {  	vm15 =	veq.s32 v53, $0x0;
	(pc) =	sbr.rel @p0 .LBB2_4-.Ltmp1, $4  }
0x325: {  	vm1 =	veq.s32 v53, $0x1;
	v61 =	vsel vm15, $0x3F800000, v17;
	v54 =	vmul.f32 v55, v54  }
0x326: {  	v51 =	vadd.f32 v61, v51;
	v63 =	vsel vm1, $0x3F800000, v17  }
0x327: {  	v49 =	vadd.f32 v63, v49;
	v55 =	vnsel vm15, $0x0, v54;
	v62 =	vnsel vm1, $0x0, v54  }
0x328: {  	s20 =	sadd.s32 $0x40, s20;
	s21 =	sadd.s32 $0x800, s21;
	v52 =	vadd.f32 v55, v52;
	v50 =	vadd.f32 v62, v50  }
0x329: {  	v33 =	vld [tilespmem:$0x8500]  }
0x32a: {  	v34 =	vld [tilespmem:$0x8580]  }
0x32b: {  	v35 =	vld [tilespmem:$0x8600]  }
0x32c: {  	v36 =	vld [tilespmem:$0x8680];
	_ =	sdelay $0x1  }
0x32d: {  	v33 =	vadd.f32 v33, v52  }
0x32e: {  	v34 =	vadd.f32 v34, v51  }
0x32f: {  	v62 =	vadd.f32 v35, v50;
	[tilespmem:$0x8500] =	vst v33  }
0x330: {  	s19 =	sadd.s32 $0x1, s19;
	v63 =	vadd.f32 v36, v49;
	[tilespmem:$0x8580] =	vst v34  }
0x331: {  	p0 =	sne.s32 s19, s9;
	[tilespmem:$0x8600] =	vst v62  }
.Ltmp2:
0x332: {  	[tilespmem:$0x8680] =	vst v63;
	(pc) =	sbr.rel @p0 .LBB2_1-.Ltmp2, $4  }
0x333: {  	[hbm4b:s8+s3] =	stream.linear.scatter [tilespmem:s18], [sflag:$0x3], $0x400, $0x38;
	[tilespmem:$0x8700] =	vst v63  }
0x334: {  	_ =	swait.ge [sflag:s11], $0x400  }
0x335: {  	[sflag:s11] =	ssyncset.done $0x0  }
0x336: {  	[sflag:s11] =	ssyncadd.s32 $0xFFFFFC00  }
0x337: {  	_ =	sfence.sel $0x180000  }
0x338: {  	[bflag:$0x0] =	sbarrier.arrive $0xFFFF  }
0x339: {  	p0 =	sne.s32 s0, $0x0;
	_ =	strace $0x90000047  }
0x33a: {  	s0 =	sadd.s32 @!p0 $0x100000, s2;
	[bflag:$0x2] =	sbarrier.arrive $0xFFFF  }
0x33b: {  	[sflag:s0] =	ssyncadd.tile.s32 @!p0 $0x1;
	_ =	shalt  }
.Lfunc_end2:
_tile_overlayer_lowered:
.L_overlay_start_2:
0x33c: {  	(tag) =	ssettag $0x2  }
0x33d: {  	s0 =	rddreg [dreg:$0x0];
	s2 =	stileid.u32  }
0x33e: {  	s1 =	rddreg [dreg:$0x1];
	p0 =	sne.s32 s2, $0x0  }
0x33f: {  	s3 =	rddreg [dreg:$0x2];
	[bflag:$0x3] =	sbarrier.arrive $0xFFFF;
	s2 =	simm.s32 @!p0 $0x1C03  }
0x340: {  	[timem:s3], [sflag:s2] =	dma.local @!p0 [hbm:s0], s1  }
0x341: {  	s0 =	simm.s32 @!p0 $0x3  }
0x342: {  	_ =	swait.ge @!p0 [sflag:s0], s1  }
0x343: {  	s1 =	ssub.s32 @!p0 $0x0, s1;
	[sflag:s0] =	ssyncset.done @!p0 $0x0  }
0x344: {  	[sflag:s0] =	ssyncadd.s32 @!p0 s1  }
0x345: {  	[bflag:$0x3] =	sbarrier.arrive $0xFFFF  }
0x346: {  	_ =	shalt  }

</sc_bundles>
